<compile_context>
chip_gen: v7x
topology: tpu7x:2x2x1
jax: 0.10.2.dev20260603
libtpu: 0.0.44.dev20260713+nightly
codegen_flags: <defaults>
</compile_context>

<pallas_src>
import functools

import jax
import jax.numpy as jnp
from jax import lax
from jax.experimental import pallas as pl
from jax.experimental.pallas import tpu as pltpu
from jax.experimental.pallas import tpu_sc as plsc

B = 16384
L = 50
D = 32
N = 1000000
NUM_WORKERS = 32
SPW = B // NUM_WORKERS
G = 32
NUM_GROUPS = SPW // G


def _fm_body(x_hbm, embl_hbm, embq_hbm, bias_hbm, out_hbm,
             idx0, idx1, q0, q1, el0, el1, bias_v, res_v, sem0, sem1):
    wid = lax.axis_index("s") * 2 + lax.axis_index("c")
    iota = lax.broadcasted_iota(jnp.int32, (16,), 0)
    zero = jnp.zeros((16,), jnp.float32)

    pltpu.sync_copy(bias_hbm, bias_v)
    bias_vec = bias_v[...]

    slots = ((idx0, q0, el0, sem0), (idx1, q1, el1, sem1))

    _GL = G * L
    _CH = [(c * 128, min(128, _GL - c * 128)) for c in range(-(-_GL // 128))]

    def issue(g, slot):
        idx_v, q_v, el_v, sem = slot
        f0 = (wid * SPW + g * G) * L
        pltpu.sync_copy(x_hbm.at[pl.ds(f0, _GL)], idx_v)
        for (o, n) in _CH:
            isl = idx_v.at[pl.ds(o, n)]
            pltpu.async_copy(embq_hbm.at[isl], q_v.at[pl.ds(o, n)], sem)
            pltpu.async_copy(embl_hbm.at[isl], el_v.at[pl.ds(o, n)], sem)

    def drain(slot):
        idx_v, q_v, el_v, sem = slot
        for (o, n) in _CH:
            isl = idx_v.at[pl.ds(o, n)]
            pltpu.make_async_copy(
                embq_hbm.at[isl], q_v.at[pl.ds(o, n)], sem).wait()
            pltpu.make_async_copy(
                embl_hbm.at[isl], el_v.at[pl.ds(o, n)], sem).wait()

    def compute(g, slot):
        idx_v, q_v, el_v, sem = slot
        dvecs = [jnp.full((16,), d, jnp.int32) for d in range(D)]

        for h in range(G // 16):
            iota50 = (iota + h * 16) * L

            def l_body(l, lc):
                z, s2p, sl = lc
                lv = jnp.full((16,), l, jnp.int32)
                rv = iota50 + lv
                sl = sl + plsc.load_gather(el_v, [rv])
                z = list(z)
                s2p = list(s2p)
                for d in range(D):
                    a = plsc.load_gather(q_v, [rv, dvecs[d]])
                    z[d] = z[d] + a
                    s2p[d % 4] = s2p[d % 4] + a * a
                return (tuple(z), tuple(s2p), sl)

            init = (tuple([zero] * D), (zero,) * 4, zero)
            z, s2p, sl = lax.fori_loop(0, L, l_body, init)

            s2 = (s2p[0] + s2p[1]) + (s2p[2] + s2p[3])
            z2p = [zero] * 4
            for d in range(D):
                z2p[d % 4] = z2p[d % 4] + z[d] * z[d]
            z2 = (z2p[0] + z2p[1]) + (z2p[2] + z2p[3])

            logit = sl + 0.5 * (s2 - z2) + bias_vec
            sig = 1.0 / (1.0 + jnp.exp(-logit))
            res_v[pl.ds(g * G + h * 16, 16)] = sig

    issue(0, slots[0])

    def t_body(t, carry):
        g0 = t * 2
        issue(g0 + 1, slots[1])
        drain(slots[0])
        compute(g0, slots[0])

        @pl.when(t < NUM_GROUPS // 2 - 1)
        def _():
            issue(g0 + 2, slots[0])

        drain(slots[1])
        compute(g0 + 1, slots[1])
        return carry

    lax.fori_loop(0, NUM_GROUPS // 2, t_body, 0)
    pltpu.sync_copy(res_v, out_hbm.at[pl.ds(wid * SPW, SPW)])


_fm_kernel = functools.partial(
    pl.kernel,
    mesh=plsc.VectorSubcoreMesh(core_axis_name="c", subcore_axis_name="s"),
    out_type=jax.ShapeDtypeStruct((B,), jnp.float32),
    compiler_params=pltpu.CompilerParams(
        needs_layout_passes=False, use_tc_tiling_on_sc=False),
    scratch_types=[
        pltpu.VMEM((G * L,), jnp.int32),
        pltpu.VMEM((G * L,), jnp.int32),
        pltpu.VMEM((G * L, D), jnp.float32),
        pltpu.VMEM((G * L, D), jnp.float32),
        pltpu.VMEM((G * L,), jnp.float32),
        pltpu.VMEM((G * L,), jnp.float32),
        pltpu.VMEM((16,), jnp.float32),
        pltpu.VMEM((SPW,), jnp.float32),
        pltpu.SemaphoreType.DMA,
        pltpu.SemaphoreType.DMA,
    ],
)(_fm_body)


@jax.jit
def kernel(X, embL, embQ, bias):
    Xi = X.reshape((-1,)).astype(jnp.int32)
    embL1 = embL.reshape((-1,))
    bias16 = jnp.broadcast_to(bias.reshape(()), (16,))
    return _fm_kernel(Xi, embL1, embQ, bias16)

# --- scband reference (transcript-rebuilt; emitter-appended) ---
"""Pipeline reference for scband-lib-fm-62775241998591 (READ-ONLY COPY).

The authoritative reference and input builder live on the scoring server;
editing this copy changes nothing except your own understanding.
"""

import jax, jax.numpy as jnp
import numpy as np

NEWS_NUM = 1000000
DIM_NUM = 32
B = 16384
L = 50

def setup_inputs(seed: int = 0) -> dict:
    key = jax.random.key(seed)
    k1, k2, k3, k4 = jax.random.split(key, 4)
    X = jax.random.randint(k1, (B, L), 0, NEWS_NUM, dtype=jnp.int64)
    embL = jax.random.normal(k2, (NEWS_NUM, 1), dtype=jnp.float32)
    embQ = jax.random.normal(k3, (NEWS_NUM, DIM_NUM), dtype=jnp.float32)
    bias = jax.random.normal(k4, (1,), dtype=jnp.float32)
    return {"X": X, "embL": embL, "embQ": embQ, "bias": bias}

def reference(X, embL, embQ, bias):
    eL = jnp.take(embL, X, axis=0)  # [B, L, 1]
    logitL = jnp.sum(eL, axis=1, keepdims=True)  # [B, 1, 1]
    eQ = jnp.take(embQ, X, axis=0)  # [B, L, D]
    logitFM1 = jnp.sum(jnp.sum(eQ * eQ, axis=1, keepdims=True), axis=2, keepdims=True)  # [B,1,1]
    z = jnp.sum(eQ, axis=1, keepdims=True)  # [B, 1, D]
    z2 = z * z
    logitFM2 = jnp.sum(z2, axis=2, keepdims=True)  # [B,1,1]
    logitFM = (logitFM1 - logitFM2) * 0.5
    logit = jnp.squeeze(logitL + logitFM)  # [B]
    logit = logit + bias
    return jax.nn.sigmoid(logit)

if __name__ == "__main__":
    import jax
    _d = setup_inputs()
    print(jax.jit(kernel)(*tuple(_d.values())))

</pallas_src>

<mosaic_0001>
#map = affine_map<(d0, d1) -> (0)>
#map1 = affine_map<(d0, d1) -> (0, 0)>
module attributes {stable_mosaic.version = 14 : i64} {
  func.func @_fm_body(%arg0: i32, %arg1: i32, %arg2: memref<819200xi32, #tpu.memory_space<hbm>>, %arg3: memref<1000000xf32, #tpu.memory_space<hbm>>, %arg4: memref<1000000x32xf32, #tpu.memory_space<hbm>>, %arg5: memref<16xf32, #tpu.memory_space<hbm>>, %arg6: memref<16384xf32, #tpu.memory_space<hbm>>, %arg7: memref<1600xi32, #tpu.memory_space<vmem>>, %arg8: memref<1600xi32, #tpu.memory_space<vmem>>, %arg9: memref<1600x32xf32, #tpu.memory_space<vmem>>, %arg10: memref<1600x32xf32, #tpu.memory_space<vmem>>, %arg11: memref<1600xf32, #tpu.memory_space<vmem>>, %arg12: memref<1600xf32, #tpu.memory_space<vmem>>, %arg13: memref<16xf32, #tpu.memory_space<vmem>>, %arg14: memref<512xf32, #tpu.memory_space<vmem>>, %arg15: memref<!tpu.dma_semaphore, #tpu.memory_space<semaphore_mem>>, %arg16: memref<!tpu.dma_semaphore, #tpu.memory_space<semaphore_mem>>) attributes {dimension_semantics = [#tpu.dimension_semantics<core_parallel>, #tpu.dimension_semantics<subcore_parallel>], iteration_bounds = array<i64: 2, 16>, scalar_prefetch = 0 : i64, scratch_operands = 10 : i64, tpu.core_type = #tpu.core_type<sc_vector_subcore>, window_params = [{transform_indices = #map}, {transform_indices = #map}, {transform_indices = #map1}, {transform_indices = #map}, {transform_indices = #map}]} {
    %mul3A = arith.constant 2 : i32
    %mul3A_0 = arith.muli %arg1, %mul3A : i32
    %add3A = arith.addi %mul3A_0, %arg0 : i32
    %iota3A = tpu.iota {dimensions = array<i32: 0>} : vector<16xi32>
    %broadcast_in_dim3A = arith.constant 0.000000e+00 : f32
    %broadcast_in_dim3A_1 = vector.broadcast %broadcast_in_dim3A : f32 to vector<16xf32>
    "tpu.region"() ({
      %run_scoped3A = tpu.sem_alloc : memref<!tpu.dma_semaphore, #tpu.memory_space<semaphore_mem>>
      tpu.enqueue_dma source(%arg5 : memref<16xf32, #tpu.memory_space<hbm>>) target(%arg13 : memref<16xf32, #tpu.memory_space<vmem>>) target_semaphore(%run_scoped3A : memref<!tpu.dma_semaphore, #tpu.memory_space<semaphore_mem>>)
      tpu.wait_dma2 semaphore(%run_scoped3A : memref<!tpu.dma_semaphore, #tpu.memory_space<semaphore_mem>>) src(%arg5 : memref<16xf32, #tpu.memory_space<hbm>>) dst(%arg13 : memref<16xf32, #tpu.memory_space<vmem>>)
      tpu.yield
    }) : () -> ()
    %get3A = arith.constant 0 : index
    %get3A_2 = tpu.vector_load %arg13[%get3A] {strides = array<i32>} : memref<16xf32, #tpu.memory_space<vmem>>, vector<16xf32>,
    %mul3A_3 = arith.constant 512 : i32
    %mul3A_4 = arith.muli %add3A, %mul3A_3 : i32
    %add3A_5 = arith.constant 0 : i32
    %add3A_6 = arith.addi %mul3A_4, %add3A_5 : i32
    %mul3A_7 = arith.constant 50 : i32
    %mul3A_8 = arith.muli %add3A_6, %mul3A_7 : i32
    "tpu.region"() ({
      %run_scoped3A = tpu.sem_alloc : memref<!tpu.dma_semaphore, #tpu.memory_space<semaphore_mem>>
      %dma_start3A_197 = tpu.memref_slice %arg2[%mul3A_8] : memref<819200xi32, #tpu.memory_space<hbm>> -> memref<1600xi32, #tpu.memory_space<hbm>>
      %dma_start3A_198 = tpu.memref_slice %arg2[%mul3A_8] : memref<819200xi32, #tpu.memory_space<hbm>> -> memref<1600xi32, #tpu.memory_space<hbm>>
      tpu.enqueue_dma source(%dma_start3A_198 : memref<1600xi32, #tpu.memory_space<hbm>>) target(%arg7 : memref<1600xi32, #tpu.memory_space<vmem>>) target_semaphore(%run_scoped3A : memref<!tpu.dma_semaphore, #tpu.memory_space<semaphore_mem>>)
      %dma_wait3A = tpu.memref_slice %arg2[%mul3A_8] : memref<819200xi32, #tpu.memory_space<hbm>> -> memref<1600xi32, #tpu.memory_space<hbm>>
      %dma_wait3A_199 = tpu.memref_slice %arg2[%mul3A_8] : memref<819200xi32, #tpu.memory_space<hbm>> -> memref<1600xi32, #tpu.memory_space<hbm>>
      tpu.wait_dma2 semaphore(%run_scoped3A : memref<!tpu.dma_semaphore, #tpu.memory_space<semaphore_mem>>) src(%dma_wait3A_199 : memref<1600xi32, #tpu.memory_space<hbm>>) dst(%arg7 : memref<1600xi32, #tpu.memory_space<vmem>>)
      tpu.yield
    }) : () -> ()
    %dma_start3A = arith.constant 0 : i32
    %dma_start3A_9 = arith.constant 0 : i32
    %dma_start3A_10 = tpu.memref_slice %arg9[%dma_start3A, %dma_start3A_9] : memref<1600x32xf32, #tpu.memory_space<vmem>> -> memref<128x32xf32, #tpu.memory_space<vmem>>
    %dma_start3A_11 = arith.constant 0 : i32
    %dma_start3A_12 = tpu.memref_slice %arg7[%dma_start3A_11] : memref<1600xi32, #tpu.memory_space<vmem>> -> memref<128xi32, #tpu.memory_space<vmem>>
    %dma_start3A_13 = arith.constant 0 : i32
    %dma_start3A_14 = arith.constant 0 : i32
    %dma_start3A_15 = tpu.memref_slice %arg4[%dma_start3A_13, %dma_start3A_14] : memref<1000000x32xf32, #tpu.memory_space<hbm>> -> memref<1000000x32xf32, #tpu.memory_space<hbm>>
    tpu.enqueue_indirect_dma source(%dma_start3A_15 : memref<1000000x32xf32, #tpu.memory_space<hbm>>) target(%dma_start3A_10 : memref<128x32xf32, #tpu.memory_space<vmem>>) offsets(%dma_start3A_12 : memref<128xi32, #tpu.memory_space<vmem>>) semaphore(%arg15 : memref<!tpu.dma_semaphore, #tpu.memory_space<semaphore_mem>>)
    %dma_start3A_16 = arith.constant 0 : i32
    %dma_start3A_17 = tpu.memref_slice %arg11[%dma_start3A_16] : memref<1600xf32, #tpu.memory_space<vmem>> -> memref<128xf32, #tpu.memory_space<vmem>>
    %dma_start3A_18 = arith.constant 0 : i32
    %dma_start3A_19 = tpu.memref_slice %arg7[%dma_start3A_18] : memref<1600xi32, #tpu.memory_space<vmem>> -> memref<128xi32, #tpu.memory_space<vmem>>
    %dma_start3A_20 = arith.constant 0 : i32
    %dma_start3A_21 = tpu.memref_slice %arg3[%dma_start3A_20] : memref<1000000xf32, #tpu.memory_space<hbm>> -> memref<1000000xf32, #tpu.memory_space<hbm>>
    tpu.enqueue_indirect_dma source(%dma_start3A_21 : memref<1000000xf32, #tpu.memory_space<hbm>>) target(%dma_start3A_17 : memref<128xf32, #tpu.memory_space<vmem>>) offsets(%dma_start3A_19 : memref<128xi32, #tpu.memory_space<vmem>>) semaphore(%arg15 : memref<!tpu.dma_semaphore, #tpu.memory_space<semaphore_mem>>)
    %dma_start3A_22 = arith.constant 128 : i32
    %dma_start3A_23 = arith.constant 0 : i32
    %dma_start3A_24 = tpu.memref_slice %arg9[%dma_start3A_22, %dma_start3A_23] : memref<1600x32xf32, #tpu.memory_space<vmem>> -> memref<128x32xf32, #tpu.memory_space<vmem>>
    %dma_start3A_25 = arith.constant 128 : i32
    %dma_start3A_26 = tpu.memref_slice %arg7[%dma_start3A_25] : memref<1600xi32, #tpu.memory_space<vmem>> -> memref<128xi32, #tpu.memory_space<vmem>>
    %dma_start3A_27 = arith.constant 0 : i32
    %dma_start3A_28 = arith.constant 0 : i32
    %dma_start3A_29 = tpu.memref_slice %arg4[%dma_start3A_27, %dma_start3A_28] : memref<1000000x32xf32, #tpu.memory_space<hbm>> -> memref<1000000x32xf32, #tpu.memory_space<hbm>>
    tpu.enqueue_indirect_dma source(%dma_start3A_29 : memref<1000000x32xf32, #tpu.memory_space<hbm>>) target(%dma_start3A_24 : memref<128x32xf32, #tpu.memory_space<vmem>>) offsets(%dma_start3A_26 : memref<128xi32, #tpu.memory_space<vmem>>) semaphore(%arg15 : memref<!tpu.dma_semaphore, #tpu.memory_space<semaphore_mem>>)
    %dma_start3A_30 = arith.constant 128 : i32
    %dma_start3A_31 = tpu.memref_slice %arg11[%dma_start3A_30] : memref<1600xf32, #tpu.memory_space<vmem>> -> memref<128xf32, #tpu.memory_space<vmem>>
    %dma_start3A_32 = arith.constant 128 : i32
    %dma_start3A_33 = tpu.memref_slice %arg7[%dma_start3A_32] : memref<1600xi32, #tpu.memory_space<vmem>> -> memref<128xi32, #tpu.memory_space<vmem>>
    %dma_start3A_34 = arith.constant 0 : i32
    %dma_start3A_35 = tpu.memref_slice %arg3[%dma_start3A_34] : memref<1000000xf32, #tpu.memory_space<hbm>> -> memref<1000000xf32, #tpu.memory_space<hbm>>
    tpu.enqueue_indirect_dma source(%dma_start3A_35 : memref<1000000xf32, #tpu.memory_space<hbm>>) target(%dma_start3A_31 : memref<128xf32, #tpu.memory_space<vmem>>) offsets(%dma_start3A_33 : memref<128xi32, #tpu.memory_space<vmem>>) semaphore(%arg15 : memref<!tpu.dma_semaphore, #tpu.memory_space<semaphore_mem>>)
    %dma_start3A_36 = arith.constant 256 : i32
    %dma_start3A_37 = arith.constant 0 : i32
    %dma_start3A_38 = tpu.memref_slice %arg9[%dma_start3A_36, %dma_start3A_37] : memref<1600x32xf32, #tpu.memory_space<vmem>> -> memref<128x32xf32, #tpu.memory_space<vmem>>
    %dma_start3A_39 = arith.constant 256 : i32
    %dma_start3A_40 = tpu.memref_slice %arg7[%dma_start3A_39] : memref<1600xi32, #tpu.memory_space<vmem>> -> memref<128xi32, #tpu.memory_space<vmem>>
    %dma_start3A_41 = arith.constant 0 : i32
    %dma_start3A_42 = arith.constant 0 : i32
    %dma_start3A_43 = tpu.memref_slice %arg4[%dma_start3A_41, %dma_start3A_42] : memref<1000000x32xf32, #tpu.memory_space<hbm>> -> memref<1000000x32xf32, #tpu.memory_space<hbm>>
    tpu.enqueue_indirect_dma source(%dma_start3A_43 : memref<1000000x32xf32, #tpu.memory_space<hbm>>) target(%dma_start3A_38 : memref<128x32xf32, #tpu.memory_space<vmem>>) offsets(%dma_start3A_40 : memref<128xi32, #tpu.memory_space<vmem>>) semaphore(%arg15 : memref<!tpu.dma_semaphore, #tpu.memory_space<semaphore_mem>>)
    %dma_start3A_44 = arith.constant 256 : i32
    %dma_start3A_45 = tpu.memref_slice %arg11[%dma_start3A_44] : memref<1600xf32, #tpu.memory_space<vmem>> -> memref<128xf32, #tpu.memory_space<vmem>>
    %dma_start3A_46 = arith.constant 256 : i32
    %dma_start3A_47 = tpu.memref_slice %arg7[%dma_start3A_46] : memref<1600xi32, #tpu.memory_space<vmem>> -> memref<128xi32, #tpu.memory_space<vmem>>
    %dma_start3A_48 = arith.constant 0 : i32
    %dma_start3A_49 = tpu.memref_slice %arg3[%dma_start3A_48] : memref<1000000xf32, #tpu.memory_space<hbm>> -> memref<1000000xf32, #tpu.memory_space<hbm>>
    tpu.enqueue_indirect_dma source(%dma_start3A_49 : memref<1000000xf32, #tpu.memory_space<hbm>>) target(%dma_start3A_45 : memref<128xf32, #tpu.memory_space<vmem>>) offsets(%dma_start3A_47 : memref<128xi32, #tpu.memory_space<vmem>>) semaphore(%arg15 : memref<!tpu.dma_semaphore, #tpu.memory_space<semaphore_mem>>)
    %dma_start3A_50 = arith.constant 384 : i32
    %dma_start3A_51 = arith.constant 0 : i32
    %dma_start3A_52 = tpu.memref_slice %arg9[%dma_start3A_50, %dma_start3A_51] : memref<1600x32xf32, #tpu.memory_space<vmem>> -> memref<128x32xf32, #tpu.memory_space<vmem>>
    %dma_start3A_53 = arith.constant 384 : i32
    %dma_start3A_54 = tpu.memref_slice %arg7[%dma_start3A_53] : memref<1600xi32, #tpu.memory_space<vmem>> -> memref<128xi32, #tpu.memory_space<vmem>>
    %dma_start3A_55 = arith.constant 0 : i32
    %dma_start3A_56 = arith.constant 0 : i32
    %dma_start3A_57 = tpu.memref_slice %arg4[%dma_start3A_55, %dma_start3A_56] : memref<1000000x32xf32, #tpu.memory_space<hbm>> -> memref<1000000x32xf32, #tpu.memory_space<hbm>>
    tpu.enqueue_indirect_dma source(%dma_start3A_57 : memref<1000000x32xf32, #tpu.memory_space<hbm>>) target(%dma_start3A_52 : memref<128x32xf32, #tpu.memory_space<vmem>>) offsets(%dma_start3A_54 : memref<128xi32, #tpu.memory_space<vmem>>) semaphore(%arg15 : memref<!tpu.dma_semaphore, #tpu.memory_space<semaphore_mem>>)
    %dma_start3A_58 = arith.constant 384 : i32
    %dma_start3A_59 = tpu.memref_slice %arg11[%dma_start3A_58] : memref<1600xf32, #tpu.memory_space<vmem>> -> memref<128xf32, #tpu.memory_space<vmem>>
    %dma_start3A_60 = arith.constant 384 : i32
    %dma_start3A_61 = tpu.memref_slice %arg7[%dma_start3A_60] : memref<1600xi32, #tpu.memory_space<vmem>> -> memref<128xi32, #tpu.memory_space<vmem>>
    %dma_start3A_62 = arith.constant 0 : i32
    %dma_start3A_63 = tpu.memref_slice %arg3[%dma_start3A_62] : memref<1000000xf32, #tpu.memory_space<hbm>> -> memref<1000000xf32, #tpu.memory_space<hbm>>
    tpu.enqueue_indirect_dma source(%dma_start3A_63 : memref<1000000xf32, #tpu.memory_space<hbm>>) target(%dma_start3A_59 : memref<128xf32, #tpu.memory_space<vmem>>) offsets(%dma_start3A_61 : memref<128xi32, #tpu.memory_space<vmem>>) semaphore(%arg15 : memref<!tpu.dma_semaphore, #tpu.memory_space<semaphore_mem>>)
    %dma_start3A_64 = arith.constant 512 : i32
    %dma_start3A_65 = arith.constant 0 : i32
    %dma_start3A_66 = tpu.memref_slice %arg9[%dma_start3A_64, %dma_start3A_65] : memref<1600x32xf32, #tpu.memory_space<vmem>> -> memref<128x32xf32, #tpu.memory_space<vmem>>
    %dma_start3A_67 = arith.constant 512 : i32
    %dma_start3A_68 = tpu.memref_slice %arg7[%dma_start3A_67] : memref<1600xi32, #tpu.memory_space<vmem>> -> memref<128xi32, #tpu.memory_space<vmem>>
    %dma_start3A_69 = arith.constant 0 : i32
    %dma_start3A_70 = arith.constant 0 : i32
    %dma_start3A_71 = tpu.memref_slice %arg4[%dma_start3A_69, %dma_start3A_70] : memref<1000000x32xf32, #tpu.memory_space<hbm>> -> memref<1000000x32xf32, #tpu.memory_space<hbm>>
    tpu.enqueue_indirect_dma source(%dma_start3A_71 : memref<1000000x32xf32, #tpu.memory_space<hbm>>) target(%dma_start3A_66 : memref<128x32xf32, #tpu.memory_space<vmem>>) offsets(%dma_start3A_68 : memref<128xi32, #tpu.memory_space<vmem>>) semaphore(%arg15 : memref<!tpu.dma_semaphore, #tpu.memory_space<semaphore_mem>>)
    %dma_start3A_72 = arith.constant 512 : i32
    %dma_start3A_73 = tpu.memref_slice %arg11[%dma_start3A_72] : memref<1600xf32, #tpu.memory_space<vmem>> -> memref<128xf32, #tpu.memory_space<vmem>>
    %dma_start3A_74 = arith.constant 512 : i32
    %dma_start3A_75 = tpu.memref_slice %arg7[%dma_start3A_74] : memref<1600xi32, #tpu.memory_space<vmem>> -> memref<128xi32, #tpu.memory_space<vmem>>
    %dma_start3A_76 = arith.constant 0 : i32
    %dma_start3A_77 = tpu.memref_slice %arg3[%dma_start3A_76] : memref<1000000xf32, #tpu.memory_space<hbm>> -> memref<1000000xf32, #tpu.memory_space<hbm>>
    tpu.enqueue_indirect_dma source(%dma_start3A_77 : memref<1000000xf32, #tpu.memory_space<hbm>>) target(%dma_start3A_73 : memref<128xf32, #tpu.memory_space<vmem>>) offsets(%dma_start3A_75 : memref<128xi32, #tpu.memory_space<vmem>>) semaphore(%arg15 : memref<!tpu.dma_semaphore, #tpu.memory_space<semaphore_mem>>)
    %dma_start3A_78 = arith.constant 640 : i32
    %dma_start3A_79 = arith.constant 0 : i32
    %dma_start3A_80 = tpu.memref_slice %arg9[%dma_start3A_78, %dma_start3A_79] : memref<1600x32xf32, #tpu.memory_space<vmem>> -> memref<128x32xf32, #tpu.memory_space<vmem>>
    %dma_start3A_81 = arith.constant 640 : i32
    %dma_start3A_82 = tpu.memref_slice %arg7[%dma_start3A_81] : memref<1600xi32, #tpu.memory_space<vmem>> -> memref<128xi32, #tpu.memory_space<vmem>>
    %dma_start3A_83 = arith.constant 0 : i32
    %dma_start3A_84 = arith.constant 0 : i32
    %dma_start3A_85 = tpu.memref_slice %arg4[%dma_start3A_83, %dma_start3A_84] : memref<1000000x32xf32, #tpu.memory_space<hbm>> -> memref<1000000x32xf32, #tpu.memory_space<hbm>>
    tpu.enqueue_indirect_dma source(%dma_start3A_85 : memref<1000000x32xf32, #tpu.memory_space<hbm>>) target(%dma_start3A_80 : memref<128x32xf32, #tpu.memory_space<vmem>>) offsets(%dma_start3A_82 : memref<128xi32, #tpu.memory_space<vmem>>) semaphore(%arg15 : memref<!tpu.dma_semaphore, #tpu.memory_space<semaphore_mem>>)
    %dma_start3A_86 = arith.constant 640 : i32
    %dma_start3A_87 = tpu.memref_slice %arg11[%dma_start3A_86] : memref<1600xf32, #tpu.memory_space<vmem>> -> memref<128xf32, #tpu.memory_space<vmem>>
    %dma_start3A_88 = arith.constant 640 : i32
    %dma_start3A_89 = tpu.memref_slice %arg7[%dma_start3A_88] : memref<1600xi32, #tpu.memory_space<vmem>> -> memref<128xi32, #tpu.memory_space<vmem>>
    %dma_start3A_90 = arith.constant 0 : i32
    %dma_start3A_91 = tpu.memref_slice %arg3[%dma_start3A_90] : memref<1000000xf32, #tpu.memory_space<hbm>> -> memref<1000000xf32, #tpu.memory_space<hbm>>
    tpu.enqueue_indirect_dma source(%dma_start3A_91 : memref<1000000xf32, #tpu.memory_space<hbm>>) target(%dma_start3A_87 : memref<128xf32, #tpu.memory_space<vmem>>) offsets(%dma_start3A_89 : memref<128xi32, #tpu.memory_space<vmem>>) semaphore(%arg15 : memref<!tpu.dma_semaphore, #tpu.memory_space<semaphore_mem>>)
    %dma_start3A_92 = arith.constant 768 : i32
    %dma_start3A_93 = arith.constant 0 : i32
    %dma_start3A_94 = tpu.memref_slice %arg9[%dma_start3A_92, %dma_start3A_93] : memref<1600x32xf32, #tpu.memory_space<vmem>> -> memref<128x32xf32, #tpu.memory_space<vmem>>
    %dma_start3A_95 = arith.constant 768 : i32
    %dma_start3A_96 = tpu.memref_slice %arg7[%dma_start3A_95] : memref<1600xi32, #tpu.memory_space<vmem>> -> memref<128xi32, #tpu.memory_space<vmem>>
    %dma_start3A_97 = arith.constant 0 : i32
    %dma_start3A_98 = arith.constant 0 : i32
    %dma_start3A_99 = tpu.memref_slice %arg4[%dma_start3A_97, %dma_start3A_98] : memref<1000000x32xf32, #tpu.memory_space<hbm>> -> memref<1000000x32xf32, #tpu.memory_space<hbm>>
    tpu.enqueue_indirect_dma source(%dma_start3A_99 : memref<1000000x32xf32, #tpu.memory_space<hbm>>) target(%dma_start3A_94 : memref<128x32xf32, #tpu.memory_space<vmem>>) offsets(%dma_start3A_96 : memref<128xi32, #tpu.memory_space<vmem>>) semaphore(%arg15 : memref<!tpu.dma_semaphore, #tpu.memory_space<semaphore_mem>>)
    %dma_start3A_100 = arith.constant 768 : i32
    %dma_start3A_101 = tpu.memref_slice %arg11[%dma_start3A_100] : memref<1600xf32, #tpu.memory_space<vmem>> -> memref<128xf32, #tpu.memory_space<vmem>>
    %dma_start3A_102 = arith.constant 768 : i32
    %dma_start3A_103 = tpu.memref_slice %arg7[%dma_start3A_102] : memref<1600xi32, #tpu.memory_space<vmem>> -> memref<128xi32, #tpu.memory_space<vmem>>
    %dma_start3A_104 = arith.constant 0 : i32
    %dma_start3A_105 = tpu.memref_slice %arg3[%dma_start3A_104] : memref<1000000xf32, #tpu.memory_space<hbm>> -> memref<1000000xf32, #tpu.memory_space<hbm>>
    tpu.enqueue_indirect_dma source(%dma_start3A_105 : memref<1000000xf32, #tpu.memory_space<hbm>>) target(%dma_start3A_101 : memref<128xf32, #tpu.memory_space<vmem>>) offsets(%dma_start3A_103 : memref<128xi32, #tpu.memory_space<vmem>>) semaphore(%arg15 : memref<!tpu.dma_semaphore, #tpu.memory_space<semaphore_mem>>)
    %dma_start3A_106 = arith.constant 896 : i32
    %dma_start3A_107 = arith.constant 0 : i32
    %dma_start3A_108 = tpu.memref_slice %arg9[%dma_start3A_106, %dma_start3A_107] : memref<1600x32xf32, #tpu.memory_space<vmem>> -> memref<128x32xf32, #tpu.memory_space<vmem>>
    %dma_start3A_109 = arith.constant 896 : i32
    %dma_start3A_110 = tpu.memref_slice %arg7[%dma_start3A_109] : memref<1600xi32, #tpu.memory_space<vmem>> -> memref<128xi32, #tpu.memory_space<vmem>>
    %dma_start3A_111 = arith.constant 0 : i32
    %dma_start3A_112 = arith.constant 0 : i32
    %dma_start3A_113 = tpu.memref_slice %arg4[%dma_start3A_111, %dma_start3A_112] : memref<1000000x32xf32, #tpu.memory_space<hbm>> -> memref<1000000x32xf32, #tpu.memory_space<hbm>>
    tpu.enqueue_indirect_dma source(%dma_start3A_113 : memref<1000000x32xf32, #tpu.memory_space<hbm>>) target(%dma_start3A_108 : memref<128x32xf32, #tpu.memory_space<vmem>>) offsets(%dma_start3A_110 : memref<128xi32, #tpu.memory_space<vmem>>) semaphore(%arg15 : memref<!tpu.dma_semaphore, #tpu.memory_space<semaphore_mem>>)
    %dma_start3A_114 = arith.constant 896 : i32
    %dma_start3A_115 = tpu.memref_slice %arg11[%dma_start3A_114] : memref<1600xf32, #tpu.memory_space<vmem>> -> memref<128xf32, #tpu.memory_space<vmem>>
    %dma_start3A_116 = arith.constant 896 : i32
    %dma_start3A_117 = tpu.memref_slice %arg7[%dma_start3A_116] : memref<1600xi32, #tpu.memory_space<vmem>> -> memref<128xi32, #tpu.memory_space<vmem>>
    %dma_start3A_118 = arith.constant 0 : i32
    %dma_start3A_119 = tpu.memref_slice %arg3[%dma_start3A_118] : memref<1000000xf32, #tpu.memory_space<hbm>> -> memref<1000000xf32, #tpu.memory_space<hbm>>
    tpu.enqueue_indirect_dma source(%dma_start3A_119 : memref<1000000xf32, #tpu.memory_space<hbm>>) target(%dma_start3A_115 : memref<128xf32, #tpu.memory_space<vmem>>) offsets(%dma_start3A_117 : memref<128xi32, #tpu.memory_space<vmem>>) semaphore(%arg15 : memref<!tpu.dma_semaphore, #tpu.memory_space<semaphore_mem>>)
    %dma_start3A_120 = arith.constant 1024 : i32
    %dma_start3A_121 = arith.constant 0 : i32
    %dma_start3A_122 = tpu.memref_slice %arg9[%dma_start3A_120, %dma_start3A_121] : memref<1600x32xf32, #tpu.memory_space<vmem>> -> memref<128x32xf32, #tpu.memory_space<vmem>>
    %dma_start3A_123 = arith.constant 1024 : i32
    %dma_start3A_124 = tpu.memref_slice %arg7[%dma_start3A_123] : memref<1600xi32, #tpu.memory_space<vmem>> -> memref<128xi32, #tpu.memory_space<vmem>>
    %dma_start3A_125 = arith.constant 0 : i32
    %dma_start3A_126 = arith.constant 0 : i32
    %dma_start3A_127 = tpu.memref_slice %arg4[%dma_start3A_125, %dma_start3A_126] : memref<1000000x32xf32, #tpu.memory_space<hbm>> -> memref<1000000x32xf32, #tpu.memory_space<hbm>>
    tpu.enqueue_indirect_dma source(%dma_start3A_127 : memref<1000000x32xf32, #tpu.memory_space<hbm>>) target(%dma_start3A_122 : memref<128x32xf32, #tpu.memory_space<vmem>>) offsets(%dma_start3A_124 : memref<128xi32, #tpu.memory_space<vmem>>) semaphore(%arg15 : memref<!tpu.dma_semaphore, #tpu.memory_space<semaphore_mem>>)
    %dma_start3A_128 = arith.constant 1024 : i32
    %dma_start3A_129 = tpu.memref_slice %arg11[%dma_start3A_128] : memref<1600xf32, #tpu.memory_space<vmem>> -> memref<128xf32, #tpu.memory_space<vmem>>
    %dma_start3A_130 = arith.constant 1024 : i32
    %dma_start3A_131 = tpu.memref_slice %arg7[%dma_start3A_130] : memref<1600xi32, #tpu.memory_space<vmem>> -> memref<128xi32, #tpu.memory_space<vmem>>
    %dma_start3A_132 = arith.constant 0 : i32
    %dma_start3A_133 = tpu.memref_slice %arg3[%dma_start3A_132] : memref<1000000xf32, #tpu.memory_space<hbm>> -> memref<1000000xf32, #tpu.memory_space<hbm>>
    tpu.enqueue_indirect_dma source(%dma_start3A_133 : memref<1000000xf32, #tpu.memory_space<hbm>>) target(%dma_start3A_129 : memref<128xf32, #tpu.memory_space<vmem>>) offsets(%dma_start3A_131 : memref<128xi32, #tpu.memory_space<vmem>>) semaphore(%arg15 : memref<!tpu.dma_semaphore, #tpu.memory_space<semaphore_mem>>)
    %dma_start3A_134 = arith.constant 1152 : i32
    %dma_start3A_135 = arith.constant 0 : i32
    %dma_start3A_136 = tpu.memref_slice %arg9[%dma_start3A_134, %dma_start3A_135] : memref<1600x32xf32, #tpu.memory_space<vmem>> -> memref<128x32xf32, #tpu.memory_space<vmem>>
    %dma_start3A_137 = arith.constant 1152 : i32
    %dma_start3A_138 = tpu.memref_slice %arg7[%dma_start3A_137] : memref<1600xi32, #tpu.memory_space<vmem>> -> memref<128xi32, #tpu.memory_space<vmem>>
    %dma_start3A_139 = arith.constant 0 : i32
    %dma_start3A_140 = arith.constant 0 : i32
    %dma_start3A_141 = tpu.memref_slice %arg4[%dma_start3A_139, %dma_start3A_140] : memref<1000000x32xf32, #tpu.memory_space<hbm>> -> memref<1000000x32xf32, #tpu.memory_space<hbm>>
    tpu.enqueue_indirect_dma source(%dma_start3A_141 : memref<1000000x32xf32, #tpu.memory_space<hbm>>) target(%dma_start3A_136 : memref<128x32xf32, #tpu.memory_space<vmem>>) offsets(%dma_start3A_138 : memref<128xi32, #tpu.memory_space<vmem>>) semaphore(%arg15 : memref<!tpu.dma_semaphore, #tpu.memory_space<semaphore_mem>>)
    %dma_start3A_142 = arith.constant 1152 : i32
    %dma_start3A_143 = tpu.memref_slice %arg11[%dma_start3A_142] : memref<1600xf32, #tpu.memory_space<vmem>> -> memref<128xf32, #tpu.memory_space<vmem>>
    %dma_start3A_144 = arith.constant 1152 : i32
    %dma_start3A_145 = tpu.memref_slice %arg7[%dma_start3A_144] : memref<1600xi32, #tpu.memory_space<vmem>> -> memref<128xi32, #tpu.memory_space<vmem>>
    %dma_start3A_146 = arith.constant 0 : i32
    %dma_start3A_147 = tpu.memref_slice %arg3[%dma_start3A_146] : memref<1000000xf32, #tpu.memory_space<hbm>> -> memref<1000000xf32, #tpu.memory_space<hbm>>
    tpu.enqueue_indirect_dma source(%dma_start3A_147 : memref<1000000xf32, #tpu.memory_space<hbm>>) target(%dma_start3A_143 : memref<128xf32, #tpu.memory_space<vmem>>) offsets(%dma_start3A_145 : memref<128xi32, #tpu.memory_space<vmem>>) semaphore(%arg15 : memref<!tpu.dma_semaphore, #tpu.memory_space<semaphore_mem>>)
    %dma_start3A_148 = arith.constant 1280 : i32
    %dma_start3A_149 = arith.constant 0 : i32
    %dma_start3A_150 = tpu.memref_slice %arg9[%dma_start3A_148, %dma_start3A_149] : memref<1600x32xf32, #tpu.memory_space<vmem>> -> memref<128x32xf32, #tpu.memory_space<vmem>>
    %dma_start3A_151 = arith.constant 1280 : i32
    %dma_start3A_152 = tpu.memref_slice %arg7[%dma_start3A_151] : memref<1600xi32, #tpu.memory_space<vmem>> -> memref<128xi32, #tpu.memory_space<vmem>>
    %dma_start3A_153 = arith.constant 0 : i32
    %dma_start3A_154 = arith.constant 0 : i32
    %dma_start3A_155 = tpu.memref_slice %arg4[%dma_start3A_153, %dma_start3A_154] : memref<1000000x32xf32, #tpu.memory_space<hbm>> -> memref<1000000x32xf32, #tpu.memory_space<hbm>>
    tpu.enqueue_indirect_dma source(%dma_start3A_155 : memref<1000000x32xf32, #tpu.memory_space<hbm>>) target(%dma_start3A_150 : memref<128x32xf32, #tpu.memory_space<vmem>>) offsets(%dma_start3A_152 : memref<128xi32, #tpu.memory_space<vmem>>) semaphore(%arg15 : memref<!tpu.dma_semaphore, #tpu.memory_space<semaphore_mem>>)
    %dma_start3A_156 = arith.constant 1280 : i32
    %dma_start3A_157 = tpu.memref_slice %arg11[%dma_start3A_156] : memref<1600xf32, #tpu.memory_space<vmem>> -> memref<128xf32, #tpu.memory_space<vmem>>
    %dma_start3A_158 = arith.constant 1280 : i32
    %dma_start3A_159 = tpu.memref_slice %arg7[%dma_start3A_158] : memref<1600xi32, #tpu.memory_space<vmem>> -> memref<128xi32, #tpu.memory_space<vmem>>
    %dma_start3A_160 = arith.constant 0 : i32
    %dma_start3A_161 = tpu.memref_slice %arg3[%dma_start3A_160] : memref<1000000xf32, #tpu.memory_space<hbm>> -> memref<1000000xf32, #tpu.memory_space<hbm>>
    tpu.enqueue_indirect_dma source(%dma_start3A_161 : memref<1000000xf32, #tpu.memory_space<hbm>>) target(%dma_start3A_157 : memref<128xf32, #tpu.memory_space<vmem>>) offsets(%dma_start3A_159 : memref<128xi32, #tpu.memory_space<vmem>>) semaphore(%arg15 : memref<!tpu.dma_semaphore, #tpu.memory_space<semaphore_mem>>)
    %dma_start3A_162 = arith.constant 1408 : i32
    %dma_start3A_163 = arith.constant 0 : i32
    %dma_start3A_164 = tpu.memref_slice %arg9[%dma_start3A_162, %dma_start3A_163] : memref<1600x32xf32, #tpu.memory_space<vmem>> -> memref<128x32xf32, #tpu.memory_space<vmem>>
    %dma_start3A_165 = arith.constant 1408 : i32
    %dma_start3A_166 = tpu.memref_slice %arg7[%dma_start3A_165] : memref<1600xi32, #tpu.memory_space<vmem>> -> memref<128xi32, #tpu.memory_space<vmem>>
    %dma_start3A_167 = arith.constant 0 : i32
    %dma_start3A_168 = arith.constant 0 : i32
    %dma_start3A_169 = tpu.memref_slice %arg4[%dma_start3A_167, %dma_start3A_168] : memref<1000000x32xf32, #tpu.memory_space<hbm>> -> memref<1000000x32xf32, #tpu.memory_space<hbm>>
    tpu.enqueue_indirect_dma source(%dma_start3A_169 : memref<1000000x32xf32, #tpu.memory_space<hbm>>) target(%dma_start3A_164 : memref<128x32xf32, #tpu.memory_space<vmem>>) offsets(%dma_start3A_166 : memref<128xi32, #tpu.memory_space<vmem>>) semaphore(%arg15 : memref<!tpu.dma_semaphore, #tpu.memory_space<semaphore_mem>>)
    %dma_start3A_170 = arith.constant 1408 : i32
    %dma_start3A_171 = tpu.memref_slice %arg11[%dma_start3A_170] : memref<1600xf32, #tpu.memory_space<vmem>> -> memref<128xf32, #tpu.memory_space<vmem>>
    %dma_start3A_172 = arith.constant 1408 : i32
    %dma_start3A_173 = tpu.memref_slice %arg7[%dma_start3A_172] : memref<1600xi32, #tpu.memory_space<vmem>> -> memref<128xi32, #tpu.memory_space<vmem>>
    %dma_start3A_174 = arith.constant 0 : i32
    %dma_start3A_175 = tpu.memref_slice %arg3[%dma_start3A_174] : memref<1000000xf32, #tpu.memory_space<hbm>> -> memref<1000000xf32, #tpu.memory_space<hbm>>
    tpu.enqueue_indirect_dma source(%dma_start3A_175 : memref<1000000xf32, #tpu.memory_space<hbm>>) target(%dma_start3A_171 : memref<128xf32, #tpu.memory_space<vmem>>) offsets(%dma_start3A_173 : memref<128xi32, #tpu.memory_space<vmem>>) semaphore(%arg15 : memref<!tpu.dma_semaphore, #tpu.memory_space<semaphore_mem>>)
    %dma_start3A_176 = arith.constant 1536 : i32
    %dma_start3A_177 = arith.constant 0 : i32
    %dma_start3A_178 = tpu.memref_slice %arg9[%dma_start3A_176, %dma_start3A_177] : memref<1600x32xf32, #tpu.memory_space<vmem>> -> memref<64x32xf32, #tpu.memory_space<vmem>>
    %dma_start3A_179 = arith.constant 1536 : i32
    %dma_start3A_180 = tpu.memref_slice %arg7[%dma_start3A_179] : memref<1600xi32, #tpu.memory_space<vmem>> -> memref<64xi32, #tpu.memory_space<vmem>>
    %dma_start3A_181 = arith.constant 0 : i32
    %dma_start3A_182 = arith.constant 0 : i32
    %dma_start3A_183 = tpu.memref_slice %arg4[%dma_start3A_181, %dma_start3A_182] : memref<1000000x32xf32, #tpu.memory_space<hbm>> -> memref<1000000x32xf32, #tpu.memory_space<hbm>>
    tpu.enqueue_indirect_dma source(%dma_start3A_183 : memref<1000000x32xf32, #tpu.memory_space<hbm>>) target(%dma_start3A_178 : memref<64x32xf32, #tpu.memory_space<vmem>>) offsets(%dma_start3A_180 : memref<64xi32, #tpu.memory_space<vmem>>) semaphore(%arg15 : memref<!tpu.dma_semaphore, #tpu.memory_space<semaphore_mem>>)
    %dma_start3A_184 = arith.constant 1536 : i32
    %dma_start3A_185 = tpu.memref_slice %arg11[%dma_start3A_184] : memref<1600xf32, #tpu.memory_space<vmem>> -> memref<64xf32, #tpu.memory_space<vmem>>
    %dma_start3A_186 = arith.constant 1536 : i32
    %dma_start3A_187 = tpu.memref_slice %arg7[%dma_start3A_186] : memref<1600xi32, #tpu.memory_space<vmem>> -> memref<64xi32, #tpu.memory_space<vmem>>
    %dma_start3A_188 = arith.constant 0 : i32
    %dma_start3A_189 = tpu.memref_slice %arg3[%dma_start3A_188] : memref<1000000xf32, #tpu.memory_space<hbm>> -> memref<1000000xf32, #tpu.memory_space<hbm>>
    tpu.enqueue_indirect_dma source(%dma_start3A_189 : memref<1000000xf32, #tpu.memory_space<hbm>>) target(%dma_start3A_185 : memref<64xf32, #tpu.memory_space<vmem>>) offsets(%dma_start3A_187 : memref<64xi32, #tpu.memory_space<vmem>>) semaphore(%arg15 : memref<!tpu.dma_semaphore, #tpu.memory_space<semaphore_mem>>)
    %scan3A = arith.constant 0 : i32
    %scan3A_190 = arith.constant 0 : i32
    %scan3A_191 = arith.constant 8 : i32
    %scan3A_192 = arith.addi %scan3A_190, %scan3A_191 : i32
    %scan3A_193 = arith.constant 1 : i32
    scf.for %scan3A_197 = %scan3A_190 to %scan3A_192 step %scan3A_193  : i32 {
      %mul3A_198 = arith.constant 2 : i32
      %mul3A_199 = arith.muli %scan3A_197, %mul3A_198 : i32
      %add3A_200 = arith.constant 1 : i32
      %add3A_201 = arith.addi %mul3A_199, %add3A_200 : i32
      %mul3A_202 = arith.constant 512 : i32
      %mul3A_203 = arith.muli %add3A, %mul3A_202 : i32
      %mul3A_204 = arith.constant 32 : i32
      %mul3A_205 = arith.muli %add3A_201, %mul3A_204 : i32
      %add3A_206 = arith.addi %mul3A_203, %mul3A_205 : i32
      %mul3A_207 = arith.constant 50 : i32
      %mul3A_208 = arith.muli %add3A_206, %mul3A_207 : i32
      "tpu.region"() ({
        %run_scoped3A = tpu.sem_alloc : memref<!tpu.dma_semaphore, #tpu.memory_space<semaphore_mem>>
        %dma_start3A_1297 = tpu.memref_slice %arg2[%mul3A_208] : memref<819200xi32, #tpu.memory_space<hbm>> -> memref<1600xi32, #tpu.memory_space<hbm>>
        %dma_start3A_1298 = tpu.memref_slice %arg2[%mul3A_208] : memref<819200xi32, #tpu.memory_space<hbm>> -> memref<1600xi32, #tpu.memory_space<hbm>>
        tpu.enqueue_dma source(%dma_start3A_1298 : memref<1600xi32, #tpu.memory_space<hbm>>) target(%arg8 : memref<1600xi32, #tpu.memory_space<vmem>>) target_semaphore(%run_scoped3A : memref<!tpu.dma_semaphore, #tpu.memory_space<semaphore_mem>>)
        %dma_wait3A_1299 = tpu.memref_slice %arg2[%mul3A_208] : memref<819200xi32, #tpu.memory_space<hbm>> -> memref<1600xi32, #tpu.memory_space<hbm>>
        %dma_wait3A_1300 = tpu.memref_slice %arg2[%mul3A_208] : memref<819200xi32, #tpu.memory_space<hbm>> -> memref<1600xi32, #tpu.memory_space<hbm>>
        tpu.wait_dma2 semaphore(%run_scoped3A : memref<!tpu.dma_semaphore, #tpu.memory_space<semaphore_mem>>) src(%dma_wait3A_1300 : memref<1600xi32, #tpu.memory_space<hbm>>) dst(%arg8 : memref<1600xi32, #tpu.memory_space<vmem>>)
        tpu.yield
      }) : () -> ()
      %dma_start3A_209 = arith.constant 0 : i32
      %dma_start3A_210 = arith.constant 0 : i32
      %dma_start3A_211 = tpu.memref_slice %arg10[%dma_start3A_209, %dma_start3A_210] : memref<1600x32xf32, #tpu.memory_space<vmem>> -> memref<128x32xf32, #tpu.memory_space<vmem>>
      %dma_start3A_212 = arith.constant 0 : i32
      %dma_start3A_213 = tpu.memref_slice %arg8[%dma_start3A_212] : memref<1600xi32, #tpu.memory_space<vmem>> -> memref<128xi32, #tpu.memory_space<vmem>>
      %dma_start3A_214 = arith.constant 0 : i32
      %dma_start3A_215 = arith.constant 0 : i32
      %dma_start3A_216 = tpu.memref_slice %arg4[%dma_start3A_214, %dma_start3A_215] : memref<1000000x32xf32, #tpu.memory_space<hbm>> -> memref<1000000x32xf32, #tpu.memory_space<hbm>>
      tpu.enqueue_indirect_dma source(%dma_start3A_216 : memref<1000000x32xf32, #tpu.memory_space<hbm>>) target(%dma_start3A_211 : memref<128x32xf32, #tpu.memory_space<vmem>>) offsets(%dma_start3A_213 : memref<128xi32, #tpu.memory_space<vmem>>) semaphore(%arg16 : memref<!tpu.dma_semaphore, #tpu.memory_space<semaphore_mem>>)
      %dma_start3A_217 = arith.constant 0 : i32
      %dma_start3A_218 = tpu.memref_slice %arg12[%dma_start3A_217] : memref<1600xf32, #tpu.memory_space<vmem>> -> memref<128xf32, #tpu.memory_space<vmem>>
      %dma_start3A_219 = arith.constant 0 : i32
      %dma_start3A_220 = tpu.memref_slice %arg8[%dma_start3A_219] : memref<1600xi32, #tpu.memory_space<vmem>> -> memref<128xi32, #tpu.memory_space<vmem>>
      %dma_start3A_221 = arith.constant 0 : i32
      %dma_start3A_222 = tpu.memref_slice %arg3[%dma_start3A_221] : memref<1000000xf32, #tpu.memory_space<hbm>> -> memref<1000000xf32, #tpu.memory_space<hbm>>
      tpu.enqueue_indirect_dma source(%dma_start3A_222 : memref<1000000xf32, #tpu.memory_space<hbm>>) target(%dma_start3A_218 : memref<128xf32, #tpu.memory_space<vmem>>) offsets(%dma_start3A_220 : memref<128xi32, #tpu.memory_space<vmem>>) semaphore(%arg16 : memref<!tpu.dma_semaphore, #tpu.memory_space<semaphore_mem>>)
      %dma_start3A_223 = arith.constant 128 : i32
      %dma_start3A_224 = arith.constant 0 : i32
      %dma_start3A_225 = tpu.memref_slice %arg10[%dma_start3A_223, %dma_start3A_224] : memref<1600x32xf32, #tpu.memory_space<vmem>> -> memref<128x32xf32, #tpu.memory_space<vmem>>
      %dma_start3A_226 = arith.constant 128 : i32
      %dma_start3A_227 = tpu.memref_slice %arg8[%dma_start3A_226] : memref<1600xi32, #tpu.memory_space<vmem>> -> memref<128xi32, #tpu.memory_space<vmem>>
      %dma_start3A_228 = arith.constant 0 : i32
      %dma_start3A_229 = arith.constant 0 : i32
      %dma_start3A_230 = tpu.memref_slice %arg4[%dma_start3A_228, %dma_start3A_229] : memref<1000000x32xf32, #tpu.memory_space<hbm>> -> memref<1000000x32xf32, #tpu.memory_space<hbm>>
      tpu.enqueue_indirect_dma source(%dma_start3A_230 : memref<1000000x32xf32, #tpu.memory_space<hbm>>) target(%dma_start3A_225 : memref<128x32xf32, #tpu.memory_space<vmem>>) offsets(%dma_start3A_227 : memref<128xi32, #tpu.memory_space<vmem>>) semaphore(%arg16 : memref<!tpu.dma_semaphore, #tpu.memory_space<semaphore_mem>>)
      %dma_start3A_231 = arith.constant 128 : i32
      %dma_start3A_232 = tpu.memref_slice %arg12[%dma_start3A_231] : memref<1600xf32, #tpu.memory_space<vmem>> -> memref<128xf32, #tpu.memory_space<vmem>>
      %dma_start3A_233 = arith.constant 128 : i32
      %dma_start3A_234 = tpu.memref_slice %arg8[%dma_start3A_233] : memref<1600xi32, #tpu.memory_space<vmem>> -> memref<128xi32, #tpu.memory_space<vmem>>
      %dma_start3A_235 = arith.constant 0 : i32
      %dma_start3A_236 = tpu.memref_slice %arg3[%dma_start3A_235] : memref<1000000xf32, #tpu.memory_space<hbm>> -> memref<1000000xf32, #tpu.memory_space<hbm>>
      tpu.enqueue_indirect_dma source(%dma_start3A_236 : memref<1000000xf32, #tpu.memory_space<hbm>>) target(%dma_start3A_232 : memref<128xf32, #tpu.memory_space<vmem>>) offsets(%dma_start3A_234 : memref<128xi32, #tpu.memory_space<vmem>>) semaphore(%arg16 : memref<!tpu.dma_semaphore, #tpu.memory_space<semaphore_mem>>)
      %dma_start3A_237 = arith.constant 256 : i32
      %dma_start3A_238 = arith.constant 0 : i32
      %dma_start3A_239 = tpu.memref_slice %arg10[%dma_start3A_237, %dma_start3A_238] : memref<1600x32xf32, #tpu.memory_space<vmem>> -> memref<128x32xf32, #tpu.memory_space<vmem>>
      %dma_start3A_240 = arith.constant 256 : i32
      %dma_start3A_241 = tpu.memref_slice %arg8[%dma_start3A_240] : memref<1600xi32, #tpu.memory_space<vmem>> -> memref<128xi32, #tpu.memory_space<vmem>>
      %dma_start3A_242 = arith.constant 0 : i32
      %dma_start3A_243 = arith.constant 0 : i32
      %dma_start3A_244 = tpu.memref_slice %arg4[%dma_start3A_242, %dma_start3A_243] : memref<1000000x32xf32, #tpu.memory_space<hbm>> -> memref<1000000x32xf32, #tpu.memory_space<hbm>>
      tpu.enqueue_indirect_dma source(%dma_start3A_244 : memref<1000000x32xf32, #tpu.memory_space<hbm>>) target(%dma_start3A_239 : memref<128x32xf32, #tpu.memory_space<vmem>>) offsets(%dma_start3A_241 : memref<128xi32, #tpu.memory_space<vmem>>) semaphore(%arg16 : memref<!tpu.dma_semaphore, #tpu.memory_space<semaphore_mem>>)
      %dma_start3A_245 = arith.constant 256 : i32
      %dma_start3A_246 = tpu.memref_slice %arg12[%dma_start3A_245] : memref<1600xf32, #tpu.memory_space<vmem>> -> memref<128xf32, #tpu.memory_space<vmem>>
      %dma_start3A_247 = arith.constant 256 : i32
      %dma_start3A_248 = tpu.memref_slice %arg8[%dma_start3A_247] : memref<1600xi32, #tpu.memory_space<vmem>> -> memref<128xi32, #tpu.memory_space<vmem>>
      %dma_start3A_249 = arith.constant 0 : i32
      %dma_start3A_250 = tpu.memref_slice %arg3[%dma_start3A_249] : memref<1000000xf32, #tpu.memory_space<hbm>> -> memref<1000000xf32, #tpu.memory_space<hbm>>
      tpu.enqueue_indirect_dma source(%dma_start3A_250 : memref<1000000xf32, #tpu.memory_space<hbm>>) target(%dma_start3A_246 : memref<128xf32, #tpu.memory_space<vmem>>) offsets(%dma_start3A_248 : memref<128xi32, #tpu.memory_space<vmem>>) semaphore(%arg16 : memref<!tpu.dma_semaphore, #tpu.memory_space<semaphore_mem>>)
      %dma_start3A_251 = arith.constant 384 : i32
      %dma_start3A_252 = arith.constant 0 : i32
      %dma_start3A_253 = tpu.memref_slice %arg10[%dma_start3A_251, %dma_start3A_252] : memref<1600x32xf32, #tpu.memory_space<vmem>> -> memref<128x32xf32, #tpu.memory_space<vmem>>
      %dma_start3A_254 = arith.constant 384 : i32
      %dma_start3A_255 = tpu.memref_slice %arg8[%dma_start3A_254] : memref<1600xi32, #tpu.memory_space<vmem>> -> memref<128xi32, #tpu.memory_space<vmem>>
      %dma_start3A_256 = arith.constant 0 : i32
      %dma_start3A_257 = arith.constant 0 : i32
      %dma_start3A_258 = tpu.memref_slice %arg4[%dma_start3A_256, %dma_start3A_257] : memref<1000000x32xf32, #tpu.memory_space<hbm>> -> memref<1000000x32xf32, #tpu.memory_space<hbm>>
      tpu.enqueue_indirect_dma source(%dma_start3A_258 : memref<1000000x32xf32, #tpu.memory_space<hbm>>) target(%dma_start3A_253 : memref<128x32xf32, #tpu.memory_space<vmem>>) offsets(%dma_start3A_255 : memref<128xi32, #tpu.memory_space<vmem>>) semaphore(%arg16 : memref<!tpu.dma_semaphore, #tpu.memory_space<semaphore_mem>>)
      %dma_start3A_259 = arith.constant 384 : i32
      %dma_start3A_260 = tpu.memref_slice %arg12[%dma_start3A_259] : memref<1600xf32, #tpu.memory_space<vmem>> -> memref<128xf32, #tpu.memory_space<vmem>>
      %dma_start3A_261 = arith.constant 384 : i32
      %dma_start3A_262 = tpu.memref_slice %arg8[%dma_start3A_261] : memref<1600xi32, #tpu.memory_space<vmem>> -> memref<128xi32, #tpu.memory_space<vmem>>
      %dma_start3A_263 = arith.constant 0 : i32
      %dma_start3A_264 = tpu.memref_slice %arg3[%dma_start3A_263] : memref<1000000xf32, #tpu.memory_space<hbm>> -> memref<1000000xf32, #tpu.memory_space<hbm>>
      tpu.enqueue_indirect_dma source(%dma_start3A_264 : memref<1000000xf32, #tpu.memory_space<hbm>>) target(%dma_start3A_260 : memref<128xf32, #tpu.memory_space<vmem>>) offsets(%dma_start3A_262 : memref<128xi32, #tpu.memory_space<vmem>>) semaphore(%arg16 : memref<!tpu.dma_semaphore, #tpu.memory_space<semaphore_mem>>)
      %dma_start3A_265 = arith.constant 512 : i32
      %dma_start3A_266 = arith.constant 0 : i32
      %dma_start3A_267 = tpu.memref_slice %arg10[%dma_start3A_265, %dma_start3A_266] : memref<1600x32xf32, #tpu.memory_space<vmem>> -> memref<128x32xf32, #tpu.memory_space<vmem>>
      %dma_start3A_268 = arith.constant 512 : i32
      %dma_start3A_269 = tpu.memref_slice %arg8[%dma_start3A_268] : memref<1600xi32, #tpu.memory_space<vmem>> -> memref<128xi32, #tpu.memory_space<vmem>>
      %dma_start3A_270 = arith.constant 0 : i32
      %dma_start3A_271 = arith.constant 0 : i32
      %dma_start3A_272 = tpu.memref_slice %arg4[%dma_start3A_270, %dma_start3A_271] : memref<1000000x32xf32, #tpu.memory_space<hbm>> -> memref<1000000x32xf32, #tpu.memory_space<hbm>>
      tpu.enqueue_indirect_dma source(%dma_start3A_272 : memref<1000000x32xf32, #tpu.memory_space<hbm>>) target(%dma_start3A_267 : memref<128x32xf32, #tpu.memory_space<vmem>>) offsets(%dma_start3A_269 : memref<128xi32, #tpu.memory_space<vmem>>) semaphore(%arg16 : memref<!tpu.dma_semaphore, #tpu.memory_space<semaphore_mem>>)
      %dma_start3A_273 = arith.constant 512 : i32
      %dma_start3A_274 = tpu.memref_slice %arg12[%dma_start3A_273] : memref<1600xf32, #tpu.memory_space<vmem>> -> memref<128xf32, #tpu.memory_space<vmem>>
      %dma_start3A_275 = arith.constant 512 : i32
      %dma_start3A_276 = tpu.memref_slice %arg8[%dma_start3A_275] : memref<1600xi32, #tpu.memory_space<vmem>> -> memref<128xi32, #tpu.memory_space<vmem>>
      %dma_start3A_277 = arith.constant 0 : i32
      %dma_start3A_278 = tpu.memref_slice %arg3[%dma_start3A_277] : memref<1000000xf32, #tpu.memory_space<hbm>> -> memref<1000000xf32, #tpu.memory_space<hbm>>
      tpu.enqueue_indirect_dma source(%dma_start3A_278 : memref<1000000xf32, #tpu.memory_space<hbm>>) target(%dma_start3A_274 : memref<128xf32, #tpu.memory_space<vmem>>) offsets(%dma_start3A_276 : memref<128xi32, #tpu.memory_space<vmem>>) semaphore(%arg16 : memref<!tpu.dma_semaphore, #tpu.memory_space<semaphore_mem>>)
      %dma_start3A_279 = arith.constant 640 : i32
      %dma_start3A_280 = arith.constant 0 : i32
      %dma_start3A_281 = tpu.memref_slice %arg10[%dma_start3A_279, %dma_start3A_280] : memref<1600x32xf32, #tpu.memory_space<vmem>> -> memref<128x32xf32, #tpu.memory_space<vmem>>
      %dma_start3A_282 = arith.constant 640 : i32
      %dma_start3A_283 = tpu.memref_slice %arg8[%dma_start3A_282] : memref<1600xi32, #tpu.memory_space<vmem>> -> memref<128xi32, #tpu.memory_space<vmem>>
      %dma_start3A_284 = arith.constant 0 : i32
      %dma_start3A_285 = arith.constant 0 : i32
      %dma_start3A_286 = tpu.memref_slice %arg4[%dma_start3A_284, %dma_start3A_285] : memref<1000000x32xf32, #tpu.memory_space<hbm>> -> memref<1000000x32xf32, #tpu.memory_space<hbm>>
      tpu.enqueue_indirect_dma source(%dma_start3A_286 : memref<1000000x32xf32, #tpu.memory_space<hbm>>) target(%dma_start3A_281 : memref<128x32xf32, #tpu.memory_space<vmem>>) offsets(%dma_start3A_283 : memref<128xi32, #tpu.memory_space<vmem>>) semaphore(%arg16 : memref<!tpu.dma_semaphore, #tpu.memory_space<semaphore_mem>>)
      %dma_start3A_287 = arith.constant 640 : i32
      %dma_start3A_288 = tpu.memref_slice %arg12[%dma_start3A_287] : memref<1600xf32, #tpu.memory_space<vmem>> -> memref<128xf32, #tpu.memory_space<vmem>>
      %dma_start3A_289 = arith.constant 640 : i32
      %dma_start3A_290 = tpu.memref_slice %arg8[%dma_start3A_289] : memref<1600xi32, #tpu.memory_space<vmem>> -> memref<128xi32, #tpu.memory_space<vmem>>
      %dma_start3A_291 = arith.constant 0 : i32
      %dma_start3A_292 = tpu.memref_slice %arg3[%dma_start3A_291] : memref<1000000xf32, #tpu.memory_space<hbm>> -> memref<1000000xf32, #tpu.memory_space<hbm>>
      tpu.enqueue_indirect_dma source(%dma_start3A_292 : memref<1000000xf32, #tpu.memory_space<hbm>>) target(%dma_start3A_288 : memref<128xf32, #tpu.memory_space<vmem>>) offsets(%dma_start3A_290 : memref<128xi32, #tpu.memory_space<vmem>>) semaphore(%arg16 : memref<!tpu.dma_semaphore, #tpu.memory_space<semaphore_mem>>)
      %dma_start3A_293 = arith.constant 768 : i32
      %dma_start3A_294 = arith.constant 0 : i32
      %dma_start3A_295 = tpu.memref_slice %arg10[%dma_start3A_293, %dma_start3A_294] : memref<1600x32xf32, #tpu.memory_space<vmem>> -> memref<128x32xf32, #tpu.memory_space<vmem>>
      %dma_start3A_296 = arith.constant 768 : i32
      %dma_start3A_297 = tpu.memref_slice %arg8[%dma_start3A_296] : memref<1600xi32, #tpu.memory_space<vmem>> -> memref<128xi32, #tpu.memory_space<vmem>>
      %dma_start3A_298 = arith.constant 0 : i32
      %dma_start3A_299 = arith.constant 0 : i32
      %dma_start3A_300 = tpu.memref_slice %arg4[%dma_start3A_298, %dma_start3A_299] : memref<1000000x32xf32, #tpu.memory_space<hbm>> -> memref<1000000x32xf32, #tpu.memory_space<hbm>>
      tpu.enqueue_indirect_dma source(%dma_start3A_300 : memref<1000000x32xf32, #tpu.memory_space<hbm>>) target(%dma_start3A_295 : memref<128x32xf32, #tpu.memory_space<vmem>>) offsets(%dma_start3A_297 : memref<128xi32, #tpu.memory_space<vmem>>) semaphore(%arg16 : memref<!tpu.dma_semaphore, #tpu.memory_space<semaphore_mem>>)
      %dma_start3A_301 = arith.constant 768 : i32
      %dma_start3A_302 = tpu.memref_slice %arg12[%dma_start3A_301] : memref<1600xf32, #tpu.memory_space<vmem>> -> memref<128xf32, #tpu.memory_space<vmem>>
      %dma_start3A_303 = arith.constant 768 : i32
      %dma_start3A_304 = tpu.memref_slice %arg8[%dma_start3A_303] : memref<1600xi32, #tpu.memory_space<vmem>> -> memref<128xi32, #tpu.memory_space<vmem>>
      %dma_start3A_305 = arith.constant 0 : i32
      %dma_start3A_306 = tpu.memref_slice %arg3[%dma_start3A_305] : memref<1000000xf32, #tpu.memory_space<hbm>> -> memref<1000000xf32, #tpu.memory_space<hbm>>
      tpu.enqueue_indirect_dma source(%dma_start3A_306 : memref<1000000xf32, #tpu.memory_space<hbm>>) target(%dma_start3A_302 : memref<128xf32, #tpu.memory_space<vmem>>) offsets(%dma_start3A_304 : memref<128xi32, #tpu.memory_space<vmem>>) semaphore(%arg16 : memref<!tpu.dma_semaphore, #tpu.memory_space<semaphore_mem>>)
      %dma_start3A_307 = arith.constant 896 : i32
      %dma_start3A_308 = arith.constant 0 : i32
      %dma_start3A_309 = tpu.memref_slice %arg10[%dma_start3A_307, %dma_start3A_308] : memref<1600x32xf32, #tpu.memory_space<vmem>> -> memref<128x32xf32, #tpu.memory_space<vmem>>
      %dma_start3A_310 = arith.constant 896 : i32
      %dma_start3A_311 = tpu.memref_slice %arg8[%dma_start3A_310] : memref<1600xi32, #tpu.memory_space<vmem>> -> memref<128xi32, #tpu.memory_space<vmem>>
      %dma_start3A_312 = arith.constant 0 : i32
      %dma_start3A_313 = arith.constant 0 : i32
      %dma_start3A_314 = tpu.memref_slice %arg4[%dma_start3A_312, %dma_start3A_313] : memref<1000000x32xf32, #tpu.memory_space<hbm>> -> memref<1000000x32xf32, #tpu.memory_space<hbm>>
      tpu.enqueue_indirect_dma source(%dma_start3A_314 : memref<1000000x32xf32, #tpu.memory_space<hbm>>) target(%dma_start3A_309 : memref<128x32xf32, #tpu.memory_space<vmem>>) offsets(%dma_start3A_311 : memref<128xi32, #tpu.memory_space<vmem>>) semaphore(%arg16 : memref<!tpu.dma_semaphore, #tpu.memory_space<semaphore_mem>>)
      %dma_start3A_315 = arith.constant 896 : i32
      %dma_start3A_316 = tpu.memref_slice %arg12[%dma_start3A_315] : memref<1600xf32, #tpu.memory_space<vmem>> -> memref<128xf32, #tpu.memory_space<vmem>>
      %dma_start3A_317 = arith.constant 896 : i32
      %dma_start3A_318 = tpu.memref_slice %arg8[%dma_start3A_317] : memref<1600xi32, #tpu.memory_space<vmem>> -> memref<128xi32, #tpu.memory_space<vmem>>
      %dma_start3A_319 = arith.constant 0 : i32
      %dma_start3A_320 = tpu.memref_slice %arg3[%dma_start3A_319] : memref<1000000xf32, #tpu.memory_space<hbm>> -> memref<1000000xf32, #tpu.memory_space<hbm>>
      tpu.enqueue_indirect_dma source(%dma_start3A_320 : memref<1000000xf32, #tpu.memory_space<hbm>>) target(%dma_start3A_316 : memref<128xf32, #tpu.memory_space<vmem>>) offsets(%dma_start3A_318 : memref<128xi32, #tpu.memory_space<vmem>>) semaphore(%arg16 : memref<!tpu.dma_semaphore, #tpu.memory_space<semaphore_mem>>)
      %dma_start3A_321 = arith.constant 1024 : i32
      %dma_start3A_322 = arith.constant 0 : i32
      %dma_start3A_323 = tpu.memref_slice %arg10[%dma_start3A_321, %dma_start3A_322] : memref<1600x32xf32, #tpu.memory_space<vmem>> -> memref<128x32xf32, #tpu.memory_space<vmem>>
      %dma_start3A_324 = arith.constant 1024 : i32
      %dma_start3A_325 = tpu.memref_slice %arg8[%dma_start3A_324] : memref<1600xi32, #tpu.memory_space<vmem>> -> memref<128xi32, #tpu.memory_space<vmem>>
      %dma_start3A_326 = arith.constant 0 : i32
      %dma_start3A_327 = arith.constant 0 : i32
      %dma_start3A_328 = tpu.memref_slice %arg4[%dma_start3A_326, %dma_start3A_327] : memref<1000000x32xf32, #tpu.memory_space<hbm>> -> memref<1000000x32xf32, #tpu.memory_space<hbm>>
      tpu.enqueue_indirect_dma source(%dma_start3A_328 : memref<1000000x32xf32, #tpu.memory_space<hbm>>) target(%dma_start3A_323 : memref<128x32xf32, #tpu.memory_space<vmem>>) offsets(%dma_start3A_325 : memref<128xi32, #tpu.memory_space<vmem>>) semaphore(%arg16 : memref<!tpu.dma_semaphore, #tpu.memory_space<semaphore_mem>>)
      %dma_start3A_329 = arith.constant 1024 : i32
      %dma_start3A_330 = tpu.memref_slice %arg12[%dma_start3A_329] : memref<1600xf32, #tpu.memory_space<vmem>> -> memref<128xf32, #tpu.memory_space<vmem>>
      %dma_start3A_331 = arith.constant 1024 : i32
      %dma_start3A_332 = tpu.memref_slice %arg8[%dma_start3A_331] : memref<1600xi32, #tpu.memory_space<vmem>> -> memref<128xi32, #tpu.memory_space<vmem>>
      %dma_start3A_333 = arith.constant 0 : i32
      %dma_start3A_334 = tpu.memref_slice %arg3[%dma_start3A_333] : memref<1000000xf32, #tpu.memory_space<hbm>> -> memref<1000000xf32, #tpu.memory_space<hbm>>
      tpu.enqueue_indirect_dma source(%dma_start3A_334 : memref<1000000xf32, #tpu.memory_space<hbm>>) target(%dma_start3A_330 : memref<128xf32, #tpu.memory_space<vmem>>) offsets(%dma_start3A_332 : memref<128xi32, #tpu.memory_space<vmem>>) semaphore(%arg16 : memref<!tpu.dma_semaphore, #tpu.memory_space<semaphore_mem>>)
      %dma_start3A_335 = arith.constant 1152 : i32
      %dma_start3A_336 = arith.constant 0 : i32
      %dma_start3A_337 = tpu.memref_slice %arg10[%dma_start3A_335, %dma_start3A_336] : memref<1600x32xf32, #tpu.memory_space<vmem>> -> memref<128x32xf32, #tpu.memory_space<vmem>>
      %dma_start3A_338 = arith.constant 1152 : i32
      %dma_start3A_339 = tpu.memref_slice %arg8[%dma_start3A_338] : memref<1600xi32, #tpu.memory_space<vmem>> -> memref<128xi32, #tpu.memory_space<vmem>>
      %dma_start3A_340 = arith.constant 0 : i32
      %dma_start3A_341 = arith.constant 0 : i32
      %dma_start3A_342 = tpu.memref_slice %arg4[%dma_start3A_340, %dma_start3A_341] : memref<1000000x32xf32, #tpu.memory_space<hbm>> -> memref<1000000x32xf32, #tpu.memory_space<hbm>>
      tpu.enqueue_indirect_dma source(%dma_start3A_342 : memref<1000000x32xf32, #tpu.memory_space<hbm>>) target(%dma_start3A_337 : memref<128x32xf32, #tpu.memory_space<vmem>>) offsets(%dma_start3A_339 : memref<128xi32, #tpu.memory_space<vmem>>) semaphore(%arg16 : memref<!tpu.dma_semaphore, #tpu.memory_space<semaphore_mem>>)
      %dma_start3A_343 = arith.constant 1152 : i32
      %dma_start3A_344 = tpu.memref_slice %arg12[%dma_start3A_343] : memref<1600xf32, #tpu.memory_space<vmem>> -> memref<128xf32, #tpu.memory_space<vmem>>
      %dma_start3A_345 = arith.constant 1152 : i32
      %dma_start3A_346 = tpu.memref_slice %arg8[%dma_start3A_345] : memref<1600xi32, #tpu.memory_space<vmem>> -> memref<128xi32, #tpu.memory_space<vmem>>
      %dma_start3A_347 = arith.constant 0 : i32
      %dma_start3A_348 = tpu.memref_slice %arg3[%dma_start3A_347] : memref<1000000xf32, #tpu.memory_space<hbm>> -> memref<1000000xf32, #tpu.memory_space<hbm>>
      tpu.enqueue_indirect_dma source(%dma_start3A_348 : memref<1000000xf32, #tpu.memory_space<hbm>>) target(%dma_start3A_344 : memref<128xf32, #tpu.memory_space<vmem>>) offsets(%dma_start3A_346 : memref<128xi32, #tpu.memory_space<vmem>>) semaphore(%arg16 : memref<!tpu.dma_semaphore, #tpu.memory_space<semaphore_mem>>)
      %dma_start3A_349 = arith.constant 1280 : i32
      %dma_start3A_350 = arith.constant 0 : i32
      %dma_start3A_351 = tpu.memref_slice %arg10[%dma_start3A_349, %dma_start3A_350] : memref<1600x32xf32, #tpu.memory_space<vmem>> -> memref<128x32xf32, #tpu.memory_space<vmem>>
      %dma_start3A_352 = arith.constant 1280 : i32
      %dma_start3A_353 = tpu.memref_slice %arg8[%dma_start3A_352] : memref<1600xi32, #tpu.memory_space<vmem>> -> memref<128xi32, #tpu.memory_space<vmem>>
      %dma_start3A_354 = arith.constant 0 : i32
      %dma_start3A_355 = arith.constant 0 : i32
      %dma_start3A_356 = tpu.memref_slice %arg4[%dma_start3A_354, %dma_start3A_355] : memref<1000000x32xf32, #tpu.memory_space<hbm>> -> memref<1000000x32xf32, #tpu.memory_space<hbm>>
      tpu.enqueue_indirect_dma source(%dma_start3A_356 : memref<1000000x32xf32, #tpu.memory_space<hbm>>) target(%dma_start3A_351 : memref<128x32xf32, #tpu.memory_space<vmem>>) offsets(%dma_start3A_353 : memref<128xi32, #tpu.memory_space<vmem>>) semaphore(%arg16 : memref<!tpu.dma_semaphore, #tpu.memory_space<semaphore_mem>>)
      %dma_start3A_357 = arith.constant 1280 : i32
      %dma_start3A_358 = tpu.memref_slice %arg12[%dma_start3A_357] : memref<1600xf32, #tpu.memory_space<vmem>> -> memref<128xf32, #tpu.memory_space<vmem>>
      %dma_start3A_359 = arith.constant 1280 : i32
      %dma_start3A_360 = tpu.memref_slice %arg8[%dma_start3A_359] : memref<1600xi32, #tpu.memory_space<vmem>> -> memref<128xi32, #tpu.memory_space<vmem>>
      %dma_start3A_361 = arith.constant 0 : i32
      %dma_start3A_362 = tpu.memref_slice %arg3[%dma_start3A_361] : memref<1000000xf32, #tpu.memory_space<hbm>> -> memref<1000000xf32, #tpu.memory_space<hbm>>
      tpu.enqueue_indirect_dma source(%dma_start3A_362 : memref<1000000xf32, #tpu.memory_space<hbm>>) target(%dma_start3A_358 : memref<128xf32, #tpu.memory_space<vmem>>) offsets(%dma_start3A_360 : memref<128xi32, #tpu.memory_space<vmem>>) semaphore(%arg16 : memref<!tpu.dma_semaphore, #tpu.memory_space<semaphore_mem>>)
      %dma_start3A_363 = arith.constant 1408 : i32
      %dma_start3A_364 = arith.constant 0 : i32
      %dma_start3A_365 = tpu.memref_slice %arg10[%dma_start3A_363, %dma_start3A_364] : memref<1600x32xf32, #tpu.memory_space<vmem>> -> memref<128x32xf32, #tpu.memory_space<vmem>>
      %dma_start3A_366 = arith.constant 1408 : i32
      %dma_start3A_367 = tpu.memref_slice %arg8[%dma_start3A_366] : memref<1600xi32, #tpu.memory_space<vmem>> -> memref<128xi32, #tpu.memory_space<vmem>>
      %dma_start3A_368 = arith.constant 0 : i32
      %dma_start3A_369 = arith.constant 0 : i32
      %dma_start3A_370 = tpu.memref_slice %arg4[%dma_start3A_368, %dma_start3A_369] : memref<1000000x32xf32, #tpu.memory_space<hbm>> -> memref<1000000x32xf32, #tpu.memory_space<hbm>>
      tpu.enqueue_indirect_dma source(%dma_start3A_370 : memref<1000000x32xf32, #tpu.memory_space<hbm>>) target(%dma_start3A_365 : memref<128x32xf32, #tpu.memory_space<vmem>>) offsets(%dma_start3A_367 : memref<128xi32, #tpu.memory_space<vmem>>) semaphore(%arg16 : memref<!tpu.dma_semaphore, #tpu.memory_space<semaphore_mem>>)
      %dma_start3A_371 = arith.constant 1408 : i32
      %dma_start3A_372 = tpu.memref_slice %arg12[%dma_start3A_371] : memref<1600xf32, #tpu.memory_space<vmem>> -> memref<128xf32, #tpu.memory_space<vmem>>
      %dma_start3A_373 = arith.constant 1408 : i32
      %dma_start3A_374 = tpu.memref_slice %arg8[%dma_start3A_373] : memref<1600xi32, #tpu.memory_space<vmem>> -> memref<128xi32, #tpu.memory_space<vmem>>
      %dma_start3A_375 = arith.constant 0 : i32
      %dma_start3A_376 = tpu.memref_slice %arg3[%dma_start3A_375] : memref<1000000xf32, #tpu.memory_space<hbm>> -> memref<1000000xf32, #tpu.memory_space<hbm>>
      tpu.enqueue_indirect_dma source(%dma_start3A_376 : memref<1000000xf32, #tpu.memory_space<hbm>>) target(%dma_start3A_372 : memref<128xf32, #tpu.memory_space<vmem>>) offsets(%dma_start3A_374 : memref<128xi32, #tpu.memory_space<vmem>>) semaphore(%arg16 : memref<!tpu.dma_semaphore, #tpu.memory_space<semaphore_mem>>)
      %dma_start3A_377 = arith.constant 1536 : i32
      %dma_start3A_378 = arith.constant 0 : i32
      %dma_start3A_379 = tpu.memref_slice %arg10[%dma_start3A_377, %dma_start3A_378] : memref<1600x32xf32, #tpu.memory_space<vmem>> -> memref<64x32xf32, #tpu.memory_space<vmem>>
      %dma_start3A_380 = arith.constant 1536 : i32
      %dma_start3A_381 = tpu.memref_slice %arg8[%dma_start3A_380] : memref<1600xi32, #tpu.memory_space<vmem>> -> memref<64xi32, #tpu.memory_space<vmem>>
      %dma_start3A_382 = arith.constant 0 : i32
      %dma_start3A_383 = arith.constant 0 : i32
      %dma_start3A_384 = tpu.memref_slice %arg4[%dma_start3A_382, %dma_start3A_383] : memref<1000000x32xf32, #tpu.memory_space<hbm>> -> memref<1000000x32xf32, #tpu.memory_space<hbm>>
      tpu.enqueue_indirect_dma source(%dma_start3A_384 : memref<1000000x32xf32, #tpu.memory_space<hbm>>) target(%dma_start3A_379 : memref<64x32xf32, #tpu.memory_space<vmem>>) offsets(%dma_start3A_381 : memref<64xi32, #tpu.memory_space<vmem>>) semaphore(%arg16 : memref<!tpu.dma_semaphore, #tpu.memory_space<semaphore_mem>>)
      %dma_start3A_385 = arith.constant 1536 : i32
      %dma_start3A_386 = tpu.memref_slice %arg12[%dma_start3A_385] : memref<1600xf32, #tpu.memory_space<vmem>> -> memref<64xf32, #tpu.memory_space<vmem>>
      %dma_start3A_387 = arith.constant 1536 : i32
      %dma_start3A_388 = tpu.memref_slice %arg8[%dma_start3A_387] : memref<1600xi32, #tpu.memory_space<vmem>> -> memref<64xi32, #tpu.memory_space<vmem>>
      %dma_start3A_389 = arith.constant 0 : i32
      %dma_start3A_390 = tpu.memref_slice %arg3[%dma_start3A_389] : memref<1000000xf32, #tpu.memory_space<hbm>> -> memref<1000000xf32, #tpu.memory_space<hbm>>
      tpu.enqueue_indirect_dma source(%dma_start3A_390 : memref<1000000xf32, #tpu.memory_space<hbm>>) target(%dma_start3A_386 : memref<64xf32, #tpu.memory_space<vmem>>) offsets(%dma_start3A_388 : memref<64xi32, #tpu.memory_space<vmem>>) semaphore(%arg16 : memref<!tpu.dma_semaphore, #tpu.memory_space<semaphore_mem>>)
      %dma_wait3A = arith.constant 0 : i32
      %dma_wait3A_391 = arith.constant 0 : i32
      %dma_wait3A_392 = tpu.memref_slice %arg9[%dma_wait3A, %dma_wait3A_391] : memref<1600x32xf32, #tpu.memory_space<vmem>> -> memref<128x32xf32, #tpu.memory_space<vmem>>
      %dma_wait3A_393 = arith.constant 0 : i32
      %dma_wait3A_394 = tpu.memref_slice %arg7[%dma_wait3A_393] : memref<1600xi32, #tpu.memory_space<vmem>> -> memref<128xi32, #tpu.memory_space<vmem>>
      %dma_wait3A_395 = arith.constant 0 : i32
      %dma_wait3A_396 = arith.constant 0 : i32
      %dma_wait3A_397 = tpu.memref_slice %arg4[%dma_wait3A_395, %dma_wait3A_396] : memref<1000000x32xf32, #tpu.memory_space<hbm>> -> memref<1000000x32xf32, #tpu.memory_space<hbm>>
      tpu.wait_indirect_dma semaphore(%arg15 : memref<!tpu.dma_semaphore, #tpu.memory_space<semaphore_mem>>) src(%dma_wait3A_397 : memref<1000000x32xf32, #tpu.memory_space<hbm>>) dst(%dma_wait3A_392 : memref<128x32xf32, #tpu.memory_space<vmem>>)
      %dma_wait3A_398 = arith.constant 0 : i32
      %dma_wait3A_399 = tpu.memref_slice %arg11[%dma_wait3A_398] : memref<1600xf32, #tpu.memory_space<vmem>> -> memref<128xf32, #tpu.memory_space<vmem>>
      %dma_wait3A_400 = arith.constant 0 : i32
      %dma_wait3A_401 = tpu.memref_slice %arg7[%dma_wait3A_400] : memref<1600xi32, #tpu.memory_space<vmem>> -> memref<128xi32, #tpu.memory_space<vmem>>
      %dma_wait3A_402 = arith.constant 0 : i32
      %dma_wait3A_403 = tpu.memref_slice %arg3[%dma_wait3A_402] : memref<1000000xf32, #tpu.memory_space<hbm>> -> memref<1000000xf32, #tpu.memory_space<hbm>>
      tpu.wait_indirect_dma semaphore(%arg15 : memref<!tpu.dma_semaphore, #tpu.memory_space<semaphore_mem>>) src(%dma_wait3A_403 : memref<1000000xf32, #tpu.memory_space<hbm>>) dst(%dma_wait3A_399 : memref<128xf32, #tpu.memory_space<vmem>>)
      %dma_wait3A_404 = arith.constant 128 : i32
      %dma_wait3A_405 = arith.constant 0 : i32
      %dma_wait3A_406 = tpu.memref_slice %arg9[%dma_wait3A_404, %dma_wait3A_405] : memref<1600x32xf32, #tpu.memory_space<vmem>> -> memref<128x32xf32, #tpu.memory_space<vmem>>
      %dma_wait3A_407 = arith.constant 128 : i32
      %dma_wait3A_408 = tpu.memref_slice %arg7[%dma_wait3A_407] : memref<1600xi32, #tpu.memory_space<vmem>> -> memref<128xi32, #tpu.memory_space<vmem>>
      %dma_wait3A_409 = arith.constant 0 : i32
      %dma_wait3A_410 = arith.constant 0 : i32
      %dma_wait3A_411 = tpu.memref_slice %arg4[%dma_wait3A_409, %dma_wait3A_410] : memref<1000000x32xf32, #tpu.memory_space<hbm>> -> memref<1000000x32xf32, #tpu.memory_space<hbm>>
      tpu.wait_indirect_dma semaphore(%arg15 : memref<!tpu.dma_semaphore, #tpu.memory_space<semaphore_mem>>) src(%dma_wait3A_411 : memref<1000000x32xf32, #tpu.memory_space<hbm>>) dst(%dma_wait3A_406 : memref<128x32xf32, #tpu.memory_space<vmem>>)
      %dma_wait3A_412 = arith.constant 128 : i32
      %dma_wait3A_413 = tpu.memref_slice %arg11[%dma_wait3A_412] : memref<1600xf32, #tpu.memory_space<vmem>> -> memref<128xf32, #tpu.memory_space<vmem>>
      %dma_wait3A_414 = arith.constant 128 : i32
      %dma_wait3A_415 = tpu.memref_slice %arg7[%dma_wait3A_414] : memref<1600xi32, #tpu.memory_space<vmem>> -> memref<128xi32, #tpu.memory_space<vmem>>
      %dma_wait3A_416 = arith.constant 0 : i32
      %dma_wait3A_417 = tpu.memref_slice %arg3[%dma_wait3A_416] : memref<1000000xf32, #tpu.memory_space<hbm>> -> memref<1000000xf32, #tpu.memory_space<hbm>>
      tpu.wait_indirect_dma semaphore(%arg15 : memref<!tpu.dma_semaphore, #tpu.memory_space<semaphore_mem>>) src(%dma_wait3A_417 : memref<1000000xf32, #tpu.memory_space<hbm>>) dst(%dma_wait3A_413 : memref<128xf32, #tpu.memory_space<vmem>>)
      %dma_wait3A_418 = arith.constant 256 : i32
      %dma_wait3A_419 = arith.constant 0 : i32
      %dma_wait3A_420 = tpu.memref_slice %arg9[%dma_wait3A_418, %dma_wait3A_419] : memref<1600x32xf32, #tpu.memory_space<vmem>> -> memref<128x32xf32, #tpu.memory_space<vmem>>
      %dma_wait3A_421 = arith.constant 256 : i32
      %dma_wait3A_422 = tpu.memref_slice %arg7[%dma_wait3A_421] : memref<1600xi32, #tpu.memory_space<vmem>> -> memref<128xi32, #tpu.memory_space<vmem>>
      %dma_wait3A_423 = arith.constant 0 : i32
      %dma_wait3A_424 = arith.constant 0 : i32
      %dma_wait3A_425 = tpu.memref_slice %arg4[%dma_wait3A_423, %dma_wait3A_424] : memref<1000000x32xf32, #tpu.memory_space<hbm>> -> memref<1000000x32xf32, #tpu.memory_space<hbm>>
      tpu.wait_indirect_dma semaphore(%arg15 : memref<!tpu.dma_semaphore, #tpu.memory_space<semaphore_mem>>) src(%dma_wait3A_425 : memref<1000000x32xf32, #tpu.memory_space<hbm>>) dst(%dma_wait3A_420 : memref<128x32xf32, #tpu.memory_space<vmem>>)
      %dma_wait3A_426 = arith.constant 256 : i32
      %dma_wait3A_427 = tpu.memref_slice %arg11[%dma_wait3A_426] : memref<1600xf32, #tpu.memory_space<vmem>> -> memref<128xf32, #tpu.memory_space<vmem>>
      %dma_wait3A_428 = arith.constant 256 : i32
      %dma_wait3A_429 = tpu.memref_slice %arg7[%dma_wait3A_428] : memref<1600xi32, #tpu.memory_space<vmem>> -> memref<128xi32, #tpu.memory_space<vmem>>
      %dma_wait3A_430 = arith.constant 0 : i32
      %dma_wait3A_431 = tpu.memref_slice %arg3[%dma_wait3A_430] : memref<1000000xf32, #tpu.memory_space<hbm>> -> memref<1000000xf32, #tpu.memory_space<hbm>>
      tpu.wait_indirect_dma semaphore(%arg15 : memref<!tpu.dma_semaphore, #tpu.memory_space<semaphore_mem>>) src(%dma_wait3A_431 : memref<1000000xf32, #tpu.memory_space<hbm>>) dst(%dma_wait3A_427 : memref<128xf32, #tpu.memory_space<vmem>>)
      %dma_wait3A_432 = arith.constant 384 : i32
      %dma_wait3A_433 = arith.constant 0 : i32
      %dma_wait3A_434 = tpu.memref_slice %arg9[%dma_wait3A_432, %dma_wait3A_433] : memref<1600x32xf32, #tpu.memory_space<vmem>> -> memref<128x32xf32, #tpu.memory_space<vmem>>
      %dma_wait3A_435 = arith.constant 384 : i32
      %dma_wait3A_436 = tpu.memref_slice %arg7[%dma_wait3A_435] : memref<1600xi32, #tpu.memory_space<vmem>> -> memref<128xi32, #tpu.memory_space<vmem>>
      %dma_wait3A_437 = arith.constant 0 : i32
      %dma_wait3A_438 = arith.constant 0 : i32
      %dma_wait3A_439 = tpu.memref_slice %arg4[%dma_wait3A_437, %dma_wait3A_438] : memref<1000000x32xf32, #tpu.memory_space<hbm>> -> memref<1000000x32xf32, #tpu.memory_space<hbm>>
      tpu.wait_indirect_dma semaphore(%arg15 : memref<!tpu.dma_semaphore, #tpu.memory_space<semaphore_mem>>) src(%dma_wait3A_439 : memref<1000000x32xf32, #tpu.memory_space<hbm>>) dst(%dma_wait3A_434 : memref<128x32xf32, #tpu.memory_space<vmem>>)
      %dma_wait3A_440 = arith.constant 384 : i32
      %dma_wait3A_441 = tpu.memref_slice %arg11[%dma_wait3A_440] : memref<1600xf32, #tpu.memory_space<vmem>> -> memref<128xf32, #tpu.memory_space<vmem>>
      %dma_wait3A_442 = arith.constant 384 : i32
      %dma_wait3A_443 = tpu.memref_slice %arg7[%dma_wait3A_442] : memref<1600xi32, #tpu.memory_space<vmem>> -> memref<128xi32, #tpu.memory_space<vmem>>
      %dma_wait3A_444 = arith.constant 0 : i32
      %dma_wait3A_445 = tpu.memref_slice %arg3[%dma_wait3A_444] : memref<1000000xf32, #tpu.memory_space<hbm>> -> memref<1000000xf32, #tpu.memory_space<hbm>>
      tpu.wait_indirect_dma semaphore(%arg15 : memref<!tpu.dma_semaphore, #tpu.memory_space<semaphore_mem>>) src(%dma_wait3A_445 : memref<1000000xf32, #tpu.memory_space<hbm>>) dst(%dma_wait3A_441 : memref<128xf32, #tpu.memory_space<vmem>>)
      %dma_wait3A_446 = arith.constant 512 : i32
      %dma_wait3A_447 = arith.constant 0 : i32
      %dma_wait3A_448 = tpu.memref_slice %arg9[%dma_wait3A_446, %dma_wait3A_447] : memref<1600x32xf32, #tpu.memory_space<vmem>> -> memref<128x32xf32, #tpu.memory_space<vmem>>
      %dma_wait3A_449 = arith.constant 512 : i32
      %dma_wait3A_450 = tpu.memref_slice %arg7[%dma_wait3A_449] : memref<1600xi32, #tpu.memory_space<vmem>> -> memref<128xi32, #tpu.memory_space<vmem>>
      %dma_wait3A_451 = arith.constant 0 : i32
      %dma_wait3A_452 = arith.constant 0 : i32
      %dma_wait3A_453 = tpu.memref_slice %arg4[%dma_wait3A_451, %dma_wait3A_452] : memref<1000000x32xf32, #tpu.memory_space<hbm>> -> memref<1000000x32xf32, #tpu.memory_space<hbm>>
      tpu.wait_indirect_dma semaphore(%arg15 : memref<!tpu.dma_semaphore, #tpu.memory_space<semaphore_mem>>) src(%dma_wait3A_453 : memref<1000000x32xf32, #tpu.memory_space<hbm>>) dst(%dma_wait3A_448 : memref<128x32xf32, #tpu.memory_space<vmem>>)
      %dma_wait3A_454 = arith.constant 512 : i32
      %dma_wait3A_455 = tpu.memref_slice %arg11[%dma_wait3A_454] : memref<1600xf32, #tpu.memory_space<vmem>> -> memref<128xf32, #tpu.memory_space<vmem>>
      %dma_wait3A_456 = arith.constant 512 : i32
      %dma_wait3A_457 = tpu.memref_slice %arg7[%dma_wait3A_456] : memref<1600xi32, #tpu.memory_space<vmem>> -> memref<128xi32, #tpu.memory_space<vmem>>
      %dma_wait3A_458 = arith.constant 0 : i32
      %dma_wait3A_459 = tpu.memref_slice %arg3[%dma_wait3A_458] : memref<1000000xf32, #tpu.memory_space<hbm>> -> memref<1000000xf32, #tpu.memory_space<hbm>>
      tpu.wait_indirect_dma semaphore(%arg15 : memref<!tpu.dma_semaphore, #tpu.memory_space<semaphore_mem>>) src(%dma_wait3A_459 : memref<1000000xf32, #tpu.memory_space<hbm>>) dst(%dma_wait3A_455 : memref<128xf32, #tpu.memory_space<vmem>>)
      %dma_wait3A_460 = arith.constant 640 : i32
      %dma_wait3A_461 = arith.constant 0 : i32
      %dma_wait3A_462 = tpu.memref_slice %arg9[%dma_wait3A_460, %dma_wait3A_461] : memref<1600x32xf32, #tpu.memory_space<vmem>> -> memref<128x32xf32, #tpu.memory_space<vmem>>
      %dma_wait3A_463 = arith.constant 640 : i32
      %dma_wait3A_464 = tpu.memref_slice %arg7[%dma_wait3A_463] : memref<1600xi32, #tpu.memory_space<vmem>> -> memref<128xi32, #tpu.memory_space<vmem>>
      %dma_wait3A_465 = arith.constant 0 : i32
      %dma_wait3A_466 = arith.constant 0 : i32
      %dma_wait3A_467 = tpu.memref_slice %arg4[%dma_wait3A_465, %dma_wait3A_466] : memref<1000000x32xf32, #tpu.memory_space<hbm>> -> memref<1000000x32xf32, #tpu.memory_space<hbm>>
      tpu.wait_indirect_dma semaphore(%arg15 : memref<!tpu.dma_semaphore, #tpu.memory_space<semaphore_mem>>) src(%dma_wait3A_467 : memref<1000000x32xf32, #tpu.memory_space<hbm>>) dst(%dma_wait3A_462 : memref<128x32xf32, #tpu.memory_space<vmem>>)
      %dma_wait3A_468 = arith.constant 640 : i32
      %dma_wait3A_469 = tpu.memref_slice %arg11[%dma_wait3A_468] : memref<1600xf32, #tpu.memory_space<vmem>> -> memref<128xf32, #tpu.memory_space<vmem>>
      %dma_wait3A_470 = arith.constant 640 : i32
      %dma_wait3A_471 = tpu.memref_slice %arg7[%dma_wait3A_470] : memref<1600xi32, #tpu.memory_space<vmem>> -> memref<128xi32, #tpu.memory_space<vmem>>
      %dma_wait3A_472 = arith.constant 0 : i32
      %dma_wait3A_473 = tpu.memref_slice %arg3[%dma_wait3A_472] : memref<1000000xf32, #tpu.memory_space<hbm>> -> memref<1000000xf32, #tpu.memory_space<hbm>>
      tpu.wait_indirect_dma semaphore(%arg15 : memref<!tpu.dma_semaphore, #tpu.memory_space<semaphore_mem>>) src(%dma_wait3A_473 : memref<1000000xf32, #tpu.memory_space<hbm>>) dst(%dma_wait3A_469 : memref<128xf32, #tpu.memory_space<vmem>>)
      %dma_wait3A_474 = arith.constant 768 : i32
      %dma_wait3A_475 = arith.constant 0 : i32
      %dma_wait3A_476 = tpu.memref_slice %arg9[%dma_wait3A_474, %dma_wait3A_475] : memref<1600x32xf32, #tpu.memory_space<vmem>> -> memref<128x32xf32, #tpu.memory_space<vmem>>
      %dma_wait3A_477 = arith.constant 768 : i32
      %dma_wait3A_478 = tpu.memref_slice %arg7[%dma_wait3A_477] : memref<1600xi32, #tpu.memory_space<vmem>> -> memref<128xi32, #tpu.memory_space<vmem>>
      %dma_wait3A_479 = arith.constant 0 : i32
      %dma_wait3A_480 = arith.constant 0 : i32
      %dma_wait3A_481 = tpu.memref_slice %arg4[%dma_wait3A_479, %dma_wait3A_480] : memref<1000000x32xf32, #tpu.memory_space<hbm>> -> memref<1000000x32xf32, #tpu.memory_space<hbm>>
      tpu.wait_indirect_dma semaphore(%arg15 : memref<!tpu.dma_semaphore, #tpu.memory_space<semaphore_mem>>) src(%dma_wait3A_481 : memref<1000000x32xf32, #tpu.memory_space<hbm>>) dst(%dma_wait3A_476 : memref<128x32xf32, #tpu.memory_space<vmem>>)
      %dma_wait3A_482 = arith.constant 768 : i32
      %dma_wait3A_483 = tpu.memref_slice %arg11[%dma_wait3A_482] : memref<1600xf32, #tpu.memory_space<vmem>> -> memref<128xf32, #tpu.memory_space<vmem>>
      %dma_wait3A_484 = arith.constant 768 : i32
      %dma_wait3A_485 = tpu.memref_slice %arg7[%dma_wait3A_484] : memref<1600xi32, #tpu.memory_space<vmem>> -> memref<128xi32, #tpu.memory_space<vmem>>
      %dma_wait3A_486 = arith.constant 0 : i32
      %dma_wait3A_487 = tpu.memref_slice %arg3[%dma_wait3A_486] : memref<1000000xf32, #tpu.memory_space<hbm>> -> memref<1000000xf32, #tpu.memory_space<hbm>>
      tpu.wait_indirect_dma semaphore(%arg15 : memref<!tpu.dma_semaphore, #tpu.memory_space<semaphore_mem>>) src(%dma_wait3A_487 : memref<1000000xf32, #tpu.memory_space<hbm>>) dst(%dma_wait3A_483 : memref<128xf32, #tpu.memory_space<vmem>>)
      %dma_wait3A_488 = arith.constant 896 : i32
      %dma_wait3A_489 = arith.constant 0 : i32
      %dma_wait3A_490 = tpu.memref_slice %arg9[%dma_wait3A_488, %dma_wait3A_489] : memref<1600x32xf32, #tpu.memory_space<vmem>> -> memref<128x32xf32, #tpu.memory_space<vmem>>
      %dma_wait3A_491 = arith.constant 896 : i32
      %dma_wait3A_492 = tpu.memref_slice %arg7[%dma_wait3A_491] : memref<1600xi32, #tpu.memory_space<vmem>> -> memref<128xi32, #tpu.memory_space<vmem>>
      %dma_wait3A_493 = arith.constant 0 : i32
      %dma_wait3A_494 = arith.constant 0 : i32
      %dma_wait3A_495 = tpu.memref_slice %arg4[%dma_wait3A_493, %dma_wait3A_494] : memref<1000000x32xf32, #tpu.memory_space<hbm>> -> memref<1000000x32xf32, #tpu.memory_space<hbm>>
      tpu.wait_indirect_dma semaphore(%arg15 : memref<!tpu.dma_semaphore, #tpu.memory_space<semaphore_mem>>) src(%dma_wait3A_495 : memref<1000000x32xf32, #tpu.memory_space<hbm>>) dst(%dma_wait3A_490 : memref<128x32xf32, #tpu.memory_space<vmem>>)
      %dma_wait3A_496 = arith.constant 896 : i32
      %dma_wait3A_497 = tpu.memref_slice %arg11[%dma_wait3A_496] : memref<1600xf32, #tpu.memory_space<vmem>> -> memref<128xf32, #tpu.memory_space<vmem>>
      %dma_wait3A_498 = arith.constant 896 : i32
      %dma_wait3A_499 = tpu.memref_slice %arg7[%dma_wait3A_498] : memref<1600xi32, #tpu.memory_space<vmem>> -> memref<128xi32, #tpu.memory_space<vmem>>
      %dma_wait3A_500 = arith.constant 0 : i32
      %dma_wait3A_501 = tpu.memref_slice %arg3[%dma_wait3A_500] : memref<1000000xf32, #tpu.memory_space<hbm>> -> memref<1000000xf32, #tpu.memory_space<hbm>>
      tpu.wait_indirect_dma semaphore(%arg15 : memref<!tpu.dma_semaphore, #tpu.memory_space<semaphore_mem>>) src(%dma_wait3A_501 : memref<1000000xf32, #tpu.memory_space<hbm>>) dst(%dma_wait3A_497 : memref<128xf32, #tpu.memory_space<vmem>>)
      %dma_wait3A_502 = arith.constant 1024 : i32
      %dma_wait3A_503 = arith.constant 0 : i32
      %dma_wait3A_504 = tpu.memref_slice %arg9[%dma_wait3A_502, %dma_wait3A_503] : memref<1600x32xf32, #tpu.memory_space<vmem>> -> memref<128x32xf32, #tpu.memory_space<vmem>>
      %dma_wait3A_505 = arith.constant 1024 : i32
      %dma_wait3A_506 = tpu.memref_slice %arg7[%dma_wait3A_505] : memref<1600xi32, #tpu.memory_space<vmem>> -> memref<128xi32, #tpu.memory_space<vmem>>
      %dma_wait3A_507 = arith.constant 0 : i32
      %dma_wait3A_508 = arith.constant 0 : i32
      %dma_wait3A_509 = tpu.memref_slice %arg4[%dma_wait3A_507, %dma_wait3A_508] : memref<1000000x32xf32, #tpu.memory_space<hbm>> -> memref<1000000x32xf32, #tpu.memory_space<hbm>>
      tpu.wait_indirect_dma semaphore(%arg15 : memref<!tpu.dma_semaphore, #tpu.memory_space<semaphore_mem>>) src(%dma_wait3A_509 : memref<1000000x32xf32, #tpu.memory_space<hbm>>) dst(%dma_wait3A_504 : memref<128x32xf32, #tpu.memory_space<vmem>>)
      %dma_wait3A_510 = arith.constant 1024 : i32
      %dma_wait3A_511 = tpu.memref_slice %arg11[%dma_wait3A_510] : memref<1600xf32, #tpu.memory_space<vmem>> -> memref<128xf32, #tpu.memory_space<vmem>>
      %dma_wait3A_512 = arith.constant 1024 : i32
      %dma_wait3A_513 = tpu.memref_slice %arg7[%dma_wait3A_512] : memref<1600xi32, #tpu.memory_space<vmem>> -> memref<128xi32, #tpu.memory_space<vmem>>
      %dma_wait3A_514 = arith.constant 0 : i32
      %dma_wait3A_515 = tpu.memref_slice %arg3[%dma_wait3A_514] : memref<1000000xf32, #tpu.memory_space<hbm>> -> memref<1000000xf32, #tpu.memory_space<hbm>>
      tpu.wait_indirect_dma semaphore(%arg15 : memref<!tpu.dma_semaphore, #tpu.memory_space<semaphore_mem>>) src(%dma_wait3A_515 : memref<1000000xf32, #tpu.memory_space<hbm>>) dst(%dma_wait3A_511 : memref<128xf32, #tpu.memory_space<vmem>>)
      %dma_wait3A_516 = arith.constant 1152 : i32
      %dma_wait3A_517 = arith.constant 0 : i32
      %dma_wait3A_518 = tpu.memref_slice %arg9[%dma_wait3A_516, %dma_wait3A_517] : memref<1600x32xf32, #tpu.memory_space<vmem>> -> memref<128x32xf32, #tpu.memory_space<vmem>>
      %dma_wait3A_519 = arith.constant 1152 : i32
      %dma_wait3A_520 = tpu.memref_slice %arg7[%dma_wait3A_519] : memref<1600xi32, #tpu.memory_space<vmem>> -> memref<128xi32, #tpu.memory_space<vmem>>
      %dma_wait3A_521 = arith.constant 0 : i32
      %dma_wait3A_522 = arith.constant 0 : i32
      %dma_wait3A_523 = tpu.memref_slice %arg4[%dma_wait3A_521, %dma_wait3A_522] : memref<1000000x32xf32, #tpu.memory_space<hbm>> -> memref<1000000x32xf32, #tpu.memory_space<hbm>>
      tpu.wait_indirect_dma semaphore(%arg15 : memref<!tpu.dma_semaphore, #tpu.memory_space<semaphore_mem>>) src(%dma_wait3A_523 : memref<1000000x32xf32, #tpu.memory_space<hbm>>) dst(%dma_wait3A_518 : memref<128x32xf32, #tpu.memory_space<vmem>>)
      %dma_wait3A_524 = arith.constant 1152 : i32
      %dma_wait3A_525 = tpu.memref_slice %arg11[%dma_wait3A_524] : memref<1600xf32, #tpu.memory_space<vmem>> -> memref<128xf32, #tpu.memory_space<vmem>>
      %dma_wait3A_526 = arith.constant 1152 : i32
      %dma_wait3A_527 = tpu.memref_slice %arg7[%dma_wait3A_526] : memref<1600xi32, #tpu.memory_space<vmem>> -> memref<128xi32, #tpu.memory_space<vmem>>
      %dma_wait3A_528 = arith.constant 0 : i32
      %dma_wait3A_529 = tpu.memref_slice %arg3[%dma_wait3A_528] : memref<1000000xf32, #tpu.memory_space<hbm>> -> memref<1000000xf32, #tpu.memory_space<hbm>>
      tpu.wait_indirect_dma semaphore(%arg15 : memref<!tpu.dma_semaphore, #tpu.memory_space<semaphore_mem>>) src(%dma_wait3A_529 : memref<1000000xf32, #tpu.memory_space<hbm>>) dst(%dma_wait3A_525 : memref<128xf32, #tpu.memory_space<vmem>>)
      %dma_wait3A_530 = arith.constant 1280 : i32
      %dma_wait3A_531 = arith.constant 0 : i32
      %dma_wait3A_532 = tpu.memref_slice %arg9[%dma_wait3A_530, %dma_wait3A_531] : memref<1600x32xf32, #tpu.memory_space<vmem>> -> memref<128x32xf32, #tpu.memory_space<vmem>>
      %dma_wait3A_533 = arith.constant 1280 : i32
      %dma_wait3A_534 = tpu.memref_slice %arg7[%dma_wait3A_533] : memref<1600xi32, #tpu.memory_space<vmem>> -> memref<128xi32, #tpu.memory_space<vmem>>
      %dma_wait3A_535 = arith.constant 0 : i32
      %dma_wait3A_536 = arith.constant 0 : i32
      %dma_wait3A_537 = tpu.memref_slice %arg4[%dma_wait3A_535, %dma_wait3A_536] : memref<1000000x32xf32, #tpu.memory_space<hbm>> -> memref<1000000x32xf32, #tpu.memory_space<hbm>>
      tpu.wait_indirect_dma semaphore(%arg15 : memref<!tpu.dma_semaphore, #tpu.memory_space<semaphore_mem>>) src(%dma_wait3A_537 : memref<1000000x32xf32, #tpu.memory_space<hbm>>) dst(%dma_wait3A_532 : memref<128x32xf32, #tpu.memory_space<vmem>>)
      %dma_wait3A_538 = arith.constant 1280 : i32
      %dma_wait3A_539 = tpu.memref_slice %arg11[%dma_wait3A_538] : memref<1600xf32, #tpu.memory_space<vmem>> -> memref<128xf32, #tpu.memory_space<vmem>>
      %dma_wait3A_540 = arith.constant 1280 : i32
      %dma_wait3A_541 = tpu.memref_slice %arg7[%dma_wait3A_540] : memref<1600xi32, #tpu.memory_space<vmem>> -> memref<128xi32, #tpu.memory_space<vmem>>
      %dma_wait3A_542 = arith.constant 0 : i32
      %dma_wait3A_543 = tpu.memref_slice %arg3[%dma_wait3A_542] : memref<1000000xf32, #tpu.memory_space<hbm>> -> memref<1000000xf32, #tpu.memory_space<hbm>>
      tpu.wait_indirect_dma semaphore(%arg15 : memref<!tpu.dma_semaphore, #tpu.memory_space<semaphore_mem>>) src(%dma_wait3A_543 : memref<1000000xf32, #tpu.memory_space<hbm>>) dst(%dma_wait3A_539 : memref<128xf32, #tpu.memory_space<vmem>>)
      %dma_wait3A_544 = arith.constant 1408 : i32
      %dma_wait3A_545 = arith.constant 0 : i32
      %dma_wait3A_546 = tpu.memref_slice %arg9[%dma_wait3A_544, %dma_wait3A_545] : memref<1600x32xf32, #tpu.memory_space<vmem>> -> memref<128x32xf32, #tpu.memory_space<vmem>>
      %dma_wait3A_547 = arith.constant 1408 : i32
      %dma_wait3A_548 = tpu.memref_slice %arg7[%dma_wait3A_547] : memref<1600xi32, #tpu.memory_space<vmem>> -> memref<128xi32, #tpu.memory_space<vmem>>
      %dma_wait3A_549 = arith.constant 0 : i32
      %dma_wait3A_550 = arith.constant 0 : i32
      %dma_wait3A_551 = tpu.memref_slice %arg4[%dma_wait3A_549, %dma_wait3A_550] : memref<1000000x32xf32, #tpu.memory_space<hbm>> -> memref<1000000x32xf32, #tpu.memory_space<hbm>>
      tpu.wait_indirect_dma semaphore(%arg15 : memref<!tpu.dma_semaphore, #tpu.memory_space<semaphore_mem>>) src(%dma_wait3A_551 : memref<1000000x32xf32, #tpu.memory_space<hbm>>) dst(%dma_wait3A_546 : memref<128x32xf32, #tpu.memory_space<vmem>>)
      %dma_wait3A_552 = arith.constant 1408 : i32
      %dma_wait3A_553 = tpu.memref_slice %arg11[%dma_wait3A_552] : memref<1600xf32, #tpu.memory_space<vmem>> -> memref<128xf32, #tpu.memory_space<vmem>>
      %dma_wait3A_554 = arith.constant 1408 : i32
      %dma_wait3A_555 = tpu.memref_slice %arg7[%dma_wait3A_554] : memref<1600xi32, #tpu.memory_space<vmem>> -> memref<128xi32, #tpu.memory_space<vmem>>
      %dma_wait3A_556 = arith.constant 0 : i32
      %dma_wait3A_557 = tpu.memref_slice %arg3[%dma_wait3A_556] : memref<1000000xf32, #tpu.memory_space<hbm>> -> memref<1000000xf32, #tpu.memory_space<hbm>>
      tpu.wait_indirect_dma semaphore(%arg15 : memref<!tpu.dma_semaphore, #tpu.memory_space<semaphore_mem>>) src(%dma_wait3A_557 : memref<1000000xf32, #tpu.memory_space<hbm>>) dst(%dma_wait3A_553 : memref<128xf32, #tpu.memory_space<vmem>>)
      %dma_wait3A_558 = arith.constant 1536 : i32
      %dma_wait3A_559 = arith.constant 0 : i32
      %dma_wait3A_560 = tpu.memref_slice %arg9[%dma_wait3A_558, %dma_wait3A_559] : memref<1600x32xf32, #tpu.memory_space<vmem>> -> memref<64x32xf32, #tpu.memory_space<vmem>>
      %dma_wait3A_561 = arith.constant 1536 : i32
      %dma_wait3A_562 = tpu.memref_slice %arg7[%dma_wait3A_561] : memref<1600xi32, #tpu.memory_space<vmem>> -> memref<64xi32, #tpu.memory_space<vmem>>
      %dma_wait3A_563 = arith.constant 0 : i32
      %dma_wait3A_564 = arith.constant 0 : i32
      %dma_wait3A_565 = tpu.memref_slice %arg4[%dma_wait3A_563, %dma_wait3A_564] : memref<1000000x32xf32, #tpu.memory_space<hbm>> -> memref<1000000x32xf32, #tpu.memory_space<hbm>>
      tpu.wait_indirect_dma semaphore(%arg15 : memref<!tpu.dma_semaphore, #tpu.memory_space<semaphore_mem>>) src(%dma_wait3A_565 : memref<1000000x32xf32, #tpu.memory_space<hbm>>) dst(%dma_wait3A_560 : memref<64x32xf32, #tpu.memory_space<vmem>>)
      %dma_wait3A_566 = arith.constant 1536 : i32
      %dma_wait3A_567 = tpu.memref_slice %arg11[%dma_wait3A_566] : memref<1600xf32, #tpu.memory_space<vmem>> -> memref<64xf32, #tpu.memory_space<vmem>>
      %dma_wait3A_568 = arith.constant 1536 : i32
      %dma_wait3A_569 = tpu.memref_slice %arg7[%dma_wait3A_568] : memref<1600xi32, #tpu.memory_space<vmem>> -> memref<64xi32, #tpu.memory_space<vmem>>
      %dma_wait3A_570 = arith.constant 0 : i32
      %dma_wait3A_571 = tpu.memref_slice %arg3[%dma_wait3A_570] : memref<1000000xf32, #tpu.memory_space<hbm>> -> memref<1000000xf32, #tpu.memory_space<hbm>>
      tpu.wait_indirect_dma semaphore(%arg15 : memref<!tpu.dma_semaphore, #tpu.memory_space<semaphore_mem>>) src(%dma_wait3A_571 : memref<1000000xf32, #tpu.memory_space<hbm>>) dst(%dma_wait3A_567 : memref<64xf32, #tpu.memory_space<vmem>>)
      %broadcast_in_dim3A_572 = arith.constant 0 : i32
      %broadcast_in_dim3A_573 = vector.broadcast %broadcast_in_dim3A_572 : i32 to vector<16xi32>
      %broadcast_in_dim3A_574 = arith.constant 1 : i32
      %broadcast_in_dim3A_575 = vector.broadcast %broadcast_in_dim3A_574 : i32 to vector<16xi32>
      %broadcast_in_dim3A_576 = arith.constant 2 : i32
      %broadcast_in_dim3A_577 = vector.broadcast %broadcast_in_dim3A_576 : i32 to vector<16xi32>
      %broadcast_in_dim3A_578 = arith.constant 3 : i32
      %broadcast_in_dim3A_579 = vector.broadcast %broadcast_in_dim3A_578 : i32 to vector<16xi32>
      %broadcast_in_dim3A_580 = arith.constant 4 : i32
      %broadcast_in_dim3A_581 = vector.broadcast %broadcast_in_dim3A_580 : i32 to vector<16xi32>
      %broadcast_in_dim3A_582 = arith.constant 5 : i32
      %broadcast_in_dim3A_583 = vector.broadcast %broadcast_in_dim3A_582 : i32 to vector<16xi32>
      %broadcast_in_dim3A_584 = arith.constant 6 : i32
      %broadcast_in_dim3A_585 = vector.broadcast %broadcast_in_dim3A_584 : i32 to vector<16xi32>
      %broadcast_in_dim3A_586 = arith.constant 7 : i32
      %broadcast_in_dim3A_587 = vector.broadcast %broadcast_in_dim3A_586 : i32 to vector<16xi32>
      %broadcast_in_dim3A_588 = arith.constant 8 : i32
      %broadcast_in_dim3A_589 = vector.broadcast %broadcast_in_dim3A_588 : i32 to vector<16xi32>
      %broadcast_in_dim3A_590 = arith.constant 9 : i32
      %broadcast_in_dim3A_591 = vector.broadcast %broadcast_in_dim3A_590 : i32 to vector<16xi32>
      %broadcast_in_dim3A_592 = arith.constant 10 : i32
      %broadcast_in_dim3A_593 = vector.broadcast %broadcast_in_dim3A_592 : i32 to vector<16xi32>
      %broadcast_in_dim3A_594 = arith.constant 11 : i32
      %broadcast_in_dim3A_595 = vector.broadcast %broadcast_in_dim3A_594 : i32 to vector<16xi32>
      %broadcast_in_dim3A_596 = arith.constant 12 : i32
      %broadcast_in_dim3A_597 = vector.broadcast %broadcast_in_dim3A_596 : i32 to vector<16xi32>
      %broadcast_in_dim3A_598 = arith.constant 13 : i32
      %broadcast_in_dim3A_599 = vector.broadcast %broadcast_in_dim3A_598 : i32 to vector<16xi32>
      %broadcast_in_dim3A_600 = arith.constant 14 : i32
      %broadcast_in_dim3A_601 = vector.broadcast %broadcast_in_dim3A_600 : i32 to vector<16xi32>
      %broadcast_in_dim3A_602 = arith.constant 15 : i32
      %broadcast_in_dim3A_603 = vector.broadcast %broadcast_in_dim3A_602 : i32 to vector<16xi32>
      %broadcast_in_dim3A_604 = arith.constant 16 : i32
      %broadcast_in_dim3A_605 = vector.broadcast %broadcast_in_dim3A_604 : i32 to vector<16xi32>
      %broadcast_in_dim3A_606 = arith.constant 17 : i32
      %broadcast_in_dim3A_607 = vector.broadcast %broadcast_in_dim3A_606 : i32 to vector<16xi32>
      %broadcast_in_dim3A_608 = arith.constant 18 : i32
      %broadcast_in_dim3A_609 = vector.broadcast %broadcast_in_dim3A_608 : i32 to vector<16xi32>
      %broadcast_in_dim3A_610 = arith.constant 19 : i32
      %broadcast_in_dim3A_611 = vector.broadcast %broadcast_in_dim3A_610 : i32 to vector<16xi32>
      %broadcast_in_dim3A_612 = arith.constant 20 : i32
      %broadcast_in_dim3A_613 = vector.broadcast %broadcast_in_dim3A_612 : i32 to vector<16xi32>
      %broadcast_in_dim3A_614 = arith.constant 21 : i32
      %broadcast_in_dim3A_615 = vector.broadcast %broadcast_in_dim3A_614 : i32 to vector<16xi32>
      %broadcast_in_dim3A_616 = arith.constant 22 : i32
      %broadcast_in_dim3A_617 = vector.broadcast %broadcast_in_dim3A_616 : i32 to vector<16xi32>
      %broadcast_in_dim3A_618 = arith.constant 23 : i32
      %broadcast_in_dim3A_619 = vector.broadcast %broadcast_in_dim3A_618 : i32 to vector<16xi32>
      %broadcast_in_dim3A_620 = arith.constant 24 : i32
      %broadcast_in_dim3A_621 = vector.broadcast %broadcast_in_dim3A_620 : i32 to vector<16xi32>
      %broadcast_in_dim3A_622 = arith.constant 25 : i32
      %broadcast_in_dim3A_623 = vector.broadcast %broadcast_in_dim3A_622 : i32 to vector<16xi32>
      %broadcast_in_dim3A_624 = arith.constant 26 : i32
      %broadcast_in_dim3A_625 = vector.broadcast %broadcast_in_dim3A_624 : i32 to vector<16xi32>
      %broadcast_in_dim3A_626 = arith.constant 27 : i32
      %broadcast_in_dim3A_627 = vector.broadcast %broadcast_in_dim3A_626 : i32 to vector<16xi32>
      %broadcast_in_dim3A_628 = arith.constant 28 : i32
      %broadcast_in_dim3A_629 = vector.broadcast %broadcast_in_dim3A_628 : i32 to vector<16xi32>
      %broadcast_in_dim3A_630 = arith.constant 29 : i32
      %broadcast_in_dim3A_631 = vector.broadcast %broadcast_in_dim3A_630 : i32 to vector<16xi32>
      %broadcast_in_dim3A_632 = arith.constant 30 : i32
      %broadcast_in_dim3A_633 = vector.broadcast %broadcast_in_dim3A_632 : i32 to vector<16xi32>
      %broadcast_in_dim3A_634 = arith.constant 31 : i32
      %broadcast_in_dim3A_635 = vector.broadcast %broadcast_in_dim3A_634 : i32 to vector<16xi32>
      %add3A_636 = arith.constant 0 : i32
      %add3A_637 = vector.broadcast %add3A_636 : i32 to vector<16xi32>
      %add3A_638 = arith.addi %iota3A, %add3A_637 : vector<16xi32>
      %mul3A_639 = arith.constant 50 : i32
      %mul3A_640 = vector.broadcast %mul3A_639 : i32 to vector<16xi32>
      %mul3A_641 = arith.muli %add3A_638, %mul3A_640 : vector<16xi32>
      %scan3A_642 = arith.constant 0 : i32
      %scan3A_643 = arith.constant 50 : i32
      %scan3A_644 = arith.addi %scan3A_642, %scan3A_643 : i32
      %scan3A_645 = arith.constant 1 : i32
      %scan3A_646:37 = scf.for %scan3A_1297 = %scan3A_642 to %scan3A_644 step %scan3A_645 iter_args(%scan3A_1298 = %broadcast_in_dim3A_1, %scan3A_1299 = %broadcast_in_dim3A_1, %scan3A_1300 = %broadcast_in_dim3A_1, %scan3A_1301 = %broadcast_in_dim3A_1, %scan3A_1302 = %broadcast_in_dim3A_1, %scan3A_1303 = %broadcast_in_dim3A_1, %scan3A_1304 = %broadcast_in_dim3A_1, %scan3A_1305 = %broadcast_in_dim3A_1, %scan3A_1306 = %broadcast_in_dim3A_1, %scan3A_1307 = %broadcast_in_dim3A_1, %scan3A_1308 = %broadcast_in_dim3A_1, %scan3A_1309 = %broadcast_in_dim3A_1, %scan3A_1310 = %broadcast_in_dim3A_1, %scan3A_1311 = %broadcast_in_dim3A_1, %scan3A_1312 = %broadcast_in_dim3A_1, %scan3A_1313 = %broadcast_in_dim3A_1, %scan3A_1314 = %broadcast_in_dim3A_1, %scan3A_1315 = %broadcast_in_dim3A_1, %scan3A_1316 = %broadcast_in_dim3A_1, %scan3A_1317 = %broadcast_in_dim3A_1, %scan3A_1318 = %broadcast_in_dim3A_1, %scan3A_1319 = %broadcast_in_dim3A_1, %scan3A_1320 = %broadcast_in_dim3A_1, %scan3A_1321 = %broadcast_in_dim3A_1, %scan3A_1322 = %broadcast_in_dim3A_1, %scan3A_1323 = %broadcast_in_dim3A_1, %scan3A_1324 = %broadcast_in_dim3A_1, %scan3A_1325 = %broadcast_in_dim3A_1, %scan3A_1326 = %broadcast_in_dim3A_1, %scan3A_1327 = %broadcast_in_dim3A_1, %scan3A_1328 = %broadcast_in_dim3A_1, %scan3A_1329 = %broadcast_in_dim3A_1, %scan3A_1330 = %broadcast_in_dim3A_1, %scan3A_1331 = %broadcast_in_dim3A_1, %scan3A_1332 = %broadcast_in_dim3A_1, %scan3A_1333 = %broadcast_in_dim3A_1, %scan3A_1334 = %broadcast_in_dim3A_1) -> (vector<16xf32>, vector<16xf32>, vector<16xf32>, vector<16xf32>, vector<16xf32>, vector<16xf32>, vector<16xf32>, vector<16xf32>, vector<16xf32>, vector<16xf32>, vector<16xf32>, vector<16xf32>, vector<16xf32>, vector<16xf32>, vector<16xf32>, vector<16xf32>, vector<16xf32>, vector<16xf32>, vector<16xf32>, vector<16xf32>, vector<16xf32>, vector<16xf32>, vector<16xf32>, vector<16xf32>, vector<16xf32>, vector<16xf32>, vector<16xf32>, vector<16xf32>, vector<16xf32>, vector<16xf32>, vector<16xf32>, vector<16xf32>, vector<16xf32>, vector<16xf32>, vector<16xf32>, vector<16xf32>, vector<16xf32>)  : i32 {
        %broadcast_in_dim3A_1335 = vector.broadcast %scan3A_1297 : i32 to vector<16xi32>
        %add3A_1336 = arith.addi %mul3A_641, %broadcast_in_dim3A_1335 : vector<16xi32>
        %gather3A = tpu.vector_load_idx %arg11[%add3A_1336] : memref<1600xf32, #tpu.memory_space<vmem>>[vector<16xi32>], vector<16xf32>,
        %add3A_1337 = arith.addf %scan3A_1334, %gather3A : vector<16xf32>
        %gather3A_1338 = tpu.vector_load_idx %arg9[%add3A_1336, %broadcast_in_dim3A_573] : memref<1600x32xf32, #tpu.memory_space<vmem>>[vector<16xi32>, vector<16xi32>], vector<16xf32>,
        %add3A_1339 = arith.addf %scan3A_1298, %gather3A_1338 : vector<16xf32>
        %mul3A_1340 = arith.mulf %gather3A_1338, %gather3A_1338 : vector<16xf32>
        %add3A_1341 = arith.addf %scan3A_1330, %mul3A_1340 : vector<16xf32>
        %gather3A_1342 = tpu.vector_load_idx %arg9[%add3A_1336, %broadcast_in_dim3A_575] : memref<1600x32xf32, #tpu.memory_space<vmem>>[vector<16xi32>, vector<16xi32>], vector<16xf32>,
        %add3A_1343 = arith.addf %scan3A_1299, %gather3A_1342 : vector<16xf32>
        %mul3A_1344 = arith.mulf %gather3A_1342, %gather3A_1342 : vector<16xf32>
        %add3A_1345 = arith.addf %scan3A_1331, %mul3A_1344 : vector<16xf32>
        %gather3A_1346 = tpu.vector_load_idx %arg9[%add3A_1336, %broadcast_in_dim3A_577] : memref<1600x32xf32, #tpu.memory_space<vmem>>[vector<16xi32>, vector<16xi32>], vector<16xf32>,
        %add3A_1347 = arith.addf %scan3A_1300, %gather3A_1346 : vector<16xf32>
        %mul3A_1348 = arith.mulf %gather3A_1346, %gather3A_1346 : vector<16xf32>
        %add3A_1349 = arith.addf %scan3A_1332, %mul3A_1348 : vector<16xf32>
        %gather3A_1350 = tpu.vector_load_idx %arg9[%add3A_1336, %broadcast_in_dim3A_579] : memref<1600x32xf32, #tpu.memory_space<vmem>>[vector<16xi32>, vector<16xi32>], vector<16xf32>,
        %add3A_1351 = arith.addf %scan3A_1301, %gather3A_1350 : vector<16xf32>
        %mul3A_1352 = arith.mulf %gather3A_1350, %gather3A_1350 : vector<16xf32>
        %add3A_1353 = arith.addf %scan3A_1333, %mul3A_1352 : vector<16xf32>
        %gather3A_1354 = tpu.vector_load_idx %arg9[%add3A_1336, %broadcast_in_dim3A_581] : memref<1600x32xf32, #tpu.memory_space<vmem>>[vector<16xi32>, vector<16xi32>], vector<16xf32>,
        %add3A_1355 = arith.addf %scan3A_1302, %gather3A_1354 : vector<16xf32>
        %mul3A_1356 = arith.mulf %gather3A_1354, %gather3A_1354 : vector<16xf32>
        %add3A_1357 = arith.addf %add3A_1341, %mul3A_1356 : vector<16xf32>
        %gather3A_1358 = tpu.vector_load_idx %arg9[%add3A_1336, %broadcast_in_dim3A_583] : memref<1600x32xf32, #tpu.memory_space<vmem>>[vector<16xi32>, vector<16xi32>], vector<16xf32>,
        %add3A_1359 = arith.addf %scan3A_1303, %gather3A_1358 : vector<16xf32>
        %mul3A_1360 = arith.mulf %gather3A_1358, %gather3A_1358 : vector<16xf32>
        %add3A_1361 = arith.addf %add3A_1345, %mul3A_1360 : vector<16xf32>
        %gather3A_1362 = tpu.vector_load_idx %arg9[%add3A_1336, %broadcast_in_dim3A_585] : memref<1600x32xf32, #tpu.memory_space<vmem>>[vector<16xi32>, vector<16xi32>], vector<16xf32>,
        %add3A_1363 = arith.addf %scan3A_1304, %gather3A_1362 : vector<16xf32>
        %mul3A_1364 = arith.mulf %gather3A_1362, %gather3A_1362 : vector<16xf32>
        %add3A_1365 = arith.addf %add3A_1349, %mul3A_1364 : vector<16xf32>
        %gather3A_1366 = tpu.vector_load_idx %arg9[%add3A_1336, %broadcast_in_dim3A_587] : memref<1600x32xf32, #tpu.memory_space<vmem>>[vector<16xi32>, vector<16xi32>], vector<16xf32>,
        %add3A_1367 = arith.addf %scan3A_1305, %gather3A_1366 : vector<16xf32>
        %mul3A_1368 = arith.mulf %gather3A_1366, %gather3A_1366 : vector<16xf32>
        %add3A_1369 = arith.addf %add3A_1353, %mul3A_1368 : vector<16xf32>
        %gather3A_1370 = tpu.vector_load_idx %arg9[%add3A_1336, %broadcast_in_dim3A_589] : memref<1600x32xf32, #tpu.memory_space<vmem>>[vector<16xi32>, vector<16xi32>], vector<16xf32>,
        %add3A_1371 = arith.addf %scan3A_1306, %gather3A_1370 : vector<16xf32>
        %mul3A_1372 = arith.mulf %gather3A_1370, %gather3A_1370 : vector<16xf32>
        %add3A_1373 = arith.addf %add3A_1357, %mul3A_1372 : vector<16xf32>
        %gather3A_1374 = tpu.vector_load_idx %arg9[%add3A_1336, %broadcast_in_dim3A_591] : memref<1600x32xf32, #tpu.memory_space<vmem>>[vector<16xi32>, vector<16xi32>], vector<16xf32>,
        %add3A_1375 = arith.addf %scan3A_1307, %gather3A_1374 : vector<16xf32>
        %mul3A_1376 = arith.mulf %gather3A_1374, %gather3A_1374 : vector<16xf32>
        %add3A_1377 = arith.addf %add3A_1361, %mul3A_1376 : vector<16xf32>
        %gather3A_1378 = tpu.vector_load_idx %arg9[%add3A_1336, %broadcast_in_dim3A_593] : memref<1600x32xf32, #tpu.memory_space<vmem>>[vector<16xi32>, vector<16xi32>], vector<16xf32>,
        %add3A_1379 = arith.addf %scan3A_1308, %gather3A_1378 : vector<16xf32>
        %mul3A_1380 = arith.mulf %gather3A_1378, %gather3A_1378 : vector<16xf32>
        %add3A_1381 = arith.addf %add3A_1365, %mul3A_1380 : vector<16xf32>
        %gather3A_1382 = tpu.vector_load_idx %arg9[%add3A_1336, %broadcast_in_dim3A_595] : memref<1600x32xf32, #tpu.memory_space<vmem>>[vector<16xi32>, vector<16xi32>], vector<16xf32>,
        %add3A_1383 = arith.addf %scan3A_1309, %gather3A_1382 : vector<16xf32>
        %mul3A_1384 = arith.mulf %gather3A_1382, %gather3A_1382 : vector<16xf32>
        %add3A_1385 = arith.addf %add3A_1369, %mul3A_1384 : vector<16xf32>
        %gather3A_1386 = tpu.vector_load_idx %arg9[%add3A_1336, %broadcast_in_dim3A_597] : memref<1600x32xf32, #tpu.memory_space<vmem>>[vector<16xi32>, vector<16xi32>], vector<16xf32>,
        %add3A_1387 = arith.addf %scan3A_1310, %gather3A_1386 : vector<16xf32>
        %mul3A_1388 = arith.mulf %gather3A_1386, %gather3A_1386 : vector<16xf32>
        %add3A_1389 = arith.addf %add3A_1373, %mul3A_1388 : vector<16xf32>
        %gather3A_1390 = tpu.vector_load_idx %arg9[%add3A_1336, %broadcast_in_dim3A_599] : memref<1600x32xf32, #tpu.memory_space<vmem>>[vector<16xi32>, vector<16xi32>], vector<16xf32>,
        %add3A_1391 = arith.addf %scan3A_1311, %gather3A_1390 : vector<16xf32>
        %mul3A_1392 = arith.mulf %gather3A_1390, %gather3A_1390 : vector<16xf32>
        %add3A_1393 = arith.addf %add3A_1377, %mul3A_1392 : vector<16xf32>
        %gather3A_1394 = tpu.vector_load_idx %arg9[%add3A_1336, %broadcast_in_dim3A_601] : memref<1600x32xf32, #tpu.memory_space<vmem>>[vector<16xi32>, vector<16xi32>], vector<16xf32>,
        %add3A_1395 = arith.addf %scan3A_1312, %gather3A_1394 : vector<16xf32>
        %mul3A_1396 = arith.mulf %gather3A_1394, %gather3A_1394 : vector<16xf32>
        %add3A_1397 = arith.addf %add3A_1381, %mul3A_1396 : vector<16xf32>
        %gather3A_1398 = tpu.vector_load_idx %arg9[%add3A_1336, %broadcast_in_dim3A_603] : memref<1600x32xf32, #tpu.memory_space<vmem>>[vector<16xi32>, vector<16xi32>], vector<16xf32>,
        %add3A_1399 = arith.addf %scan3A_1313, %gather3A_1398 : vector<16xf32>
        %mul3A_1400 = arith.mulf %gather3A_1398, %gather3A_1398 : vector<16xf32>
        %add3A_1401 = arith.addf %add3A_1385, %mul3A_1400 : vector<16xf32>
        %gather3A_1402 = tpu.vector_load_idx %arg9[%add3A_1336, %broadcast_in_dim3A_605] : memref<1600x32xf32, #tpu.memory_space<vmem>>[vector<16xi32>, vector<16xi32>], vector<16xf32>,
        %add3A_1403 = arith.addf %scan3A_1314, %gather3A_1402 : vector<16xf32>
        %mul3A_1404 = arith.mulf %gather3A_1402, %gather3A_1402 : vector<16xf32>
        %add3A_1405 = arith.addf %add3A_1389, %mul3A_1404 : vector<16xf32>
        %gather3A_1406 = tpu.vector_load_idx %arg9[%add3A_1336, %broadcast_in_dim3A_607] : memref<1600x32xf32, #tpu.memory_space<vmem>>[vector<16xi32>, vector<16xi32>], vector<16xf32>,
        %add3A_1407 = arith.addf %scan3A_1315, %gather3A_1406 : vector<16xf32>
        %mul3A_1408 = arith.mulf %gather3A_1406, %gather3A_1406 : vector<16xf32>
        %add3A_1409 = arith.addf %add3A_1393, %mul3A_1408 : vector<16xf32>
        %gather3A_1410 = tpu.vector_load_idx %arg9[%add3A_1336, %broadcast_in_dim3A_609] : memref<1600x32xf32, #tpu.memory_space<vmem>>[vector<16xi32>, vector<16xi32>], vector<16xf32>,
        %add3A_1411 = arith.addf %scan3A_1316, %gather3A_1410 : vector<16xf32>
        %mul3A_1412 = arith.mulf %gather3A_1410, %gather3A_1410 : vector<16xf32>
        %add3A_1413 = arith.addf %add3A_1397, %mul3A_1412 : vector<16xf32>
        %gather3A_1414 = tpu.vector_load_idx %arg9[%add3A_1336, %broadcast_in_dim3A_611] : memref<1600x32xf32, #tpu.memory_space<vmem>>[vector<16xi32>, vector<16xi32>], vector<16xf32>,
        %add3A_1415 = arith.addf %scan3A_1317, %gather3A_1414 : vector<16xf32>
        %mul3A_1416 = arith.mulf %gather3A_1414, %gather3A_1414 : vector<16xf32>
        %add3A_1417 = arith.addf %add3A_1401, %mul3A_1416 : vector<16xf32>
        %gather3A_1418 = tpu.vector_load_idx %arg9[%add3A_1336, %broadcast_in_dim3A_613] : memref<1600x32xf32, #tpu.memory_space<vmem>>[vector<16xi32>, vector<16xi32>], vector<16xf32>,
        %add3A_1419 = arith.addf %scan3A_1318, %gather3A_1418 : vector<16xf32>
        %mul3A_1420 = arith.mulf %gather3A_1418, %gather3A_1418 : vector<16xf32>
        %add3A_1421 = arith.addf %add3A_1405, %mul3A_1420 : vector<16xf32>
        %gather3A_1422 = tpu.vector_load_idx %arg9[%add3A_1336, %broadcast_in_dim3A_615] : memref<1600x32xf32, #tpu.memory_space<vmem>>[vector<16xi32>, vector<16xi32>], vector<16xf32>,
        %add3A_1423 = arith.addf %scan3A_1319, %gather3A_1422 : vector<16xf32>
        %mul3A_1424 = arith.mulf %gather3A_1422, %gather3A_1422 : vector<16xf32>
        %add3A_1425 = arith.addf %add3A_1409, %mul3A_1424 : vector<16xf32>
        %gather3A_1426 = tpu.vector_load_idx %arg9[%add3A_1336, %broadcast_in_dim3A_617] : memref<1600x32xf32, #tpu.memory_space<vmem>>[vector<16xi32>, vector<16xi32>], vector<16xf32>,
        %add3A_1427 = arith.addf %scan3A_1320, %gather3A_1426 : vector<16xf32>
        %mul3A_1428 = arith.mulf %gather3A_1426, %gather3A_1426 : vector<16xf32>
        %add3A_1429 = arith.addf %add3A_1413, %mul3A_1428 : vector<16xf32>
        %gather3A_1430 = tpu.vector_load_idx %arg9[%add3A_1336, %broadcast_in_dim3A_619] : memref<1600x32xf32, #tpu.memory_space<vmem>>[vector<16xi32>, vector<16xi32>], vector<16xf32>,
        %add3A_1431 = arith.addf %scan3A_1321, %gather3A_1430 : vector<16xf32>
        %mul3A_1432 = arith.mulf %gather3A_1430, %gather3A_1430 : vector<16xf32>
        %add3A_1433 = arith.addf %add3A_1417, %mul3A_1432 : vector<16xf32>
        %gather3A_1434 = tpu.vector_load_idx %arg9[%add3A_1336, %broadcast_in_dim3A_621] : memref<1600x32xf32, #tpu.memory_space<vmem>>[vector<16xi32>, vector<16xi32>], vector<16xf32>,
        %add3A_1435 = arith.addf %scan3A_1322, %gather3A_1434 : vector<16xf32>
        %mul3A_1436 = arith.mulf %gather3A_1434, %gather3A_1434 : vector<16xf32>
        %add3A_1437 = arith.addf %add3A_1421, %mul3A_1436 : vector<16xf32>
        %gather3A_1438 = tpu.vector_load_idx %arg9[%add3A_1336, %broadcast_in_dim3A_623] : memref<1600x32xf32, #tpu.memory_space<vmem>>[vector<16xi32>, vector<16xi32>], vector<16xf32>,
        %add3A_1439 = arith.addf %scan3A_1323, %gather3A_1438 : vector<16xf32>
        %mul3A_1440 = arith.mulf %gather3A_1438, %gather3A_1438 : vector<16xf32>
        %add3A_1441 = arith.addf %add3A_1425, %mul3A_1440 : vector<16xf32>
        %gather3A_1442 = tpu.vector_load_idx %arg9[%add3A_1336, %broadcast_in_dim3A_625] : memref<1600x32xf32, #tpu.memory_space<vmem>>[vector<16xi32>, vector<16xi32>], vector<16xf32>,
        %add3A_1443 = arith.addf %scan3A_1324, %gather3A_1442 : vector<16xf32>
        %mul3A_1444 = arith.mulf %gather3A_1442, %gather3A_1442 : vector<16xf32>
        %add3A_1445 = arith.addf %add3A_1429, %mul3A_1444 : vector<16xf32>
        %gather3A_1446 = tpu.vector_load_idx %arg9[%add3A_1336, %broadcast_in_dim3A_627] : memref<1600x32xf32, #tpu.memory_space<vmem>>[vector<16xi32>, vector<16xi32>], vector<16xf32>,
        %add3A_1447 = arith.addf %scan3A_1325, %gather3A_1446 : vector<16xf32>
        %mul3A_1448 = arith.mulf %gather3A_1446, %gather3A_1446 : vector<16xf32>
        %add3A_1449 = arith.addf %add3A_1433, %mul3A_1448 : vector<16xf32>
        %gather3A_1450 = tpu.vector_load_idx %arg9[%add3A_1336, %broadcast_in_dim3A_629] : memref<1600x32xf32, #tpu.memory_space<vmem>>[vector<16xi32>, vector<16xi32>], vector<16xf32>,
        %add3A_1451 = arith.addf %scan3A_1326, %gather3A_1450 : vector<16xf32>
        %mul3A_1452 = arith.mulf %gather3A_1450, %gather3A_1450 : vector<16xf32>
        %add3A_1453 = arith.addf %add3A_1437, %mul3A_1452 : vector<16xf32>
        %gather3A_1454 = tpu.vector_load_idx %arg9[%add3A_1336, %broadcast_in_dim3A_631] : memref<1600x32xf32, #tpu.memory_space<vmem>>[vector<16xi32>, vector<16xi32>], vector<16xf32>,
        %add3A_1455 = arith.addf %scan3A_1327, %gather3A_1454 : vector<16xf32>
        %mul3A_1456 = arith.mulf %gather3A_1454, %gather3A_1454 : vector<16xf32>
        %add3A_1457 = arith.addf %add3A_1441, %mul3A_1456 : vector<16xf32>
        %gather3A_1458 = tpu.vector_load_idx %arg9[%add3A_1336, %broadcast_in_dim3A_633] : memref<1600x32xf32, #tpu.memory_space<vmem>>[vector<16xi32>, vector<16xi32>], vector<16xf32>,
        %add3A_1459 = arith.addf %scan3A_1328, %gather3A_1458 : vector<16xf32>
        %mul3A_1460 = arith.mulf %gather3A_1458, %gather3A_1458 : vector<16xf32>
        %add3A_1461 = arith.addf %add3A_1445, %mul3A_1460 : vector<16xf32>
        %gather3A_1462 = tpu.vector_load_idx %arg9[%add3A_1336, %broadcast_in_dim3A_635] : memref<1600x32xf32, #tpu.memory_space<vmem>>[vector<16xi32>, vector<16xi32>], vector<16xf32>,
        %add3A_1463 = arith.addf %scan3A_1329, %gather3A_1462 : vector<16xf32>
        %mul3A_1464 = arith.mulf %gather3A_1462, %gather3A_1462 : vector<16xf32>
        %add3A_1465 = arith.addf %add3A_1449, %mul3A_1464 : vector<16xf32>
        scf.yield %add3A_1339, %add3A_1343, %add3A_1347, %add3A_1351, %add3A_1355, %add3A_1359, %add3A_1363, %add3A_1367, %add3A_1371, %add3A_1375, %add3A_1379, %add3A_1383, %add3A_1387, %add3A_1391, %add3A_1395, %add3A_1399, %add3A_1403, %add3A_1407, %add3A_1411, %add3A_1415, %add3A_1419, %add3A_1423, %add3A_1427, %add3A_1431, %add3A_1435, %add3A_1439, %add3A_1443, %add3A_1447, %add3A_1451, %add3A_1455, %add3A_1459, %add3A_1463, %add3A_1453, %add3A_1457, %add3A_1461, %add3A_1465, %add3A_1337 : vector<16xf32>, vector<16xf32>, vector<16xf32>, vector<16xf32>, vector<16xf32>, vector<16xf32>, vector<16xf32>, vector<16xf32>, vector<16xf32>, vector<16xf32>, vector<16xf32>, vector<16xf32>, vector<16xf32>, vector<16xf32>, vector<16xf32>, vector<16xf32>, vector<16xf32>, vector<16xf32>, vector<16xf32>, vector<16xf32>, vector<16xf32>, vector<16xf32>, vector<16xf32>, vector<16xf32>, vector<16xf32>, vector<16xf32>, vector<16xf32>, vector<16xf32>, vector<16xf32>, vector<16xf32>, vector<16xf32>, vector<16xf32>, vector<16xf32>, vector<16xf32>, vector<16xf32>, vector<16xf32>, vector<16xf32>
      }
      %scan3A_647 = arith.constant 50 : i32
      %add3A_648 = arith.addf %scan3A_646#32, %scan3A_646#33 : vector<16xf32>
      %add3A_649 = arith.addf %scan3A_646#34, %scan3A_646#35 : vector<16xf32>
      %add3A_650 = arith.addf %add3A_648, %add3A_649 : vector<16xf32>
      %mul3A_651 = arith.mulf %scan3A_646#0, %scan3A_646#0 : vector<16xf32>
      %add3A_652 = arith.addf %broadcast_in_dim3A_1, %mul3A_651 : vector<16xf32>
      %mul3A_653 = arith.mulf %scan3A_646#1, %scan3A_646#1 : vector<16xf32>
      %add3A_654 = arith.addf %broadcast_in_dim3A_1, %mul3A_653 : vector<16xf32>
      %mul3A_655 = arith.mulf %scan3A_646#2, %scan3A_646#2 : vector<16xf32>
      %add3A_656 = arith.addf %broadcast_in_dim3A_1, %mul3A_655 : vector<16xf32>
      %mul3A_657 = arith.mulf %scan3A_646#3, %scan3A_646#3 : vector<16xf32>
      %add3A_658 = arith.addf %broadcast_in_dim3A_1, %mul3A_657 : vector<16xf32>
      %mul3A_659 = arith.mulf %scan3A_646#4, %scan3A_646#4 : vector<16xf32>
      %add3A_660 = arith.addf %add3A_652, %mul3A_659 : vector<16xf32>
      %mul3A_661 = arith.mulf %scan3A_646#5, %scan3A_646#5 : vector<16xf32>
      %add3A_662 = arith.addf %add3A_654, %mul3A_661 : vector<16xf32>
      %mul3A_663 = arith.mulf %scan3A_646#6, %scan3A_646#6 : vector<16xf32>
      %add3A_664 = arith.addf %add3A_656, %mul3A_663 : vector<16xf32>
      %mul3A_665 = arith.mulf %scan3A_646#7, %scan3A_646#7 : vector<16xf32>
      %add3A_666 = arith.addf %add3A_658, %mul3A_665 : vector<16xf32>
      %mul3A_667 = arith.mulf %scan3A_646#8, %scan3A_646#8 : vector<16xf32>
      %add3A_668 = arith.addf %add3A_660, %mul3A_667 : vector<16xf32>
      %mul3A_669 = arith.mulf %scan3A_646#9, %scan3A_646#9 : vector<16xf32>
      %add3A_670 = arith.addf %add3A_662, %mul3A_669 : vector<16xf32>
      %mul3A_671 = arith.mulf %scan3A_646#10, %scan3A_646#10 : vector<16xf32>
      %add3A_672 = arith.addf %add3A_664, %mul3A_671 : vector<16xf32>
      %mul3A_673 = arith.mulf %scan3A_646#11, %scan3A_646#11 : vector<16xf32>
      %add3A_674 = arith.addf %add3A_666, %mul3A_673 : vector<16xf32>
      %mul3A_675 = arith.mulf %scan3A_646#12, %scan3A_646#12 : vector<16xf32>
      %add3A_676 = arith.addf %add3A_668, %mul3A_675 : vector<16xf32>
      %mul3A_677 = arith.mulf %scan3A_646#13, %scan3A_646#13 : vector<16xf32>
      %add3A_678 = arith.addf %add3A_670, %mul3A_677 : vector<16xf32>
      %mul3A_679 = arith.mulf %scan3A_646#14, %scan3A_646#14 : vector<16xf32>
      %add3A_680 = arith.addf %add3A_672, %mul3A_679 : vector<16xf32>
      %mul3A_681 = arith.mulf %scan3A_646#15, %scan3A_646#15 : vector<16xf32>
      %add3A_682 = arith.addf %add3A_674, %mul3A_681 : vector<16xf32>
      %mul3A_683 = arith.mulf %scan3A_646#16, %scan3A_646#16 : vector<16xf32>
      %add3A_684 = arith.addf %add3A_676, %mul3A_683 : vector<16xf32>
      %mul3A_685 = arith.mulf %scan3A_646#17, %scan3A_646#17 : vector<16xf32>
      %add3A_686 = arith.addf %add3A_678, %mul3A_685 : vector<16xf32>
      %mul3A_687 = arith.mulf %scan3A_646#18, %scan3A_646#18 : vector<16xf32>
      %add3A_688 = arith.addf %add3A_680, %mul3A_687 : vector<16xf32>
      %mul3A_689 = arith.mulf %scan3A_646#19, %scan3A_646#19 : vector<16xf32>
      %add3A_690 = arith.addf %add3A_682, %mul3A_689 : vector<16xf32>
      %mul3A_691 = arith.mulf %scan3A_646#20, %scan3A_646#20 : vector<16xf32>
      %add3A_692 = arith.addf %add3A_684, %mul3A_691 : vector<16xf32>
      %mul3A_693 = arith.mulf %scan3A_646#21, %scan3A_646#21 : vector<16xf32>
      %add3A_694 = arith.addf %add3A_686, %mul3A_693 : vector<16xf32>
      %mul3A_695 = arith.mulf %scan3A_646#22, %scan3A_646#22 : vector<16xf32>
      %add3A_696 = arith.addf %add3A_688, %mul3A_695 : vector<16xf32>
      %mul3A_697 = arith.mulf %scan3A_646#23, %scan3A_646#23 : vector<16xf32>
      %add3A_698 = arith.addf %add3A_690, %mul3A_697 : vector<16xf32>
      %mul3A_699 = arith.mulf %scan3A_646#24, %scan3A_646#24 : vector<16xf32>
      %add3A_700 = arith.addf %add3A_692, %mul3A_699 : vector<16xf32>
      %mul3A_701 = arith.mulf %scan3A_646#25, %scan3A_646#25 : vector<16xf32>
      %add3A_702 = arith.addf %add3A_694, %mul3A_701 : vector<16xf32>
      %mul3A_703 = arith.mulf %scan3A_646#26, %scan3A_646#26 : vector<16xf32>
      %add3A_704 = arith.addf %add3A_696, %mul3A_703 : vector<16xf32>
      %mul3A_705 = arith.mulf %scan3A_646#27, %scan3A_646#27 : vector<16xf32>
      %add3A_706 = arith.addf %add3A_698, %mul3A_705 : vector<16xf32>
      %mul3A_707 = arith.mulf %scan3A_646#28, %scan3A_646#28 : vector<16xf32>
      %add3A_708 = arith.addf %add3A_700, %mul3A_707 : vector<16xf32>
      %mul3A_709 = arith.mulf %scan3A_646#29, %scan3A_646#29 : vector<16xf32>
      %add3A_710 = arith.addf %add3A_702, %mul3A_709 : vector<16xf32>
      %mul3A_711 = arith.mulf %scan3A_646#30, %scan3A_646#30 : vector<16xf32>
      %add3A_712 = arith.addf %add3A_704, %mul3A_711 : vector<16xf32>
      %mul3A_713 = arith.mulf %scan3A_646#31, %scan3A_646#31 : vector<16xf32>
      %add3A_714 = arith.addf %add3A_706, %mul3A_713 : vector<16xf32>
      %add3A_715 = arith.addf %add3A_708, %add3A_710 : vector<16xf32>
      %add3A_716 = arith.addf %add3A_712, %add3A_714 : vector<16xf32>
      %add3A_717 = arith.addf %add3A_715, %add3A_716 : vector<16xf32>
      %sub3A = arith.subf %add3A_650, %add3A_717 : vector<16xf32>
      %mul3A_718 = arith.constant 5.000000e-01 : f32
      %mul3A_719 = vector.broadcast %mul3A_718 : f32 to vector<16xf32>
      %mul3A_720 = arith.mulf %mul3A_719, %sub3A : vector<16xf32>
      %add3A_721 = arith.addf %scan3A_646#36, %mul3A_720 : vector<16xf32>
      %add3A_722 = arith.addf %add3A_721, %get3A_2 : vector<16xf32>
      %neg3A = arith.constant 0.000000e+00 : f32
      %neg3A_723 = vector.broadcast %neg3A : f32 to vector<16xf32>
      %neg3A_724 = arith.subf %neg3A_723, %add3A_722 : vector<16xf32>
      %exp3A = math.exp %neg3A_724 : vector<16xf32>
      %add3A_725 = arith.constant 1.000000e+00 : f32
      %add3A_726 = vector.broadcast %add3A_725 : f32 to vector<16xf32>
      %add3A_727 = arith.addf %add3A_726, %exp3A : vector<16xf32>
      %div3A = arith.constant 1.000000e+00 : f32
      %div3A_728 = vector.broadcast %div3A : f32 to vector<16xf32>
      %div3A_729 = arith.divf %div3A_728, %add3A_727 : vector<16xf32>
      %mul3A_730 = arith.constant 32 : i32
      %mul3A_731 = arith.muli %mul3A_199, %mul3A_730 : i32
      %add3A_732 = arith.constant 0 : i32
      %add3A_733 = arith.addi %mul3A_731, %add3A_732 : i32
      %swap3A = arith.index_cast %add3A_733 : i32 to index
      %swap3A_734 = tpu.vector_load %arg14[%swap3A] {strides = array<i32>} : memref<512xf32, #tpu.memory_space<vmem>>, vector<16xf32>,
      tpu.vector_store %arg14[%swap3A], %div3A_729 {strides = array<i32>} : memref<512xf32, #tpu.memory_space<vmem>>, vector<16xf32>,
      %add3A_735 = arith.constant 16 : i32
      %add3A_736 = vector.broadcast %add3A_735 : i32 to vector<16xi32>
      %add3A_737 = arith.addi %iota3A, %add3A_736 : vector<16xi32>
      %mul3A_738 = arith.constant 50 : i32
      %mul3A_739 = vector.broadcast %mul3A_738 : i32 to vector<16xi32>
      %mul3A_740 = arith.muli %add3A_737, %mul3A_739 : vector<16xi32>
      %scan3A_741 = arith.constant 0 : i32
      %scan3A_742 = arith.constant 50 : i32
      %scan3A_743 = arith.addi %scan3A_741, %scan3A_742 : i32
      %scan3A_744 = arith.constant 1 : i32
      %scan3A_745:37 = scf.for %scan3A_1297 = %scan3A_741 to %scan3A_743 step %scan3A_744 iter_args(%scan3A_1298 = %broadcast_in_dim3A_1, %scan3A_1299 = %broadcast_in_dim3A_1, %scan3A_1300 = %broadcast_in_dim3A_1, %scan3A_1301 = %broadcast_in_dim3A_1, %scan3A_1302 = %broadcast_in_dim3A_1, %scan3A_1303 = %broadcast_in_dim3A_1, %scan3A_1304 = %broadcast_in_dim3A_1, %scan3A_1305 = %broadcast_in_dim3A_1, %scan3A_1306 = %broadcast_in_dim3A_1, %scan3A_1307 = %broadcast_in_dim3A_1, %scan3A_1308 = %broadcast_in_dim3A_1, %scan3A_1309 = %broadcast_in_dim3A_1, %scan3A_1310 = %broadcast_in_dim3A_1, %scan3A_1311 = %broadcast_in_dim3A_1, %scan3A_1312 = %broadcast_in_dim3A_1, %scan3A_1313 = %broadcast_in_dim3A_1, %scan3A_1314 = %broadcast_in_dim3A_1, %scan3A_1315 = %broadcast_in_dim3A_1, %scan3A_1316 = %broadcast_in_dim3A_1, %scan3A_1317 = %broadcast_in_dim3A_1, %scan3A_1318 = %broadcast_in_dim3A_1, %scan3A_1319 = %broadcast_in_dim3A_1, %scan3A_1320 = %broadcast_in_dim3A_1, %scan3A_1321 = %broadcast_in_dim3A_1, %scan3A_1322 = %broadcast_in_dim3A_1, %scan3A_1323 = %broadcast_in_dim3A_1, %scan3A_1324 = %broadcast_in_dim3A_1, %scan3A_1325 = %broadcast_in_dim3A_1, %scan3A_1326 = %broadcast_in_dim3A_1, %scan3A_1327 = %broadcast_in_dim3A_1, %scan3A_1328 = %broadcast_in_dim3A_1, %scan3A_1329 = %broadcast_in_dim3A_1, %scan3A_1330 = %broadcast_in_dim3A_1, %scan3A_1331 = %broadcast_in_dim3A_1, %scan3A_1332 = %broadcast_in_dim3A_1, %scan3A_1333 = %broadcast_in_dim3A_1, %scan3A_1334 = %broadcast_in_dim3A_1) -> (vector<16xf32>, vector<16xf32>, vector<16xf32>, vector<16xf32>, vector<16xf32>, vector<16xf32>, vector<16xf32>, vector<16xf32>, vector<16xf32>, vector<16xf32>, vector<16xf32>, vector<16xf32>, vector<16xf32>, vector<16xf32>, vector<16xf32>, vector<16xf32>, vector<16xf32>, vector<16xf32>, vector<16xf32>, vector<16xf32>, vector<16xf32>, vector<16xf32>, vector<16xf32>, vector<16xf32>, vector<16xf32>, vector<16xf32>, vector<16xf32>, vector<16xf32>, vector<16xf32>, vector<16xf32>, vector<16xf32>, vector<16xf32>, vector<16xf32>, vector<16xf32>, vector<16xf32>, vector<16xf32>, vector<16xf32>)  : i32 {
        %broadcast_in_dim3A_1335 = vector.broadcast %scan3A_1297 : i32 to vector<16xi32>
        %add3A_1336 = arith.addi %mul3A_740, %broadcast_in_dim3A_1335 : vector<16xi32>
        %gather3A = tpu.vector_load_idx %arg11[%add3A_1336] : memref<1600xf32, #tpu.memory_space<vmem>>[vector<16xi32>], vector<16xf32>,
        %add3A_1337 = arith.addf %scan3A_1334, %gather3A : vector<16xf32>
        %gather3A_1338 = tpu.vector_load_idx %arg9[%add3A_1336, %broadcast_in_dim3A_573] : memref<1600x32xf32, #tpu.memory_space<vmem>>[vector<16xi32>, vector<16xi32>], vector<16xf32>,
        %add3A_1339 = arith.addf %scan3A_1298, %gather3A_1338 : vector<16xf32>
        %mul3A_1340 = arith.mulf %gather3A_1338, %gather3A_1338 : vector<16xf32>
        %add3A_1341 = arith.addf %scan3A_1330, %mul3A_1340 : vector<16xf32>
        %gather3A_1342 = tpu.vector_load_idx %arg9[%add3A_1336, %broadcast_in_dim3A_575] : memref<1600x32xf32, #tpu.memory_space<vmem>>[vector<16xi32>, vector<16xi32>], vector<16xf32>,
        %add3A_1343 = arith.addf %scan3A_1299, %gather3A_1342 : vector<16xf32>
        %mul3A_1344 = arith.mulf %gather3A_1342, %gather3A_1342 : vector<16xf32>
        %add3A_1345 = arith.addf %scan3A_1331, %mul3A_1344 : vector<16xf32>
        %gather3A_1346 = tpu.vector_load_idx %arg9[%add3A_1336, %broadcast_in_dim3A_577] : memref<1600x32xf32, #tpu.memory_space<vmem>>[vector<16xi32>, vector<16xi32>], vector<16xf32>,
        %add3A_1347 = arith.addf %scan3A_1300, %gather3A_1346 : vector<16xf32>
        %mul3A_1348 = arith.mulf %gather3A_1346, %gather3A_1346 : vector<16xf32>
        %add3A_1349 = arith.addf %scan3A_1332, %mul3A_1348 : vector<16xf32>
        %gather3A_1350 = tpu.vector_load_idx %arg9[%add3A_1336, %broadcast_in_dim3A_579] : memref<1600x32xf32, #tpu.memory_space<vmem>>[vector<16xi32>, vector<16xi32>], vector<16xf32>,
        %add3A_1351 = arith.addf %scan3A_1301, %gather3A_1350 : vector<16xf32>
        %mul3A_1352 = arith.mulf %gather3A_1350, %gather3A_1350 : vector<16xf32>
        %add3A_1353 = arith.addf %scan3A_1333, %mul3A_1352 : vector<16xf32>
        %gather3A_1354 = tpu.vector_load_idx %arg9[%add3A_1336, %broadcast_in_dim3A_581] : memref<1600x32xf32, #tpu.memory_space<vmem>>[vector<16xi32>, vector<16xi32>], vector<16xf32>,
        %add3A_1355 = arith.addf %scan3A_1302, %gather3A_1354 : vector<16xf32>
        %mul3A_1356 = arith.mulf %gather3A_1354, %gather3A_1354 : vector<16xf32>
        %add3A_1357 = arith.addf %add3A_1341, %mul3A_1356 : vector<16xf32>
        %gather3A_1358 = tpu.vector_load_idx %arg9[%add3A_1336, %broadcast_in_dim3A_583] : memref<1600x32xf32, #tpu.memory_space<vmem>>[vector<16xi32>, vector<16xi32>], vector<16xf32>,
        %add3A_1359 = arith.addf %scan3A_1303, %gather3A_1358 : vector<16xf32>
        %mul3A_1360 = arith.mulf %gather3A_1358, %gather3A_1358 : vector<16xf32>
        %add3A_1361 = arith.addf %add3A_1345, %mul3A_1360 : vector<16xf32>
        %gather3A_1362 = tpu.vector_load_idx %arg9[%add3A_1336, %broadcast_in_dim3A_585] : memref<1600x32xf32, #tpu.memory_space<vmem>>[vector<16xi32>, vector<16xi32>], vector<16xf32>,
        %add3A_1363 = arith.addf %scan3A_1304, %gather3A_1362 : vector<16xf32>
        %mul3A_1364 = arith.mulf %gather3A_1362, %gather3A_1362 : vector<16xf32>
        %add3A_1365 = arith.addf %add3A_1349, %mul3A_1364 : vector<16xf32>
        %gather3A_1366 = tpu.vector_load_idx %arg9[%add3A_1336, %broadcast_in_dim3A_587] : memref<1600x32xf32, #tpu.memory_space<vmem>>[vector<16xi32>, vector<16xi32>], vector<16xf32>,
        %add3A_1367 = arith.addf %scan3A_1305, %gather3A_1366 : vector<16xf32>
        %mul3A_1368 = arith.mulf %gather3A_1366, %gather3A_1366 : vector<16xf32>
        %add3A_1369 = arith.addf %add3A_1353, %mul3A_1368 : vector<16xf32>
        %gather3A_1370 = tpu.vector_load_idx %arg9[%add3A_1336, %broadcast_in_dim3A_589] : memref<1600x32xf32, #tpu.memory_space<vmem>>[vector<16xi32>, vector<16xi32>], vector<16xf32>,
        %add3A_1371 = arith.addf %scan3A_1306, %gather3A_1370 : vector<16xf32>
        %mul3A_1372 = arith.mulf %gather3A_1370, %gather3A_1370 : vector<16xf32>
        %add3A_1373 = arith.addf %add3A_1357, %mul3A_1372 : vector<16xf32>
        %gather3A_1374 = tpu.vector_load_idx %arg9[%add3A_1336, %broadcast_in_dim3A_591] : memref<1600x32xf32, #tpu.memory_space<vmem>>[vector<16xi32>, vector<16xi32>], vector<16xf32>,
        %add3A_1375 = arith.addf %scan3A_1307, %gather3A_1374 : vector<16xf32>
        %mul3A_1376 = arith.mulf %gather3A_1374, %gather3A_1374 : vector<16xf32>
        %add3A_1377 = arith.addf %add3A_1361, %mul3A_1376 : vector<16xf32>
        %gather3A_1378 = tpu.vector_load_idx %arg9[%add3A_1336, %broadcast_in_dim3A_593] : memref<1600x32xf32, #tpu.memory_space<vmem>>[vector<16xi32>, vector<16xi32>], vector<16xf32>,
        %add3A_1379 = arith.addf %scan3A_1308, %gather3A_1378 : vector<16xf32>
        %mul3A_1380 = arith.mulf %gather3A_1378, %gather3A_1378 : vector<16xf32>
        %add3A_1381 = arith.addf %add3A_1365, %mul3A_1380 : vector<16xf32>
        %gather3A_1382 = tpu.vector_load_idx %arg9[%add3A_1336, %broadcast_in_dim3A_595] : memref<1600x32xf32, #tpu.memory_space<vmem>>[vector<16xi32>, vector<16xi32>], vector<16xf32>,
        %add3A_1383 = arith.addf %scan3A_1309, %gather3A_1382 : vector<16xf32>
        %mul3A_1384 = arith.mulf %gather3A_1382, %gather3A_1382 : vector<16xf32>
        %add3A_1385 = arith.addf %add3A_1369, %mul3A_1384 : vector<16xf32>
        %gather3A_1386 = tpu.vector_load_idx %arg9[%add3A_1336, %broadcast_in_dim3A_597] : memref<1600x32xf32, #tpu.memory_space<vmem>>[vector<16xi32>, vector<16xi32>], vector<16xf32>,
        %add3A_1387 = arith.addf %scan3A_1310, %gather3A_1386 : vector<16xf32>
        %mul3A_1388 = arith.mulf %gather3A_1386, %gather3A_1386 : vector<16xf32>
        %add3A_1389 = arith.addf %add3A_1373, %mul3A_1388 : vector<16xf32>
        %gather3A_1390 = tpu.vector_load_idx %arg9[%add3A_1336, %broadcast_in_dim3A_599] : memref<1600x32xf32, #tpu.memory_space<vmem>>[vector<16xi32>, vector<16xi32>], vector<16xf32>,
        %add3A_1391 = arith.addf %scan3A_1311, %gather3A_1390 : vector<16xf32>
        %mul3A_1392 = arith.mulf %gather3A_1390, %gather3A_1390 : vector<16xf32>
        %add3A_1393 = arith.addf %add3A_1377, %mul3A_1392 : vector<16xf32>
        %gather3A_1394 = tpu.vector_load_idx %arg9[%add3A_1336, %broadcast_in_dim3A_601] : memref<1600x32xf32, #tpu.memory_space<vmem>>[vector<16xi32>, vector<16xi32>], vector<16xf32>,
        %add3A_1395 = arith.addf %scan3A_1312, %gather3A_1394 : vector<16xf32>
        %mul3A_1396 = arith.mulf %gather3A_1394, %gather3A_1394 : vector<16xf32>
        %add3A_1397 = arith.addf %add3A_1381, %mul3A_1396 : vector<16xf32>
        %gather3A_1398 = tpu.vector_load_idx %arg9[%add3A_1336, %broadcast_in_dim3A_603] : memref<1600x32xf32, #tpu.memory_space<vmem>>[vector<16xi32>, vector<16xi32>], vector<16xf32>,
        %add3A_1399 = arith.addf %scan3A_1313, %gather3A_1398 : vector<16xf32>
        %mul3A_1400 = arith.mulf %gather3A_1398, %gather3A_1398 : vector<16xf32>
        %add3A_1401 = arith.addf %add3A_1385, %mul3A_1400 : vector<16xf32>
        %gather3A_1402 = tpu.vector_load_idx %arg9[%add3A_1336, %broadcast_in_dim3A_605] : memref<1600x32xf32, #tpu.memory_space<vmem>>[vector<16xi32>, vector<16xi32>], vector<16xf32>,
        %add3A_1403 = arith.addf %scan3A_1314, %gather3A_1402 : vector<16xf32>
        %mul3A_1404 = arith.mulf %gather3A_1402, %gather3A_1402 : vector<16xf32>
        %add3A_1405 = arith.addf %add3A_1389, %mul3A_1404 : vector<16xf32>
        %gather3A_1406 = tpu.vector_load_idx %arg9[%add3A_1336, %broadcast_in_dim3A_607] : memref<1600x32xf32, #tpu.memory_space<vmem>>[vector<16xi32>, vector<16xi32>], vector<16xf32>,
        %add3A_1407 = arith.addf %scan3A_1315, %gather3A_1406 : vector<16xf32>
        %mul3A_1408 = arith.mulf %gather3A_1406, %gather3A_1406 : vector<16xf32>
        %add3A_1409 = arith.addf %add3A_1393, %mul3A_1408 : vector<16xf32>
        %gather3A_1410 = tpu.vector_load_idx %arg9[%add3A_1336, %broadcast_in_dim3A_609] : memref<1600x32xf32, #tpu.memory_space<vmem>>[vector<16xi32>, vector<16xi32>], vector<16xf32>,
        %add3A_1411 = arith.addf %scan3A_1316, %gather3A_1410 : vector<16xf32>
        %mul3A_1412 = arith.mulf %gather3A_1410, %gather3A_1410 : vector<16xf32>
        %add3A_1413 = arith.addf %add3A_1397, %mul3A_1412 : vector<16xf32>
        %gather3A_1414 = tpu.vector_load_idx %arg9[%add3A_1336, %broadcast_in_dim3A_611] : memref<1600x32xf32, #tpu.memory_space<vmem>>[vector<16xi32>, vector<16xi32>], vector<16xf32>,
        %add3A_1415 = arith.addf %scan3A_1317, %gather3A_1414 : vector<16xf32>
        %mul3A_1416 = arith.mulf %gather3A_1414, %gather3A_1414 : vector<16xf32>
        %add3A_1417 = arith.addf %add3A_1401, %mul3A_1416 : vector<16xf32>
        %gather3A_1418 = tpu.vector_load_idx %arg9[%add3A_1336, %broadcast_in_dim3A_613] : memref<1600x32xf32, #tpu.memory_space<vmem>>[vector<16xi32>, vector<16xi32>], vector<16xf32>,
        %add3A_1419 = arith.addf %scan3A_1318, %gather3A_1418 : vector<16xf32>
        %mul3A_1420 = arith.mulf %gather3A_1418, %gather3A_1418 : vector<16xf32>
        %add3A_1421 = arith.addf %add3A_1405, %mul3A_1420 : vector<16xf32>
        %gather3A_1422 = tpu.vector_load_idx %arg9[%add3A_1336, %broadcast_in_dim3A_615] : memref<1600x32xf32, #tpu.memory_space<vmem>>[vector<16xi32>, vector<16xi32>], vector<16xf32>,
        %add3A_1423 = arith.addf %scan3A_1319, %gather3A_1422 : vector<16xf32>
        %mul3A_1424 = arith.mulf %gather3A_1422, %gather3A_1422 : vector<16xf32>
        %add3A_1425 = arith.addf %add3A_1409, %mul3A_1424 : vector<16xf32>
        %gather3A_1426 = tpu.vector_load_idx %arg9[%add3A_1336, %broadcast_in_dim3A_617] : memref<1600x32xf32, #tpu.memory_space<vmem>>[vector<16xi32>, vector<16xi32>], vector<16xf32>,
        %add3A_1427 = arith.addf %scan3A_1320, %gather3A_1426 : vector<16xf32>
        %mul3A_1428 = arith.mulf %gather3A_1426, %gather3A_1426 : vector<16xf32>
        %add3A_1429 = arith.addf %add3A_1413, %mul3A_1428 : vector<16xf32>
        %gather3A_1430 = tpu.vector_load_idx %arg9[%add3A_1336, %broadcast_in_dim3A_619] : memref<1600x32xf32, #tpu.memory_space<vmem>>[vector<16xi32>, vector<16xi32>], vector<16xf32>,
        %add3A_1431 = arith.addf %scan3A_1321, %gather3A_1430 : vector<16xf32>
        %mul3A_1432 = arith.mulf %gather3A_1430, %gather3A_1430 : vector<16xf32>
        %add3A_1433 = arith.addf %add3A_1417, %mul3A_1432 : vector<16xf32>
        %gather3A_1434 = tpu.vector_load_idx %arg9[%add3A_1336, %broadcast_in_dim3A_621] : memref<1600x32xf32, #tpu.memory_space<vmem>>[vector<16xi32>, vector<16xi32>], vector<16xf32>,
        %add3A_1435 = arith.addf %scan3A_1322, %gather3A_1434 : vector<16xf32>
        %mul3A_1436 = arith.mulf %gather3A_1434, %gather3A_1434 : vector<16xf32>
        %add3A_1437 = arith.addf %add3A_1421, %mul3A_1436 : vector<16xf32>
        %gather3A_1438 = tpu.vector_load_idx %arg9[%add3A_1336, %broadcast_in_dim3A_623] : memref<1600x32xf32, #tpu.memory_space<vmem>>[vector<16xi32>, vector<16xi32>], vector<16xf32>,
        %add3A_1439 = arith.addf %scan3A_1323, %gather3A_1438 : vector<16xf32>
        %mul3A_1440 = arith.mulf %gather3A_1438, %gather3A_1438 : vector<16xf32>
        %add3A_1441 = arith.addf %add3A_1425, %mul3A_1440 : vector<16xf32>
        %gather3A_1442 = tpu.vector_load_idx %arg9[%add3A_1336, %broadcast_in_dim3A_625] : memref<1600x32xf32, #tpu.memory_space<vmem>>[vector<16xi32>, vector<16xi32>], vector<16xf32>,
        %add3A_1443 = arith.addf %scan3A_1324, %gather3A_1442 : vector<16xf32>
        %mul3A_1444 = arith.mulf %gather3A_1442, %gather3A_1442 : vector<16xf32>
        %add3A_1445 = arith.addf %add3A_1429, %mul3A_1444 : vector<16xf32>
        %gather3A_1446 = tpu.vector_load_idx %arg9[%add3A_1336, %broadcast_in_dim3A_627] : memref<1600x32xf32, #tpu.memory_space<vmem>>[vector<16xi32>, vector<16xi32>], vector<16xf32>,
        %add3A_1447 = arith.addf %scan3A_1325, %gather3A_1446 : vector<16xf32>
        %mul3A_1448 = arith.mulf %gather3A_1446, %gather3A_1446 : vector<16xf32>
        %add3A_1449 = arith.addf %add3A_1433, %mul3A_1448 : vector<16xf32>
        %gather3A_1450 = tpu.vector_load_idx %arg9[%add3A_1336, %broadcast_in_dim3A_629] : memref<1600x32xf32, #tpu.memory_space<vmem>>[vector<16xi32>, vector<16xi32>], vector<16xf32>,
        %add3A_1451 = arith.addf %scan3A_1326, %gather3A_1450 : vector<16xf32>
        %mul3A_1452 = arith.mulf %gather3A_1450, %gather3A_1450 : vector<16xf32>
        %add3A_1453 = arith.addf %add3A_1437, %mul3A_1452 : vector<16xf32>
        %gather3A_1454 = tpu.vector_load_idx %arg9[%add3A_1336, %broadcast_in_dim3A_631] : memref<1600x32xf32, #tpu.memory_space<vmem>>[vector<16xi32>, vector<16xi32>], vector<16xf32>,
        %add3A_1455 = arith.addf %scan3A_1327, %gather3A_1454 : vector<16xf32>
        %mul3A_1456 = arith.mulf %gather3A_1454, %gather3A_1454 : vector<16xf32>
        %add3A_1457 = arith.addf %add3A_1441, %mul3A_1456 : vector<16xf32>
        %gather3A_1458 = tpu.vector_load_idx %arg9[%add3A_1336, %broadcast_in_dim3A_633] : memref<1600x32xf32, #tpu.memory_space<vmem>>[vector<16xi32>, vector<16xi32>], vector<16xf32>,
        %add3A_1459 = arith.addf %scan3A_1328, %gather3A_1458 : vector<16xf32>
        %mul3A_1460 = arith.mulf %gather3A_1458, %gather3A_1458 : vector<16xf32>
        %add3A_1461 = arith.addf %add3A_1445, %mul3A_1460 : vector<16xf32>
        %gather3A_1462 = tpu.vector_load_idx %arg9[%add3A_1336, %broadcast_in_dim3A_635] : memref<1600x32xf32, #tpu.memory_space<vmem>>[vector<16xi32>, vector<16xi32>], vector<16xf32>,
        %add3A_1463 = arith.addf %scan3A_1329, %gather3A_1462 : vector<16xf32>
        %mul3A_1464 = arith.mulf %gather3A_1462, %gather3A_1462 : vector<16xf32>
        %add3A_1465 = arith.addf %add3A_1449, %mul3A_1464 : vector<16xf32>
        scf.yield %add3A_1339, %add3A_1343, %add3A_1347, %add3A_1351, %add3A_1355, %add3A_1359, %add3A_1363, %add3A_1367, %add3A_1371, %add3A_1375, %add3A_1379, %add3A_1383, %add3A_1387, %add3A_1391, %add3A_1395, %add3A_1399, %add3A_1403, %add3A_1407, %add3A_1411, %add3A_1415, %add3A_1419, %add3A_1423, %add3A_1427, %add3A_1431, %add3A_1435, %add3A_1439, %add3A_1443, %add3A_1447, %add3A_1451, %add3A_1455, %add3A_1459, %add3A_1463, %add3A_1453, %add3A_1457, %add3A_1461, %add3A_1465, %add3A_1337 : vector<16xf32>, vector<16xf32>, vector<16xf32>, vector<16xf32>, vector<16xf32>, vector<16xf32>, vector<16xf32>, vector<16xf32>, vector<16xf32>, vector<16xf32>, vector<16xf32>, vector<16xf32>, vector<16xf32>, vector<16xf32>, vector<16xf32>, vector<16xf32>, vector<16xf32>, vector<16xf32>, vector<16xf32>, vector<16xf32>, vector<16xf32>, vector<16xf32>, vector<16xf32>, vector<16xf32>, vector<16xf32>, vector<16xf32>, vector<16xf32>, vector<16xf32>, vector<16xf32>, vector<16xf32>, vector<16xf32>, vector<16xf32>, vector<16xf32>, vector<16xf32>, vector<16xf32>, vector<16xf32>, vector<16xf32>
      }
      %scan3A_746 = arith.constant 50 : i32
      %add3A_747 = arith.addf %scan3A_745#32, %scan3A_745#33 : vector<16xf32>
      %add3A_748 = arith.addf %scan3A_745#34, %scan3A_745#35 : vector<16xf32>
      %add3A_749 = arith.addf %add3A_747, %add3A_748 : vector<16xf32>
      %mul3A_750 = arith.mulf %scan3A_745#0, %scan3A_745#0 : vector<16xf32>
      %add3A_751 = arith.addf %broadcast_in_dim3A_1, %mul3A_750 : vector<16xf32>
      %mul3A_752 = arith.mulf %scan3A_745#1, %scan3A_745#1 : vector<16xf32>
      %add3A_753 = arith.addf %broadcast_in_dim3A_1, %mul3A_752 : vector<16xf32>
      %mul3A_754 = arith.mulf %scan3A_745#2, %scan3A_745#2 : vector<16xf32>
      %add3A_755 = arith.addf %broadcast_in_dim3A_1, %mul3A_754 : vector<16xf32>
      %mul3A_756 = arith.mulf %scan3A_745#3, %scan3A_745#3 : vector<16xf32>
      %add3A_757 = arith.addf %broadcast_in_dim3A_1, %mul3A_756 : vector<16xf32>
      %mul3A_758 = arith.mulf %scan3A_745#4, %scan3A_745#4 : vector<16xf32>
      %add3A_759 = arith.addf %add3A_751, %mul3A_758 : vector<16xf32>
      %mul3A_760 = arith.mulf %scan3A_745#5, %scan3A_745#5 : vector<16xf32>
      %add3A_761 = arith.addf %add3A_753, %mul3A_760 : vector<16xf32>
      %mul3A_762 = arith.mulf %scan3A_745#6, %scan3A_745#6 : vector<16xf32>
      %add3A_763 = arith.addf %add3A_755, %mul3A_762 : vector<16xf32>
      %mul3A_764 = arith.mulf %scan3A_745#7, %scan3A_745#7 : vector<16xf32>
      %add3A_765 = arith.addf %add3A_757, %mul3A_764 : vector<16xf32>
      %mul3A_766 = arith.mulf %scan3A_745#8, %scan3A_745#8 : vector<16xf32>
      %add3A_767 = arith.addf %add3A_759, %mul3A_766 : vector<16xf32>
      %mul3A_768 = arith.mulf %scan3A_745#9, %scan3A_745#9 : vector<16xf32>
      %add3A_769 = arith.addf %add3A_761, %mul3A_768 : vector<16xf32>
      %mul3A_770 = arith.mulf %scan3A_745#10, %scan3A_745#10 : vector<16xf32>
      %add3A_771 = arith.addf %add3A_763, %mul3A_770 : vector<16xf32>
      %mul3A_772 = arith.mulf %scan3A_745#11, %scan3A_745#11 : vector<16xf32>
      %add3A_773 = arith.addf %add3A_765, %mul3A_772 : vector<16xf32>
      %mul3A_774 = arith.mulf %scan3A_745#12, %scan3A_745#12 : vector<16xf32>
      %add3A_775 = arith.addf %add3A_767, %mul3A_774 : vector<16xf32>
      %mul3A_776 = arith.mulf %scan3A_745#13, %scan3A_745#13 : vector<16xf32>
      %add3A_777 = arith.addf %add3A_769, %mul3A_776 : vector<16xf32>
      %mul3A_778 = arith.mulf %scan3A_745#14, %scan3A_745#14 : vector<16xf32>
      %add3A_779 = arith.addf %add3A_771, %mul3A_778 : vector<16xf32>
      %mul3A_780 = arith.mulf %scan3A_745#15, %scan3A_745#15 : vector<16xf32>
      %add3A_781 = arith.addf %add3A_773, %mul3A_780 : vector<16xf32>
      %mul3A_782 = arith.mulf %scan3A_745#16, %scan3A_745#16 : vector<16xf32>
      %add3A_783 = arith.addf %add3A_775, %mul3A_782 : vector<16xf32>
      %mul3A_784 = arith.mulf %scan3A_745#17, %scan3A_745#17 : vector<16xf32>
      %add3A_785 = arith.addf %add3A_777, %mul3A_784 : vector<16xf32>
      %mul3A_786 = arith.mulf %scan3A_745#18, %scan3A_745#18 : vector<16xf32>
      %add3A_787 = arith.addf %add3A_779, %mul3A_786 : vector<16xf32>
      %mul3A_788 = arith.mulf %scan3A_745#19, %scan3A_745#19 : vector<16xf32>
      %add3A_789 = arith.addf %add3A_781, %mul3A_788 : vector<16xf32>
      %mul3A_790 = arith.mulf %scan3A_745#20, %scan3A_745#20 : vector<16xf32>
      %add3A_791 = arith.addf %add3A_783, %mul3A_790 : vector<16xf32>
      %mul3A_792 = arith.mulf %scan3A_745#21, %scan3A_745#21 : vector<16xf32>
      %add3A_793 = arith.addf %add3A_785, %mul3A_792 : vector<16xf32>
      %mul3A_794 = arith.mulf %scan3A_745#22, %scan3A_745#22 : vector<16xf32>
      %add3A_795 = arith.addf %add3A_787, %mul3A_794 : vector<16xf32>
      %mul3A_796 = arith.mulf %scan3A_745#23, %scan3A_745#23 : vector<16xf32>
      %add3A_797 = arith.addf %add3A_789, %mul3A_796 : vector<16xf32>
      %mul3A_798 = arith.mulf %scan3A_745#24, %scan3A_745#24 : vector<16xf32>
      %add3A_799 = arith.addf %add3A_791, %mul3A_798 : vector<16xf32>
      %mul3A_800 = arith.mulf %scan3A_745#25, %scan3A_745#25 : vector<16xf32>
      %add3A_801 = arith.addf %add3A_793, %mul3A_800 : vector<16xf32>
      %mul3A_802 = arith.mulf %scan3A_745#26, %scan3A_745#26 : vector<16xf32>
      %add3A_803 = arith.addf %add3A_795, %mul3A_802 : vector<16xf32>
      %mul3A_804 = arith.mulf %scan3A_745#27, %scan3A_745#27 : vector<16xf32>
      %add3A_805 = arith.addf %add3A_797, %mul3A_804 : vector<16xf32>
      %mul3A_806 = arith.mulf %scan3A_745#28, %scan3A_745#28 : vector<16xf32>
      %add3A_807 = arith.addf %add3A_799, %mul3A_806 : vector<16xf32>
      %mul3A_808 = arith.mulf %scan3A_745#29, %scan3A_745#29 : vector<16xf32>
      %add3A_809 = arith.addf %add3A_801, %mul3A_808 : vector<16xf32>
      %mul3A_810 = arith.mulf %scan3A_745#30, %scan3A_745#30 : vector<16xf32>
      %add3A_811 = arith.addf %add3A_803, %mul3A_810 : vector<16xf32>
      %mul3A_812 = arith.mulf %scan3A_745#31, %scan3A_745#31 : vector<16xf32>
      %add3A_813 = arith.addf %add3A_805, %mul3A_812 : vector<16xf32>
      %add3A_814 = arith.addf %add3A_807, %add3A_809 : vector<16xf32>
      %add3A_815 = arith.addf %add3A_811, %add3A_813 : vector<16xf32>
      %add3A_816 = arith.addf %add3A_814, %add3A_815 : vector<16xf32>
      %sub3A_817 = arith.subf %add3A_749, %add3A_816 : vector<16xf32>
      %mul3A_818 = arith.constant 5.000000e-01 : f32
      %mul3A_819 = vector.broadcast %mul3A_818 : f32 to vector<16xf32>
      %mul3A_820 = arith.mulf %mul3A_819, %sub3A_817 : vector<16xf32>
      %add3A_821 = arith.addf %scan3A_745#36, %mul3A_820 : vector<16xf32>
      %add3A_822 = arith.addf %add3A_821, %get3A_2 : vector<16xf32>
      %neg3A_823 = arith.constant 0.000000e+00 : f32
      %neg3A_824 = vector.broadcast %neg3A_823 : f32 to vector<16xf32>
      %neg3A_825 = arith.subf %neg3A_824, %add3A_822 : vector<16xf32>
      %exp3A_826 = math.exp %neg3A_825 : vector<16xf32>
      %add3A_827 = arith.constant 1.000000e+00 : f32
      %add3A_828 = vector.broadcast %add3A_827 : f32 to vector<16xf32>
      %add3A_829 = arith.addf %add3A_828, %exp3A_826 : vector<16xf32>
      %div3A_830 = arith.constant 1.000000e+00 : f32
      %div3A_831 = vector.broadcast %div3A_830 : f32 to vector<16xf32>
      %div3A_832 = arith.divf %div3A_831, %add3A_829 : vector<16xf32>
      %mul3A_833 = arith.constant 32 : i32
      %mul3A_834 = arith.muli %mul3A_199, %mul3A_833 : i32
      %add3A_835 = arith.constant 16 : i32
      %add3A_836 = arith.addi %mul3A_834, %add3A_835 : i32
      %swap3A_837 = arith.index_cast %add3A_836 : i32 to index
      %swap3A_838 = tpu.vector_load %arg14[%swap3A_837] {strides = array<i32>} : memref<512xf32, #tpu.memory_space<vmem>>, vector<16xf32>,
      tpu.vector_store %arg14[%swap3A_837], %div3A_832 {strides = array<i32>} : memref<512xf32, #tpu.memory_space<vmem>>, vector<16xf32>,
      %lt3A = arith.constant 7 : i32
      %lt3A_839 = arith.cmpi slt, %scan3A_197, %lt3A : i32
      %convert_element_type3A = arith.extui %lt3A_839 : i1 to i32
      %cond3A = arith.constant 0 : i32
      %cond3A_840 = arith.cmpi ne, %convert_element_type3A, %cond3A : i32
      scf.if %cond3A_840 {
        %add3A_1297 = arith.constant 2 : i32
        %add3A_1298 = arith.addi %mul3A_199, %add3A_1297 : i32
        %mul3A_1299 = arith.constant 512 : i32
        %mul3A_1300 = arith.muli %add3A, %mul3A_1299 : i32
        %mul3A_1301 = arith.constant 32 : i32
        %mul3A_1302 = arith.muli %add3A_1298, %mul3A_1301 : i32
        %add3A_1303 = arith.addi %mul3A_1300, %mul3A_1302 : i32
        %mul3A_1304 = arith.constant 50 : i32
        %mul3A_1305 = arith.muli %add3A_1303, %mul3A_1304 : i32
        "tpu.region"() ({
          %run_scoped3A = tpu.sem_alloc : memref<!tpu.dma_semaphore, #tpu.memory_space<semaphore_mem>>
          %dma_start3A_1488 = tpu.memref_slice %arg2[%mul3A_1305] : memref<819200xi32, #tpu.memory_space<hbm>> -> memref<1600xi32, #tpu.memory_space<hbm>>
          %dma_start3A_1489 = tpu.memref_slice %arg2[%mul3A_1305] : memref<819200xi32, #tpu.memory_space<hbm>> -> memref<1600xi32, #tpu.memory_space<hbm>>
          tpu.enqueue_dma source(%dma_start3A_1489 : memref<1600xi32, #tpu.memory_space<hbm>>) target(%arg7 : memref<1600xi32, #tpu.memory_space<vmem>>) target_semaphore(%run_scoped3A : memref<!tpu.dma_semaphore, #tpu.memory_space<semaphore_mem>>)
          %dma_wait3A_1490 = tpu.memref_slice %arg2[%mul3A_1305] : memref<819200xi32, #tpu.memory_space<hbm>> -> memref<1600xi32, #tpu.memory_space<hbm>>
          %dma_wait3A_1491 = tpu.memref_slice %arg2[%mul3A_1305] : memref<819200xi32, #tpu.memory_space<hbm>> -> memref<1600xi32, #tpu.memory_space<hbm>>
          tpu.wait_dma2 semaphore(%run_scoped3A : memref<!tpu.dma_semaphore, #tpu.memory_space<semaphore_mem>>) src(%dma_wait3A_1491 : memref<1600xi32, #tpu.memory_space<hbm>>) dst(%arg7 : memref<1600xi32, #tpu.memory_space<vmem>>)
          tpu.yield
        }) : () -> ()
        %dma_start3A_1306 = arith.constant 0 : i32
        %dma_start3A_1307 = arith.constant 0 : i32
        %dma_start3A_1308 = tpu.memref_slice %arg9[%dma_start3A_1306, %dma_start3A_1307] : memref<1600x32xf32, #tpu.memory_space<vmem>> -> memref<128x32xf32, #tpu.memory_space<vmem>>
        %dma_start3A_1309 = arith.constant 0 : i32
        %dma_start3A_1310 = tpu.memref_slice %arg7[%dma_start3A_1309] : memref<1600xi32, #tpu.memory_space<vmem>> -> memref<128xi32, #tpu.memory_space<vmem>>
        %dma_start3A_1311 = arith.constant 0 : i32
        %dma_start3A_1312 = arith.constant 0 : i32
        %dma_start3A_1313 = tpu.memref_slice %arg4[%dma_start3A_1311, %dma_start3A_1312] : memref<1000000x32xf32, #tpu.memory_space<hbm>> -> memref<1000000x32xf32, #tpu.memory_space<hbm>>
        tpu.enqueue_indirect_dma source(%dma_start3A_1313 : memref<1000000x32xf32, #tpu.memory_space<hbm>>) target(%dma_start3A_1308 : memref<128x32xf32, #tpu.memory_space<vmem>>) offsets(%dma_start3A_1310 : memref<128xi32, #tpu.memory_space<vmem>>) semaphore(%arg15 : memref<!tpu.dma_semaphore, #tpu.memory_space<semaphore_mem>>)
        %dma_start3A_1314 = arith.constant 0 : i32
        %dma_start3A_1315 = tpu.memref_slice %arg11[%dma_start3A_1314] : memref<1600xf32, #tpu.memory_space<vmem>> -> memref<128xf32, #tpu.memory_space<vmem>>
        %dma_start3A_1316 = arith.constant 0 : i32
        %dma_start3A_1317 = tpu.memref_slice %arg7[%dma_start3A_1316] : memref<1600xi32, #tpu.memory_space<vmem>> -> memref<128xi32, #tpu.memory_space<vmem>>
        %dma_start3A_1318 = arith.constant 0 : i32
        %dma_start3A_1319 = tpu.memref_slice %arg3[%dma_start3A_1318] : memref<1000000xf32, #tpu.memory_space<hbm>> -> memref<1000000xf32, #tpu.memory_space<hbm>>
        tpu.enqueue_indirect_dma source(%dma_start3A_1319 : memref<1000000xf32, #tpu.memory_space<hbm>>) target(%dma_start3A_1315 : memref<128xf32, #tpu.memory_space<vmem>>) offsets(%dma_start3A_1317 : memref<128xi32, #tpu.memory_space<vmem>>) semaphore(%arg15 : memref<!tpu.dma_semaphore, #tpu.memory_space<semaphore_mem>>)
        %dma_start3A_1320 = arith.constant 128 : i32
        %dma_start3A_1321 = arith.constant 0 : i32
        %dma_start3A_1322 = tpu.memref_slice %arg9[%dma_start3A_1320, %dma_start3A_1321] : memref<1600x32xf32, #tpu.memory_space<vmem>> -> memref<128x32xf32, #tpu.memory_space<vmem>>
        %dma_start3A_1323 = arith.constant 128 : i32
        %dma_start3A_1324 = tpu.memref_slice %arg7[%dma_start3A_1323] : memref<1600xi32, #tpu.memory_space<vmem>> -> memref<128xi32, #tpu.memory_space<vmem>>
        %dma_start3A_1325 = arith.constant 0 : i32
        %dma_start3A_1326 = arith.constant 0 : i32
        %dma_start3A_1327 = tpu.memref_slice %arg4[%dma_start3A_1325, %dma_start3A_1326] : memref<1000000x32xf32, #tpu.memory_space<hbm>> -> memref<1000000x32xf32, #tpu.memory_space<hbm>>
        tpu.enqueue_indirect_dma source(%dma_start3A_1327 : memref<1000000x32xf32, #tpu.memory_space<hbm>>) target(%dma_start3A_1322 : memref<128x32xf32, #tpu.memory_space<vmem>>) offsets(%dma_start3A_1324 : memref<128xi32, #tpu.memory_space<vmem>>) semaphore(%arg15 : memref<!tpu.dma_semaphore, #tpu.memory_space<semaphore_mem>>)
        %dma_start3A_1328 = arith.constant 128 : i32
        %dma_start3A_1329 = tpu.memref_slice %arg11[%dma_start3A_1328] : memref<1600xf32, #tpu.memory_space<vmem>> -> memref<128xf32, #tpu.memory_space<vmem>>
        %dma_start3A_1330 = arith.constant 128 : i32
        %dma_start3A_1331 = tpu.memref_slice %arg7[%dma_start3A_1330] : memref<1600xi32, #tpu.memory_space<vmem>> -> memref<128xi32, #tpu.memory_space<vmem>>
        %dma_start3A_1332 = arith.constant 0 : i32
        %dma_start3A_1333 = tpu.memref_slice %arg3[%dma_start3A_1332] : memref<1000000xf32, #tpu.memory_space<hbm>> -> memref<1000000xf32, #tpu.memory_space<hbm>>
        tpu.enqueue_indirect_dma source(%dma_start3A_1333 : memref<1000000xf32, #tpu.memory_space<hbm>>) target(%dma_start3A_1329 : memref<128xf32, #tpu.memory_space<vmem>>) offsets(%dma_start3A_1331 : memref<128xi32, #tpu.memory_space<vmem>>) semaphore(%arg15 : memref<!tpu.dma_semaphore, #tpu.memory_space<semaphore_mem>>)
        %dma_start3A_1334 = arith.constant 256 : i32
        %dma_start3A_1335 = arith.constant 0 : i32
        %dma_start3A_1336 = tpu.memref_slice %arg9[%dma_start3A_1334, %dma_start3A_1335] : memref<1600x32xf32, #tpu.memory_space<vmem>> -> memref<128x32xf32, #tpu.memory_space<vmem>>
        %dma_start3A_1337 = arith.constant 256 : i32
        %dma_start3A_1338 = tpu.memref_slice %arg7[%dma_start3A_1337] : memref<1600xi32, #tpu.memory_space<vmem>> -> memref<128xi32, #tpu.memory_space<vmem>>
        %dma_start3A_1339 = arith.constant 0 : i32
        %dma_start3A_1340 = arith.constant 0 : i32
        %dma_start3A_1341 = tpu.memref_slice %arg4[%dma_start3A_1339, %dma_start3A_1340] : memref<1000000x32xf32, #tpu.memory_space<hbm>> -> memref<1000000x32xf32, #tpu.memory_space<hbm>>
        tpu.enqueue_indirect_dma source(%dma_start3A_1341 : memref<1000000x32xf32, #tpu.memory_space<hbm>>) target(%dma_start3A_1336 : memref<128x32xf32, #tpu.memory_space<vmem>>) offsets(%dma_start3A_1338 : memref<128xi32, #tpu.memory_space<vmem>>) semaphore(%arg15 : memref<!tpu.dma_semaphore, #tpu.memory_space<semaphore_mem>>)
        %dma_start3A_1342 = arith.constant 256 : i32
        %dma_start3A_1343 = tpu.memref_slice %arg11[%dma_start3A_1342] : memref<1600xf32, #tpu.memory_space<vmem>> -> memref<128xf32, #tpu.memory_space<vmem>>
        %dma_start3A_1344 = arith.constant 256 : i32
        %dma_start3A_1345 = tpu.memref_slice %arg7[%dma_start3A_1344] : memref<1600xi32, #tpu.memory_space<vmem>> -> memref<128xi32, #tpu.memory_space<vmem>>
        %dma_start3A_1346 = arith.constant 0 : i32
        %dma_start3A_1347 = tpu.memref_slice %arg3[%dma_start3A_1346] : memref<1000000xf32, #tpu.memory_space<hbm>> -> memref<1000000xf32, #tpu.memory_space<hbm>>
        tpu.enqueue_indirect_dma source(%dma_start3A_1347 : memref<1000000xf32, #tpu.memory_space<hbm>>) target(%dma_start3A_1343 : memref<128xf32, #tpu.memory_space<vmem>>) offsets(%dma_start3A_1345 : memref<128xi32, #tpu.memory_space<vmem>>) semaphore(%arg15 : memref<!tpu.dma_semaphore, #tpu.memory_space<semaphore_mem>>)
        %dma_start3A_1348 = arith.constant 384 : i32
        %dma_start3A_1349 = arith.constant 0 : i32
        %dma_start3A_1350 = tpu.memref_slice %arg9[%dma_start3A_1348, %dma_start3A_1349] : memref<1600x32xf32, #tpu.memory_space<vmem>> -> memref<128x32xf32, #tpu.memory_space<vmem>>
        %dma_start3A_1351 = arith.constant 384 : i32
        %dma_start3A_1352 = tpu.memref_slice %arg7[%dma_start3A_1351] : memref<1600xi32, #tpu.memory_space<vmem>> -> memref<128xi32, #tpu.memory_space<vmem>>
        %dma_start3A_1353 = arith.constant 0 : i32
        %dma_start3A_1354 = arith.constant 0 : i32
        %dma_start3A_1355 = tpu.memref_slice %arg4[%dma_start3A_1353, %dma_start3A_1354] : memref<1000000x32xf32, #tpu.memory_space<hbm>> -> memref<1000000x32xf32, #tpu.memory_space<hbm>>
        tpu.enqueue_indirect_dma source(%dma_start3A_1355 : memref<1000000x32xf32, #tpu.memory_space<hbm>>) target(%dma_start3A_1350 : memref<128x32xf32, #tpu.memory_space<vmem>>) offsets(%dma_start3A_1352 : memref<128xi32, #tpu.memory_space<vmem>>) semaphore(%arg15 : memref<!tpu.dma_semaphore, #tpu.memory_space<semaphore_mem>>)
        %dma_start3A_1356 = arith.constant 384 : i32
        %dma_start3A_1357 = tpu.memref_slice %arg11[%dma_start3A_1356] : memref<1600xf32, #tpu.memory_space<vmem>> -> memref<128xf32, #tpu.memory_space<vmem>>
        %dma_start3A_1358 = arith.constant 384 : i32
        %dma_start3A_1359 = tpu.memref_slice %arg7[%dma_start3A_1358] : memref<1600xi32, #tpu.memory_space<vmem>> -> memref<128xi32, #tpu.memory_space<vmem>>
        %dma_start3A_1360 = arith.constant 0 : i32
        %dma_start3A_1361 = tpu.memref_slice %arg3[%dma_start3A_1360] : memref<1000000xf32, #tpu.memory_space<hbm>> -> memref<1000000xf32, #tpu.memory_space<hbm>>
        tpu.enqueue_indirect_dma source(%dma_start3A_1361 : memref<1000000xf32, #tpu.memory_space<hbm>>) target(%dma_start3A_1357 : memref<128xf32, #tpu.memory_space<vmem>>) offsets(%dma_start3A_1359 : memref<128xi32, #tpu.memory_space<vmem>>) semaphore(%arg15 : memref<!tpu.dma_semaphore, #tpu.memory_space<semaphore_mem>>)
        %dma_start3A_1362 = arith.constant 512 : i32
        %dma_start3A_1363 = arith.constant 0 : i32
        %dma_start3A_1364 = tpu.memref_slice %arg9[%dma_start3A_1362, %dma_start3A_1363] : memref<1600x32xf32, #tpu.memory_space<vmem>> -> memref<128x32xf32, #tpu.memory_space<vmem>>
        %dma_start3A_1365 = arith.constant 512 : i32
        %dma_start3A_1366 = tpu.memref_slice %arg7[%dma_start3A_1365] : memref<1600xi32, #tpu.memory_space<vmem>> -> memref<128xi32, #tpu.memory_space<vmem>>
        %dma_start3A_1367 = arith.constant 0 : i32
        %dma_start3A_1368 = arith.constant 0 : i32
        %dma_start3A_1369 = tpu.memref_slice %arg4[%dma_start3A_1367, %dma_start3A_1368] : memref<1000000x32xf32, #tpu.memory_space<hbm>> -> memref<1000000x32xf32, #tpu.memory_space<hbm>>
        tpu.enqueue_indirect_dma source(%dma_start3A_1369 : memref<1000000x32xf32, #tpu.memory_space<hbm>>) target(%dma_start3A_1364 : memref<128x32xf32, #tpu.memory_space<vmem>>) offsets(%dma_start3A_1366 : memref<128xi32, #tpu.memory_space<vmem>>) semaphore(%arg15 : memref<!tpu.dma_semaphore, #tpu.memory_space<semaphore_mem>>)
        %dma_start3A_1370 = arith.constant 512 : i32
        %dma_start3A_1371 = tpu.memref_slice %arg11[%dma_start3A_1370] : memref<1600xf32, #tpu.memory_space<vmem>> -> memref<128xf32, #tpu.memory_space<vmem>>
        %dma_start3A_1372 = arith.constant 512 : i32
        %dma_start3A_1373 = tpu.memref_slice %arg7[%dma_start3A_1372] : memref<1600xi32, #tpu.memory_space<vmem>> -> memref<128xi32, #tpu.memory_space<vmem>>
        %dma_start3A_1374 = arith.constant 0 : i32
        %dma_start3A_1375 = tpu.memref_slice %arg3[%dma_start3A_1374] : memref<1000000xf32, #tpu.memory_space<hbm>> -> memref<1000000xf32, #tpu.memory_space<hbm>>
        tpu.enqueue_indirect_dma source(%dma_start3A_1375 : memref<1000000xf32, #tpu.memory_space<hbm>>) target(%dma_start3A_1371 : memref<128xf32, #tpu.memory_space<vmem>>) offsets(%dma_start3A_1373 : memref<128xi32, #tpu.memory_space<vmem>>) semaphore(%arg15 : memref<!tpu.dma_semaphore, #tpu.memory_space<semaphore_mem>>)
        %dma_start3A_1376 = arith.constant 640 : i32
        %dma_start3A_1377 = arith.constant 0 : i32
        %dma_start3A_1378 = tpu.memref_slice %arg9[%dma_start3A_1376, %dma_start3A_1377] : memref<1600x32xf32, #tpu.memory_space<vmem>> -> memref<128x32xf32, #tpu.memory_space<vmem>>
        %dma_start3A_1379 = arith.constant 640 : i32
        %dma_start3A_1380 = tpu.memref_slice %arg7[%dma_start3A_1379] : memref<1600xi32, #tpu.memory_space<vmem>> -> memref<128xi32, #tpu.memory_space<vmem>>
        %dma_start3A_1381 = arith.constant 0 : i32
        %dma_start3A_1382 = arith.constant 0 : i32
        %dma_start3A_1383 = tpu.memref_slice %arg4[%dma_start3A_1381, %dma_start3A_1382] : memref<1000000x32xf32, #tpu.memory_space<hbm>> -> memref<1000000x32xf32, #tpu.memory_space<hbm>>
        tpu.enqueue_indirect_dma source(%dma_start3A_1383 : memref<1000000x32xf32, #tpu.memory_space<hbm>>) target(%dma_start3A_1378 : memref<128x32xf32, #tpu.memory_space<vmem>>) offsets(%dma_start3A_1380 : memref<128xi32, #tpu.memory_space<vmem>>) semaphore(%arg15 : memref<!tpu.dma_semaphore, #tpu.memory_space<semaphore_mem>>)
        %dma_start3A_1384 = arith.constant 640 : i32
        %dma_start3A_1385 = tpu.memref_slice %arg11[%dma_start3A_1384] : memref<1600xf32, #tpu.memory_space<vmem>> -> memref<128xf32, #tpu.memory_space<vmem>>
        %dma_start3A_1386 = arith.constant 640 : i32
        %dma_start3A_1387 = tpu.memref_slice %arg7[%dma_start3A_1386] : memref<1600xi32, #tpu.memory_space<vmem>> -> memref<128xi32, #tpu.memory_space<vmem>>
        %dma_start3A_1388 = arith.constant 0 : i32
        %dma_start3A_1389 = tpu.memref_slice %arg3[%dma_start3A_1388] : memref<1000000xf32, #tpu.memory_space<hbm>> -> memref<1000000xf32, #tpu.memory_space<hbm>>
        tpu.enqueue_indirect_dma source(%dma_start3A_1389 : memref<1000000xf32, #tpu.memory_space<hbm>>) target(%dma_start3A_1385 : memref<128xf32, #tpu.memory_space<vmem>>) offsets(%dma_start3A_1387 : memref<128xi32, #tpu.memory_space<vmem>>) semaphore(%arg15 : memref<!tpu.dma_semaphore, #tpu.memory_space<semaphore_mem>>)
        %dma_start3A_1390 = arith.constant 768 : i32
        %dma_start3A_1391 = arith.constant 0 : i32
        %dma_start3A_1392 = tpu.memref_slice %arg9[%dma_start3A_1390, %dma_start3A_1391] : memref<1600x32xf32, #tpu.memory_space<vmem>> -> memref<128x32xf32, #tpu.memory_space<vmem>>
        %dma_start3A_1393 = arith.constant 768 : i32
        %dma_start3A_1394 = tpu.memref_slice %arg7[%dma_start3A_1393] : memref<1600xi32, #tpu.memory_space<vmem>> -> memref<128xi32, #tpu.memory_space<vmem>>
        %dma_start3A_1395 = arith.constant 0 : i32
        %dma_start3A_1396 = arith.constant 0 : i32
        %dma_start3A_1397 = tpu.memref_slice %arg4[%dma_start3A_1395, %dma_start3A_1396] : memref<1000000x32xf32, #tpu.memory_space<hbm>> -> memref<1000000x32xf32, #tpu.memory_space<hbm>>
        tpu.enqueue_indirect_dma source(%dma_start3A_1397 : memref<1000000x32xf32, #tpu.memory_space<hbm>>) target(%dma_start3A_1392 : memref<128x32xf32, #tpu.memory_space<vmem>>) offsets(%dma_start3A_1394 : memref<128xi32, #tpu.memory_space<vmem>>) semaphore(%arg15 : memref<!tpu.dma_semaphore, #tpu.memory_space<semaphore_mem>>)
        %dma_start3A_1398 = arith.constant 768 : i32
        %dma_start3A_1399 = tpu.memref_slice %arg11[%dma_start3A_1398] : memref<1600xf32, #tpu.memory_space<vmem>> -> memref<128xf32, #tpu.memory_space<vmem>>
        %dma_start3A_1400 = arith.constant 768 : i32
        %dma_start3A_1401 = tpu.memref_slice %arg7[%dma_start3A_1400] : memref<1600xi32, #tpu.memory_space<vmem>> -> memref<128xi32, #tpu.memory_space<vmem>>
        %dma_start3A_1402 = arith.constant 0 : i32
        %dma_start3A_1403 = tpu.memref_slice %arg3[%dma_start3A_1402] : memref<1000000xf32, #tpu.memory_space<hbm>> -> memref<1000000xf32, #tpu.memory_space<hbm>>
        tpu.enqueue_indirect_dma source(%dma_start3A_1403 : memref<1000000xf32, #tpu.memory_space<hbm>>) target(%dma_start3A_1399 : memref<128xf32, #tpu.memory_space<vmem>>) offsets(%dma_start3A_1401 : memref<128xi32, #tpu.memory_space<vmem>>) semaphore(%arg15 : memref<!tpu.dma_semaphore, #tpu.memory_space<semaphore_mem>>)
        %dma_start3A_1404 = arith.constant 896 : i32
        %dma_start3A_1405 = arith.constant 0 : i32
        %dma_start3A_1406 = tpu.memref_slice %arg9[%dma_start3A_1404, %dma_start3A_1405] : memref<1600x32xf32, #tpu.memory_space<vmem>> -> memref<128x32xf32, #tpu.memory_space<vmem>>
        %dma_start3A_1407 = arith.constant 896 : i32
        %dma_start3A_1408 = tpu.memref_slice %arg7[%dma_start3A_1407] : memref<1600xi32, #tpu.memory_space<vmem>> -> memref<128xi32, #tpu.memory_space<vmem>>
        %dma_start3A_1409 = arith.constant 0 : i32
        %dma_start3A_1410 = arith.constant 0 : i32
        %dma_start3A_1411 = tpu.memref_slice %arg4[%dma_start3A_1409, %dma_start3A_1410] : memref<1000000x32xf32, #tpu.memory_space<hbm>> -> memref<1000000x32xf32, #tpu.memory_space<hbm>>
        tpu.enqueue_indirect_dma source(%dma_start3A_1411 : memref<1000000x32xf32, #tpu.memory_space<hbm>>) target(%dma_start3A_1406 : memref<128x32xf32, #tpu.memory_space<vmem>>) offsets(%dma_start3A_1408 : memref<128xi32, #tpu.memory_space<vmem>>) semaphore(%arg15 : memref<!tpu.dma_semaphore, #tpu.memory_space<semaphore_mem>>)
        %dma_start3A_1412 = arith.constant 896 : i32
        %dma_start3A_1413 = tpu.memref_slice %arg11[%dma_start3A_1412] : memref<1600xf32, #tpu.memory_space<vmem>> -> memref<128xf32, #tpu.memory_space<vmem>>
        %dma_start3A_1414 = arith.constant 896 : i32
        %dma_start3A_1415 = tpu.memref_slice %arg7[%dma_start3A_1414] : memref<1600xi32, #tpu.memory_space<vmem>> -> memref<128xi32, #tpu.memory_space<vmem>>
        %dma_start3A_1416 = arith.constant 0 : i32
        %dma_start3A_1417 = tpu.memref_slice %arg3[%dma_start3A_1416] : memref<1000000xf32, #tpu.memory_space<hbm>> -> memref<1000000xf32, #tpu.memory_space<hbm>>
        tpu.enqueue_indirect_dma source(%dma_start3A_1417 : memref<1000000xf32, #tpu.memory_space<hbm>>) target(%dma_start3A_1413 : memref<128xf32, #tpu.memory_space<vmem>>) offsets(%dma_start3A_1415 : memref<128xi32, #tpu.memory_space<vmem>>) semaphore(%arg15 : memref<!tpu.dma_semaphore, #tpu.memory_space<semaphore_mem>>)
        %dma_start3A_1418 = arith.constant 1024 : i32
        %dma_start3A_1419 = arith.constant 0 : i32
        %dma_start3A_1420 = tpu.memref_slice %arg9[%dma_start3A_1418, %dma_start3A_1419] : memref<1600x32xf32, #tpu.memory_space<vmem>> -> memref<128x32xf32, #tpu.memory_space<vmem>>
        %dma_start3A_1421 = arith.constant 1024 : i32
        %dma_start3A_1422 = tpu.memref_slice %arg7[%dma_start3A_1421] : memref<1600xi32, #tpu.memory_space<vmem>> -> memref<128xi32, #tpu.memory_space<vmem>>
        %dma_start3A_1423 = arith.constant 0 : i32
        %dma_start3A_1424 = arith.constant 0 : i32
        %dma_start3A_1425 = tpu.memref_slice %arg4[%dma_start3A_1423, %dma_start3A_1424] : memref<1000000x32xf32, #tpu.memory_space<hbm>> -> memref<1000000x32xf32, #tpu.memory_space<hbm>>
        tpu.enqueue_indirect_dma source(%dma_start3A_1425 : memref<1000000x32xf32, #tpu.memory_space<hbm>>) target(%dma_start3A_1420 : memref<128x32xf32, #tpu.memory_space<vmem>>) offsets(%dma_start3A_1422 : memref<128xi32, #tpu.memory_space<vmem>>) semaphore(%arg15 : memref<!tpu.dma_semaphore, #tpu.memory_space<semaphore_mem>>)
        %dma_start3A_1426 = arith.constant 1024 : i32
        %dma_start3A_1427 = tpu.memref_slice %arg11[%dma_start3A_1426] : memref<1600xf32, #tpu.memory_space<vmem>> -> memref<128xf32, #tpu.memory_space<vmem>>
        %dma_start3A_1428 = arith.constant 1024 : i32
        %dma_start3A_1429 = tpu.memref_slice %arg7[%dma_start3A_1428] : memref<1600xi32, #tpu.memory_space<vmem>> -> memref<128xi32, #tpu.memory_space<vmem>>
        %dma_start3A_1430 = arith.constant 0 : i32
        %dma_start3A_1431 = tpu.memref_slice %arg3[%dma_start3A_1430] : memref<1000000xf32, #tpu.memory_space<hbm>> -> memref<1000000xf32, #tpu.memory_space<hbm>>
        tpu.enqueue_indirect_dma source(%dma_start3A_1431 : memref<1000000xf32, #tpu.memory_space<hbm>>) target(%dma_start3A_1427 : memref<128xf32, #tpu.memory_space<vmem>>) offsets(%dma_start3A_1429 : memref<128xi32, #tpu.memory_space<vmem>>) semaphore(%arg15 : memref<!tpu.dma_semaphore, #tpu.memory_space<semaphore_mem>>)
        %dma_start3A_1432 = arith.constant 1152 : i32
        %dma_start3A_1433 = arith.constant 0 : i32
        %dma_start3A_1434 = tpu.memref_slice %arg9[%dma_start3A_1432, %dma_start3A_1433] : memref<1600x32xf32, #tpu.memory_space<vmem>> -> memref<128x32xf32, #tpu.memory_space<vmem>>
        %dma_start3A_1435 = arith.constant 1152 : i32
        %dma_start3A_1436 = tpu.memref_slice %arg7[%dma_start3A_1435] : memref<1600xi32, #tpu.memory_space<vmem>> -> memref<128xi32, #tpu.memory_space<vmem>>
        %dma_start3A_1437 = arith.constant 0 : i32
        %dma_start3A_1438 = arith.constant 0 : i32
        %dma_start3A_1439 = tpu.memref_slice %arg4[%dma_start3A_1437, %dma_start3A_1438] : memref<1000000x32xf32, #tpu.memory_space<hbm>> -> memref<1000000x32xf32, #tpu.memory_space<hbm>>
        tpu.enqueue_indirect_dma source(%dma_start3A_1439 : memref<1000000x32xf32, #tpu.memory_space<hbm>>) target(%dma_start3A_1434 : memref<128x32xf32, #tpu.memory_space<vmem>>) offsets(%dma_start3A_1436 : memref<128xi32, #tpu.memory_space<vmem>>) semaphore(%arg15 : memref<!tpu.dma_semaphore, #tpu.memory_space<semaphore_mem>>)
        %dma_start3A_1440 = arith.constant 1152 : i32
        %dma_start3A_1441 = tpu.memref_slice %arg11[%dma_start3A_1440] : memref<1600xf32, #tpu.memory_space<vmem>> -> memref<128xf32, #tpu.memory_space<vmem>>
        %dma_start3A_1442 = arith.constant 1152 : i32
        %dma_start3A_1443 = tpu.memref_slice %arg7[%dma_start3A_1442] : memref<1600xi32, #tpu.memory_space<vmem>> -> memref<128xi32, #tpu.memory_space<vmem>>
        %dma_start3A_1444 = arith.constant 0 : i32
        %dma_start3A_1445 = tpu.memref_slice %arg3[%dma_start3A_1444] : memref<1000000xf32, #tpu.memory_space<hbm>> -> memref<1000000xf32, #tpu.memory_space<hbm>>
        tpu.enqueue_indirect_dma source(%dma_start3A_1445 : memref<1000000xf32, #tpu.memory_space<hbm>>) target(%dma_start3A_1441 : memref<128xf32, #tpu.memory_space<vmem>>) offsets(%dma_start3A_1443 : memref<128xi32, #tpu.memory_space<vmem>>) semaphore(%arg15 : memref<!tpu.dma_semaphore, #tpu.memory_space<semaphore_mem>>)
        %dma_start3A_1446 = arith.constant 1280 : i32
        %dma_start3A_1447 = arith.constant 0 : i32
        %dma_start3A_1448 = tpu.memref_slice %arg9[%dma_start3A_1446, %dma_start3A_1447] : memref<1600x32xf32, #tpu.memory_space<vmem>> -> memref<128x32xf32, #tpu.memory_space<vmem>>
        %dma_start3A_1449 = arith.constant 1280 : i32
        %dma_start3A_1450 = tpu.memref_slice %arg7[%dma_start3A_1449] : memref<1600xi32, #tpu.memory_space<vmem>> -> memref<128xi32, #tpu.memory_space<vmem>>
        %dma_start3A_1451 = arith.constant 0 : i32
        %dma_start3A_1452 = arith.constant 0 : i32
        %dma_start3A_1453 = tpu.memref_slice %arg4[%dma_start3A_1451, %dma_start3A_1452] : memref<1000000x32xf32, #tpu.memory_space<hbm>> -> memref<1000000x32xf32, #tpu.memory_space<hbm>>
        tpu.enqueue_indirect_dma source(%dma_start3A_1453 : memref<1000000x32xf32, #tpu.memory_space<hbm>>) target(%dma_start3A_1448 : memref<128x32xf32, #tpu.memory_space<vmem>>) offsets(%dma_start3A_1450 : memref<128xi32, #tpu.memory_space<vmem>>) semaphore(%arg15 : memref<!tpu.dma_semaphore, #tpu.memory_space<semaphore_mem>>)
        %dma_start3A_1454 = arith.constant 1280 : i32
        %dma_start3A_1455 = tpu.memref_slice %arg11[%dma_start3A_1454] : memref<1600xf32, #tpu.memory_space<vmem>> -> memref<128xf32, #tpu.memory_space<vmem>>
        %dma_start3A_1456 = arith.constant 1280 : i32
        %dma_start3A_1457 = tpu.memref_slice %arg7[%dma_start3A_1456] : memref<1600xi32, #tpu.memory_space<vmem>> -> memref<128xi32, #tpu.memory_space<vmem>>
        %dma_start3A_1458 = arith.constant 0 : i32
        %dma_start3A_1459 = tpu.memref_slice %arg3[%dma_start3A_1458] : memref<1000000xf32, #tpu.memory_space<hbm>> -> memref<1000000xf32, #tpu.memory_space<hbm>>
        tpu.enqueue_indirect_dma source(%dma_start3A_1459 : memref<1000000xf32, #tpu.memory_space<hbm>>) target(%dma_start3A_1455 : memref<128xf32, #tpu.memory_space<vmem>>) offsets(%dma_start3A_1457 : memref<128xi32, #tpu.memory_space<vmem>>) semaphore(%arg15 : memref<!tpu.dma_semaphore, #tpu.memory_space<semaphore_mem>>)
        %dma_start3A_1460 = arith.constant 1408 : i32
        %dma_start3A_1461 = arith.constant 0 : i32
        %dma_start3A_1462 = tpu.memref_slice %arg9[%dma_start3A_1460, %dma_start3A_1461] : memref<1600x32xf32, #tpu.memory_space<vmem>> -> memref<128x32xf32, #tpu.memory_space<vmem>>
        %dma_start3A_1463 = arith.constant 1408 : i32
        %dma_start3A_1464 = tpu.memref_slice %arg7[%dma_start3A_1463] : memref<1600xi32, #tpu.memory_space<vmem>> -> memref<128xi32, #tpu.memory_space<vmem>>
        %dma_start3A_1465 = arith.constant 0 : i32
        %dma_start3A_1466 = arith.constant 0 : i32
        %dma_start3A_1467 = tpu.memref_slice %arg4[%dma_start3A_1465, %dma_start3A_1466] : memref<1000000x32xf32, #tpu.memory_space<hbm>> -> memref<1000000x32xf32, #tpu.memory_space<hbm>>
        tpu.enqueue_indirect_dma source(%dma_start3A_1467 : memref<1000000x32xf32, #tpu.memory_space<hbm>>) target(%dma_start3A_1462 : memref<128x32xf32, #tpu.memory_space<vmem>>) offsets(%dma_start3A_1464 : memref<128xi32, #tpu.memory_space<vmem>>) semaphore(%arg15 : memref<!tpu.dma_semaphore, #tpu.memory_space<semaphore_mem>>)
        %dma_start3A_1468 = arith.constant 1408 : i32
        %dma_start3A_1469 = tpu.memref_slice %arg11[%dma_start3A_1468] : memref<1600xf32, #tpu.memory_space<vmem>> -> memref<128xf32, #tpu.memory_space<vmem>>
        %dma_start3A_1470 = arith.constant 1408 : i32
        %dma_start3A_1471 = tpu.memref_slice %arg7[%dma_start3A_1470] : memref<1600xi32, #tpu.memory_space<vmem>> -> memref<128xi32, #tpu.memory_space<vmem>>
        %dma_start3A_1472 = arith.constant 0 : i32
        %dma_start3A_1473 = tpu.memref_slice %arg3[%dma_start3A_1472] : memref<1000000xf32, #tpu.memory_space<hbm>> -> memref<1000000xf32, #tpu.memory_space<hbm>>
        tpu.enqueue_indirect_dma source(%dma_start3A_1473 : memref<1000000xf32, #tpu.memory_space<hbm>>) target(%dma_start3A_1469 : memref<128xf32, #tpu.memory_space<vmem>>) offsets(%dma_start3A_1471 : memref<128xi32, #tpu.memory_space<vmem>>) semaphore(%arg15 : memref<!tpu.dma_semaphore, #tpu.memory_space<semaphore_mem>>)
        %dma_start3A_1474 = arith.constant 1536 : i32
        %dma_start3A_1475 = arith.constant 0 : i32
        %dma_start3A_1476 = tpu.memref_slice %arg9[%dma_start3A_1474, %dma_start3A_1475] : memref<1600x32xf32, #tpu.memory_space<vmem>> -> memref<64x32xf32, #tpu.memory_space<vmem>>
        %dma_start3A_1477 = arith.constant 1536 : i32
        %dma_start3A_1478 = tpu.memref_slice %arg7[%dma_start3A_1477] : memref<1600xi32, #tpu.memory_space<vmem>> -> memref<64xi32, #tpu.memory_space<vmem>>
        %dma_start3A_1479 = arith.constant 0 : i32
        %dma_start3A_1480 = arith.constant 0 : i32
        %dma_start3A_1481 = tpu.memref_slice %arg4[%dma_start3A_1479, %dma_start3A_1480] : memref<1000000x32xf32, #tpu.memory_space<hbm>> -> memref<1000000x32xf32, #tpu.memory_space<hbm>>
        tpu.enqueue_indirect_dma source(%dma_start3A_1481 : memref<1000000x32xf32, #tpu.memory_space<hbm>>) target(%dma_start3A_1476 : memref<64x32xf32, #tpu.memory_space<vmem>>) offsets(%dma_start3A_1478 : memref<64xi32, #tpu.memory_space<vmem>>) semaphore(%arg15 : memref<!tpu.dma_semaphore, #tpu.memory_space<semaphore_mem>>)
        %dma_start3A_1482 = arith.constant 1536 : i32
        %dma_start3A_1483 = tpu.memref_slice %arg11[%dma_start3A_1482] : memref<1600xf32, #tpu.memory_space<vmem>> -> memref<64xf32, #tpu.memory_space<vmem>>
        %dma_start3A_1484 = arith.constant 1536 : i32
        %dma_start3A_1485 = tpu.memref_slice %arg7[%dma_start3A_1484] : memref<1600xi32, #tpu.memory_space<vmem>> -> memref<64xi32, #tpu.memory_space<vmem>>
        %dma_start3A_1486 = arith.constant 0 : i32
        %dma_start3A_1487 = tpu.memref_slice %arg3[%dma_start3A_1486] : memref<1000000xf32, #tpu.memory_space<hbm>> -> memref<1000000xf32, #tpu.memory_space<hbm>>
        tpu.enqueue_indirect_dma source(%dma_start3A_1487 : memref<1000000xf32, #tpu.memory_space<hbm>>) target(%dma_start3A_1483 : memref<64xf32, #tpu.memory_space<vmem>>) offsets(%dma_start3A_1485 : memref<64xi32, #tpu.memory_space<vmem>>) semaphore(%arg15 : memref<!tpu.dma_semaphore, #tpu.memory_space<semaphore_mem>>)
      } else {
      }
      %dma_wait3A_841 = arith.constant 0 : i32
      %dma_wait3A_842 = arith.constant 0 : i32
      %dma_wait3A_843 = tpu.memref_slice %arg10[%dma_wait3A_841, %dma_wait3A_842] : memref<1600x32xf32, #tpu.memory_space<vmem>> -> memref<128x32xf32, #tpu.memory_space<vmem>>
      %dma_wait3A_844 = arith.constant 0 : i32
      %dma_wait3A_845 = tpu.memref_slice %arg8[%dma_wait3A_844] : memref<1600xi32, #tpu.memory_space<vmem>> -> memref<128xi32, #tpu.memory_space<vmem>>
      %dma_wait3A_846 = arith.constant 0 : i32
      %dma_wait3A_847 = arith.constant 0 : i32
      %dma_wait3A_848 = tpu.memref_slice %arg4[%dma_wait3A_846, %dma_wait3A_847] : memref<1000000x32xf32, #tpu.memory_space<hbm>> -> memref<1000000x32xf32, #tpu.memory_space<hbm>>
      tpu.wait_indirect_dma semaphore(%arg16 : memref<!tpu.dma_semaphore, #tpu.memory_space<semaphore_mem>>) src(%dma_wait3A_848 : memref<1000000x32xf32, #tpu.memory_space<hbm>>) dst(%dma_wait3A_843 : memref<128x32xf32, #tpu.memory_space<vmem>>)
      %dma_wait3A_849 = arith.constant 0 : i32
      %dma_wait3A_850 = tpu.memref_slice %arg12[%dma_wait3A_849] : memref<1600xf32, #tpu.memory_space<vmem>> -> memref<128xf32, #tpu.memory_space<vmem>>
      %dma_wait3A_851 = arith.constant 0 : i32
      %dma_wait3A_852 = tpu.memref_slice %arg8[%dma_wait3A_851] : memref<1600xi32, #tpu.memory_space<vmem>> -> memref<128xi32, #tpu.memory_space<vmem>>
      %dma_wait3A_853 = arith.constant 0 : i32
      %dma_wait3A_854 = tpu.memref_slice %arg3[%dma_wait3A_853] : memref<1000000xf32, #tpu.memory_space<hbm>> -> memref<1000000xf32, #tpu.memory_space<hbm>>
      tpu.wait_indirect_dma semaphore(%arg16 : memref<!tpu.dma_semaphore, #tpu.memory_space<semaphore_mem>>) src(%dma_wait3A_854 : memref<1000000xf32, #tpu.memory_space<hbm>>) dst(%dma_wait3A_850 : memref<128xf32, #tpu.memory_space<vmem>>)
      %dma_wait3A_855 = arith.constant 128 : i32
      %dma_wait3A_856 = arith.constant 0 : i32
      %dma_wait3A_857 = tpu.memref_slice %arg10[%dma_wait3A_855, %dma_wait3A_856] : memref<1600x32xf32, #tpu.memory_space<vmem>> -> memref<128x32xf32, #tpu.memory_space<vmem>>
      %dma_wait3A_858 = arith.constant 128 : i32
      %dma_wait3A_859 = tpu.memref_slice %arg8[%dma_wait3A_858] : memref<1600xi32, #tpu.memory_space<vmem>> -> memref<128xi32, #tpu.memory_space<vmem>>
      %dma_wait3A_860 = arith.constant 0 : i32
      %dma_wait3A_861 = arith.constant 0 : i32
      %dma_wait3A_862 = tpu.memref_slice %arg4[%dma_wait3A_860, %dma_wait3A_861] : memref<1000000x32xf32, #tpu.memory_space<hbm>> -> memref<1000000x32xf32, #tpu.memory_space<hbm>>
      tpu.wait_indirect_dma semaphore(%arg16 : memref<!tpu.dma_semaphore, #tpu.memory_space<semaphore_mem>>) src(%dma_wait3A_862 : memref<1000000x32xf32, #tpu.memory_space<hbm>>) dst(%dma_wait3A_857 : memref<128x32xf32, #tpu.memory_space<vmem>>)
      %dma_wait3A_863 = arith.constant 128 : i32
      %dma_wait3A_864 = tpu.memref_slice %arg12[%dma_wait3A_863] : memref<1600xf32, #tpu.memory_space<vmem>> -> memref<128xf32, #tpu.memory_space<vmem>>
      %dma_wait3A_865 = arith.constant 128 : i32
      %dma_wait3A_866 = tpu.memref_slice %arg8[%dma_wait3A_865] : memref<1600xi32, #tpu.memory_space<vmem>> -> memref<128xi32, #tpu.memory_space<vmem>>
      %dma_wait3A_867 = arith.constant 0 : i32
      %dma_wait3A_868 = tpu.memref_slice %arg3[%dma_wait3A_867] : memref<1000000xf32, #tpu.memory_space<hbm>> -> memref<1000000xf32, #tpu.memory_space<hbm>>
      tpu.wait_indirect_dma semaphore(%arg16 : memref<!tpu.dma_semaphore, #tpu.memory_space<semaphore_mem>>) src(%dma_wait3A_868 : memref<1000000xf32, #tpu.memory_space<hbm>>) dst(%dma_wait3A_864 : memref<128xf32, #tpu.memory_space<vmem>>)
      %dma_wait3A_869 = arith.constant 256 : i32
      %dma_wait3A_870 = arith.constant 0 : i32
      %dma_wait3A_871 = tpu.memref_slice %arg10[%dma_wait3A_869, %dma_wait3A_870] : memref<1600x32xf32, #tpu.memory_space<vmem>> -> memref<128x32xf32, #tpu.memory_space<vmem>>
      %dma_wait3A_872 = arith.constant 256 : i32
      %dma_wait3A_873 = tpu.memref_slice %arg8[%dma_wait3A_872] : memref<1600xi32, #tpu.memory_space<vmem>> -> memref<128xi32, #tpu.memory_space<vmem>>
      %dma_wait3A_874 = arith.constant 0 : i32
      %dma_wait3A_875 = arith.constant 0 : i32
      %dma_wait3A_876 = tpu.memref_slice %arg4[%dma_wait3A_874, %dma_wait3A_875] : memref<1000000x32xf32, #tpu.memory_space<hbm>> -> memref<1000000x32xf32, #tpu.memory_space<hbm>>
      tpu.wait_indirect_dma semaphore(%arg16 : memref<!tpu.dma_semaphore, #tpu.memory_space<semaphore_mem>>) src(%dma_wait3A_876 : memref<1000000x32xf32, #tpu.memory_space<hbm>>) dst(%dma_wait3A_871 : memref<128x32xf32, #tpu.memory_space<vmem>>)
      %dma_wait3A_877 = arith.constant 256 : i32
      %dma_wait3A_878 = tpu.memref_slice %arg12[%dma_wait3A_877] : memref<1600xf32, #tpu.memory_space<vmem>> -> memref<128xf32, #tpu.memory_space<vmem>>
      %dma_wait3A_879 = arith.constant 256 : i32
      %dma_wait3A_880 = tpu.memref_slice %arg8[%dma_wait3A_879] : memref<1600xi32, #tpu.memory_space<vmem>> -> memref<128xi32, #tpu.memory_space<vmem>>
      %dma_wait3A_881 = arith.constant 0 : i32
      %dma_wait3A_882 = tpu.memref_slice %arg3[%dma_wait3A_881] : memref<1000000xf32, #tpu.memory_space<hbm>> -> memref<1000000xf32, #tpu.memory_space<hbm>>
      tpu.wait_indirect_dma semaphore(%arg16 : memref<!tpu.dma_semaphore, #tpu.memory_space<semaphore_mem>>) src(%dma_wait3A_882 : memref<1000000xf32, #tpu.memory_space<hbm>>) dst(%dma_wait3A_878 : memref<128xf32, #tpu.memory_space<vmem>>)
      %dma_wait3A_883 = arith.constant 384 : i32
      %dma_wait3A_884 = arith.constant 0 : i32
      %dma_wait3A_885 = tpu.memref_slice %arg10[%dma_wait3A_883, %dma_wait3A_884] : memref<1600x32xf32, #tpu.memory_space<vmem>> -> memref<128x32xf32, #tpu.memory_space<vmem>>
      %dma_wait3A_886 = arith.constant 384 : i32
      %dma_wait3A_887 = tpu.memref_slice %arg8[%dma_wait3A_886] : memref<1600xi32, #tpu.memory_space<vmem>> -> memref<128xi32, #tpu.memory_space<vmem>>
      %dma_wait3A_888 = arith.constant 0 : i32
      %dma_wait3A_889 = arith.constant 0 : i32
      %dma_wait3A_890 = tpu.memref_slice %arg4[%dma_wait3A_888, %dma_wait3A_889] : memref<1000000x32xf32, #tpu.memory_space<hbm>> -> memref<1000000x32xf32, #tpu.memory_space<hbm>>
      tpu.wait_indirect_dma semaphore(%arg16 : memref<!tpu.dma_semaphore, #tpu.memory_space<semaphore_mem>>) src(%dma_wait3A_890 : memref<1000000x32xf32, #tpu.memory_space<hbm>>) dst(%dma_wait3A_885 : memref<128x32xf32, #tpu.memory_space<vmem>>)
      %dma_wait3A_891 = arith.constant 384 : i32
      %dma_wait3A_892 = tpu.memref_slice %arg12[%dma_wait3A_891] : memref<1600xf32, #tpu.memory_space<vmem>> -> memref<128xf32, #tpu.memory_space<vmem>>
      %dma_wait3A_893 = arith.constant 384 : i32
      %dma_wait3A_894 = tpu.memref_slice %arg8[%dma_wait3A_893] : memref<1600xi32, #tpu.memory_space<vmem>> -> memref<128xi32, #tpu.memory_space<vmem>>
      %dma_wait3A_895 = arith.constant 0 : i32
      %dma_wait3A_896 = tpu.memref_slice %arg3[%dma_wait3A_895] : memref<1000000xf32, #tpu.memory_space<hbm>> -> memref<1000000xf32, #tpu.memory_space<hbm>>
      tpu.wait_indirect_dma semaphore(%arg16 : memref<!tpu.dma_semaphore, #tpu.memory_space<semaphore_mem>>) src(%dma_wait3A_896 : memref<1000000xf32, #tpu.memory_space<hbm>>) dst(%dma_wait3A_892 : memref<128xf32, #tpu.memory_space<vmem>>)
      %dma_wait3A_897 = arith.constant 512 : i32
      %dma_wait3A_898 = arith.constant 0 : i32
      %dma_wait3A_899 = tpu.memref_slice %arg10[%dma_wait3A_897, %dma_wait3A_898] : memref<1600x32xf32, #tpu.memory_space<vmem>> -> memref<128x32xf32, #tpu.memory_space<vmem>>
      %dma_wait3A_900 = arith.constant 512 : i32
      %dma_wait3A_901 = tpu.memref_slice %arg8[%dma_wait3A_900] : memref<1600xi32, #tpu.memory_space<vmem>> -> memref<128xi32, #tpu.memory_space<vmem>>
      %dma_wait3A_902 = arith.constant 0 : i32
      %dma_wait3A_903 = arith.constant 0 : i32
      %dma_wait3A_904 = tpu.memref_slice %arg4[%dma_wait3A_902, %dma_wait3A_903] : memref<1000000x32xf32, #tpu.memory_space<hbm>> -> memref<1000000x32xf32, #tpu.memory_space<hbm>>
      tpu.wait_indirect_dma semaphore(%arg16 : memref<!tpu.dma_semaphore, #tpu.memory_space<semaphore_mem>>) src(%dma_wait3A_904 : memref<1000000x32xf32, #tpu.memory_space<hbm>>) dst(%dma_wait3A_899 : memref<128x32xf32, #tpu.memory_space<vmem>>)
      %dma_wait3A_905 = arith.constant 512 : i32
      %dma_wait3A_906 = tpu.memref_slice %arg12[%dma_wait3A_905] : memref<1600xf32, #tpu.memory_space<vmem>> -> memref<128xf32, #tpu.memory_space<vmem>>
      %dma_wait3A_907 = arith.constant 512 : i32
      %dma_wait3A_908 = tpu.memref_slice %arg8[%dma_wait3A_907] : memref<1600xi32, #tpu.memory_space<vmem>> -> memref<128xi32, #tpu.memory_space<vmem>>
      %dma_wait3A_909 = arith.constant 0 : i32
      %dma_wait3A_910 = tpu.memref_slice %arg3[%dma_wait3A_909] : memref<1000000xf32, #tpu.memory_space<hbm>> -> memref<1000000xf32, #tpu.memory_space<hbm>>
      tpu.wait_indirect_dma semaphore(%arg16 : memref<!tpu.dma_semaphore, #tpu.memory_space<semaphore_mem>>) src(%dma_wait3A_910 : memref<1000000xf32, #tpu.memory_space<hbm>>) dst(%dma_wait3A_906 : memref<128xf32, #tpu.memory_space<vmem>>)
      %dma_wait3A_911 = arith.constant 640 : i32
      %dma_wait3A_912 = arith.constant 0 : i32
      %dma_wait3A_913 = tpu.memref_slice %arg10[%dma_wait3A_911, %dma_wait3A_912] : memref<1600x32xf32, #tpu.memory_space<vmem>> -> memref<128x32xf32, #tpu.memory_space<vmem>>
      %dma_wait3A_914 = arith.constant 640 : i32
      %dma_wait3A_915 = tpu.memref_slice %arg8[%dma_wait3A_914] : memref<1600xi32, #tpu.memory_space<vmem>> -> memref<128xi32, #tpu.memory_space<vmem>>
      %dma_wait3A_916 = arith.constant 0 : i32
      %dma_wait3A_917 = arith.constant 0 : i32
      %dma_wait3A_918 = tpu.memref_slice %arg4[%dma_wait3A_916, %dma_wait3A_917] : memref<1000000x32xf32, #tpu.memory_space<hbm>> -> memref<1000000x32xf32, #tpu.memory_space<hbm>>
      tpu.wait_indirect_dma semaphore(%arg16 : memref<!tpu.dma_semaphore, #tpu.memory_space<semaphore_mem>>) src(%dma_wait3A_918 : memref<1000000x32xf32, #tpu.memory_space<hbm>>) dst(%dma_wait3A_913 : memref<128x32xf32, #tpu.memory_space<vmem>>)
      %dma_wait3A_919 = arith.constant 640 : i32
      %dma_wait3A_920 = tpu.memref_slice %arg12[%dma_wait3A_919] : memref<1600xf32, #tpu.memory_space<vmem>> -> memref<128xf32, #tpu.memory_space<vmem>>
      %dma_wait3A_921 = arith.constant 640 : i32
      %dma_wait3A_922 = tpu.memref_slice %arg8[%dma_wait3A_921] : memref<1600xi32, #tpu.memory_space<vmem>> -> memref<128xi32, #tpu.memory_space<vmem>>
      %dma_wait3A_923 = arith.constant 0 : i32
      %dma_wait3A_924 = tpu.memref_slice %arg3[%dma_wait3A_923] : memref<1000000xf32, #tpu.memory_space<hbm>> -> memref<1000000xf32, #tpu.memory_space<hbm>>
      tpu.wait_indirect_dma semaphore(%arg16 : memref<!tpu.dma_semaphore, #tpu.memory_space<semaphore_mem>>) src(%dma_wait3A_924 : memref<1000000xf32, #tpu.memory_space<hbm>>) dst(%dma_wait3A_920 : memref<128xf32, #tpu.memory_space<vmem>>)
      %dma_wait3A_925 = arith.constant 768 : i32
      %dma_wait3A_926 = arith.constant 0 : i32
      %dma_wait3A_927 = tpu.memref_slice %arg10[%dma_wait3A_925, %dma_wait3A_926] : memref<1600x32xf32, #tpu.memory_space<vmem>> -> memref<128x32xf32, #tpu.memory_space<vmem>>
      %dma_wait3A_928 = arith.constant 768 : i32
      %dma_wait3A_929 = tpu.memref_slice %arg8[%dma_wait3A_928] : memref<1600xi32, #tpu.memory_space<vmem>> -> memref<128xi32, #tpu.memory_space<vmem>>
      %dma_wait3A_930 = arith.constant 0 : i32
      %dma_wait3A_931 = arith.constant 0 : i32
      %dma_wait3A_932 = tpu.memref_slice %arg4[%dma_wait3A_930, %dma_wait3A_931] : memref<1000000x32xf32, #tpu.memory_space<hbm>> -> memref<1000000x32xf32, #tpu.memory_space<hbm>>
      tpu.wait_indirect_dma semaphore(%arg16 : memref<!tpu.dma_semaphore, #tpu.memory_space<semaphore_mem>>) src(%dma_wait3A_932 : memref<1000000x32xf32, #tpu.memory_space<hbm>>) dst(%dma_wait3A_927 : memref<128x32xf32, #tpu.memory_space<vmem>>)
      %dma_wait3A_933 = arith.constant 768 : i32
      %dma_wait3A_934 = tpu.memref_slice %arg12[%dma_wait3A_933] : memref<1600xf32, #tpu.memory_space<vmem>> -> memref<128xf32, #tpu.memory_space<vmem>>
      %dma_wait3A_935 = arith.constant 768 : i32
      %dma_wait3A_936 = tpu.memref_slice %arg8[%dma_wait3A_935] : memref<1600xi32, #tpu.memory_space<vmem>> -> memref<128xi32, #tpu.memory_space<vmem>>
      %dma_wait3A_937 = arith.constant 0 : i32
      %dma_wait3A_938 = tpu.memref_slice %arg3[%dma_wait3A_937] : memref<1000000xf32, #tpu.memory_space<hbm>> -> memref<1000000xf32, #tpu.memory_space<hbm>>
      tpu.wait_indirect_dma semaphore(%arg16 : memref<!tpu.dma_semaphore, #tpu.memory_space<semaphore_mem>>) src(%dma_wait3A_938 : memref<1000000xf32, #tpu.memory_space<hbm>>) dst(%dma_wait3A_934 : memref<128xf32, #tpu.memory_space<vmem>>)
      %dma_wait3A_939 = arith.constant 896 : i32
      %dma_wait3A_940 = arith.constant 0 : i32
      %dma_wait3A_941 = tpu.memref_slice %arg10[%dma_wait3A_939, %dma_wait3A_940] : memref<1600x32xf32, #tpu.memory_space<vmem>> -> memref<128x32xf32, #tpu.memory_space<vmem>>
      %dma_wait3A_942 = arith.constant 896 : i32
      %dma_wait3A_943 = tpu.memref_slice %arg8[%dma_wait3A_942] : memref<1600xi32, #tpu.memory_space<vmem>> -> memref<128xi32, #tpu.memory_space<vmem>>
      %dma_wait3A_944 = arith.constant 0 : i32
      %dma_wait3A_945 = arith.constant 0 : i32
      %dma_wait3A_946 = tpu.memref_slice %arg4[%dma_wait3A_944, %dma_wait3A_945] : memref<1000000x32xf32, #tpu.memory_space<hbm>> -> memref<1000000x32xf32, #tpu.memory_space<hbm>>
      tpu.wait_indirect_dma semaphore(%arg16 : memref<!tpu.dma_semaphore, #tpu.memory_space<semaphore_mem>>) src(%dma_wait3A_946 : memref<1000000x32xf32, #tpu.memory_space<hbm>>) dst(%dma_wait3A_941 : memref<128x32xf32, #tpu.memory_space<vmem>>)
      %dma_wait3A_947 = arith.constant 896 : i32
      %dma_wait3A_948 = tpu.memref_slice %arg12[%dma_wait3A_947] : memref<1600xf32, #tpu.memory_space<vmem>> -> memref<128xf32, #tpu.memory_space<vmem>>
      %dma_wait3A_949 = arith.constant 896 : i32
      %dma_wait3A_950 = tpu.memref_slice %arg8[%dma_wait3A_949] : memref<1600xi32, #tpu.memory_space<vmem>> -> memref<128xi32, #tpu.memory_space<vmem>>
      %dma_wait3A_951 = arith.constant 0 : i32
      %dma_wait3A_952 = tpu.memref_slice %arg3[%dma_wait3A_951] : memref<1000000xf32, #tpu.memory_space<hbm>> -> memref<1000000xf32, #tpu.memory_space<hbm>>
      tpu.wait_indirect_dma semaphore(%arg16 : memref<!tpu.dma_semaphore, #tpu.memory_space<semaphore_mem>>) src(%dma_wait3A_952 : memref<1000000xf32, #tpu.memory_space<hbm>>) dst(%dma_wait3A_948 : memref<128xf32, #tpu.memory_space<vmem>>)
      %dma_wait3A_953 = arith.constant 1024 : i32
      %dma_wait3A_954 = arith.constant 0 : i32
      %dma_wait3A_955 = tpu.memref_slice %arg10[%dma_wait3A_953, %dma_wait3A_954] : memref<1600x32xf32, #tpu.memory_space<vmem>> -> memref<128x32xf32, #tpu.memory_space<vmem>>
      %dma_wait3A_956 = arith.constant 1024 : i32
      %dma_wait3A_957 = tpu.memref_slice %arg8[%dma_wait3A_956] : memref<1600xi32, #tpu.memory_space<vmem>> -> memref<128xi32, #tpu.memory_space<vmem>>
      %dma_wait3A_958 = arith.constant 0 : i32
      %dma_wait3A_959 = arith.constant 0 : i32
      %dma_wait3A_960 = tpu.memref_slice %arg4[%dma_wait3A_958, %dma_wait3A_959] : memref<1000000x32xf32, #tpu.memory_space<hbm>> -> memref<1000000x32xf32, #tpu.memory_space<hbm>>
      tpu.wait_indirect_dma semaphore(%arg16 : memref<!tpu.dma_semaphore, #tpu.memory_space<semaphore_mem>>) src(%dma_wait3A_960 : memref<1000000x32xf32, #tpu.memory_space<hbm>>) dst(%dma_wait3A_955 : memref<128x32xf32, #tpu.memory_space<vmem>>)
      %dma_wait3A_961 = arith.constant 1024 : i32
      %dma_wait3A_962 = tpu.memref_slice %arg12[%dma_wait3A_961] : memref<1600xf32, #tpu.memory_space<vmem>> -> memref<128xf32, #tpu.memory_space<vmem>>
      %dma_wait3A_963 = arith.constant 1024 : i32
      %dma_wait3A_964 = tpu.memref_slice %arg8[%dma_wait3A_963] : memref<1600xi32, #tpu.memory_space<vmem>> -> memref<128xi32, #tpu.memory_space<vmem>>
      %dma_wait3A_965 = arith.constant 0 : i32
      %dma_wait3A_966 = tpu.memref_slice %arg3[%dma_wait3A_965] : memref<1000000xf32, #tpu.memory_space<hbm>> -> memref<1000000xf32, #tpu.memory_space<hbm>>
      tpu.wait_indirect_dma semaphore(%arg16 : memref<!tpu.dma_semaphore, #tpu.memory_space<semaphore_mem>>) src(%dma_wait3A_966 : memref<1000000xf32, #tpu.memory_space<hbm>>) dst(%dma_wait3A_962 : memref<128xf32, #tpu.memory_space<vmem>>)
      %dma_wait3A_967 = arith.constant 1152 : i32
      %dma_wait3A_968 = arith.constant 0 : i32
      %dma_wait3A_969 = tpu.memref_slice %arg10[%dma_wait3A_967, %dma_wait3A_968] : memref<1600x32xf32, #tpu.memory_space<vmem>> -> memref<128x32xf32, #tpu.memory_space<vmem>>
      %dma_wait3A_970 = arith.constant 1152 : i32
      %dma_wait3A_971 = tpu.memref_slice %arg8[%dma_wait3A_970] : memref<1600xi32, #tpu.memory_space<vmem>> -> memref<128xi32, #tpu.memory_space<vmem>>
      %dma_wait3A_972 = arith.constant 0 : i32
      %dma_wait3A_973 = arith.constant 0 : i32
      %dma_wait3A_974 = tpu.memref_slice %arg4[%dma_wait3A_972, %dma_wait3A_973] : memref<1000000x32xf32, #tpu.memory_space<hbm>> -> memref<1000000x32xf32, #tpu.memory_space<hbm>>
      tpu.wait_indirect_dma semaphore(%arg16 : memref<!tpu.dma_semaphore, #tpu.memory_space<semaphore_mem>>) src(%dma_wait3A_974 : memref<1000000x32xf32, #tpu.memory_space<hbm>>) dst(%dma_wait3A_969 : memref<128x32xf32, #tpu.memory_space<vmem>>)
      %dma_wait3A_975 = arith.constant 1152 : i32
      %dma_wait3A_976 = tpu.memref_slice %arg12[%dma_wait3A_975] : memref<1600xf32, #tpu.memory_space<vmem>> -> memref<128xf32, #tpu.memory_space<vmem>>
      %dma_wait3A_977 = arith.constant 1152 : i32
      %dma_wait3A_978 = tpu.memref_slice %arg8[%dma_wait3A_977] : memref<1600xi32, #tpu.memory_space<vmem>> -> memref<128xi32, #tpu.memory_space<vmem>>
      %dma_wait3A_979 = arith.constant 0 : i32
      %dma_wait3A_980 = tpu.memref_slice %arg3[%dma_wait3A_979] : memref<1000000xf32, #tpu.memory_space<hbm>> -> memref<1000000xf32, #tpu.memory_space<hbm>>
      tpu.wait_indirect_dma semaphore(%arg16 : memref<!tpu.dma_semaphore, #tpu.memory_space<semaphore_mem>>) src(%dma_wait3A_980 : memref<1000000xf32, #tpu.memory_space<hbm>>) dst(%dma_wait3A_976 : memref<128xf32, #tpu.memory_space<vmem>>)
      %dma_wait3A_981 = arith.constant 1280 : i32
      %dma_wait3A_982 = arith.constant 0 : i32
      %dma_wait3A_983 = tpu.memref_slice %arg10[%dma_wait3A_981, %dma_wait3A_982] : memref<1600x32xf32, #tpu.memory_space<vmem>> -> memref<128x32xf32, #tpu.memory_space<vmem>>
      %dma_wait3A_984 = arith.constant 1280 : i32
      %dma_wait3A_985 = tpu.memref_slice %arg8[%dma_wait3A_984] : memref<1600xi32, #tpu.memory_space<vmem>> -> memref<128xi32, #tpu.memory_space<vmem>>
      %dma_wait3A_986 = arith.constant 0 : i32
      %dma_wait3A_987 = arith.constant 0 : i32
      %dma_wait3A_988 = tpu.memref_slice %arg4[%dma_wait3A_986, %dma_wait3A_987] : memref<1000000x32xf32, #tpu.memory_space<hbm>> -> memref<1000000x32xf32, #tpu.memory_space<hbm>>
      tpu.wait_indirect_dma semaphore(%arg16 : memref<!tpu.dma_semaphore, #tpu.memory_space<semaphore_mem>>) src(%dma_wait3A_988 : memref<1000000x32xf32, #tpu.memory_space<hbm>>) dst(%dma_wait3A_983 : memref<128x32xf32, #tpu.memory_space<vmem>>)
      %dma_wait3A_989 = arith.constant 1280 : i32
      %dma_wait3A_990 = tpu.memref_slice %arg12[%dma_wait3A_989] : memref<1600xf32, #tpu.memory_space<vmem>> -> memref<128xf32, #tpu.memory_space<vmem>>
      %dma_wait3A_991 = arith.constant 1280 : i32
      %dma_wait3A_992 = tpu.memref_slice %arg8[%dma_wait3A_991] : memref<1600xi32, #tpu.memory_space<vmem>> -> memref<128xi32, #tpu.memory_space<vmem>>
      %dma_wait3A_993 = arith.constant 0 : i32
      %dma_wait3A_994 = tpu.memref_slice %arg3[%dma_wait3A_993] : memref<1000000xf32, #tpu.memory_space<hbm>> -> memref<1000000xf32, #tpu.memory_space<hbm>>
      tpu.wait_indirect_dma semaphore(%arg16 : memref<!tpu.dma_semaphore, #tpu.memory_space<semaphore_mem>>) src(%dma_wait3A_994 : memref<1000000xf32, #tpu.memory_space<hbm>>) dst(%dma_wait3A_990 : memref<128xf32, #tpu.memory_space<vmem>>)
      %dma_wait3A_995 = arith.constant 1408 : i32
      %dma_wait3A_996 = arith.constant 0 : i32
      %dma_wait3A_997 = tpu.memref_slice %arg10[%dma_wait3A_995, %dma_wait3A_996] : memref<1600x32xf32, #tpu.memory_space<vmem>> -> memref<128x32xf32, #tpu.memory_space<vmem>>
      %dma_wait3A_998 = arith.constant 1408 : i32
      %dma_wait3A_999 = tpu.memref_slice %arg8[%dma_wait3A_998] : memref<1600xi32, #tpu.memory_space<vmem>> -> memref<128xi32, #tpu.memory_space<vmem>>
      %dma_wait3A_1000 = arith.constant 0 : i32
      %dma_wait3A_1001 = arith.constant 0 : i32
      %dma_wait3A_1002 = tpu.memref_slice %arg4[%dma_wait3A_1000, %dma_wait3A_1001] : memref<1000000x32xf32, #tpu.memory_space<hbm>> -> memref<1000000x32xf32, #tpu.memory_space<hbm>>
      tpu.wait_indirect_dma semaphore(%arg16 : memref<!tpu.dma_semaphore, #tpu.memory_space<semaphore_mem>>) src(%dma_wait3A_1002 : memref<1000000x32xf32, #tpu.memory_space<hbm>>) dst(%dma_wait3A_997 : memref<128x32xf32, #tpu.memory_space<vmem>>)
      %dma_wait3A_1003 = arith.constant 1408 : i32
      %dma_wait3A_1004 = tpu.memref_slice %arg12[%dma_wait3A_1003] : memref<1600xf32, #tpu.memory_space<vmem>> -> memref<128xf32, #tpu.memory_space<vmem>>
      %dma_wait3A_1005 = arith.constant 1408 : i32
      %dma_wait3A_1006 = tpu.memref_slice %arg8[%dma_wait3A_1005] : memref<1600xi32, #tpu.memory_space<vmem>> -> memref<128xi32, #tpu.memory_space<vmem>>
      %dma_wait3A_1007 = arith.constant 0 : i32
      %dma_wait3A_1008 = tpu.memref_slice %arg3[%dma_wait3A_1007] : memref<1000000xf32, #tpu.memory_space<hbm>> -> memref<1000000xf32, #tpu.memory_space<hbm>>
      tpu.wait_indirect_dma semaphore(%arg16 : memref<!tpu.dma_semaphore, #tpu.memory_space<semaphore_mem>>) src(%dma_wait3A_1008 : memref<1000000xf32, #tpu.memory_space<hbm>>) dst(%dma_wait3A_1004 : memref<128xf32, #tpu.memory_space<vmem>>)
      %dma_wait3A_1009 = arith.constant 1536 : i32
      %dma_wait3A_1010 = arith.constant 0 : i32
      %dma_wait3A_1011 = tpu.memref_slice %arg10[%dma_wait3A_1009, %dma_wait3A_1010] : memref<1600x32xf32, #tpu.memory_space<vmem>> -> memref<64x32xf32, #tpu.memory_space<vmem>>
      %dma_wait3A_1012 = arith.constant 1536 : i32
      %dma_wait3A_1013 = tpu.memref_slice %arg8[%dma_wait3A_1012] : memref<1600xi32, #tpu.memory_space<vmem>> -> memref<64xi32, #tpu.memory_space<vmem>>
      %dma_wait3A_1014 = arith.constant 0 : i32
      %dma_wait3A_1015 = arith.constant 0 : i32
      %dma_wait3A_1016 = tpu.memref_slice %arg4[%dma_wait3A_1014, %dma_wait3A_1015] : memref<1000000x32xf32, #tpu.memory_space<hbm>> -> memref<1000000x32xf32, #tpu.memory_space<hbm>>
      tpu.wait_indirect_dma semaphore(%arg16 : memref<!tpu.dma_semaphore, #tpu.memory_space<semaphore_mem>>) src(%dma_wait3A_1016 : memref<1000000x32xf32, #tpu.memory_space<hbm>>) dst(%dma_wait3A_1011 : memref<64x32xf32, #tpu.memory_space<vmem>>)
      %dma_wait3A_1017 = arith.constant 1536 : i32
      %dma_wait3A_1018 = tpu.memref_slice %arg12[%dma_wait3A_1017] : memref<1600xf32, #tpu.memory_space<vmem>> -> memref<64xf32, #tpu.memory_space<vmem>>
      %dma_wait3A_1019 = arith.constant 1536 : i32
      %dma_wait3A_1020 = tpu.memref_slice %arg8[%dma_wait3A_1019] : memref<1600xi32, #tpu.memory_space<vmem>> -> memref<64xi32, #tpu.memory_space<vmem>>
      %dma_wait3A_1021 = arith.constant 0 : i32
      %dma_wait3A_1022 = tpu.memref_slice %arg3[%dma_wait3A_1021] : memref<1000000xf32, #tpu.memory_space<hbm>> -> memref<1000000xf32, #tpu.memory_space<hbm>>
      tpu.wait_indirect_dma semaphore(%arg16 : memref<!tpu.dma_semaphore, #tpu.memory_space<semaphore_mem>>) src(%dma_wait3A_1022 : memref<1000000xf32, #tpu.memory_space<hbm>>) dst(%dma_wait3A_1018 : memref<64xf32, #tpu.memory_space<vmem>>)
      %add3A_1023 = arith.constant 1 : i32
      %add3A_1024 = arith.addi %mul3A_199, %add3A_1023 : i32
      %broadcast_in_dim3A_1025 = arith.constant 0 : i32
      %broadcast_in_dim3A_1026 = vector.broadcast %broadcast_in_dim3A_1025 : i32 to vector<16xi32>
      %broadcast_in_dim3A_1027 = arith.constant 1 : i32
      %broadcast_in_dim3A_1028 = vector.broadcast %broadcast_in_dim3A_1027 : i32 to vector<16xi32>
      %broadcast_in_dim3A_1029 = arith.constant 2 : i32
      %broadcast_in_dim3A_1030 = vector.broadcast %broadcast_in_dim3A_1029 : i32 to vector<16xi32>
      %broadcast_in_dim3A_1031 = arith.constant 3 : i32
      %broadcast_in_dim3A_1032 = vector.broadcast %broadcast_in_dim3A_1031 : i32 to vector<16xi32>
      %broadcast_in_dim3A_1033 = arith.constant 4 : i32
      %broadcast_in_dim3A_1034 = vector.broadcast %broadcast_in_dim3A_1033 : i32 to vector<16xi32>
      %broadcast_in_dim3A_1035 = arith.constant 5 : i32
      %broadcast_in_dim3A_1036 = vector.broadcast %broadcast_in_dim3A_1035 : i32 to vector<16xi32>
      %broadcast_in_dim3A_1037 = arith.constant 6 : i32
      %broadcast_in_dim3A_1038 = vector.broadcast %broadcast_in_dim3A_1037 : i32 to vector<16xi32>
      %broadcast_in_dim3A_1039 = arith.constant 7 : i32
      %broadcast_in_dim3A_1040 = vector.broadcast %broadcast_in_dim3A_1039 : i32 to vector<16xi32>
      %broadcast_in_dim3A_1041 = arith.constant 8 : i32
      %broadcast_in_dim3A_1042 = vector.broadcast %broadcast_in_dim3A_1041 : i32 to vector<16xi32>
      %broadcast_in_dim3A_1043 = arith.constant 9 : i32
      %broadcast_in_dim3A_1044 = vector.broadcast %broadcast_in_dim3A_1043 : i32 to vector<16xi32>
      %broadcast_in_dim3A_1045 = arith.constant 10 : i32
      %broadcast_in_dim3A_1046 = vector.broadcast %broadcast_in_dim3A_1045 : i32 to vector<16xi32>
      %broadcast_in_dim3A_1047 = arith.constant 11 : i32
      %broadcast_in_dim3A_1048 = vector.broadcast %broadcast_in_dim3A_1047 : i32 to vector<16xi32>
      %broadcast_in_dim3A_1049 = arith.constant 12 : i32
      %broadcast_in_dim3A_1050 = vector.broadcast %broadcast_in_dim3A_1049 : i32 to vector<16xi32>
      %broadcast_in_dim3A_1051 = arith.constant 13 : i32
      %broadcast_in_dim3A_1052 = vector.broadcast %broadcast_in_dim3A_1051 : i32 to vector<16xi32>
      %broadcast_in_dim3A_1053 = arith.constant 14 : i32
      %broadcast_in_dim3A_1054 = vector.broadcast %broadcast_in_dim3A_1053 : i32 to vector<16xi32>
      %broadcast_in_dim3A_1055 = arith.constant 15 : i32
      %broadcast_in_dim3A_1056 = vector.broadcast %broadcast_in_dim3A_1055 : i32 to vector<16xi32>
      %broadcast_in_dim3A_1057 = arith.constant 16 : i32
      %broadcast_in_dim3A_1058 = vector.broadcast %broadcast_in_dim3A_1057 : i32 to vector<16xi32>
      %broadcast_in_dim3A_1059 = arith.constant 17 : i32
      %broadcast_in_dim3A_1060 = vector.broadcast %broadcast_in_dim3A_1059 : i32 to vector<16xi32>
      %broadcast_in_dim3A_1061 = arith.constant 18 : i32
      %broadcast_in_dim3A_1062 = vector.broadcast %broadcast_in_dim3A_1061 : i32 to vector<16xi32>
      %broadcast_in_dim3A_1063 = arith.constant 19 : i32
      %broadcast_in_dim3A_1064 = vector.broadcast %broadcast_in_dim3A_1063 : i32 to vector<16xi32>
      %broadcast_in_dim3A_1065 = arith.constant 20 : i32
      %broadcast_in_dim3A_1066 = vector.broadcast %broadcast_in_dim3A_1065 : i32 to vector<16xi32>
      %broadcast_in_dim3A_1067 = arith.constant 21 : i32
      %broadcast_in_dim3A_1068 = vector.broadcast %broadcast_in_dim3A_1067 : i32 to vector<16xi32>
      %broadcast_in_dim3A_1069 = arith.constant 22 : i32
      %broadcast_in_dim3A_1070 = vector.broadcast %broadcast_in_dim3A_1069 : i32 to vector<16xi32>
      %broadcast_in_dim3A_1071 = arith.constant 23 : i32
      %broadcast_in_dim3A_1072 = vector.broadcast %broadcast_in_dim3A_1071 : i32 to vector<16xi32>
      %broadcast_in_dim3A_1073 = arith.constant 24 : i32
      %broadcast_in_dim3A_1074 = vector.broadcast %broadcast_in_dim3A_1073 : i32 to vector<16xi32>
      %broadcast_in_dim3A_1075 = arith.constant 25 : i32
      %broadcast_in_dim3A_1076 = vector.broadcast %broadcast_in_dim3A_1075 : i32 to vector<16xi32>
      %broadcast_in_dim3A_1077 = arith.constant 26 : i32
      %broadcast_in_dim3A_1078 = vector.broadcast %broadcast_in_dim3A_1077 : i32 to vector<16xi32>
      %broadcast_in_dim3A_1079 = arith.constant 27 : i32
      %broadcast_in_dim3A_1080 = vector.broadcast %broadcast_in_dim3A_1079 : i32 to vector<16xi32>
      %broadcast_in_dim3A_1081 = arith.constant 28 : i32
      %broadcast_in_dim3A_1082 = vector.broadcast %broadcast_in_dim3A_1081 : i32 to vector<16xi32>
      %broadcast_in_dim3A_1083 = arith.constant 29 : i32
      %broadcast_in_dim3A_1084 = vector.broadcast %broadcast_in_dim3A_1083 : i32 to vector<16xi32>
      %broadcast_in_dim3A_1085 = arith.constant 30 : i32
      %broadcast_in_dim3A_1086 = vector.broadcast %broadcast_in_dim3A_1085 : i32 to vector<16xi32>
      %broadcast_in_dim3A_1087 = arith.constant 31 : i32
      %broadcast_in_dim3A_1088 = vector.broadcast %broadcast_in_dim3A_1087 : i32 to vector<16xi32>
      %add3A_1089 = arith.constant 0 : i32
      %add3A_1090 = vector.broadcast %add3A_1089 : i32 to vector<16xi32>
      %add3A_1091 = arith.addi %iota3A, %add3A_1090 : vector<16xi32>
      %mul3A_1092 = arith.constant 50 : i32
      %mul3A_1093 = vector.broadcast %mul3A_1092 : i32 to vector<16xi32>
      %mul3A_1094 = arith.muli %add3A_1091, %mul3A_1093 : vector<16xi32>
      %scan3A_1095 = arith.constant 0 : i32
      %scan3A_1096 = arith.constant 50 : i32
      %scan3A_1097 = arith.addi %scan3A_1095, %scan3A_1096 : i32
      %scan3A_1098 = arith.constant 1 : i32
      %scan3A_1099:37 = scf.for %scan3A_1297 = %scan3A_1095 to %scan3A_1097 step %scan3A_1098 iter_args(%scan3A_1298 = %broadcast_in_dim3A_1, %scan3A_1299 = %broadcast_in_dim3A_1, %scan3A_1300 = %broadcast_in_dim3A_1, %scan3A_1301 = %broadcast_in_dim3A_1, %scan3A_1302 = %broadcast_in_dim3A_1, %scan3A_1303 = %broadcast_in_dim3A_1, %scan3A_1304 = %broadcast_in_dim3A_1, %scan3A_1305 = %broadcast_in_dim3A_1, %scan3A_1306 = %broadcast_in_dim3A_1, %scan3A_1307 = %broadcast_in_dim3A_1, %scan3A_1308 = %broadcast_in_dim3A_1, %scan3A_1309 = %broadcast_in_dim3A_1, %scan3A_1310 = %broadcast_in_dim3A_1, %scan3A_1311 = %broadcast_in_dim3A_1, %scan3A_1312 = %broadcast_in_dim3A_1, %scan3A_1313 = %broadcast_in_dim3A_1, %scan3A_1314 = %broadcast_in_dim3A_1, %scan3A_1315 = %broadcast_in_dim3A_1, %scan3A_1316 = %broadcast_in_dim3A_1, %scan3A_1317 = %broadcast_in_dim3A_1, %scan3A_1318 = %broadcast_in_dim3A_1, %scan3A_1319 = %broadcast_in_dim3A_1, %scan3A_1320 = %broadcast_in_dim3A_1, %scan3A_1321 = %broadcast_in_dim3A_1, %scan3A_1322 = %broadcast_in_dim3A_1, %scan3A_1323 = %broadcast_in_dim3A_1, %scan3A_1324 = %broadcast_in_dim3A_1, %scan3A_1325 = %broadcast_in_dim3A_1, %scan3A_1326 = %broadcast_in_dim3A_1, %scan3A_1327 = %broadcast_in_dim3A_1, %scan3A_1328 = %broadcast_in_dim3A_1, %scan3A_1329 = %broadcast_in_dim3A_1, %scan3A_1330 = %broadcast_in_dim3A_1, %scan3A_1331 = %broadcast_in_dim3A_1, %scan3A_1332 = %broadcast_in_dim3A_1, %scan3A_1333 = %broadcast_in_dim3A_1, %scan3A_1334 = %broadcast_in_dim3A_1) -> (vector<16xf32>, vector<16xf32>, vector<16xf32>, vector<16xf32>, vector<16xf32>, vector<16xf32>, vector<16xf32>, vector<16xf32>, vector<16xf32>, vector<16xf32>, vector<16xf32>, vector<16xf32>, vector<16xf32>, vector<16xf32>, vector<16xf32>, vector<16xf32>, vector<16xf32>, vector<16xf32>, vector<16xf32>, vector<16xf32>, vector<16xf32>, vector<16xf32>, vector<16xf32>, vector<16xf32>, vector<16xf32>, vector<16xf32>, vector<16xf32>, vector<16xf32>, vector<16xf32>, vector<16xf32>, vector<16xf32>, vector<16xf32>, vector<16xf32>, vector<16xf32>, vector<16xf32>, vector<16xf32>, vector<16xf32>)  : i32 {
        %broadcast_in_dim3A_1335 = vector.broadcast %scan3A_1297 : i32 to vector<16xi32>
        %add3A_1336 = arith.addi %mul3A_1094, %broadcast_in_dim3A_1335 : vector<16xi32>
        %gather3A = tpu.vector_load_idx %arg12[%add3A_1336] : memref<1600xf32, #tpu.memory_space<vmem>>[vector<16xi32>], vector<16xf32>,
        %add3A_1337 = arith.addf %scan3A_1334, %gather3A : vector<16xf32>
        %gather3A_1338 = tpu.vector_load_idx %arg10[%add3A_1336, %broadcast_in_dim3A_1026] : memref<1600x32xf32, #tpu.memory_space<vmem>>[vector<16xi32>, vector<16xi32>], vector<16xf32>,
        %add3A_1339 = arith.addf %scan3A_1298, %gather3A_1338 : vector<16xf32>
        %mul3A_1340 = arith.mulf %gather3A_1338, %gather3A_1338 : vector<16xf32>
        %add3A_1341 = arith.addf %scan3A_1330, %mul3A_1340 : vector<16xf32>
        %gather3A_1342 = tpu.vector_load_idx %arg10[%add3A_1336, %broadcast_in_dim3A_1028] : memref<1600x32xf32, #tpu.memory_space<vmem>>[vector<16xi32>, vector<16xi32>], vector<16xf32>,
        %add3A_1343 = arith.addf %scan3A_1299, %gather3A_1342 : vector<16xf32>
        %mul3A_1344 = arith.mulf %gather3A_1342, %gather3A_1342 : vector<16xf32>
        %add3A_1345 = arith.addf %scan3A_1331, %mul3A_1344 : vector<16xf32>
        %gather3A_1346 = tpu.vector_load_idx %arg10[%add3A_1336, %broadcast_in_dim3A_1030] : memref<1600x32xf32, #tpu.memory_space<vmem>>[vector<16xi32>, vector<16xi32>], vector<16xf32>,
        %add3A_1347 = arith.addf %scan3A_1300, %gather3A_1346 : vector<16xf32>
        %mul3A_1348 = arith.mulf %gather3A_1346, %gather3A_1346 : vector<16xf32>
        %add3A_1349 = arith.addf %scan3A_1332, %mul3A_1348 : vector<16xf32>
        %gather3A_1350 = tpu.vector_load_idx %arg10[%add3A_1336, %broadcast_in_dim3A_1032] : memref<1600x32xf32, #tpu.memory_space<vmem>>[vector<16xi32>, vector<16xi32>], vector<16xf32>,
        %add3A_1351 = arith.addf %scan3A_1301, %gather3A_1350 : vector<16xf32>
        %mul3A_1352 = arith.mulf %gather3A_1350, %gather3A_1350 : vector<16xf32>
        %add3A_1353 = arith.addf %scan3A_1333, %mul3A_1352 : vector<16xf32>
        %gather3A_1354 = tpu.vector_load_idx %arg10[%add3A_1336, %broadcast_in_dim3A_1034] : memref<1600x32xf32, #tpu.memory_space<vmem>>[vector<16xi32>, vector<16xi32>], vector<16xf32>,
        %add3A_1355 = arith.addf %scan3A_1302, %gather3A_1354 : vector<16xf32>
        %mul3A_1356 = arith.mulf %gather3A_1354, %gather3A_1354 : vector<16xf32>
        %add3A_1357 = arith.addf %add3A_1341, %mul3A_1356 : vector<16xf32>
        %gather3A_1358 = tpu.vector_load_idx %arg10[%add3A_1336, %broadcast_in_dim3A_1036] : memref<1600x32xf32, #tpu.memory_space<vmem>>[vector<16xi32>, vector<16xi32>], vector<16xf32>,
        %add3A_1359 = arith.addf %scan3A_1303, %gather3A_1358 : vector<16xf32>
        %mul3A_1360 = arith.mulf %gather3A_1358, %gather3A_1358 : vector<16xf32>
        %add3A_1361 = arith.addf %add3A_1345, %mul3A_1360 : vector<16xf32>
        %gather3A_1362 = tpu.vector_load_idx %arg10[%add3A_1336, %broadcast_in_dim3A_1038] : memref<1600x32xf32, #tpu.memory_space<vmem>>[vector<16xi32>, vector<16xi32>], vector<16xf32>,
        %add3A_1363 = arith.addf %scan3A_1304, %gather3A_1362 : vector<16xf32>
        %mul3A_1364 = arith.mulf %gather3A_1362, %gather3A_1362 : vector<16xf32>
        %add3A_1365 = arith.addf %add3A_1349, %mul3A_1364 : vector<16xf32>
        %gather3A_1366 = tpu.vector_load_idx %arg10[%add3A_1336, %broadcast_in_dim3A_1040] : memref<1600x32xf32, #tpu.memory_space<vmem>>[vector<16xi32>, vector<16xi32>], vector<16xf32>,
        %add3A_1367 = arith.addf %scan3A_1305, %gather3A_1366 : vector<16xf32>
        %mul3A_1368 = arith.mulf %gather3A_1366, %gather3A_1366 : vector<16xf32>
        %add3A_1369 = arith.addf %add3A_1353, %mul3A_1368 : vector<16xf32>
        %gather3A_1370 = tpu.vector_load_idx %arg10[%add3A_1336, %broadcast_in_dim3A_1042] : memref<1600x32xf32, #tpu.memory_space<vmem>>[vector<16xi32>, vector<16xi32>], vector<16xf32>,
        %add3A_1371 = arith.addf %scan3A_1306, %gather3A_1370 : vector<16xf32>
        %mul3A_1372 = arith.mulf %gather3A_1370, %gather3A_1370 : vector<16xf32>
        %add3A_1373 = arith.addf %add3A_1357, %mul3A_1372 : vector<16xf32>
        %gather3A_1374 = tpu.vector_load_idx %arg10[%add3A_1336, %broadcast_in_dim3A_1044] : memref<1600x32xf32, #tpu.memory_space<vmem>>[vector<16xi32>, vector<16xi32>], vector<16xf32>,
        %add3A_1375 = arith.addf %scan3A_1307, %gather3A_1374 : vector<16xf32>
        %mul3A_1376 = arith.mulf %gather3A_1374, %gather3A_1374 : vector<16xf32>
        %add3A_1377 = arith.addf %add3A_1361, %mul3A_1376 : vector<16xf32>
        %gather3A_1378 = tpu.vector_load_idx %arg10[%add3A_1336, %broadcast_in_dim3A_1046] : memref<1600x32xf32, #tpu.memory_space<vmem>>[vector<16xi32>, vector<16xi32>], vector<16xf32>,
        %add3A_1379 = arith.addf %scan3A_1308, %gather3A_1378 : vector<16xf32>
        %mul3A_1380 = arith.mulf %gather3A_1378, %gather3A_1378 : vector<16xf32>
        %add3A_1381 = arith.addf %add3A_1365, %mul3A_1380 : vector<16xf32>
        %gather3A_1382 = tpu.vector_load_idx %arg10[%add3A_1336, %broadcast_in_dim3A_1048] : memref<1600x32xf32, #tpu.memory_space<vmem>>[vector<16xi32>, vector<16xi32>], vector<16xf32>,
        %add3A_1383 = arith.addf %scan3A_1309, %gather3A_1382 : vector<16xf32>
        %mul3A_1384 = arith.mulf %gather3A_1382, %gather3A_1382 : vector<16xf32>
        %add3A_1385 = arith.addf %add3A_1369, %mul3A_1384 : vector<16xf32>
        %gather3A_1386 = tpu.vector_load_idx %arg10[%add3A_1336, %broadcast_in_dim3A_1050] : memref<1600x32xf32, #tpu.memory_space<vmem>>[vector<16xi32>, vector<16xi32>], vector<16xf32>,
        %add3A_1387 = arith.addf %scan3A_1310, %gather3A_1386 : vector<16xf32>
        %mul3A_1388 = arith.mulf %gather3A_1386, %gather3A_1386 : vector<16xf32>
        %add3A_1389 = arith.addf %add3A_1373, %mul3A_1388 : vector<16xf32>
        %gather3A_1390 = tpu.vector_load_idx %arg10[%add3A_1336, %broadcast_in_dim3A_1052] : memref<1600x32xf32, #tpu.memory_space<vmem>>[vector<16xi32>, vector<16xi32>], vector<16xf32>,
        %add3A_1391 = arith.addf %scan3A_1311, %gather3A_1390 : vector<16xf32>
        %mul3A_1392 = arith.mulf %gather3A_1390, %gather3A_1390 : vector<16xf32>
        %add3A_1393 = arith.addf %add3A_1377, %mul3A_1392 : vector<16xf32>
        %gather3A_1394 = tpu.vector_load_idx %arg10[%add3A_1336, %broadcast_in_dim3A_1054] : memref<1600x32xf32, #tpu.memory_space<vmem>>[vector<16xi32>, vector<16xi32>], vector<16xf32>,
        %add3A_1395 = arith.addf %scan3A_1312, %gather3A_1394 : vector<16xf32>
        %mul3A_1396 = arith.mulf %gather3A_1394, %gather3A_1394 : vector<16xf32>
        %add3A_1397 = arith.addf %add3A_1381, %mul3A_1396 : vector<16xf32>
        %gather3A_1398 = tpu.vector_load_idx %arg10[%add3A_1336, %broadcast_in_dim3A_1056] : memref<1600x32xf32, #tpu.memory_space<vmem>>[vector<16xi32>, vector<16xi32>], vector<16xf32>,
        %add3A_1399 = arith.addf %scan3A_1313, %gather3A_1398 : vector<16xf32>
        %mul3A_1400 = arith.mulf %gather3A_1398, %gather3A_1398 : vector<16xf32>
        %add3A_1401 = arith.addf %add3A_1385, %mul3A_1400 : vector<16xf32>
        %gather3A_1402 = tpu.vector_load_idx %arg10[%add3A_1336, %broadcast_in_dim3A_1058] : memref<1600x32xf32, #tpu.memory_space<vmem>>[vector<16xi32>, vector<16xi32>], vector<16xf32>,
        %add3A_1403 = arith.addf %scan3A_1314, %gather3A_1402 : vector<16xf32>
        %mul3A_1404 = arith.mulf %gather3A_1402, %gather3A_1402 : vector<16xf32>
        %add3A_1405 = arith.addf %add3A_1389, %mul3A_1404 : vector<16xf32>
        %gather3A_1406 = tpu.vector_load_idx %arg10[%add3A_1336, %broadcast_in_dim3A_1060] : memref<1600x32xf32, #tpu.memory_space<vmem>>[vector<16xi32>, vector<16xi32>], vector<16xf32>,
        %add3A_1407 = arith.addf %scan3A_1315, %gather3A_1406 : vector<16xf32>
        %mul3A_1408 = arith.mulf %gather3A_1406, %gather3A_1406 : vector<16xf32>
        %add3A_1409 = arith.addf %add3A_1393, %mul3A_1408 : vector<16xf32>
        %gather3A_1410 = tpu.vector_load_idx %arg10[%add3A_1336, %broadcast_in_dim3A_1062] : memref<1600x32xf32, #tpu.memory_space<vmem>>[vector<16xi32>, vector<16xi32>], vector<16xf32>,
        %add3A_1411 = arith.addf %scan3A_1316, %gather3A_1410 : vector<16xf32>
        %mul3A_1412 = arith.mulf %gather3A_1410, %gather3A_1410 : vector<16xf32>
        %add3A_1413 = arith.addf %add3A_1397, %mul3A_1412 : vector<16xf32>
        %gather3A_1414 = tpu.vector_load_idx %arg10[%add3A_1336, %broadcast_in_dim3A_1064] : memref<1600x32xf32, #tpu.memory_space<vmem>>[vector<16xi32>, vector<16xi32>], vector<16xf32>,
        %add3A_1415 = arith.addf %scan3A_1317, %gather3A_1414 : vector<16xf32>
        %mul3A_1416 = arith.mulf %gather3A_1414, %gather3A_1414 : vector<16xf32>
        %add3A_1417 = arith.addf %add3A_1401, %mul3A_1416 : vector<16xf32>
        %gather3A_1418 = tpu.vector_load_idx %arg10[%add3A_1336, %broadcast_in_dim3A_1066] : memref<1600x32xf32, #tpu.memory_space<vmem>>[vector<16xi32>, vector<16xi32>], vector<16xf32>,
        %add3A_1419 = arith.addf %scan3A_1318, %gather3A_1418 : vector<16xf32>
        %mul3A_1420 = arith.mulf %gather3A_1418, %gather3A_1418 : vector<16xf32>
        %add3A_1421 = arith.addf %add3A_1405, %mul3A_1420 : vector<16xf32>
        %gather3A_1422 = tpu.vector_load_idx %arg10[%add3A_1336, %broadcast_in_dim3A_1068] : memref<1600x32xf32, #tpu.memory_space<vmem>>[vector<16xi32>, vector<16xi32>], vector<16xf32>,
        %add3A_1423 = arith.addf %scan3A_1319, %gather3A_1422 : vector<16xf32>
        %mul3A_1424 = arith.mulf %gather3A_1422, %gather3A_1422 : vector<16xf32>
        %add3A_1425 = arith.addf %add3A_1409, %mul3A_1424 : vector<16xf32>
        %gather3A_1426 = tpu.vector_load_idx %arg10[%add3A_1336, %broadcast_in_dim3A_1070] : memref<1600x32xf32, #tpu.memory_space<vmem>>[vector<16xi32>, vector<16xi32>], vector<16xf32>,
        %add3A_1427 = arith.addf %scan3A_1320, %gather3A_1426 : vector<16xf32>
        %mul3A_1428 = arith.mulf %gather3A_1426, %gather3A_1426 : vector<16xf32>
        %add3A_1429 = arith.addf %add3A_1413, %mul3A_1428 : vector<16xf32>
        %gather3A_1430 = tpu.vector_load_idx %arg10[%add3A_1336, %broadcast_in_dim3A_1072] : memref<1600x32xf32, #tpu.memory_space<vmem>>[vector<16xi32>, vector<16xi32>], vector<16xf32>,
        %add3A_1431 = arith.addf %scan3A_1321, %gather3A_1430 : vector<16xf32>
        %mul3A_1432 = arith.mulf %gather3A_1430, %gather3A_1430 : vector<16xf32>
        %add3A_1433 = arith.addf %add3A_1417, %mul3A_1432 : vector<16xf32>
        %gather3A_1434 = tpu.vector_load_idx %arg10[%add3A_1336, %broadcast_in_dim3A_1074] : memref<1600x32xf32, #tpu.memory_space<vmem>>[vector<16xi32>, vector<16xi32>], vector<16xf32>,
        %add3A_1435 = arith.addf %scan3A_1322, %gather3A_1434 : vector<16xf32>
        %mul3A_1436 = arith.mulf %gather3A_1434, %gather3A_1434 : vector<16xf32>
        %add3A_1437 = arith.addf %add3A_1421, %mul3A_1436 : vector<16xf32>
        %gather3A_1438 = tpu.vector_load_idx %arg10[%add3A_1336, %broadcast_in_dim3A_1076] : memref<1600x32xf32, #tpu.memory_space<vmem>>[vector<16xi32>, vector<16xi32>], vector<16xf32>,
        %add3A_1439 = arith.addf %scan3A_1323, %gather3A_1438 : vector<16xf32>
        %mul3A_1440 = arith.mulf %gather3A_1438, %gather3A_1438 : vector<16xf32>
        %add3A_1441 = arith.addf %add3A_1425, %mul3A_1440 : vector<16xf32>
        %gather3A_1442 = tpu.vector_load_idx %arg10[%add3A_1336, %broadcast_in_dim3A_1078] : memref<1600x32xf32, #tpu.memory_space<vmem>>[vector<16xi32>, vector<16xi32>], vector<16xf32>,
        %add3A_1443 = arith.addf %scan3A_1324, %gather3A_1442 : vector<16xf32>
        %mul3A_1444 = arith.mulf %gather3A_1442, %gather3A_1442 : vector<16xf32>
        %add3A_1445 = arith.addf %add3A_1429, %mul3A_1444 : vector<16xf32>
        %gather3A_1446 = tpu.vector_load_idx %arg10[%add3A_1336, %broadcast_in_dim3A_1080] : memref<1600x32xf32, #tpu.memory_space<vmem>>[vector<16xi32>, vector<16xi32>], vector<16xf32>,
        %add3A_1447 = arith.addf %scan3A_1325, %gather3A_1446 : vector<16xf32>
        %mul3A_1448 = arith.mulf %gather3A_1446, %gather3A_1446 : vector<16xf32>
        %add3A_1449 = arith.addf %add3A_1433, %mul3A_1448 : vector<16xf32>
        %gather3A_1450 = tpu.vector_load_idx %arg10[%add3A_1336, %broadcast_in_dim3A_1082] : memref<1600x32xf32, #tpu.memory_space<vmem>>[vector<16xi32>, vector<16xi32>], vector<16xf32>,
        %add3A_1451 = arith.addf %scan3A_1326, %gather3A_1450 : vector<16xf32>
        %mul3A_1452 = arith.mulf %gather3A_1450, %gather3A_1450 : vector<16xf32>
        %add3A_1453 = arith.addf %add3A_1437, %mul3A_1452 : vector<16xf32>
        %gather3A_1454 = tpu.vector_load_idx %arg10[%add3A_1336, %broadcast_in_dim3A_1084] : memref<1600x32xf32, #tpu.memory_space<vmem>>[vector<16xi32>, vector<16xi32>], vector<16xf32>,
        %add3A_1455 = arith.addf %scan3A_1327, %gather3A_1454 : vector<16xf32>
        %mul3A_1456 = arith.mulf %gather3A_1454, %gather3A_1454 : vector<16xf32>
        %add3A_1457 = arith.addf %add3A_1441, %mul3A_1456 : vector<16xf32>
        %gather3A_1458 = tpu.vector_load_idx %arg10[%add3A_1336, %broadcast_in_dim3A_1086] : memref<1600x32xf32, #tpu.memory_space<vmem>>[vector<16xi32>, vector<16xi32>], vector<16xf32>,
        %add3A_1459 = arith.addf %scan3A_1328, %gather3A_1458 : vector<16xf32>
        %mul3A_1460 = arith.mulf %gather3A_1458, %gather3A_1458 : vector<16xf32>
        %add3A_1461 = arith.addf %add3A_1445, %mul3A_1460 : vector<16xf32>
        %gather3A_1462 = tpu.vector_load_idx %arg10[%add3A_1336, %broadcast_in_dim3A_1088] : memref<1600x32xf32, #tpu.memory_space<vmem>>[vector<16xi32>, vector<16xi32>], vector<16xf32>,
        %add3A_1463 = arith.addf %scan3A_1329, %gather3A_1462 : vector<16xf32>
        %mul3A_1464 = arith.mulf %gather3A_1462, %gather3A_1462 : vector<16xf32>
        %add3A_1465 = arith.addf %add3A_1449, %mul3A_1464 : vector<16xf32>
        scf.yield %add3A_1339, %add3A_1343, %add3A_1347, %add3A_1351, %add3A_1355, %add3A_1359, %add3A_1363, %add3A_1367, %add3A_1371, %add3A_1375, %add3A_1379, %add3A_1383, %add3A_1387, %add3A_1391, %add3A_1395, %add3A_1399, %add3A_1403, %add3A_1407, %add3A_1411, %add3A_1415, %add3A_1419, %add3A_1423, %add3A_1427, %add3A_1431, %add3A_1435, %add3A_1439, %add3A_1443, %add3A_1447, %add3A_1451, %add3A_1455, %add3A_1459, %add3A_1463, %add3A_1453, %add3A_1457, %add3A_1461, %add3A_1465, %add3A_1337 : vector<16xf32>, vector<16xf32>, vector<16xf32>, vector<16xf32>, vector<16xf32>, vector<16xf32>, vector<16xf32>, vector<16xf32>, vector<16xf32>, vector<16xf32>, vector<16xf32>, vector<16xf32>, vector<16xf32>, vector<16xf32>, vector<16xf32>, vector<16xf32>, vector<16xf32>, vector<16xf32>, vector<16xf32>, vector<16xf32>, vector<16xf32>, vector<16xf32>, vector<16xf32>, vector<16xf32>, vector<16xf32>, vector<16xf32>, vector<16xf32>, vector<16xf32>, vector<16xf32>, vector<16xf32>, vector<16xf32>, vector<16xf32>, vector<16xf32>, vector<16xf32>, vector<16xf32>, vector<16xf32>, vector<16xf32>
      }
      %scan3A_1100 = arith.constant 50 : i32
      %add3A_1101 = arith.addf %scan3A_1099#32, %scan3A_1099#33 : vector<16xf32>
      %add3A_1102 = arith.addf %scan3A_1099#34, %scan3A_1099#35 : vector<16xf32>
      %add3A_1103 = arith.addf %add3A_1101, %add3A_1102 : vector<16xf32>
      %mul3A_1104 = arith.mulf %scan3A_1099#0, %scan3A_1099#0 : vector<16xf32>
      %add3A_1105 = arith.addf %broadcast_in_dim3A_1, %mul3A_1104 : vector<16xf32>
      %mul3A_1106 = arith.mulf %scan3A_1099#1, %scan3A_1099#1 : vector<16xf32>
      %add3A_1107 = arith.addf %broadcast_in_dim3A_1, %mul3A_1106 : vector<16xf32>
      %mul3A_1108 = arith.mulf %scan3A_1099#2, %scan3A_1099#2 : vector<16xf32>
      %add3A_1109 = arith.addf %broadcast_in_dim3A_1, %mul3A_1108 : vector<16xf32>
      %mul3A_1110 = arith.mulf %scan3A_1099#3, %scan3A_1099#3 : vector<16xf32>
      %add3A_1111 = arith.addf %broadcast_in_dim3A_1, %mul3A_1110 : vector<16xf32>
      %mul3A_1112 = arith.mulf %scan3A_1099#4, %scan3A_1099#4 : vector<16xf32>
      %add3A_1113 = arith.addf %add3A_1105, %mul3A_1112 : vector<16xf32>
      %mul3A_1114 = arith.mulf %scan3A_1099#5, %scan3A_1099#5 : vector<16xf32>
      %add3A_1115 = arith.addf %add3A_1107, %mul3A_1114 : vector<16xf32>
      %mul3A_1116 = arith.mulf %scan3A_1099#6, %scan3A_1099#6 : vector<16xf32>
      %add3A_1117 = arith.addf %add3A_1109, %mul3A_1116 : vector<16xf32>
      %mul3A_1118 = arith.mulf %scan3A_1099#7, %scan3A_1099#7 : vector<16xf32>
      %add3A_1119 = arith.addf %add3A_1111, %mul3A_1118 : vector<16xf32>
      %mul3A_1120 = arith.mulf %scan3A_1099#8, %scan3A_1099#8 : vector<16xf32>
      %add3A_1121 = arith.addf %add3A_1113, %mul3A_1120 : vector<16xf32>
      %mul3A_1122 = arith.mulf %scan3A_1099#9, %scan3A_1099#9 : vector<16xf32>
      %add3A_1123 = arith.addf %add3A_1115, %mul3A_1122 : vector<16xf32>
      %mul3A_1124 = arith.mulf %scan3A_1099#10, %scan3A_1099#10 : vector<16xf32>
      %add3A_1125 = arith.addf %add3A_1117, %mul3A_1124 : vector<16xf32>
      %mul3A_1126 = arith.mulf %scan3A_1099#11, %scan3A_1099#11 : vector<16xf32>
      %add3A_1127 = arith.addf %add3A_1119, %mul3A_1126 : vector<16xf32>
      %mul3A_1128 = arith.mulf %scan3A_1099#12, %scan3A_1099#12 : vector<16xf32>
      %add3A_1129 = arith.addf %add3A_1121, %mul3A_1128 : vector<16xf32>
      %mul3A_1130 = arith.mulf %scan3A_1099#13, %scan3A_1099#13 : vector<16xf32>
      %add3A_1131 = arith.addf %add3A_1123, %mul3A_1130 : vector<16xf32>
      %mul3A_1132 = arith.mulf %scan3A_1099#14, %scan3A_1099#14 : vector<16xf32>
      %add3A_1133 = arith.addf %add3A_1125, %mul3A_1132 : vector<16xf32>
      %mul3A_1134 = arith.mulf %scan3A_1099#15, %scan3A_1099#15 : vector<16xf32>
      %add3A_1135 = arith.addf %add3A_1127, %mul3A_1134 : vector<16xf32>
      %mul3A_1136 = arith.mulf %scan3A_1099#16, %scan3A_1099#16 : vector<16xf32>
      %add3A_1137 = arith.addf %add3A_1129, %mul3A_1136 : vector<16xf32>
      %mul3A_1138 = arith.mulf %scan3A_1099#17, %scan3A_1099#17 : vector<16xf32>
      %add3A_1139 = arith.addf %add3A_1131, %mul3A_1138 : vector<16xf32>
      %mul3A_1140 = arith.mulf %scan3A_1099#18, %scan3A_1099#18 : vector<16xf32>
      %add3A_1141 = arith.addf %add3A_1133, %mul3A_1140 : vector<16xf32>
      %mul3A_1142 = arith.mulf %scan3A_1099#19, %scan3A_1099#19 : vector<16xf32>
      %add3A_1143 = arith.addf %add3A_1135, %mul3A_1142 : vector<16xf32>
      %mul3A_1144 = arith.mulf %scan3A_1099#20, %scan3A_1099#20 : vector<16xf32>
      %add3A_1145 = arith.addf %add3A_1137, %mul3A_1144 : vector<16xf32>
      %mul3A_1146 = arith.mulf %scan3A_1099#21, %scan3A_1099#21 : vector<16xf32>
      %add3A_1147 = arith.addf %add3A_1139, %mul3A_1146 : vector<16xf32>
      %mul3A_1148 = arith.mulf %scan3A_1099#22, %scan3A_1099#22 : vector<16xf32>
      %add3A_1149 = arith.addf %add3A_1141, %mul3A_1148 : vector<16xf32>
      %mul3A_1150 = arith.mulf %scan3A_1099#23, %scan3A_1099#23 : vector<16xf32>
      %add3A_1151 = arith.addf %add3A_1143, %mul3A_1150 : vector<16xf32>
      %mul3A_1152 = arith.mulf %scan3A_1099#24, %scan3A_1099#24 : vector<16xf32>
      %add3A_1153 = arith.addf %add3A_1145, %mul3A_1152 : vector<16xf32>
      %mul3A_1154 = arith.mulf %scan3A_1099#25, %scan3A_1099#25 : vector<16xf32>
      %add3A_1155 = arith.addf %add3A_1147, %mul3A_1154 : vector<16xf32>
      %mul3A_1156 = arith.mulf %scan3A_1099#26, %scan3A_1099#26 : vector<16xf32>
      %add3A_1157 = arith.addf %add3A_1149, %mul3A_1156 : vector<16xf32>
      %mul3A_1158 = arith.mulf %scan3A_1099#27, %scan3A_1099#27 : vector<16xf32>
      %add3A_1159 = arith.addf %add3A_1151, %mul3A_1158 : vector<16xf32>
      %mul3A_1160 = arith.mulf %scan3A_1099#28, %scan3A_1099#28 : vector<16xf32>
      %add3A_1161 = arith.addf %add3A_1153, %mul3A_1160 : vector<16xf32>
      %mul3A_1162 = arith.mulf %scan3A_1099#29, %scan3A_1099#29 : vector<16xf32>
      %add3A_1163 = arith.addf %add3A_1155, %mul3A_1162 : vector<16xf32>
      %mul3A_1164 = arith.mulf %scan3A_1099#30, %scan3A_1099#30 : vector<16xf32>
      %add3A_1165 = arith.addf %add3A_1157, %mul3A_1164 : vector<16xf32>
      %mul3A_1166 = arith.mulf %scan3A_1099#31, %scan3A_1099#31 : vector<16xf32>
      %add3A_1167 = arith.addf %add3A_1159, %mul3A_1166 : vector<16xf32>
      %add3A_1168 = arith.addf %add3A_1161, %add3A_1163 : vector<16xf32>
      %add3A_1169 = arith.addf %add3A_1165, %add3A_1167 : vector<16xf32>
      %add3A_1170 = arith.addf %add3A_1168, %add3A_1169 : vector<16xf32>
      %sub3A_1171 = arith.subf %add3A_1103, %add3A_1170 : vector<16xf32>
      %mul3A_1172 = arith.constant 5.000000e-01 : f32
      %mul3A_1173 = vector.broadcast %mul3A_1172 : f32 to vector<16xf32>
      %mul3A_1174 = arith.mulf %mul3A_1173, %sub3A_1171 : vector<16xf32>
      %add3A_1175 = arith.addf %scan3A_1099#36, %mul3A_1174 : vector<16xf32>
      %add3A_1176 = arith.addf %add3A_1175, %get3A_2 : vector<16xf32>
      %neg3A_1177 = arith.constant 0.000000e+00 : f32
      %neg3A_1178 = vector.broadcast %neg3A_1177 : f32 to vector<16xf32>
      %neg3A_1179 = arith.subf %neg3A_1178, %add3A_1176 : vector<16xf32>
      %exp3A_1180 = math.exp %neg3A_1179 : vector<16xf32>
      %add3A_1181 = arith.constant 1.000000e+00 : f32
      %add3A_1182 = vector.broadcast %add3A_1181 : f32 to vector<16xf32>
      %add3A_1183 = arith.addf %add3A_1182, %exp3A_1180 : vector<16xf32>
      %div3A_1184 = arith.constant 1.000000e+00 : f32
      %div3A_1185 = vector.broadcast %div3A_1184 : f32 to vector<16xf32>
      %div3A_1186 = arith.divf %div3A_1185, %add3A_1183 : vector<16xf32>
      %mul3A_1187 = arith.constant 32 : i32
      %mul3A_1188 = arith.muli %add3A_1024, %mul3A_1187 : i32
      %add3A_1189 = arith.constant 0 : i32
      %add3A_1190 = arith.addi %mul3A_1188, %add3A_1189 : i32
      %swap3A_1191 = arith.index_cast %add3A_1190 : i32 to index
      %swap3A_1192 = tpu.vector_load %arg14[%swap3A_1191] {strides = array<i32>} : memref<512xf32, #tpu.memory_space<vmem>>, vector<16xf32>,
      tpu.vector_store %arg14[%swap3A_1191], %div3A_1186 {strides = array<i32>} : memref<512xf32, #tpu.memory_space<vmem>>, vector<16xf32>,
      %add3A_1193 = arith.constant 16 : i32
      %add3A_1194 = vector.broadcast %add3A_1193 : i32 to vector<16xi32>
      %add3A_1195 = arith.addi %iota3A, %add3A_1194 : vector<16xi32>
      %mul3A_1196 = arith.constant 50 : i32
      %mul3A_1197 = vector.broadcast %mul3A_1196 : i32 to vector<16xi32>
      %mul3A_1198 = arith.muli %add3A_1195, %mul3A_1197 : vector<16xi32>
      %scan3A_1199 = arith.constant 0 : i32
      %scan3A_1200 = arith.constant 50 : i32
      %scan3A_1201 = arith.addi %scan3A_1199, %scan3A_1200 : i32
      %scan3A_1202 = arith.constant 1 : i32
      %scan3A_1203:37 = scf.for %scan3A_1297 = %scan3A_1199 to %scan3A_1201 step %scan3A_1202 iter_args(%scan3A_1298 = %broadcast_in_dim3A_1, %scan3A_1299 = %broadcast_in_dim3A_1, %scan3A_1300 = %broadcast_in_dim3A_1, %scan3A_1301 = %broadcast_in_dim3A_1, %scan3A_1302 = %broadcast_in_dim3A_1, %scan3A_1303 = %broadcast_in_dim3A_1, %scan3A_1304 = %broadcast_in_dim3A_1, %scan3A_1305 = %broadcast_in_dim3A_1, %scan3A_1306 = %broadcast_in_dim3A_1, %scan3A_1307 = %broadcast_in_dim3A_1, %scan3A_1308 = %broadcast_in_dim3A_1, %scan3A_1309 = %broadcast_in_dim3A_1, %scan3A_1310 = %broadcast_in_dim3A_1, %scan3A_1311 = %broadcast_in_dim3A_1, %scan3A_1312 = %broadcast_in_dim3A_1, %scan3A_1313 = %broadcast_in_dim3A_1, %scan3A_1314 = %broadcast_in_dim3A_1, %scan3A_1315 = %broadcast_in_dim3A_1, %scan3A_1316 = %broadcast_in_dim3A_1, %scan3A_1317 = %broadcast_in_dim3A_1, %scan3A_1318 = %broadcast_in_dim3A_1, %scan3A_1319 = %broadcast_in_dim3A_1, %scan3A_1320 = %broadcast_in_dim3A_1, %scan3A_1321 = %broadcast_in_dim3A_1, %scan3A_1322 = %broadcast_in_dim3A_1, %scan3A_1323 = %broadcast_in_dim3A_1, %scan3A_1324 = %broadcast_in_dim3A_1, %scan3A_1325 = %broadcast_in_dim3A_1, %scan3A_1326 = %broadcast_in_dim3A_1, %scan3A_1327 = %broadcast_in_dim3A_1, %scan3A_1328 = %broadcast_in_dim3A_1, %scan3A_1329 = %broadcast_in_dim3A_1, %scan3A_1330 = %broadcast_in_dim3A_1, %scan3A_1331 = %broadcast_in_dim3A_1, %scan3A_1332 = %broadcast_in_dim3A_1, %scan3A_1333 = %broadcast_in_dim3A_1, %scan3A_1334 = %broadcast_in_dim3A_1) -> (vector<16xf32>, vector<16xf32>, vector<16xf32>, vector<16xf32>, vector<16xf32>, vector<16xf32>, vector<16xf32>, vector<16xf32>, vector<16xf32>, vector<16xf32>, vector<16xf32>, vector<16xf32>, vector<16xf32>, vector<16xf32>, vector<16xf32>, vector<16xf32>, vector<16xf32>, vector<16xf32>, vector<16xf32>, vector<16xf32>, vector<16xf32>, vector<16xf32>, vector<16xf32>, vector<16xf32>, vector<16xf32>, vector<16xf32>, vector<16xf32>, vector<16xf32>, vector<16xf32>, vector<16xf32>, vector<16xf32>, vector<16xf32>, vector<16xf32>, vector<16xf32>, vector<16xf32>, vector<16xf32>, vector<16xf32>)  : i32 {
        %broadcast_in_dim3A_1335 = vector.broadcast %scan3A_1297 : i32 to vector<16xi32>
        %add3A_1336 = arith.addi %mul3A_1198, %broadcast_in_dim3A_1335 : vector<16xi32>
        %gather3A = tpu.vector_load_idx %arg12[%add3A_1336] : memref<1600xf32, #tpu.memory_space<vmem>>[vector<16xi32>], vector<16xf32>,
        %add3A_1337 = arith.addf %scan3A_1334, %gather3A : vector<16xf32>
        %gather3A_1338 = tpu.vector_load_idx %arg10[%add3A_1336, %broadcast_in_dim3A_1026] : memref<1600x32xf32, #tpu.memory_space<vmem>>[vector<16xi32>, vector<16xi32>], vector<16xf32>,
        %add3A_1339 = arith.addf %scan3A_1298, %gather3A_1338 : vector<16xf32>
        %mul3A_1340 = arith.mulf %gather3A_1338, %gather3A_1338 : vector<16xf32>
        %add3A_1341 = arith.addf %scan3A_1330, %mul3A_1340 : vector<16xf32>
        %gather3A_1342 = tpu.vector_load_idx %arg10[%add3A_1336, %broadcast_in_dim3A_1028] : memref<1600x32xf32, #tpu.memory_space<vmem>>[vector<16xi32>, vector<16xi32>], vector<16xf32>,
        %add3A_1343 = arith.addf %scan3A_1299, %gather3A_1342 : vector<16xf32>
        %mul3A_1344 = arith.mulf %gather3A_1342, %gather3A_1342 : vector<16xf32>
        %add3A_1345 = arith.addf %scan3A_1331, %mul3A_1344 : vector<16xf32>
        %gather3A_1346 = tpu.vector_load_idx %arg10[%add3A_1336, %broadcast_in_dim3A_1030] : memref<1600x32xf32, #tpu.memory_space<vmem>>[vector<16xi32>, vector<16xi32>], vector<16xf32>,
        %add3A_1347 = arith.addf %scan3A_1300, %gather3A_1346 : vector<16xf32>
        %mul3A_1348 = arith.mulf %gather3A_1346, %gather3A_1346 : vector<16xf32>
        %add3A_1349 = arith.addf %scan3A_1332, %mul3A_1348 : vector<16xf32>
        %gather3A_1350 = tpu.vector_load_idx %arg10[%add3A_1336, %broadcast_in_dim3A_1032] : memref<1600x32xf32, #tpu.memory_space<vmem>>[vector<16xi32>, vector<16xi32>], vector<16xf32>,
        %add3A_1351 = arith.addf %scan3A_1301, %gather3A_1350 : vector<16xf32>
        %mul3A_1352 = arith.mulf %gather3A_1350, %gather3A_1350 : vector<16xf32>
        %add3A_1353 = arith.addf %scan3A_1333, %mul3A_1352 : vector<16xf32>
        %gather3A_1354 = tpu.vector_load_idx %arg10[%add3A_1336, %broadcast_in_dim3A_1034] : memref<1600x32xf32, #tpu.memory_space<vmem>>[vector<16xi32>, vector<16xi32>], vector<16xf32>,
        %add3A_1355 = arith.addf %scan3A_1302, %gather3A_1354 : vector<16xf32>
        %mul3A_1356 = arith.mulf %gather3A_1354, %gather3A_1354 : vector<16xf32>
        %add3A_1357 = arith.addf %add3A_1341, %mul3A_1356 : vector<16xf32>
        %gather3A_1358 = tpu.vector_load_idx %arg10[%add3A_1336, %broadcast_in_dim3A_1036] : memref<1600x32xf32, #tpu.memory_space<vmem>>[vector<16xi32>, vector<16xi32>], vector<16xf32>,
        %add3A_1359 = arith.addf %scan3A_1303, %gather3A_1358 : vector<16xf32>
        %mul3A_1360 = arith.mulf %gather3A_1358, %gather3A_1358 : vector<16xf32>
        %add3A_1361 = arith.addf %add3A_1345, %mul3A_1360 : vector<16xf32>
        %gather3A_1362 = tpu.vector_load_idx %arg10[%add3A_1336, %broadcast_in_dim3A_1038] : memref<1600x32xf32, #tpu.memory_space<vmem>>[vector<16xi32>, vector<16xi32>], vector<16xf32>,
        %add3A_1363 = arith.addf %scan3A_1304, %gather3A_1362 : vector<16xf32>
        %mul3A_1364 = arith.mulf %gather3A_1362, %gather3A_1362 : vector<16xf32>
        %add3A_1365 = arith.addf %add3A_1349, %mul3A_1364 : vector<16xf32>
        %gather3A_1366 = tpu.vector_load_idx %arg10[%add3A_1336, %broadcast_in_dim3A_1040] : memref<1600x32xf32, #tpu.memory_space<vmem>>[vector<16xi32>, vector<16xi32>], vector<16xf32>,
        %add3A_1367 = arith.addf %scan3A_1305, %gather3A_1366 : vector<16xf32>
        %mul3A_1368 = arith.mulf %gather3A_1366, %gather3A_1366 : vector<16xf32>
        %add3A_1369 = arith.addf %add3A_1353, %mul3A_1368 : vector<16xf32>
        %gather3A_1370 = tpu.vector_load_idx %arg10[%add3A_1336, %broadcast_in_dim3A_1042] : memref<1600x32xf32, #tpu.memory_space<vmem>>[vector<16xi32>, vector<16xi32>], vector<16xf32>,
        %add3A_1371 = arith.addf %scan3A_1306, %gather3A_1370 : vector<16xf32>
        %mul3A_1372 = arith.mulf %gather3A_1370, %gather3A_1370 : vector<16xf32>
        %add3A_1373 = arith.addf %add3A_1357, %mul3A_1372 : vector<16xf32>
        %gather3A_1374 = tpu.vector_load_idx %arg10[%add3A_1336, %broadcast_in_dim3A_1044] : memref<1600x32xf32, #tpu.memory_space<vmem>>[vector<16xi32>, vector<16xi32>], vector<16xf32>,
        %add3A_1375 = arith.addf %scan3A_1307, %gather3A_1374 : vector<16xf32>
        %mul3A_1376 = arith.mulf %gather3A_1374, %gather3A_1374 : vector<16xf32>
        %add3A_1377 = arith.addf %add3A_1361, %mul3A_1376 : vector<16xf32>
        %gather3A_1378 = tpu.vector_load_idx %arg10[%add3A_1336, %broadcast_in_dim3A_1046] : memref<1600x32xf32, #tpu.memory_space<vmem>>[vector<16xi32>, vector<16xi32>], vector<16xf32>,
        %add3A_1379 = arith.addf %scan3A_1308, %gather3A_1378 : vector<16xf32>
        %mul3A_1380 = arith.mulf %gather3A_1378, %gather3A_1378 : vector<16xf32>
        %add3A_1381 = arith.addf %add3A_1365, %mul3A_1380 : vector<16xf32>
        %gather3A_1382 = tpu.vector_load_idx %arg10[%add3A_1336, %broadcast_in_dim3A_1048] : memref<1600x32xf32, #tpu.memory_space<vmem>>[vector<16xi32>, vector<16xi32>], vector<16xf32>,
        %add3A_1383 = arith.addf %scan3A_1309, %gather3A_1382 : vector<16xf32>
        %mul3A_1384 = arith.mulf %gather3A_1382, %gather3A_1382 : vector<16xf32>
        %add3A_1385 = arith.addf %add3A_1369, %mul3A_1384 : vector<16xf32>
        %gather3A_1386 = tpu.vector_load_idx %arg10[%add3A_1336, %broadcast_in_dim3A_1050] : memref<1600x32xf32, #tpu.memory_space<vmem>>[vector<16xi32>, vector<16xi32>], vector<16xf32>,
        %add3A_1387 = arith.addf %scan3A_1310, %gather3A_1386 : vector<16xf32>
        %mul3A_1388 = arith.mulf %gather3A_1386, %gather3A_1386 : vector<16xf32>
        %add3A_1389 = arith.addf %add3A_1373, %mul3A_1388 : vector<16xf32>
        %gather3A_1390 = tpu.vector_load_idx %arg10[%add3A_1336, %broadcast_in_dim3A_1052] : memref<1600x32xf32, #tpu.memory_space<vmem>>[vector<16xi32>, vector<16xi32>], vector<16xf32>,
        %add3A_1391 = arith.addf %scan3A_1311, %gather3A_1390 : vector<16xf32>
        %mul3A_1392 = arith.mulf %gather3A_1390, %gather3A_1390 : vector<16xf32>
        %add3A_1393 = arith.addf %add3A_1377, %mul3A_1392 : vector<16xf32>
        %gather3A_1394 = tpu.vector_load_idx %arg10[%add3A_1336, %broadcast_in_dim3A_1054] : memref<1600x32xf32, #tpu.memory_space<vmem>>[vector<16xi32>, vector<16xi32>], vector<16xf32>,
        %add3A_1395 = arith.addf %scan3A_1312, %gather3A_1394 : vector<16xf32>
        %mul3A_1396 = arith.mulf %gather3A_1394, %gather3A_1394 : vector<16xf32>
        %add3A_1397 = arith.addf %add3A_1381, %mul3A_1396 : vector<16xf32>
        %gather3A_1398 = tpu.vector_load_idx %arg10[%add3A_1336, %broadcast_in_dim3A_1056] : memref<1600x32xf32, #tpu.memory_space<vmem>>[vector<16xi32>, vector<16xi32>], vector<16xf32>,
        %add3A_1399 = arith.addf %scan3A_1313, %gather3A_1398 : vector<16xf32>
        %mul3A_1400 = arith.mulf %gather3A_1398, %gather3A_1398 : vector<16xf32>
        %add3A_1401 = arith.addf %add3A_1385, %mul3A_1400 : vector<16xf32>
        %gather3A_1402 = tpu.vector_load_idx %arg10[%add3A_1336, %broadcast_in_dim3A_1058] : memref<1600x32xf32, #tpu.memory_space<vmem>>[vector<16xi32>, vector<16xi32>], vector<16xf32>,
        %add3A_1403 = arith.addf %scan3A_1314, %gather3A_1402 : vector<16xf32>
        %mul3A_1404 = arith.mulf %gather3A_1402, %gather3A_1402 : vector<16xf32>
        %add3A_1405 = arith.addf %add3A_1389, %mul3A_1404 : vector<16xf32>
        %gather3A_1406 = tpu.vector_load_idx %arg10[%add3A_1336, %broadcast_in_dim3A_1060] : memref<1600x32xf32, #tpu.memory_space<vmem>>[vector<16xi32>, vector<16xi32>], vector<16xf32>,
        %add3A_1407 = arith.addf %scan3A_1315, %gather3A_1406 : vector<16xf32>
        %mul3A_1408 = arith.mulf %gather3A_1406, %gather3A_1406 : vector<16xf32>
        %add3A_1409 = arith.addf %add3A_1393, %mul3A_1408 : vector<16xf32>
        %gather3A_1410 = tpu.vector_load_idx %arg10[%add3A_1336, %broadcast_in_dim3A_1062] : memref<1600x32xf32, #tpu.memory_space<vmem>>[vector<16xi32>, vector<16xi32>], vector<16xf32>,
        %add3A_1411 = arith.addf %scan3A_1316, %gather3A_1410 : vector<16xf32>
        %mul3A_1412 = arith.mulf %gather3A_1410, %gather3A_1410 : vector<16xf32>
        %add3A_1413 = arith.addf %add3A_1397, %mul3A_1412 : vector<16xf32>
        %gather3A_1414 = tpu.vector_load_idx %arg10[%add3A_1336, %broadcast_in_dim3A_1064] : memref<1600x32xf32, #tpu.memory_space<vmem>>[vector<16xi32>, vector<16xi32>], vector<16xf32>,
        %add3A_1415 = arith.addf %scan3A_1317, %gather3A_1414 : vector<16xf32>
        %mul3A_1416 = arith.mulf %gather3A_1414, %gather3A_1414 : vector<16xf32>
        %add3A_1417 = arith.addf %add3A_1401, %mul3A_1416 : vector<16xf32>
        %gather3A_1418 = tpu.vector_load_idx %arg10[%add3A_1336, %broadcast_in_dim3A_1066] : memref<1600x32xf32, #tpu.memory_space<vmem>>[vector<16xi32>, vector<16xi32>], vector<16xf32>,
        %add3A_1419 = arith.addf %scan3A_1318, %gather3A_1418 : vector<16xf32>
        %mul3A_1420 = arith.mulf %gather3A_1418, %gather3A_1418 : vector<16xf32>
        %add3A_1421 = arith.addf %add3A_1405, %mul3A_1420 : vector<16xf32>
        %gather3A_1422 = tpu.vector_load_idx %arg10[%add3A_1336, %broadcast_in_dim3A_1068] : memref<1600x32xf32, #tpu.memory_space<vmem>>[vector<16xi32>, vector<16xi32>], vector<16xf32>,
        %add3A_1423 = arith.addf %scan3A_1319, %gather3A_1422 : vector<16xf32>
        %mul3A_1424 = arith.mulf %gather3A_1422, %gather3A_1422 : vector<16xf32>
        %add3A_1425 = arith.addf %add3A_1409, %mul3A_1424 : vector<16xf32>
        %gather3A_1426 = tpu.vector_load_idx %arg10[%add3A_1336, %broadcast_in_dim3A_1070] : memref<1600x32xf32, #tpu.memory_space<vmem>>[vector<16xi32>, vector<16xi32>], vector<16xf32>,
        %add3A_1427 = arith.addf %scan3A_1320, %gather3A_1426 : vector<16xf32>
        %mul3A_1428 = arith.mulf %gather3A_1426, %gather3A_1426 : vector<16xf32>
        %add3A_1429 = arith.addf %add3A_1413, %mul3A_1428 : vector<16xf32>
        %gather3A_1430 = tpu.vector_load_idx %arg10[%add3A_1336, %broadcast_in_dim3A_1072] : memref<1600x32xf32, #tpu.memory_space<vmem>>[vector<16xi32>, vector<16xi32>], vector<16xf32>,
        %add3A_1431 = arith.addf %scan3A_1321, %gather3A_1430 : vector<16xf32>
        %mul3A_1432 = arith.mulf %gather3A_1430, %gather3A_1430 : vector<16xf32>
        %add3A_1433 = arith.addf %add3A_1417, %mul3A_1432 : vector<16xf32>
        %gather3A_1434 = tpu.vector_load_idx %arg10[%add3A_1336, %broadcast_in_dim3A_1074] : memref<1600x32xf32, #tpu.memory_space<vmem>>[vector<16xi32>, vector<16xi32>], vector<16xf32>,
        %add3A_1435 = arith.addf %scan3A_1322, %gather3A_1434 : vector<16xf32>
        %mul3A_1436 = arith.mulf %gather3A_1434, %gather3A_1434 : vector<16xf32>
        %add3A_1437 = arith.addf %add3A_1421, %mul3A_1436 : vector<16xf32>
        %gather3A_1438 = tpu.vector_load_idx %arg10[%add3A_1336, %broadcast_in_dim3A_1076] : memref<1600x32xf32, #tpu.memory_space<vmem>>[vector<16xi32>, vector<16xi32>], vector<16xf32>,
        %add3A_1439 = arith.addf %scan3A_1323, %gather3A_1438 : vector<16xf32>
        %mul3A_1440 = arith.mulf %gather3A_1438, %gather3A_1438 : vector<16xf32>
        %add3A_1441 = arith.addf %add3A_1425, %mul3A_1440 : vector<16xf32>
        %gather3A_1442 = tpu.vector_load_idx %arg10[%add3A_1336, %broadcast_in_dim3A_1078] : memref<1600x32xf32, #tpu.memory_space<vmem>>[vector<16xi32>, vector<16xi32>], vector<16xf32>,
        %add3A_1443 = arith.addf %scan3A_1324, %gather3A_1442 : vector<16xf32>
        %mul3A_1444 = arith.mulf %gather3A_1442, %gather3A_1442 : vector<16xf32>
        %add3A_1445 = arith.addf %add3A_1429, %mul3A_1444 : vector<16xf32>
        %gather3A_1446 = tpu.vector_load_idx %arg10[%add3A_1336, %broadcast_in_dim3A_1080] : memref<1600x32xf32, #tpu.memory_space<vmem>>[vector<16xi32>, vector<16xi32>], vector<16xf32>,
        %add3A_1447 = arith.addf %scan3A_1325, %gather3A_1446 : vector<16xf32>
        %mul3A_1448 = arith.mulf %gather3A_1446, %gather3A_1446 : vector<16xf32>
        %add3A_1449 = arith.addf %add3A_1433, %mul3A_1448 : vector<16xf32>
        %gather3A_1450 = tpu.vector_load_idx %arg10[%add3A_1336, %broadcast_in_dim3A_1082] : memref<1600x32xf32, #tpu.memory_space<vmem>>[vector<16xi32>, vector<16xi32>], vector<16xf32>,
        %add3A_1451 = arith.addf %scan3A_1326, %gather3A_1450 : vector<16xf32>
        %mul3A_1452 = arith.mulf %gather3A_1450, %gather3A_1450 : vector<16xf32>
        %add3A_1453 = arith.addf %add3A_1437, %mul3A_1452 : vector<16xf32>
        %gather3A_1454 = tpu.vector_load_idx %arg10[%add3A_1336, %broadcast_in_dim3A_1084] : memref<1600x32xf32, #tpu.memory_space<vmem>>[vector<16xi32>, vector<16xi32>], vector<16xf32>,
        %add3A_1455 = arith.addf %scan3A_1327, %gather3A_1454 : vector<16xf32>
        %mul3A_1456 = arith.mulf %gather3A_1454, %gather3A_1454 : vector<16xf32>
        %add3A_1457 = arith.addf %add3A_1441, %mul3A_1456 : vector<16xf32>
        %gather3A_1458 = tpu.vector_load_idx %arg10[%add3A_1336, %broadcast_in_dim3A_1086] : memref<1600x32xf32, #tpu.memory_space<vmem>>[vector<16xi32>, vector<16xi32>], vector<16xf32>,
        %add3A_1459 = arith.addf %scan3A_1328, %gather3A_1458 : vector<16xf32>
        %mul3A_1460 = arith.mulf %gather3A_1458, %gather3A_1458 : vector<16xf32>
        %add3A_1461 = arith.addf %add3A_1445, %mul3A_1460 : vector<16xf32>
        %gather3A_1462 = tpu.vector_load_idx %arg10[%add3A_1336, %broadcast_in_dim3A_1088] : memref<1600x32xf32, #tpu.memory_space<vmem>>[vector<16xi32>, vector<16xi32>], vector<16xf32>,
        %add3A_1463 = arith.addf %scan3A_1329, %gather3A_1462 : vector<16xf32>
        %mul3A_1464 = arith.mulf %gather3A_1462, %gather3A_1462 : vector<16xf32>
        %add3A_1465 = arith.addf %add3A_1449, %mul3A_1464 : vector<16xf32>
        scf.yield %add3A_1339, %add3A_1343, %add3A_1347, %add3A_1351, %add3A_1355, %add3A_1359, %add3A_1363, %add3A_1367, %add3A_1371, %add3A_1375, %add3A_1379, %add3A_1383, %add3A_1387, %add3A_1391, %add3A_1395, %add3A_1399, %add3A_1403, %add3A_1407, %add3A_1411, %add3A_1415, %add3A_1419, %add3A_1423, %add3A_1427, %add3A_1431, %add3A_1435, %add3A_1439, %add3A_1443, %add3A_1447, %add3A_1451, %add3A_1455, %add3A_1459, %add3A_1463, %add3A_1453, %add3A_1457, %add3A_1461, %add3A_1465, %add3A_1337 : vector<16xf32>, vector<16xf32>, vector<16xf32>, vector<16xf32>, vector<16xf32>, vector<16xf32>, vector<16xf32>, vector<16xf32>, vector<16xf32>, vector<16xf32>, vector<16xf32>, vector<16xf32>, vector<16xf32>, vector<16xf32>, vector<16xf32>, vector<16xf32>, vector<16xf32>, vector<16xf32>, vector<16xf32>, vector<16xf32>, vector<16xf32>, vector<16xf32>, vector<16xf32>, vector<16xf32>, vector<16xf32>, vector<16xf32>, vector<16xf32>, vector<16xf32>, vector<16xf32>, vector<16xf32>, vector<16xf32>, vector<16xf32>, vector<16xf32>, vector<16xf32>, vector<16xf32>, vector<16xf32>, vector<16xf32>
      }
      %scan3A_1204 = arith.constant 50 : i32
      %add3A_1205 = arith.addf %scan3A_1203#32, %scan3A_1203#33 : vector<16xf32>
      %add3A_1206 = arith.addf %scan3A_1203#34, %scan3A_1203#35 : vector<16xf32>
      %add3A_1207 = arith.addf %add3A_1205, %add3A_1206 : vector<16xf32>
      %mul3A_1208 = arith.mulf %scan3A_1203#0, %scan3A_1203#0 : vector<16xf32>
      %add3A_1209 = arith.addf %broadcast_in_dim3A_1, %mul3A_1208 : vector<16xf32>
      %mul3A_1210 = arith.mulf %scan3A_1203#1, %scan3A_1203#1 : vector<16xf32>
      %add3A_1211 = arith.addf %broadcast_in_dim3A_1, %mul3A_1210 : vector<16xf32>
      %mul3A_1212 = arith.mulf %scan3A_1203#2, %scan3A_1203#2 : vector<16xf32>
      %add3A_1213 = arith.addf %broadcast_in_dim3A_1, %mul3A_1212 : vector<16xf32>
      %mul3A_1214 = arith.mulf %scan3A_1203#3, %scan3A_1203#3 : vector<16xf32>
      %add3A_1215 = arith.addf %broadcast_in_dim3A_1, %mul3A_1214 : vector<16xf32>
      %mul3A_1216 = arith.mulf %scan3A_1203#4, %scan3A_1203#4 : vector<16xf32>
      %add3A_1217 = arith.addf %add3A_1209, %mul3A_1216 : vector<16xf32>
      %mul3A_1218 = arith.mulf %scan3A_1203#5, %scan3A_1203#5 : vector<16xf32>
      %add3A_1219 = arith.addf %add3A_1211, %mul3A_1218 : vector<16xf32>
      %mul3A_1220 = arith.mulf %scan3A_1203#6, %scan3A_1203#6 : vector<16xf32>
      %add3A_1221 = arith.addf %add3A_1213, %mul3A_1220 : vector<16xf32>
      %mul3A_1222 = arith.mulf %scan3A_1203#7, %scan3A_1203#7 : vector<16xf32>
      %add3A_1223 = arith.addf %add3A_1215, %mul3A_1222 : vector<16xf32>
      %mul3A_1224 = arith.mulf %scan3A_1203#8, %scan3A_1203#8 : vector<16xf32>
      %add3A_1225 = arith.addf %add3A_1217, %mul3A_1224 : vector<16xf32>
      %mul3A_1226 = arith.mulf %scan3A_1203#9, %scan3A_1203#9 : vector<16xf32>
      %add3A_1227 = arith.addf %add3A_1219, %mul3A_1226 : vector<16xf32>
      %mul3A_1228 = arith.mulf %scan3A_1203#10, %scan3A_1203#10 : vector<16xf32>
      %add3A_1229 = arith.addf %add3A_1221, %mul3A_1228 : vector<16xf32>
      %mul3A_1230 = arith.mulf %scan3A_1203#11, %scan3A_1203#11 : vector<16xf32>
      %add3A_1231 = arith.addf %add3A_1223, %mul3A_1230 : vector<16xf32>
      %mul3A_1232 = arith.mulf %scan3A_1203#12, %scan3A_1203#12 : vector<16xf32>
      %add3A_1233 = arith.addf %add3A_1225, %mul3A_1232 : vector<16xf32>
      %mul3A_1234 = arith.mulf %scan3A_1203#13, %scan3A_1203#13 : vector<16xf32>
      %add3A_1235 = arith.addf %add3A_1227, %mul3A_1234 : vector<16xf32>
      %mul3A_1236 = arith.mulf %scan3A_1203#14, %scan3A_1203#14 : vector<16xf32>
      %add3A_1237 = arith.addf %add3A_1229, %mul3A_1236 : vector<16xf32>
      %mul3A_1238 = arith.mulf %scan3A_1203#15, %scan3A_1203#15 : vector<16xf32>
      %add3A_1239 = arith.addf %add3A_1231, %mul3A_1238 : vector<16xf32>
      %mul3A_1240 = arith.mulf %scan3A_1203#16, %scan3A_1203#16 : vector<16xf32>
      %add3A_1241 = arith.addf %add3A_1233, %mul3A_1240 : vector<16xf32>
      %mul3A_1242 = arith.mulf %scan3A_1203#17, %scan3A_1203#17 : vector<16xf32>
      %add3A_1243 = arith.addf %add3A_1235, %mul3A_1242 : vector<16xf32>
      %mul3A_1244 = arith.mulf %scan3A_1203#18, %scan3A_1203#18 : vector<16xf32>
      %add3A_1245 = arith.addf %add3A_1237, %mul3A_1244 : vector<16xf32>
      %mul3A_1246 = arith.mulf %scan3A_1203#19, %scan3A_1203#19 : vector<16xf32>
      %add3A_1247 = arith.addf %add3A_1239, %mul3A_1246 : vector<16xf32>
      %mul3A_1248 = arith.mulf %scan3A_1203#20, %scan3A_1203#20 : vector<16xf32>
      %add3A_1249 = arith.addf %add3A_1241, %mul3A_1248 : vector<16xf32>
      %mul3A_1250 = arith.mulf %scan3A_1203#21, %scan3A_1203#21 : vector<16xf32>
      %add3A_1251 = arith.addf %add3A_1243, %mul3A_1250 : vector<16xf32>
      %mul3A_1252 = arith.mulf %scan3A_1203#22, %scan3A_1203#22 : vector<16xf32>
      %add3A_1253 = arith.addf %add3A_1245, %mul3A_1252 : vector<16xf32>
      %mul3A_1254 = arith.mulf %scan3A_1203#23, %scan3A_1203#23 : vector<16xf32>
      %add3A_1255 = arith.addf %add3A_1247, %mul3A_1254 : vector<16xf32>
      %mul3A_1256 = arith.mulf %scan3A_1203#24, %scan3A_1203#24 : vector<16xf32>
      %add3A_1257 = arith.addf %add3A_1249, %mul3A_1256 : vector<16xf32>
      %mul3A_1258 = arith.mulf %scan3A_1203#25, %scan3A_1203#25 : vector<16xf32>
      %add3A_1259 = arith.addf %add3A_1251, %mul3A_1258 : vector<16xf32>
      %mul3A_1260 = arith.mulf %scan3A_1203#26, %scan3A_1203#26 : vector<16xf32>
      %add3A_1261 = arith.addf %add3A_1253, %mul3A_1260 : vector<16xf32>
      %mul3A_1262 = arith.mulf %scan3A_1203#27, %scan3A_1203#27 : vector<16xf32>
      %add3A_1263 = arith.addf %add3A_1255, %mul3A_1262 : vector<16xf32>
      %mul3A_1264 = arith.mulf %scan3A_1203#28, %scan3A_1203#28 : vector<16xf32>
      %add3A_1265 = arith.addf %add3A_1257, %mul3A_1264 : vector<16xf32>
      %mul3A_1266 = arith.mulf %scan3A_1203#29, %scan3A_1203#29 : vector<16xf32>
      %add3A_1267 = arith.addf %add3A_1259, %mul3A_1266 : vector<16xf32>
      %mul3A_1268 = arith.mulf %scan3A_1203#30, %scan3A_1203#30 : vector<16xf32>
      %add3A_1269 = arith.addf %add3A_1261, %mul3A_1268 : vector<16xf32>
      %mul3A_1270 = arith.mulf %scan3A_1203#31, %scan3A_1203#31 : vector<16xf32>
      %add3A_1271 = arith.addf %add3A_1263, %mul3A_1270 : vector<16xf32>
      %add3A_1272 = arith.addf %add3A_1265, %add3A_1267 : vector<16xf32>
      %add3A_1273 = arith.addf %add3A_1269, %add3A_1271 : vector<16xf32>
      %add3A_1274 = arith.addf %add3A_1272, %add3A_1273 : vector<16xf32>
      %sub3A_1275 = arith.subf %add3A_1207, %add3A_1274 : vector<16xf32>
      %mul3A_1276 = arith.constant 5.000000e-01 : f32
      %mul3A_1277 = vector.broadcast %mul3A_1276 : f32 to vector<16xf32>
      %mul3A_1278 = arith.mulf %mul3A_1277, %sub3A_1275 : vector<16xf32>
      %add3A_1279 = arith.addf %scan3A_1203#36, %mul3A_1278 : vector<16xf32>
      %add3A_1280 = arith.addf %add3A_1279, %get3A_2 : vector<16xf32>
      %neg3A_1281 = arith.constant 0.000000e+00 : f32
      %neg3A_1282 = vector.broadcast %neg3A_1281 : f32 to vector<16xf32>
      %neg3A_1283 = arith.subf %neg3A_1282, %add3A_1280 : vector<16xf32>
      %exp3A_1284 = math.exp %neg3A_1283 : vector<16xf32>
      %add3A_1285 = arith.constant 1.000000e+00 : f32
      %add3A_1286 = vector.broadcast %add3A_1285 : f32 to vector<16xf32>
      %add3A_1287 = arith.addf %add3A_1286, %exp3A_1284 : vector<16xf32>
      %div3A_1288 = arith.constant 1.000000e+00 : f32
      %div3A_1289 = vector.broadcast %div3A_1288 : f32 to vector<16xf32>
      %div3A_1290 = arith.divf %div3A_1289, %add3A_1287 : vector<16xf32>
      %mul3A_1291 = arith.constant 32 : i32
      %mul3A_1292 = arith.muli %add3A_1024, %mul3A_1291 : i32
      %add3A_1293 = arith.constant 16 : i32
      %add3A_1294 = arith.addi %mul3A_1292, %add3A_1293 : i32
      %swap3A_1295 = arith.index_cast %add3A_1294 : i32 to index
      %swap3A_1296 = tpu.vector_load %arg14[%swap3A_1295] {strides = array<i32>} : memref<512xf32, #tpu.memory_space<vmem>>, vector<16xf32>,
      tpu.vector_store %arg14[%swap3A_1295], %div3A_1290 {strides = array<i32>} : memref<512xf32, #tpu.memory_space<vmem>>, vector<16xf32>,
    }
    %scan3A_194 = arith.constant 8 : i32
    %mul3A_195 = arith.constant 512 : i32
    %mul3A_196 = arith.muli %add3A, %mul3A_195 : i32
    "tpu.region"() ({
      %run_scoped3A = tpu.sem_alloc : memref<!tpu.dma_semaphore, #tpu.memory_space<semaphore_mem>>
      %dma_start3A_197 = tpu.memref_slice %arg6[%mul3A_196] : memref<16384xf32, #tpu.memory_space<hbm>> -> memref<512xf32, #tpu.memory_space<hbm>>
      %dma_start3A_198 = tpu.memref_slice %arg6[%mul3A_196] : memref<16384xf32, #tpu.memory_space<hbm>> -> memref<512xf32, #tpu.memory_space<hbm>>
      tpu.enqueue_dma source(%arg14 : memref<512xf32, #tpu.memory_space<vmem>>) target(%dma_start3A_198 : memref<512xf32, #tpu.memory_space<hbm>>) target_semaphore(%run_scoped3A : memref<!tpu.dma_semaphore, #tpu.memory_space<semaphore_mem>>)
      %dma_wait3A = tpu.memref_slice %arg6[%mul3A_196] : memref<16384xf32, #tpu.memory_space<hbm>> -> memref<512xf32, #tpu.memory_space<hbm>>
      %dma_wait3A_199 = tpu.memref_slice %arg6[%mul3A_196] : memref<16384xf32, #tpu.memory_space<hbm>> -> memref<512xf32, #tpu.memory_space<hbm>>
      tpu.wait_dma2 semaphore(%run_scoped3A : memref<!tpu.dma_semaphore, #tpu.memory_space<semaphore_mem>>) src(%arg14 : memref<512xf32, #tpu.memory_space<vmem>>) dst(%dma_wait3A_199 : memref<512xf32, #tpu.memory_space<hbm>>)
      tpu.yield
    }) : () -> ()
    return
  }
}

</mosaic_0001>

<sc_bundles>
// kernel: kernel.3.cloned.1.call-start
scs
__scs_entry_jumppad:
0x0: {  	(pc) =	sbr.rel $0x88, $3  }
0x1: {  	(tag) =	ssettag $0x0;
	lr =	simm.s32 $0x1  }
0x2: {  	[smem:$0x3F9D] =	sst lr;
	_ =	strace $0xD0000000  }
0x3: {  	_ = 	snop  }
0x4: {  	_ = 	snop  }
0x5: {  	_ = 	snop  }
0x6: {  	_ = 	snop  }
0x7: {  	_ = 	snop  }
__scs_overlays_trampoline_lowered:
0x8: {  	[smem:$0x3FAC] =	sst s0  }
0x9: {  	[smem:$0x3FAD] =	sst s1  }
0xa: {  	[smem:$0x3FAE] =	sst s2  }
0xb: {  	[smem:$0x3FAF] =	sst s3  }
0xc: {  	[smem:$0x3FB0] =	sst s4  }
0xd: {  	[smem:$0x3FB1] =	sst s5  }
0xe: {  	[smem:$0x3FB2] =	sst s6  }
0xf: {  	[smem:$0x3FB3] =	sst s7  }
0x10: {  	[smem:$0x3FB4] =	sst s8  }
0x11: {  	[smem:$0x3FB5] =	sst s9;
	s0 =	simm.s32 @!p0 $0x0  }
0x12: {  	s1 =	sld [smem:$0x3F9B];
	s0 =	simm.s32 @p0 $0x1  }
0x13: {  	[smem:$0x3FB6] =	sst s0;
	s0 =	simm.s32 @!p1 $0x0  }
0x14: {  	s2 =	sld [smem:$0x3F9A];
	s0 =	simm.s32 @p1 $0x1  }
0x15: {  	[smem:$0x3FB7] =	sst s0;
	s0 =	simm.s32 @!p2 $0x0  }
0x16: {  	s3 =	sld [smem:$0x3FDB];
	s0 =	simm.s32 @p2 $0x1  }
0x17: {  	s4 =	simm.s32 $0x1BF5;
	[smem:$0x3FB9] =	sst s0  }
0x18: {  	s0 =	sld [smem:$0x3F9C];
	_ =	swait.ge [sflag:s4], $0x0  }
0x19: {  	s7 =	sld [smem:$0x3F9D]  }
0x1a: {  	s8 =	sadd.s32 $0xFFFFE003, lr  }
0x1b: {  	s9 =	sadd.s32 $0xFFFFFEF7, lr;
	s5 =	simm.s32 $0xFFFFFFFF;
	p2 =	slt.u32 s8, $0xFFFFF086  }
0x1c: {  	p1 =	slt.u32 s9, $0xF7A;
	s5 =	simm.s32 @!p2 $0x0  }
0x1d: {  	s5 =	simm.s32 @p1 $0x1;
	p0 =	seq.s32 s7, s2  }
0x1e: {  	s7 =	smul.u32 @!p0 $0xF7A, s2;
	p2 =	seq.s32 @!p0 s5, $0x0  }
0x1f: {  	s9 =	smul.u32 $0xF7A, s1;
	s8 =	simm.s32 @!p0 $0x1BF5;
	p2 =	por !p2, p0  }
0x20: {  	[sflag:s8] =	ssyncset.s32 @!p0 $0xFFFFF086;
	s6 =	sadd.s32 @!p0 s3, s7;
	s7 =	simm.s32 @!p0 $0x108  }
0x21: {  	s3 =	sadd.s32 s3, s9;
	s6 =	sadd.s32 @!p0 $0x88, s6;
	s7 =	simm.s32 @p2 $0x1082  }
0x22: {  	[simem:s7], [sflag:s8] =	dma.local @!p0 [hbm:s6], $0xF7A  }
0x23: {  	s9 =	sor.u32 $0xD0000000, s2;
	s6 =	simm.s32 $0x108;
	_ =	swait.ge @!p0 [sflag:s8], $0x0  }
0x24: {  	s3 =	sadd.s32 $0x88, s3;
	s6 =	simm.s32 @!p1 $0x1082;
	[sflag:s4] =	ssyncset.s32 $0xFFFFF086  }
0x25: {  	[simem:s6], [sflag:s4] =	dma.local [hbm:s3], $0xF7A  }
0x26: {  	[smem:$0x3F9D] =	sst s1;
	(tag) =	ssettag s2;
	_ =	strace s9  }
0x27: {  	s1 =	sld [smem:$0x3FAD]  }
0x28: {  	s2 =	sld [smem:$0x3FAE]  }
0x29: {  	s4 =	sld [smem:$0x3FB0]  }
0x2a: {  	p0 =	seq.s32 s5, $0x0;
	s5 =	sld [smem:$0x3FB1]  }
0x2b: {  	s6 =	sld [smem:$0x3FB2]  }
0x2c: {  	s7 =	sld [smem:$0x3FB3]  }
0x2d: {  	s3 =	simm.s32 $0x108;
	s8 =	sld [smem:$0x3FB4]  }
0x2e: {  	s3 =	simm.s32 @!p0 $0x1082;
	s9 =	sld [smem:$0x3FB5]  }
0x2f: {  	lr =	sadd.s32 s0, s3;
	s0 =	sld [smem:$0x3FAC]  }
0x30: {  	s3 =	sld [smem:$0x3FAF]  }
0x31: {  	[smem:$0x3FB8] =	sst s10  }
0x32: {  	s10 =	sld [smem:$0x3FB6];
	_ =	sdelay $0x3  }
0x33: {  	p0 =	seq.s32 s10, $0x1;
	s10 =	sld [smem:$0x3FB8];
	_ =	sdelay $0x3  }
0x34: {  	[smem:$0x3FB8] =	sst s10  }
0x35: {  	s10 =	sld [smem:$0x3FB7];
	_ =	sdelay $0x3  }
0x36: {  	p1 =	seq.s32 s10, $0x1;
	s10 =	sld [smem:$0x3FB8];
	_ =	sdelay $0x3  }
0x37: {  	[smem:$0x3FB8] =	sst s10  }
0x38: {  	s10 =	sld [smem:$0x3FB9]  }
0x39: {  	_ = 	snop;
	(pc) =	sbr.ind lr, $3  }
0x3a: {  	_ = 	snop  }
0x3b: {  	_ = 	snop  }
0x3c: {  	p2 =	seq.s32 s10, $0x1;
	s10 =	sld [smem:$0x3FB8]  }
0x3d: {  	_ =	shalt  }
0x3e: {  	_ =	shalt  }
0x3f: {  	_ =	shalt  }
0x40: {  	_ =	shalt  }
0x41: {  	_ =	shalt  }
0x42: {  	_ =	shalt  }
0x43: {  	_ =	shalt  }
0x44: {  	_ =	shalt  }
0x45: {  	_ =	shalt  }
0x46: {  	_ =	shalt  }
0x47: {  	_ =	shalt  }
0x48: {  	_ =	shalt  }
0x49: {  	_ =	shalt  }
0x4a: {  	_ =	shalt  }
0x4b: {  	_ =	shalt  }
0x4c: {  	_ =	shalt  }
0x4d: {  	_ =	shalt  }
0x4e: {  	_ =	shalt  }
0x4f: {  	_ =	shalt  }
0x50: {  	_ =	shalt  }
0x51: {  	_ =	shalt  }
0x52: {  	_ =	shalt  }
0x53: {  	_ =	shalt  }
0x54: {  	_ =	shalt  }
0x55: {  	_ =	shalt  }
0x56: {  	_ =	shalt  }
0x57: {  	_ =	shalt  }
0x58: {  	_ =	shalt  }
0x59: {  	_ =	shalt  }
0x5a: {  	_ =	shalt  }
0x5b: {  	_ =	shalt  }
0x5c: {  	_ =	shalt  }
0x5d: {  	_ =	shalt  }
0x5e: {  	_ =	shalt  }
0x5f: {  	_ =	shalt  }
0x60: {  	_ =	shalt  }
0x61: {  	_ =	shalt  }
0x62: {  	_ =	shalt  }
0x63: {  	_ =	shalt  }
0x64: {  	_ =	shalt  }
0x65: {  	_ =	shalt  }
0x66: {  	_ =	shalt  }
0x67: {  	_ =	shalt  }
0x68: {  	_ =	shalt  }
0x69: {  	_ =	shalt  }
0x6a: {  	_ =	shalt  }
0x6b: {  	_ =	shalt  }
0x6c: {  	_ =	shalt  }
0x6d: {  	_ =	shalt  }
0x6e: {  	_ =	shalt  }
0x6f: {  	_ =	shalt  }
0x70: {  	_ =	shalt  }
0x71: {  	_ =	shalt  }
0x72: {  	_ =	shalt  }
0x73: {  	_ =	shalt  }
0x74: {  	_ =	shalt  }
0x75: {  	_ =	shalt  }
0x76: {  	_ =	shalt  }
0x77: {  	_ =	shalt  }
0x78: {  	_ =	shalt  }
0x79: {  	_ =	shalt  }
0x7a: {  	_ =	shalt  }
0x7b: {  	_ =	shalt  }
0x7c: {  	_ =	shalt  }
0x7d: {  	_ =	shalt  }
0x7e: {  	_ =	shalt  }
0x7f: {  	_ =	shalt  }
0x80: {  	_ =	shalt  }
0x81: {  	_ =	shalt  }
0x82: {  	_ =	shalt  }
0x83: {  	_ =	shalt  }
0x84: {  	_ =	shalt  }
0x85: {  	_ =	shalt  }
0x86: {  	_ =	shalt  }
0x87: {  	_ =	shalt  }
.Lfunc_end0:
.L_simem_size_0:
called_computation_lowered:
.L_overlay_start_0:
0x88: {  	s2 =	sld [smem:$0x3FD9]  }
0x89: {  	s3 =	sld [smem:$0x3FFE];
	_ =	sdelay $0x1  }
0x8a: {  	s1 =	srdreg.scid  }
0x8b: {  	s0 =	sand.u32 $0x1, s1  }
0x8c: {  	s17 =	sshll.u32 s0, $0xA;
	s2 =	sadd.s32 s3, s2  }
0x8d: {  	s2 =	sadd.s32 s2, s17  }
0x8e: {  	[smem:$0x3FC4] =	sst s2  }
0x8f: {  	_ = 	snop  }
0x90: {  	s2 =	sld [smem:$0x3FD0];
	(tm) =	ssettm $0x1  }
0x91: {  	s18 =	sld [smem:$0x3FFB];
	_ =	sdelay $0x3  }
0x92: {  	_ =	strace s18  }
0x93: {  	s3 =	sld [smem:$0x3FFC];
	_ =	sdelay $0x3  }
0x94: {  	_ =	strace s3  }
0x95: {  	s3 =	sld [smem:$0x3FFD];
	_ =	sdelay $0x3  }
0x96: {  	_ =	strace s3  }
0x97: {  	_ =	strace $0x8FFFFFFF  }
0x98: {  	s19 =	sld [smem:$0x3FDB];
	_ =	sdelay $0x1  }
0x99: {  	s4 =	simm.s32 $_scs_section_size  }
0x9a: {  	s5 =	simm.s32 $_size__tile_overlayer_lowered;
	s6 =	simm.s32 $_tile_overlayer_lowered  }
0x9b: {  	s22 =	simm.s32 $0x1BFF;
	s21 =	sshll.u32 s6, $0x1;
	s3 =	sadd.s32 s4, s19  }
0x9c: {  	s7 =	simm.s32 $0x0;
	s20 =	sshll.u32 s5, $0x1;
	s5 =	sadd.s32 s21, s3  }
0x9d: {  	[timem:s7], [sflag:s22] =	dma.local [hbm:s5], s20  }
0x9e: {  	_ =	swait.ge [sflag:s22], s20  }
0x9f: {  	s4 =	ssub.s32 $0x0, s20;
	[sflag:s22] =	ssyncset.done $0x0  }
0xa0: {  	[sflag:s22] =	ssyncadd.s32 s4;
	_ =	sdelay $0x1  }
0xa1: {  	s23 =	simm.s32 $0x1B8B  }
0xa2: {  	_ =	swait.ge [sflag:s23], $0x1  }
0xa3: {  	[sflag:s23] =	ssyncset.done $0x0  }
0xa4: {  	s25 =	simm.s32 $0x1B8E;
	s24 =	sld [smem:$0x3FFE];
	[sflag:s23] =	ssyncadd.s32 $0xFFFFFFFF  }
0xa5: {  	s26 =	simm.s32 $execute0_lowered;
	[smem:$0x3FD2] =	sst s25  }
0xa6: {  	s5 =	sshll.u32 s26, $0x1;
	_ =	strace $0x80000046;
	[dreg:$0x1] =	wrdreg $0xFFFFFFFF  }
0xa7: {  	s28 =	simm.s32 $_size_execute0_lowered;
	s3 =	sadd.s32 s3, s5;
	[dreg:$0x0] =	wrdreg $0x0  }
0xa8: {  	s5 =	sshll.u32 s28, $0x1;
	[dreg:$0x2] =	wrdreg s3  }
0xa9: {  	[dreg:$0x3] =	wrdreg s5  }
0xaa: {  	[dreg:$0x4] =	wrdreg $0xC0  }
0xab: {  	_ =	task [dreg:s7], $0x5FFFF  }
0xac: {  	[dreg:$0x1] =	wrdreg $0xFFFFFFFF  }
0xad: {  	[dreg:$0x0] =	wrdreg $0x60  }
0xae: {  	[dreg:$0x2] =	wrdreg s24  }
0xaf: {  	[dreg:$0x3] =	wrdreg s2  }
0xb0: {  	[dreg:$0x4] =	wrdreg $0x9  }
0xb1: {  	_ =	task.clear_ibuf [dreg:s7], $0x5FFFF;
	_ =	strace $0x90000046  }
0xb2: {  	s29 =	simm.s32 $0x9;
	_ =	strace $0x80000048  }
0xb3: {  	_ =	swait.ge [sflag:s29], $0x1  }
0xb4: {  	[sflag:s29] =	ssyncadd.s32 $0xFFFFFFFF  }
0xb5: {  	_ =	strace $0x90000048  }
0xb6: {  	_ =	sfence  }
0xb7: {  	s30 =	sld [smem:$0x0];
	_ =	sdelay $0x2  }
0xb8: {  	s31 =	sshll.u32 s1, $0xD;
	s1 =	sshrl.u32 s1, $0x2  }
0xb9: {  	s3 =	sand.u32 $0x4000, s31;
	s1 =	sadd.s32 s1, s30  }
0xba: {  	s0 =	sor.u32 s3, s0;
	s1 =	sshll.u32 s1, $0x11  }
0xbb: {  	s0 =	sor.u32 s1, s0  }
0xbc: {  	s0 =	sadd.s32 $0x8F2B, s0  }
0xbd: {  	[sflag:s0] =	ssyncadd.remote.s32 $0x1  }
0xbe: {  	_ =	sfence.sel $0xFFFF  }
0xbf: {  	[dreg:$0x0] =	wrdreg $0xFFFFFFFF;
	(pc) =	sbr.abs _section_cstart, $3  }
0xc0: {  	[dreg:$0x1] =	wrdreg $0xFFFFFFFF  }
0xc1: {  	_ =	task.clear_ibuf [dreg:s7], $0x2FFFF;
	_ =	strace $0x9FFFFFFF  }
0xc2: {  	(tm) =	ssettm $0x7FFFFFFF  }
0xc3: {  	_ =	shalt  }
tec
execute0_lowered:
.L_overlay_start_1:
0x0: {  	(tag) =	ssettag $0x1  }
0x1: {  	s0 =	rddreg [dreg:$0x0]  }
0x2: {  	s1 =	rddreg [dreg:$0x1];
	s20 =	simm.s32 $0x0;
	s3 =	srdreg.scid  }
0x3: {  	s2 =	stileid.u32;
	s13 =	simm.s32 $0x3;
	s14 =	simm.s32 $0x80  }
0x4: {  	s15 =	simm.s32 $0xC80;
	s16 =	simm.s32 $0x19C80;
	s12 =	simm.s32 $0x40  }
0x5: {  	s18 =	simm.s32 $0x640;
	s21 =	simm.s32 $0xD480;
	s23 =	simm.s32 $0x1A2C0  }
0x6: {  	s10 =	simm.s32 $0x840;
	s31 =	simm.s32 $0x8C0;
	s17 =	simm.s32 $0x940  }
0x7: {  	s28 =	simm.s32 $0x9C0;
	s19 =	simm.s32 $0xA40;
	s22 =	simm.s32 $0xAC0  }
0x8: {  	s29 =	simm.s32 $0xBC0;
	s11 =	simm.s32 $0x2;
	[smem:$0x7FF] =	sst s20  }
0x9: {  	s4 =	sand.u32 $0x1, s3;
	s5 =	sshll.u32 s2, $0x1;
	s3 =	sadd.s32 $0x400, s0  }
0xa: {  	_ =	strace $0x80000047;
	s6 =	ssub.s32 $0x2, s4;
	s7 =	sor.u32 s4, s5  }
0xb: {  	s4 =	sadd.s32 $0x19400, s0;
	s5 =	sadd.s32 $0xF42800, s0;
	s0 =	sadd.s32 $0x37E00, s0  }
0xc: {  	s8 =	sshrl.u32 s6, $0x1;
	s9 =	smul.u32 $0xC80, s7;
	[dreg:$0x3] =	wrdreg s0  }
0xd: {  	s26 =	sshll.u32 s7, $0x6;
	s24 =	ssub.s32 s6, s8;
	s8 =	sshll.u32 s7, $0x9  }
0xe: {  	s1 =	sadd.s32 s1, s26;
	s26 =	simm.s32 $0x6C0;
	s6 =	simm.s32 $0x1  }
0xf: {  	v0 =	vlaneseq.u32;
	s7 =	simm.s32 $0x0;
	s25 =	sadd.s32 s3, s9;
	[dreg:$0x6] =	wrdreg s1  }
0x10: {  	v59 =	vmul.u32 $0x32, v0;
	s30 =	sor.u32 $0x40, s8;
	s0 =	smax.u32 s24, $0x1;
	[dreg:$0x4] =	wrdreg s25  }
0x11: {  	s1 =	simm.s32 $0x740;
	s9 =	simm.s32 $0x7C0;
	[dreg:$0x5] =	wrdreg s30  }
0x12: {  	[tilespmem:$0x1FFF0] =	vst v59;
	[dreg:$0x7] =	wrdreg s0;
	s25 =	simm.s32 $0xB40;
	s0 =	simm.s32 $0xC40  }
.LBB2_1:
0x13: {  	[dreg:$0x8] =	wrdreg s7  }
0x14: {  	s2 =	rddreg [dreg:$0x3];
	s30 =	simm.s32 $0x1A900  }
0x15: {  	[tilespmem:s30], [sflag:$0x3] =	stream.linear.gather [hbm4b:s2+s20], $0x10, $0x38;
	[tilespmem:$0x1AB10] =	vst v63  }
0x16: {  	_ =	swait.ge [sflag:s13], $0x10  }
0x17: {  	[sflag:s13] =	ssyncset.done $0x0  }
0x18: {  	[sflag:s13] =	ssyncadd.s32 $0xFFFFFFF0  }
0x19: {  	v0 =	vld [tilespmem:$0x1A900];
	_ =	sdelay $0x2  }
0x1a: {  	s24 =	rddreg [dreg:$0x4]  }
0x1b: {  	[tilespmem:s20], [sflag:$0x3] =	stream.linear.gather [hbm4b:s24+s20], $0x640, $0x38;
	[tilespmem:$0x1AB10] =	vst v63  }
0x1c: {  	[tilespmem:$0x1FFE0] =	vst v0  }
0x1d: {  	_ =	swait.ge [sflag:s13], $0x640  }
0x1e: {  	[sflag:s13] =	ssyncset.done $0x0  }
0x1f: {  	[sflag:s13] =	ssyncadd.s32 $0xFFFFF9C0  }
0x20: {  	[tilespmem:s15], [sflag:$0x1] =	stream.indirect.gather [hbm4b:s5+s14], $0x20, s20, s14, $0xb8;
	[tilespmem:$0x1AB10] =	vst v63  }
0x21: {  	_ = 	snop  }
0x22: {  	[tilespmem:s16], [sflag:$0x1] =	stream.indirect.gather [hbm4b:s4+s14], $0x1, s20, s14, $0xb8;
	[tilespmem:$0x1AB10] =	vst v63  }
0x23: {  	s30 =	simm.s32 $0x1C80  }
0x24: {  	[tilespmem:s30], [sflag:$0x1] =	stream.indirect.gather [hbm4b:s5+s14], $0x20, s14, s14, $0xb8;
	[tilespmem:$0x1AB10] =	vst v63  }
0x25: {  	s7 =	simm.s32 $0x19D00  }
0x26: {  	[tilespmem:s7], [sflag:$0x1] =	stream.indirect.gather [hbm4b:s4+s14], $0x1, s14, s14, $0xb8;
	[tilespmem:$0x1AB10] =	vst v63  }
0x27: {  	s24 =	simm.s32 $0x2C80;
	s20 =	simm.s32 $0x100  }
0x28: {  	[tilespmem:s24], [sflag:$0x1] =	stream.indirect.gather [hbm4b:s5+s14], $0x20, s20, s14, $0xb8;
	[tilespmem:$0x1AB10] =	vst v63  }
0x29: {  	s30 =	simm.s32 $0x19D80  }
0x2a: {  	[tilespmem:s30], [sflag:$0x1] =	stream.indirect.gather [hbm4b:s4+s14], $0x1, s20, s14, $0xb8;
	[tilespmem:$0x1AB10] =	vst v63  }
0x2b: {  	s24 =	simm.s32 $0x3C80;
	s20 =	simm.s32 $0x180  }
0x2c: {  	[tilespmem:s24], [sflag:$0x1] =	stream.indirect.gather [hbm4b:s5+s14], $0x20, s20, s14, $0xb8;
	[tilespmem:$0x1AB10] =	vst v63  }
0x2d: {  	s30 =	simm.s32 $0x19E00  }
0x2e: {  	[tilespmem:s30], [sflag:$0x1] =	stream.indirect.gather [hbm4b:s4+s14], $0x1, s20, s14, $0xb8;
	[tilespmem:$0x1AB10] =	vst v63  }
0x2f: {  	s24 =	simm.s32 $0x4C80;
	s20 =	simm.s32 $0x200  }
0x30: {  	[tilespmem:s24], [sflag:$0x1] =	stream.indirect.gather [hbm4b:s5+s14], $0x20, s20, s14, $0xb8;
	[tilespmem:$0x1AB10] =	vst v63  }
0x31: {  	s30 =	simm.s32 $0x19E80  }
0x32: {  	[tilespmem:s30], [sflag:$0x1] =	stream.indirect.gather [hbm4b:s4+s14], $0x1, s20, s14, $0xb8;
	[tilespmem:$0x1AB10] =	vst v63  }
0x33: {  	s24 =	simm.s32 $0x5C80;
	s20 =	simm.s32 $0x280  }
0x34: {  	[tilespmem:s24], [sflag:$0x1] =	stream.indirect.gather [hbm4b:s5+s14], $0x20, s20, s14, $0xb8;
	[tilespmem:$0x1AB10] =	vst v63  }
0x35: {  	s30 =	simm.s32 $0x19F00  }
0x36: {  	[tilespmem:s30], [sflag:$0x1] =	stream.indirect.gather [hbm4b:s4+s14], $0x1, s20, s14, $0xb8;
	[tilespmem:$0x1AB10] =	vst v63  }
0x37: {  	s24 =	simm.s32 $0x6C80;
	s20 =	simm.s32 $0x300  }
0x38: {  	[tilespmem:s24], [sflag:$0x1] =	stream.indirect.gather [hbm4b:s5+s14], $0x20, s20, s14, $0xb8;
	[tilespmem:$0x1AB10] =	vst v63  }
0x39: {  	s30 =	simm.s32 $0x19F80  }
0x3a: {  	[tilespmem:s30], [sflag:$0x1] =	stream.indirect.gather [hbm4b:s4+s14], $0x1, s20, s14, $0xb8;
	[tilespmem:$0x1AB10] =	vst v63  }
0x3b: {  	s24 =	simm.s32 $0x7C80;
	s20 =	simm.s32 $0x380  }
0x3c: {  	[tilespmem:s24], [sflag:$0x1] =	stream.indirect.gather [hbm4b:s5+s14], $0x20, s20, s14, $0xb8;
	[tilespmem:$0x1AB10] =	vst v63  }
0x3d: {  	s30 =	simm.s32 $0x1A000  }
0x3e: {  	[tilespmem:s30], [sflag:$0x1] =	stream.indirect.gather [hbm4b:s4+s14], $0x1, s20, s14, $0xb8;
	[tilespmem:$0x1AB10] =	vst v63  }
0x3f: {  	s24 =	simm.s32 $0x8C80;
	s20 =	simm.s32 $0x400  }
0x40: {  	[tilespmem:s24], [sflag:$0x1] =	stream.indirect.gather [hbm4b:s5+s14], $0x20, s20, s14, $0xb8;
	[tilespmem:$0x1AB10] =	vst v63  }
0x41: {  	s30 =	simm.s32 $0x1A080  }
0x42: {  	[tilespmem:s30], [sflag:$0x1] =	stream.indirect.gather [hbm4b:s4+s14], $0x1, s20, s14, $0xb8;
	[tilespmem:$0x1AB10] =	vst v63  }
0x43: {  	s24 =	simm.s32 $0x9C80;
	s20 =	simm.s32 $0x480  }
0x44: {  	[tilespmem:s24], [sflag:$0x1] =	stream.indirect.gather [hbm4b:s5+s14], $0x20, s20, s14, $0xb8;
	[tilespmem:$0x1AB10] =	vst v63  }
0x45: {  	s30 =	simm.s32 $0x1A100  }
0x46: {  	[tilespmem:s30], [sflag:$0x1] =	stream.indirect.gather [hbm4b:s4+s14], $0x1, s20, s14, $0xb8;
	[tilespmem:$0x1AB10] =	vst v63  }
0x47: {  	s24 =	simm.s32 $0xAC80;
	s20 =	simm.s32 $0x500  }
0x48: {  	[tilespmem:s24], [sflag:$0x1] =	stream.indirect.gather [hbm4b:s5+s14], $0x20, s20, s14, $0xb8;
	[tilespmem:$0x1AB10] =	vst v63  }
0x49: {  	s30 =	simm.s32 $0x1A180  }
0x4a: {  	[tilespmem:s30], [sflag:$0x1] =	stream.indirect.gather [hbm4b:s4+s14], $0x1, s20, s14, $0xb8;
	[tilespmem:$0x1AB10] =	vst v63  }
0x4b: {  	s24 =	simm.s32 $0xBC80;
	s20 =	simm.s32 $0x580  }
0x4c: {  	[tilespmem:s24], [sflag:$0x1] =	stream.indirect.gather [hbm4b:s5+s14], $0x20, s20, s14, $0xb8;
	[tilespmem:$0x1AB10] =	vst v63  }
0x4d: {  	s30 =	simm.s32 $0x1A200  }
0x4e: {  	[tilespmem:s30], [sflag:$0x1] =	stream.indirect.gather [hbm4b:s4+s14], $0x1, s20, s14, $0xb8;
	[tilespmem:$0x1AB10] =	vst v63  }
0x4f: {  	s24 =	simm.s32 $0xCC80;
	s20 =	simm.s32 $0x600  }
0x50: {  	[tilespmem:s24], [sflag:$0x1] =	stream.indirect.gather [hbm4b:s5+s12], $0x20, s20, s12, $0xb8;
	[tilespmem:$0x1AB10] =	vst v63  }
0x51: {  	s30 =	simm.s32 $0x1A280  }
0x52: {  	[tilespmem:s30], [sflag:$0x1] =	stream.indirect.gather [hbm4b:s4+s12], $0x1, s20, s12, $0xb8;
	[tilespmem:$0x1AB10] =	vst v63  }
0x53: {  	s20 =	simm.s32 $0x0  }
.LBB2_2:
0x54: {  	s24 =	sshll.u32 s20, $0x6  }
0x55: {  	s30 =	sor.u32 $0x20, s24  }
0x56: {  	s7 =	sadd.s32 s8, s30  }
0x57: {  	s7 =	smul.u32 $0x32, s7;
	_ =	sdelay $0x1  }
0x58: {  	s7 =	sshrl.u32 s7, $0x3  }
0x59: {  	s2 =	sadd.s32 s3, s7;
	s7 =	simm.s32 $0x0  }
0x5a: {  	[tilespmem:s18], [sflag:$0x3] =	stream.linear.gather [hbm4b:s2+s7], $0x640, $0x38;
	[tilespmem:$0x1AB10] =	vst v63  }
0x5b: {  	_ =	swait.ge [sflag:s13], $0x640  }
0x5c: {  	[sflag:s13] =	ssyncset.done $0x0  }
0x5d: {  	[sflag:s13] =	ssyncadd.s32 $0xFFFFF9C0  }
0x5e: {  	[tilespmem:s21], [sflag:$0x2] =	stream.indirect.gather [hbm4b:s5+s14], $0x20, s18, s14, $0xb8;
	[tilespmem:$0x1AB10] =	vst v63  }
0x5f: {  	_ = 	snop  }
0x60: {  	[tilespmem:s23], [sflag:$0x2] =	stream.indirect.gather [hbm4b:s4+s14], $0x1, s18, s14, $0xb8;
	[tilespmem:$0x1AB10] =	vst v63  }
0x61: {  	s2 =	simm.s32 $0xE480  }
0x62: {  	[tilespmem:s2], [sflag:$0x2] =	stream.indirect.gather [hbm4b:s5+s14], $0x20, s26, s14, $0xb8;
	[tilespmem:$0x1AB10] =	vst v63  }
0x63: {  	s2 =	simm.s32 $0x1A340  }
0x64: {  	[tilespmem:s2], [sflag:$0x2] =	stream.indirect.gather [hbm4b:s4+s14], $0x1, s26, s14, $0xb8;
	[tilespmem:$0x1AB10] =	vst v63  }
0x65: {  	s2 =	simm.s32 $0xF480  }
0x66: {  	[tilespmem:s2], [sflag:$0x2] =	stream.indirect.gather [hbm4b:s5+s14], $0x20, s1, s14, $0xb8;
	[tilespmem:$0x1AB10] =	vst v63  }
0x67: {  	s2 =	simm.s32 $0x1A3C0  }
0x68: {  	[tilespmem:s2], [sflag:$0x2] =	stream.indirect.gather [hbm4b:s4+s14], $0x1, s1, s14, $0xb8;
	[tilespmem:$0x1AB10] =	vst v63  }
0x69: {  	s2 =	simm.s32 $0x10480  }
0x6a: {  	[tilespmem:s2], [sflag:$0x2] =	stream.indirect.gather [hbm4b:s5+s14], $0x20, s9, s14, $0xb8;
	[tilespmem:$0x1AB10] =	vst v63  }
0x6b: {  	s2 =	simm.s32 $0x1A440  }
0x6c: {  	[tilespmem:s2], [sflag:$0x2] =	stream.indirect.gather [hbm4b:s4+s14], $0x1, s9, s14, $0xb8;
	[tilespmem:$0x1AB10] =	vst v63  }
0x6d: {  	s2 =	simm.s32 $0x11480  }
0x6e: {  	[tilespmem:s2], [sflag:$0x2] =	stream.indirect.gather [hbm4b:s5+s14], $0x20, s10, s14, $0xb8;
	[tilespmem:$0x1AB10] =	vst v63  }
0x6f: {  	s2 =	simm.s32 $0x1A4C0  }
0x70: {  	[tilespmem:s2], [sflag:$0x2] =	stream.indirect.gather [hbm4b:s4+s14], $0x1, s10, s14, $0xb8;
	[tilespmem:$0x1AB10] =	vst v63  }
0x71: {  	s2 =	simm.s32 $0x12480  }
0x72: {  	[tilespmem:s2], [sflag:$0x2] =	stream.indirect.gather [hbm4b:s5+s14], $0x20, s31, s14, $0xb8;
	[tilespmem:$0x1AB10] =	vst v63  }
0x73: {  	s2 =	simm.s32 $0x1A540  }
0x74: {  	[tilespmem:s2], [sflag:$0x2] =	stream.indirect.gather [hbm4b:s4+s14], $0x1, s31, s14, $0xb8;
	[tilespmem:$0x1AB10] =	vst v63  }
0x75: {  	s2 =	simm.s32 $0x13480  }
0x76: {  	[tilespmem:s2], [sflag:$0x2] =	stream.indirect.gather [hbm4b:s5+s14], $0x20, s17, s14, $0xb8;
	[tilespmem:$0x1AB10] =	vst v63  }
0x77: {  	s2 =	simm.s32 $0x1A5C0  }
0x78: {  	[tilespmem:s2], [sflag:$0x2] =	stream.indirect.gather [hbm4b:s4+s14], $0x1, s17, s14, $0xb8;
	[tilespmem:$0x1AB10] =	vst v63  }
0x79: {  	s2 =	simm.s32 $0x14480  }
0x7a: {  	[tilespmem:s2], [sflag:$0x2] =	stream.indirect.gather [hbm4b:s5+s14], $0x20, s28, s14, $0xb8;
	[tilespmem:$0x1AB10] =	vst v63  }
0x7b: {  	s2 =	simm.s32 $0x1A640  }
0x7c: {  	[tilespmem:s2], [sflag:$0x2] =	stream.indirect.gather [hbm4b:s4+s14], $0x1, s28, s14, $0xb8;
	[tilespmem:$0x1AB10] =	vst v63  }
0x7d: {  	s2 =	simm.s32 $0x15480  }
0x7e: {  	[tilespmem:s2], [sflag:$0x2] =	stream.indirect.gather [hbm4b:s5+s14], $0x20, s19, s14, $0xb8;
	[tilespmem:$0x1AB10] =	vst v63  }
0x7f: {  	s2 =	simm.s32 $0x1A6C0  }
0x80: {  	[tilespmem:s2], [sflag:$0x2] =	stream.indirect.gather [hbm4b:s4+s14], $0x1, s19, s14, $0xb8;
	[tilespmem:$0x1AB10] =	vst v63  }
0x81: {  	s2 =	simm.s32 $0x16480  }
0x82: {  	[tilespmem:s2], [sflag:$0x2] =	stream.indirect.gather [hbm4b:s5+s14], $0x20, s22, s14, $0xb8;
	[tilespmem:$0x1AB10] =	vst v63  }
0x83: {  	s2 =	simm.s32 $0x1A740  }
0x84: {  	[tilespmem:s2], [sflag:$0x2] =	stream.indirect.gather [hbm4b:s4+s14], $0x1, s22, s14, $0xb8;
	[tilespmem:$0x1AB10] =	vst v63  }
0x85: {  	s2 =	simm.s32 $0x17480  }
0x86: {  	[tilespmem:s2], [sflag:$0x2] =	stream.indirect.gather [hbm4b:s5+s14], $0x20, s25, s14, $0xb8;
	[tilespmem:$0x1AB10] =	vst v63  }
0x87: {  	s2 =	simm.s32 $0x1A7C0  }
0x88: {  	[tilespmem:s2], [sflag:$0x2] =	stream.indirect.gather [hbm4b:s4+s14], $0x1, s25, s14, $0xb8;
	[tilespmem:$0x1AB10] =	vst v63  }
0x89: {  	s2 =	simm.s32 $0x18480  }
0x8a: {  	[tilespmem:s2], [sflag:$0x2] =	stream.indirect.gather [hbm4b:s5+s14], $0x20, s29, s14, $0xb8;
	[tilespmem:$0x1AB10] =	vst v63  }
0x8b: {  	s2 =	simm.s32 $0x1A840  }
0x8c: {  	[tilespmem:s2], [sflag:$0x2] =	stream.indirect.gather [hbm4b:s4+s14], $0x1, s29, s14, $0xb8;
	[tilespmem:$0x1AB10] =	vst v63  }
0x8d: {  	s2 =	simm.s32 $0x19480  }
0x8e: {  	[tilespmem:s2], [sflag:$0x2] =	stream.indirect.gather [hbm4b:s5+s12], $0x20, s0, s12, $0xb8;
	[tilespmem:$0x1AB10] =	vst v63  }
0x8f: {  	s2 =	simm.s32 $0x1A8C0  }
0x90: {  	[tilespmem:s2], [sflag:$0x2] =	stream.indirect.gather [hbm4b:s4+s12], $0x1, s0, s12, $0xb8;
	[tilespmem:$0x1AB10] =	vst v63  }
0x91: {  	_ =	swait.ge [sflag:s6], $0x1000  }
0x92: {  	[sflag:s6] =	ssyncset.done $0x0  }
0x93: {  	[sflag:s6] =	ssyncadd.s32 $0xFFFFF000  }
0x94: {  	_ =	swait.ge [sflag:s6], $0x80  }
0x95: {  	[sflag:s6] =	ssyncset.done $0x0  }
0x96: {  	[sflag:s6] =	ssyncadd.s32 $0xFFFFFF80  }
0x97: {  	_ =	swait.ge [sflag:s6], $0x1000  }
0x98: {  	[sflag:s6] =	ssyncset.done $0x0  }
0x99: {  	[sflag:s6] =	ssyncadd.s32 $0xFFFFF000  }
0x9a: {  	_ =	swait.ge [sflag:s6], $0x80  }
0x9b: {  	[sflag:s6] =	ssyncset.done $0x0  }
0x9c: {  	[sflag:s6] =	ssyncadd.s32 $0xFFFFFF80  }
0x9d: {  	_ =	swait.ge [sflag:s6], $0x1000  }
0x9e: {  	[sflag:s6] =	ssyncset.done $0x0  }
0x9f: {  	[sflag:s6] =	ssyncadd.s32 $0xFFFFF000  }
0xa0: {  	_ =	swait.ge [sflag:s6], $0x80  }
0xa1: {  	[sflag:s6] =	ssyncset.done $0x0  }
0xa2: {  	[sflag:s6] =	ssyncadd.s32 $0xFFFFFF80  }
0xa3: {  	_ =	swait.ge [sflag:s6], $0x1000  }
0xa4: {  	[sflag:s6] =	ssyncset.done $0x0  }
0xa5: {  	[sflag:s6] =	ssyncadd.s32 $0xFFFFF000  }
0xa6: {  	_ =	swait.ge [sflag:s6], $0x80  }
0xa7: {  	[sflag:s6] =	ssyncset.done $0x0  }
0xa8: {  	[sflag:s6] =	ssyncadd.s32 $0xFFFFFF80  }
0xa9: {  	_ =	swait.ge [sflag:s6], $0x1000  }
0xaa: {  	[sflag:s6] =	ssyncset.done $0x0  }
0xab: {  	[sflag:s6] =	ssyncadd.s32 $0xFFFFF000  }
0xac: {  	_ =	swait.ge [sflag:s6], $0x80  }
0xad: {  	[sflag:s6] =	ssyncset.done $0x0  }
0xae: {  	[sflag:s6] =	ssyncadd.s32 $0xFFFFFF80  }
0xaf: {  	_ =	swait.ge [sflag:s6], $0x1000  }
0xb0: {  	[sflag:s6] =	ssyncset.done $0x0  }
0xb1: {  	[sflag:s6] =	ssyncadd.s32 $0xFFFFF000  }
0xb2: {  	_ =	swait.ge [sflag:s6], $0x80  }
0xb3: {  	[sflag:s6] =	ssyncset.done $0x0  }
0xb4: {  	[sflag:s6] =	ssyncadd.s32 $0xFFFFFF80  }
0xb5: {  	_ =	swait.ge [sflag:s6], $0x1000  }
0xb6: {  	[sflag:s6] =	ssyncset.done $0x0  }
0xb7: {  	[sflag:s6] =	ssyncadd.s32 $0xFFFFF000  }
0xb8: {  	_ =	swait.ge [sflag:s6], $0x80  }
0xb9: {  	[sflag:s6] =	ssyncset.done $0x0  }
0xba: {  	[sflag:s6] =	ssyncadd.s32 $0xFFFFFF80  }
0xbb: {  	_ =	swait.ge [sflag:s6], $0x1000  }
0xbc: {  	[sflag:s6] =	ssyncset.done $0x0  }
0xbd: {  	[sflag:s6] =	ssyncadd.s32 $0xFFFFF000  }
0xbe: {  	_ =	swait.ge [sflag:s6], $0x80  }
0xbf: {  	[sflag:s6] =	ssyncset.done $0x0  }
0xc0: {  	[sflag:s6] =	ssyncadd.s32 $0xFFFFFF80  }
0xc1: {  	_ =	swait.ge [sflag:s6], $0x1000  }
0xc2: {  	[sflag:s6] =	ssyncset.done $0x0  }
0xc3: {  	[sflag:s6] =	ssyncadd.s32 $0xFFFFF000  }
0xc4: {  	_ =	swait.ge [sflag:s6], $0x80  }
0xc5: {  	[sflag:s6] =	ssyncset.done $0x0  }
0xc6: {  	[sflag:s6] =	ssyncadd.s32 $0xFFFFFF80  }
0xc7: {  	_ =	swait.ge [sflag:s6], $0x1000  }
0xc8: {  	[sflag:s6] =	ssyncset.done $0x0  }
0xc9: {  	[sflag:s6] =	ssyncadd.s32 $0xFFFFF000  }
0xca: {  	_ =	swait.ge [sflag:s6], $0x80  }
0xcb: {  	[sflag:s6] =	ssyncset.done $0x0  }
0xcc: {  	[sflag:s6] =	ssyncadd.s32 $0xFFFFFF80  }
0xcd: {  	_ =	swait.ge [sflag:s6], $0x1000  }
0xce: {  	[sflag:s6] =	ssyncset.done $0x0  }
0xcf: {  	[sflag:s6] =	ssyncadd.s32 $0xFFFFF000  }
0xd0: {  	_ =	swait.ge [sflag:s6], $0x80  }
0xd1: {  	[sflag:s6] =	ssyncset.done $0x0  }
0xd2: {  	[sflag:s6] =	ssyncadd.s32 $0xFFFFFF80  }
0xd3: {  	_ =	swait.ge [sflag:s6], $0x1000  }
0xd4: {  	[sflag:s6] =	ssyncset.done $0x0  }
0xd5: {  	[sflag:s6] =	ssyncadd.s32 $0xFFFFF000  }
0xd6: {  	_ =	swait.ge [sflag:s6], $0x80  }
0xd7: {  	[sflag:s6] =	ssyncset.done $0x0  }
0xd8: {  	[sflag:s6] =	ssyncadd.s32 $0xFFFFFF80  }
0xd9: {  	v28 =	vimm.f32 $0.0e+00;
	v33 =	vimm.f32 $0.0e+00;
	v35 =	vimm.f32 $0.0e+00;
	_ =	swait.ge [sflag:s6], $0x800  }
0xda: {  	v46 =	vimm.f32 $0.0e+00;
	v45 =	vimm.f32 $0.0e+00;
	v2 =	vadd.s32 s7, v59;
	[sflag:s6] =	ssyncset.done $0x0  }
0xdb: {  	v44 =	vimm.f32 $0.0e+00;
	v43 =	vimm.f32 $0.0e+00;
	v38 =	vshll.u32 v2, $0x5;
	[sflag:s6] =	ssyncadd.s32 $0xFFFFF800  }
0xdc: {  	v0 =	vimm.f32 $0.0e+00;
	v36 =	vimm.f32 $0.0e+00;
	v3 =	vor.u32 $0x1C, v38;
	_ =	swait.ge [sflag:s6], $0x40  }
0xdd: {  	v37 =	vimm.f32 $0.0e+00;
	v47 =	vimm.f32 $0.0e+00;
	v4 =	vor.u32 $0x1D, v38;
	[sflag:s6] =	ssyncset.done $0x0  }
0xde: {  	v48 =	vimm.f32 $0.0e+00;
	v52 =	vimm.f32 $0.0e+00;
	v5 =	vor.u32 $0x18, v38;
	[sflag:s6] =	ssyncadd.s32 $0xFFFFFFC0  }
0xdf: {  	v63 =	vimm.f32 $0.0e+00;
	v16 =	vimm.f32 $0.0e+00;
	v6 =	vor.u32 $0x19, v38;
	v2 =	vld.idx.msk [tilespmem:v2+s16+$0x0], $0xffff  }
0xe0: {  	v18 =	vimm.f32 $0.0e+00;
	v19 =	vimm.f32 $0.0e+00;
	v14 =	vor.u32 $0x14, v38;
	v49 =	vld.idx.msk [tilespmem:v38+s15+$0x0], $0xffff  }
0xe1: {  	v20 =	vimm.f32 $0.0e+00;
	v22 =	vimm.f32 $0.0e+00;
	v21 =	vor.u32 $0x10, v38;
	v39 =	vld.idx.msk [tilespmem:v3+s15+$0x0], $0xffff  }
0xe2: {  	v23 =	vimm.f32 $0.0e+00;
	v25 =	vimm.f32 $0.0e+00;
	v29 =	vor.u32 $0xC, v38;
	v40 =	vld.idx.msk [tilespmem:v4+s15+$0x0], $0xffff  }
0xe3: {  	v26 =	vimm.f32 $0.0e+00;
	v27 =	vimm.f32 $0.0e+00;
	v32 =	vor.u32 $0xD, v38;
	[tilespmem:$0x1FF60] =	vst v0;
	v41 =	vld.idx.msk [tilespmem:v5+s15+$0x0], $0xffff  }
0xe4: {  	v30 =	vimm.f32 $0.0e+00;
	v31 =	vimm.f32 $0.0e+00;
	v24 =	vor.u32 $0x11, v38;
	[tilespmem:$0x1FF70] =	vst v36;
	v42 =	vld.idx.msk [tilespmem:v6+s15+$0x0], $0xffff  }
0xe5: {  	v59 =	vimm.f32 $0.0e+00;
	v17 =	vor.u32 $0x15, v38;
	v50 =	vor.u32 $0x8, v38;
	[tilespmem:$0x1FFA0] =	vst v48;
	v48 =	vld.idx.msk [tilespmem:v14+s15+$0x0], $0xffff  }
0xe6: {  	v51 =	vor.u32 $0x9, v38;
	v53 =	vor.u32 $0x4, v38;
	v54 =	vor.u32 $0x5, v38;
	[tilespmem:$0x1FFB0] =	vst v52;
	v52 =	vld.idx.msk [tilespmem:v21+s15+$0x0], $0xffff  }
0xe7: {  	v55 =	vor.u32 $0x1, v38;
	[tilespmem:$0x1FF80] =	vst v37;
	v21 =	vimm.f32 $0.0e+00;
	v4 =	vld.idx.msk [tilespmem:v29+s15+$0x0], $0xffff;
	v29 =	vimm.f32 $0.0e+00  }
0xe8: {  	[tilespmem:$0x1FF90] =	vst v47;
	v7 =	vld.idx.msk [tilespmem:v32+s15+$0x0], $0xffff;
	v32 =	vimm.f32 $0.0e+00;
	v57 =	vadd.f32 v39, v28;
	v58 =	vadd.f32 v40, v28  }
0xe9: {  	[tilespmem:$0x1FFC0] =	vst v59;
	v15 =	vld.idx.msk [tilespmem:v24+s15+$0x0], $0xffff;
	v24 =	vimm.f32 $0.0e+00;
	v62 =	vadd.f32 v49, v28;
	v60 =	vadd.f32 v41, v28  }
0xea: {  	s7 =	simm.s32 $0x1;
	[tilespmem:$0x1FFD0] =	vst v63;
	v47 =	vld.idx.msk [tilespmem:v17+s15+$0x0], $0xffff;
	v17 =	vimm.f32 $0.0e+00;
	v56 =	vadd.f32 v2, v28;
	v61 =	vadd.f32 v42, v28  }
.LBB2_3:
0xeb: {  	_ =	sdelay $0x2  }
0xec: {  	v9 =	vor.u32 $0x2, v38;
	v50 =	vld.idx.msk [tilespmem:v50+s15+$0x0], $0xffff  }
0xed: {  	v10 =	vor.u32 $0x3, v38;
	v51 =	vld.idx.msk [tilespmem:v51+s15+$0x0], $0xffff  }
0xee: {  	v53 =	vld.idx.msk [tilespmem:v53+s15+$0x0], $0xffff;
	v11 =	vor.u32 $0x6, v38;
	[tilespmem:$0x1FF50] =	vst v61  }
0xef: {  	v54 =	vld.idx.msk [tilespmem:v54+s15+$0x0], $0xffff;
	v34 =	vor.u32 $0x7, v38;
	[tilespmem:$0x1FF20] =	vst v60  }
0xf0: {  	v59 =	vor.u32 $0x1E, v38;
	v14 =	vor.u32 $0x1F, v38;
	v49 =	vmul.f32 v49, v49;
	v55 =	vld.idx.msk [tilespmem:v55+s15+$0x0], $0xffff;
	[tilespmem:$0x1FF10] =	vst v58  }
0xf1: {  	v63 =	vor.u32 $0xA, v38;
	v1 =	vor.u32 $0xB, v38;
	v0 =	vor.u32 $0xE, v38;
	[tilespmem:$0x1FEF0] =	vst v56;
	v56 =	vld.idx.msk [tilespmem:v9+s15+$0x0], $0xffff  }
0xf2: {  	v2 =	vor.u32 $0xF, v38;
	v5 =	vor.u32 $0x12, v38;
	v8 =	vor.u32 $0x16, v38;
	[tilespmem:$0x1FF00] =	vst v57;
	v57 =	vld.idx.msk [tilespmem:v10+s15+$0x0], $0xffff  }
0xf3: {  	v61 =	vor.u32 $0x1A, v38;
	[tilespmem:$0x1FF30] =	vst v4;
	v3 =	vmul.f32 v4, v4;
	v4 =	vmul.f32 v15, v15;
	v58 =	vld.idx.msk [tilespmem:v11+s15+$0x0], $0xffff  }
0xf4: {  	v46 =	vadd.f32 v49, v46;
	v60 =	vld.idx.msk [tilespmem:v34+s15+$0x0], $0xffff;
	v6 =	vmul.f32 v50, v50;
	v34 =	vmul.f32 v7, v7  }
0xf5: {  	v33 =	vadd.f32 v47, v33;
	v36 =	vmul.f32 v53, v53;
	v9 =	vmul.f32 v55, v55  }
0xf6: {  	[tilespmem:$0x1FF40] =	vst v7;
	v63 =	vld.idx.msk [tilespmem:v63+s15+$0x0], $0xffff;
	v7 =	vor.u32 $0x13, v38;
	v37 =	vmul.f32 v51, v51;
	v10 =	vmul.f32 v54, v54  }
0xf7: {  	v1 =	vld.idx.msk [tilespmem:v1+s15+$0x0], $0xffff;
	v11 =	vor.u32 $0x17, v38;
	v9 =	vadd.f32 v9, v45;
	v12 =	vmul.f32 v56, v56  }
0xf8: {  	v0 =	vld.idx.msk [tilespmem:v0+s15+$0x0], $0xffff;
	v38 =	vor.u32 $0x1B, v38;
	v36 =	vadd.f32 v36, v46;
	v13 =	vmul.f32 v57, v57  }
0xf9: {  	v2 =	vld.idx.msk [tilespmem:v2+s15+$0x0], $0xffff;
	v9 =	vadd.f32 v10, v9;
	v45 =	vmul.f32 v58, v58;
	v12 =	vadd.f32 v12, v44  }
0xfa: {  	v5 =	vld.idx.msk [tilespmem:v5+s15+$0x0], $0xffff;
	v6 =	vadd.f32 v6, v36;
	v49 =	vmul.f32 v60, v60;
	v13 =	vadd.f32 v13, v43  }
0xfb: {  	v7 =	vld.idx.msk [tilespmem:v7+s15+$0x0], $0xffff;
	v10 =	vmul.f32 v63, v63;
	v9 =	vadd.f32 v37, v9;
	v12 =	vadd.f32 v45, v12  }
0xfc: {  	v8 =	vld.idx.msk [tilespmem:v8+s15+$0x0], $0xffff;
	v46 =	vmul.f32 v1, v1;
	v3 =	vadd.f32 v3, v6;
	v13 =	vadd.f32 v49, v13  }
0xfd: {  	v11 =	vld.idx.msk [tilespmem:v11+s15+$0x0], $0xffff;
	v6 =	vadd.f32 v34, v9;
	v49 =	vmul.f32 v0, v0;
	v10 =	vadd.f32 v10, v12  }
0xfe: {  	v47 =	vmul.f32 v47, v47;
	v37 =	vld.idx.msk [tilespmem:v61+s15+$0x0], $0xffff;
	v12 =	vadd.f32 v46, v13;
	v13 =	vmul.f32 v2, v2  }
0xff: {  	v44 =	vmul.f32 v5, v5;
	v4 =	vadd.f32 v4, v6;
	v10 =	vadd.f32 v49, v10  }
0x100: {  	v42 =	vmul.f32 v42, v42;
	v34 =	vld.idx.msk [tilespmem:v59+s15+$0x0], $0xffff;
	v12 =	vadd.f32 v13, v12;
	v13 =	vmul.f32 v7, v7  }
0x101: {  	v6 =	vmul.f32 v8, v8;
	v4 =	vadd.f32 v47, v4;
	v9 =	vadd.f32 v44, v10  }
0x102: {  	v40 =	vmul.f32 v40, v40;
	v61 =	vld.idx.msk [tilespmem:v38+s15+$0x0], $0xffff;
	v45 =	vadd.f32 v13, v12;
	v12 =	vmul.f32 v11, v11  }
0x103: {  	v36 =	vld.idx.msk [tilespmem:v14+s15+$0x0], $0xffff;
	v4 =	vadd.f32 v42, v4;
	v13 =	vmul.f32 v37, v37;
	v6 =	vadd.f32 v6, v9  }
0x104: {  	v35 =	vadd.f32 v52, v35;
	v52 =	vmul.f32 v52, v52;
	v59 =	vld [tilespmem:$0x1FFF0];
	v46 =	vadd.f32 v12, v45  }
0x105: {  	v12 =	vmul.f32 v34, v34;
	v45 =	vadd.f32 v40, v4;
	v4 =	vld [tilespmem:$0x1FF60];
	v6 =	vadd.f32 v13, v6  }
0x106: {  	v28 =	vadd.f32 v48, v28;
	v48 =	vmul.f32 v48, v48;
	v3 =	vadd.f32 v52, v3;
	v49 =	vld [tilespmem:$0x1FFA0]  }
0x107: {  	v47 =	vmul.f32 v61, v61;
	v44 =	vadd.f32 v12, v6;
	v6 =	vld [tilespmem:$0x1FF80]  }
0x108: {  	v39 =	vmul.f32 v39, v39;
	v41 =	vmul.f32 v41, v41;
	v52 =	vld [tilespmem:$0x1FFB0];
	v3 =	vadd.f32 v48, v3  }
0x109: {  	v48 =	vmul.f32 v36, v36;
	v31 =	vadd.f32 v37, v31;
	v37 =	vld [tilespmem:$0x1FF50];
	v9 =	vadd.f32 v47, v46  }
0x10a: {  	v3 =	vadd.f32 v41, v3;
	v13 =	vadd.s32 s7, v59;
	v12 =	vld [tilespmem:$0x1FFC0];
	v4 =	vadd.f32 v55, v4  }
0x10b: {  	v38 =	vshll.u32 v13, $0x5;
	v43 =	vadd.f32 v48, v9;
	v9 =	vadd.f32 v54, v49;
	v54 =	vld [tilespmem:$0x1FF30]  }
0x10c: {  	[tilespmem:$0x1FF60] =	vst v4;
	v4 =	vld [tilespmem:$0x1FF70];
	v6 =	vadd.f32 v57, v6  }
0x10d: {  	v46 =	vadd.f32 v39, v3;
	v3 =	vor.u32 $0x1C, v38;
	[tilespmem:$0x1FFA0] =	vst v9;
	v9 =	vadd.f32 v58, v52;
	v58 =	vld [tilespmem:$0x1FF10]  }
0x10e: {  	[tilespmem:$0x1FF80] =	vst v6;
	v6 =	vld [tilespmem:$0x1FF90]  }
0x10f: {  	[tilespmem:$0x1FFB0] =	vst v9;
	v9 =	vld.idx.msk [tilespmem:v13+s16+$0x0], $0xffff  }
0x110: {  	v49 =	vld.idx.msk [tilespmem:v38+s15+$0x0], $0xffff;
	v12 =	vadd.f32 v60, v12  }
0x111: {  	v22 =	vadd.f32 v0, v22;
	v0 =	vor.u32 $0x11, v38;
	v57 =	vld [tilespmem:$0x1FF00];
	v4 =	vadd.f32 v56, v4  }
0x112: {  	v39 =	vld.idx.msk [tilespmem:v3+s15+$0x0], $0xffff;
	[tilespmem:$0x1FFC0] =	vst v12  }
0x113: {  	v12 =	vld [tilespmem:$0x1FFD0];
	[tilespmem:$0x1FF70] =	vst v4;
	v4 =	vor.u32 $0x1D, v38;
	v6 =	vadd.f32 v53, v6  }
0x114: {  	v3 =	vld [tilespmem:$0x1FF40];
	v53 =	vor.u32 $0x19, v38  }
0x115: {  	v25 =	vadd.f32 v15, v25;
	v16 =	vadd.f32 v51, v16;
	v60 =	vld [tilespmem:$0x1FF20];
	[tilespmem:$0x1FF90] =	vst v6;
	v6 =	vor.u32 $0x18, v38  }
0x116: {  	v18 =	vadd.f32 v63, v18;
	v19 =	vadd.f32 v1, v19;
	v55 =	vor.u32 $0x10, v38;
	v15 =	vld.idx.msk [tilespmem:v0+s15+$0x0], $0xffff  }
0x117: {  	v23 =	vadd.f32 v2, v23;
	v26 =	vadd.f32 v5, v26;
	v13 =	vor.u32 $0x15, v38;
	v56 =	vld [tilespmem:$0x1FEF0]  }
0x118: {  	v29 =	vadd.f32 v8, v29;
	v2 =	vor.u32 $0xC, v38;
	v12 =	vadd.f32 v50, v12;
	v40 =	vld.idx.msk [tilespmem:v4+s15+$0x0], $0xffff  }
0x119: {  	v17 =	vadd.f32 v36, v17;
	v21 =	vadd.f32 v3, v21;
	v3 =	vor.u32 $0xD, v38;
	v42 =	vld.idx.msk [tilespmem:v53+s15+$0x0], $0xffff  }
0x11a: {  	p0 =	sne.s32 s7, $0x31;
	v27 =	vadd.f32 v7, v27;
	v30 =	vadd.f32 v11, v30;
	[tilespmem:$0x1FFD0] =	vst v12;
	v12 =	vor.u32 $0x14, v38;
	v41 =	vld.idx.msk [tilespmem:v6+s15+$0x0], $0xffff  }
.Ltmp0:
0x11b: {  	v32 =	vadd.f32 v61, v32;
	v24 =	vadd.f32 v34, v24;
	v52 =	vld.idx.msk [tilespmem:v55+s15+$0x0], $0xffff;
	(pc) =	sbr.rel @p0 .LBB2_3-.Ltmp0, $4  }
0x11c: {  	v51 =	vor.u32 $0x9, v38;
	v20 =	vadd.f32 v54, v20;
	v54 =	vor.u32 $0x5, v38;
	v47 =	vld.idx.msk [tilespmem:v13+s15+$0x0], $0xffff  }
0x11d: {  	v55 =	vor.u32 $0x1, v38;
	v62 =	vadd.f32 v49, v62;
	v57 =	vadd.f32 v39, v57;
	v4 =	vld.idx.msk [tilespmem:v2+s15+$0x0], $0xffff  }
0x11e: {  	v50 =	vor.u32 $0x8, v38;
	v56 =	vadd.f32 v9, v56;
	v7 =	vld.idx.msk [tilespmem:v3+s15+$0x0], $0xffff;
	v58 =	vadd.f32 v40, v58  }
0x11f: {  	s7 =	sadd.s32 $0x1, s7;
	v53 =	vor.u32 $0x4, v38;
	v48 =	vld.idx.msk [tilespmem:v12+s15+$0x0], $0xffff;
	v61 =	vadd.f32 v42, v37;
	v60 =	vadd.f32 v41, v60  }
0x120: {  	_ =	sdelay $0x2  }
0x121: {  	v0 =	vor.u32 $0x2, v38  }
0x122: {  	v1 =	vor.u32 $0x3, v38;
	v2 =	vld.idx.msk [tilespmem:v50+s15+$0x0], $0xffff  }
0x123: {  	v3 =	vld.idx.msk [tilespmem:v53+s15+$0x0], $0xffff;
	v5 =	vor.u32 $0x7, v38  }
0x124: {  	v6 =	vld.idx.msk [tilespmem:v55+s15+$0x0], $0xffff;
	v8 =	vor.u32 $0xA, v38  }
0x125: {  	v9 =	vor.u32 $0xB, v38;
	v36 =	vld.idx.msk [tilespmem:v51+s15+$0x0], $0xffff  }
0x126: {  	v0 =	vld.idx.msk [tilespmem:v0+s15+$0x0], $0xffff  }
0x127: {  	v14 =	vmovc v15;
	v10 =	vmul.f32 v49, v49;
	v12 =	vor.u32 $0xE, v38;
	v15 =	vmovc v4;
	v4 =	vor.u32 $0x6, v38;
	v1 =	vld.idx.msk [tilespmem:v1+s15+$0x0], $0xffff  }
0x128: {  	v51 =	vor.u32 $0x17, v38;
	v35 =	vadd.f32 v52, v35;
	v52 =	vmul.f32 v52, v52;
	v5 =	vld.idx.msk [tilespmem:v5+s15+$0x0], $0xffff  }
0x129: {  	v41 =	vmul.f32 v41, v41;
	v33 =	vadd.f32 v47, v33;
	v10 =	vadd.f32 v10, v46;
	v8 =	vld.idx.msk [tilespmem:v8+s15+$0x0], $0xffff  }
0x12a: {  	v46 =	vor.u32 $0x16, v38;
	v63 =	vmovc v7;
	v11 =	vmul.f32 v6, v6;
	v13 =	vmul.f32 v3, v3;
	v9 =	vld.idx.msk [tilespmem:v9+s15+$0x0], $0xffff  }
0x12b: {  	v7 =	vld.idx.msk [tilespmem:v54+s15+$0x0], $0xffff;
	v50 =	vmul.f32 v15, v15;
	v15 =	vadd.f32 v15, v20;
	v28 =	vadd.f32 v48, v28  }
0x12c: {  	v53 =	vmul.f32 v2, v2;
	v4 =	vld.idx.msk [tilespmem:v4+s15+$0x0], $0xffff;
	v11 =	vadd.f32 v11, v45;
	v10 =	vadd.f32 v13, v10  }
0x12d: {  	v45 =	vor.u32 $0xF, v38;
	v13 =	vor.u32 $0x12, v38;
	v34 =	vmul.f32 v0, v0  }
0x12e: {  	v10 =	vadd.f32 v53, v10;
	v37 =	vmul.f32 v1, v1;
	v54 =	vmul.f32 v5, v5  }
0x12f: {  	v49 =	vmul.f32 v8, v8;
	v53 =	vmul.f32 v9, v9;
	v34 =	vadd.f32 v34, v44  }
0x130: {  	v12 =	vld.idx.msk [tilespmem:v12+s15+$0x0], $0xffff;
	v44 =	vmul.f32 v7, v7;
	v37 =	vadd.f32 v37, v43;
	v43 =	vor.u32 $0x13, v38  }
0x131: {  	v51 =	vld.idx.msk [tilespmem:v51+s15+$0x0], $0xffff;
	v8 =	vadd.f32 v8, v18;
	v10 =	vadd.f32 v50, v10;
	v55 =	vmul.f32 v4, v4  }
0x132: {  	v9 =	vadd.f32 v9, v19;
	v45 =	vld.idx.msk [tilespmem:v45+s15+$0x0], $0xffff;
	v11 =	vadd.f32 v44, v11;
	v44 =	vmul.f32 v36, v36  }
0x133: {  	v47 =	vmul.f32 v47, v47;
	v13 =	vld.idx.msk [tilespmem:v13+s15+$0x0], $0xffff;
	v10 =	vadd.f32 v52, v10;
	v34 =	vadd.f32 v55, v34  }
0x134: {  	[tilespmem:$0x1FE50] =	vst v35;
	v35 =	vmovc v14;
	v52 =	vld [tilespmem:$0x1FFB0];
	v37 =	vadd.f32 v54, v37;
	v11 =	vadd.f32 v44, v11;
	v44 =	vor.u32 $0x1B, v38  }
0x135: {  	v19 =	vadd.f32 v35, v25;
	v50 =	vor.u32 $0x1E, v38;
	v55 =	vmul.f32 v63, v63;
	v43 =	vld.idx.msk [tilespmem:v43+s15+$0x0], $0xffff  }
0x136: {  	v34 =	vadd.f32 v49, v34;
	v37 =	vadd.f32 v53, v37;
	v49 =	vor.u32 $0x1A, v38  }
0x137: {  	v46 =	vld.idx.msk [tilespmem:v46+s15+$0x0], $0xffff;
	v53 =	vmul.f32 v12, v12;
	v12 =	vadd.f32 v12, v22;
	v22 =	vadd.f32 v51, v30  }
0x138: {  	v54 =	vmul.f32 v45, v45;
	v18 =	vadd.f32 v45, v23;
	v11 =	vadd.f32 v55, v11  }
0x139: {  	v55 =	vmul.f32 v14, v14;
	v34 =	vadd.f32 v53, v34;
	v53 =	vmul.f32 v13, v13;
	v44 =	vld.idx.msk [tilespmem:v44+s15+$0x0], $0xffff  }
0x13a: {  	v4 =	vadd.f32 v4, v52;
	v37 =	vadd.f32 v54, v37;
	v14 =	vmul.f32 v43, v43  }
0x13b: {  	v50 =	vld.idx.msk [tilespmem:v50+s15+$0x0], $0xffff;
	v11 =	vadd.f32 v55, v11;
	v34 =	vadd.f32 v53, v34;
	v55 =	vmul.f32 v48, v48  }
0x13c: {  	v48 =	vmul.f32 v46, v46;
	v49 =	vld.idx.msk [tilespmem:v49+s15+$0x0], $0xffff;
	v37 =	vadd.f32 v14, v37;
	v14 =	vmul.f32 v51, v51  }
0x13d: {  	v42 =	vmul.f32 v42, v42;
	v10 =	vadd.f32 v55, v10;
	v11 =	vadd.f32 v47, v11;
	v47 =	vld [tilespmem:$0x1FF90]  }
0x13e: {  	v34 =	vadd.f32 v48, v34;
	v48 =	vld [tilespmem:$0x1FFA0];
	v37 =	vadd.f32 v14, v37;
	v54 =	vmul.f32 v44, v44  }
0x13f: {  	v39 =	vmul.f32 v39, v39;
	v13 =	vadd.f32 v13, v26;
	v10 =	vadd.f32 v41, v10;
	v41 =	vld [tilespmem:$0x1FF70]  }
0x140: {  	v40 =	vmul.f32 v40, v40;
	v11 =	vadd.f32 v42, v11;
	v37 =	vadd.f32 v54, v37;
	v54 =	vld [tilespmem:$0x1FFD0]  }
0x141: {  	v38 =	vor.u32 $0x1F, v38;
	v24 =	vadd.f32 v50, v24;
	v20 =	vadd.f32 v43, v27;
	v42 =	vld [tilespmem:$0x1FF80]  }
0x142: {  	v53 =	vmul.f32 v49, v49;
	v10 =	vadd.f32 v39, v10;
	v11 =	vadd.f32 v40, v11  }
0x143: {  	v25 =	vmul.f32 v62, v62;
	v40 =	vld [tilespmem:$0x1FF60];
	v23 =	vadd.f32 v49, v31;
	v3 =	vadd.f32 v3, v47  }
0x144: {  	v4 =	vmul.f32 v4, v4;
	v26 =	vadd.f32 v44, v32;
	v34 =	vadd.f32 v53, v34  }
0x145: {  	v53 =	vld [tilespmem:$0x1FFC0];
	v0 =	vadd.f32 v0, v41;
	v3 =	vmul.f32 v3, v3;
	v2 =	vadd.f32 v2, v54  }
0x146: {  	v55 =	vmul.f32 v50, v50;
	v7 =	vadd.f32 v7, v48;
	v1 =	vadd.f32 v1, v42  }
0x147: {  	v38 =	vld.idx.msk [tilespmem:v38+s15+$0x0], $0xffff;
	v0 =	vmul.f32 v0, v0;
	v3 =	vadd.f32 v3, v25;
	v2 =	vmul.f32 v2, v2  }
0x148: {  	v34 =	vadd.f32 v55, v34;
	v6 =	vadd.f32 v6, v40  }
0x149: {  	v0 =	vadd.f32 v4, v0;
	v2 =	vadd.f32 v2, v3;
	v3 =	vmul.f32 v8, v8  }
0x14a: {  	v7 =	vmul.f32 v7, v7;
	v55 =	vadd.f32 v36, v16;
	v5 =	vadd.f32 v5, v53  }
0x14b: {  	v6 =	vmul.f32 v6, v6;
	v0 =	vadd.f32 v3, v0;
	v3 =	vmul.f32 v12, v12  }
0x14c: {  	v17 =	vadd.f32 v38, v17;
	v1 =	vmul.f32 v1, v1;
	v5 =	vmul.f32 v5, v5  }
0x14d: {  	v4 =	vmul.f32 v55, v55;
	v6 =	vadd.f32 v7, v6;
	v0 =	vadd.f32 v3, v0;
	v3 =	vld [tilespmem:$0x1FE50]  }
0x14e: {  	v14 =	vmul.f32 v38, v38;
	v16 =	vadd.f32 v63, v21;
	v1 =	vadd.f32 v5, v1  }
0x14f: {  	v5 =	vmul.f32 v9, v9;
	v4 =	vadd.f32 v4, v6;
	v6 =	vmul.f32 v15, v15  }
0x150: {  	v37 =	vadd.f32 v14, v37;
	v21 =	vadd.f32 v46, v29;
	v7 =	vmul.f32 v16, v16  }
0x151: {  	v1 =	vadd.f32 v5, v1;
	v2 =	vadd.f32 v6, v2;
	v5 =	vmul.f32 v18, v18  }
0x152: {  	v4 =	vadd.f32 v7, v4;
	v6 =	vmul.f32 v19, v19;
	v3 =	vmul.f32 v3, v3  }
0x153: {  	v7 =	vmul.f32 v20, v20;
	v1 =	vadd.f32 v5, v1;
	v5 =	vmul.f32 v13, v13  }
0x154: {  	v2 =	vadd.f32 v3, v2;
	v3 =	vadd.f32 v6, v4;
	v4 =	vmul.f32 v28, v28  }
0x155: {  	v0 =	vadd.f32 v5, v0;
	v1 =	vadd.f32 v7, v1;
	v5 =	vmul.f32 v33, v33  }
0x156: {  	v6 =	vmul.f32 v22, v22;
	v2 =	vadd.f32 v4, v2;
	v4 =	vmul.f32 v21, v21  }
0x157: {  	v7 =	vmul.f32 v61, v61;
	v3 =	vadd.f32 v5, v3;
	v5 =	vmul.f32 v60, v60  }
0x158: {  	v1 =	vadd.f32 v6, v1;
	v0 =	vadd.f32 v4, v0;
	v4 =	vmul.f32 v23, v23  }
0x159: {  	v6 =	vmul.f32 v58, v58;
	v2 =	vadd.f32 v5, v2;
	v5 =	vmul.f32 v26, v26  }
0x15a: {  	v3 =	vadd.f32 v7, v3;
	v0 =	vadd.f32 v4, v0;
	v4 =	vmul.f32 v57, v57  }
0x15b: {  	v7 =	vmul.f32 v17, v17;
	v1 =	vadd.f32 v5, v1;
	v5 =	vmul.f32 v24, v24  }
0x15c: {  	v3 =	vadd.f32 v6, v3;
	v2 =	vadd.f32 v4, v2  }
0x15d: {  	v0 =	vadd.f32 v5, v0;
	v1 =	vadd.f32 v7, v1  }
0x15e: {  	v4 =	vadd.f32 v11, v10;
	v5 =	vadd.f32 v37, v34  }
0x15f: {  	v2 =	vadd.f32 v3, v2;
	v0 =	vadd.f32 v1, v0;
	_ =	sdelay $0x1  }
0x160: {  	v62 =	vadd.f32 v5, v4;
	v0 =	vadd.f32 v0, v2;
	_ =	sdelay $0x1  }
0x161: {  	v0 =	vsub.f32 v62, v0  }
0x162: {  	v63 =	vld [tilespmem:$0x1FFE0]  }
0x163: {  	v0 =	vmul.f32 $5.000000000e-01, v0;
	_ =	sdelay $0x1  }
0x164: {  	v0 =	vadd.f32 v0, v56;
	_ =	sdelay $0x1  }
0x165: {  	v0 =	vadd.f32 v0, v63;
	_ =	sdelay $0x1  }
0x166: {  	v0 =	vsub.f32 $0.0e+00, v0;
	_ =	sdelay $0x1  }
0x167: {  	v0 =	vmul.f32 $1.442695020e+00, v0;
	_ =	sdelay $0x1  }
0x168: {  	(erf) = vpow2.f32 v0;
	_ =	sdelay $0x8  }
0x169: {  	v0 =	vpop (erf)  }
0x16a: {  	v0 =	vadd.f32 $1.000000000e+00, v0;
	_ =	sdelay $0x1  }
0x16b: {  	(erf) = vrcp.f32 v0;
	_ =	sdelay $0x2  }
0x16c: {  	s2 =	simm.s32 $0x0;
	v8 =	vadd.s32 $0x320, v59  }
0x16d: {  	v35 =	vimm.f32 $0.0e+00;
	v0 =	vadd.s32 s2, v8  }
0x16e: {  	v30 =	vimm.f32 $0.0e+00;
	v27 =	vimm.f32 $0.0e+00;
	v40 =	vshll.u32 v0, $0x5  }
0x16f: {  	v39 =	vimm.f32 $0.0e+00;
	v32 =	vimm.f32 $0.0e+00;
	v9 =	vor.u32 $0x1C, v40  }
0x170: {  	v44 =	vimm.f32 $0.0e+00;
	v38 =	vimm.f32 $0.0e+00;
	v3 =	vor.u32 $0x1D, v40  }
0x171: {  	v47 =	vimm.f32 $0.0e+00;
	v46 =	vimm.f32 $0.0e+00;
	v4 =	vor.u32 $0x18, v40  }
0x172: {  	v14 =	vimm.f32 $0.0e+00;
	v29 =	vimm.f32 $0.0e+00;
	v36 =	vimm.f32 $0.0e+00;
	v5 =	vpop (erf)  }
0x173: {  	v25 =	vimm.f32 $0.0e+00;
	v16 =	vimm.f32 $0.0e+00;
	v12 =	vimm.f32 $0.0e+00;
	[tilespmem:s24+$0x1A910] =	vst v5  }
0x174: {  	v18 =	vimm.f32 $0.0e+00;
	v19 =	vimm.f32 $0.0e+00;
	v10 =	vor.u32 $0x19, v40;
	v42 =	vld.idx.msk [tilespmem:v9+s15+$0x0], $0xffff  }
0x175: {  	v20 =	vimm.f32 $0.0e+00;
	v13 =	vimm.f32 $0.0e+00;
	v21 =	vor.u32 $0x15, v40;
	v41 =	vld.idx.msk [tilespmem:v3+s15+$0x0], $0xffff  }
0x176: {  	[tilespmem:$0x1FEC0] =	vst v35;
	v33 =	vimm.f32 $0.0e+00;
	v61 =	vimm.f32 $0.0e+00;
	v24 =	vor.u32 $0x10, v40;
	v43 =	vld.idx.msk [tilespmem:v4+s15+$0x0], $0xffff  }
0x177: {  	[tilespmem:$0x1FEE0] =	vst v38;
	v22 =	vimm.f32 $0.0e+00;
	v23 =	vimm.f32 $0.0e+00;
	v28 =	vor.u32 $0x11, v40;
	v37 =	vld.idx.msk [tilespmem:v0+s16+$0x0], $0xffff  }
0x178: {  	[tilespmem:$0x1FEA0] =	vst v14;
	v26 =	vimm.f32 $0.0e+00;
	v57 =	vimm.f32 $0.0e+00;
	v31 =	vor.u32 $0xC, v40;
	v55 =	vld.idx.msk [tilespmem:v40+s15+$0x0], $0xffff  }
0x179: {  	[tilespmem:$0x1FED0] =	vst v36;
	v11 =	vimm.f32 $0.0e+00;
	v34 =	vimm.f32 $0.0e+00;
	v17 =	vor.u32 $0x14, v40;
	v48 =	vld.idx.msk [tilespmem:v10+s15+$0x0], $0xffff  }
0x17a: {  	[tilespmem:$0x1FE60] =	vst v8;
	v62 =	vimm.f32 $0.0e+00;
	v63 =	vimm.f32 $0.0e+00;
	v49 =	vor.u32 $0xD, v40;
	v50 =	vld.idx.msk [tilespmem:v21+s15+$0x0], $0xffff  }
0x17b: {  	[tilespmem:$0x1FE80] =	vst v12;
	v52 =	vor.u32 $0x8, v40;
	v53 =	vor.u32 $0x9, v40;
	v56 =	vor.u32 $0x4, v40;
	v35 =	vld.idx.msk [tilespmem:v24+s15+$0x0], $0xffff  }
0x17c: {  	[tilespmem:$0x1FE90] =	vst v13;
	v54 =	vor.u32 $0x5, v40;
	v21 =	vimm.f32 $0.0e+00;
	v45 =	vld.idx.msk [tilespmem:v28+s15+$0x0], $0xffff;
	v28 =	vimm.f32 $0.0e+00  }
0x17d: {  	[tilespmem:$0x1FE70] =	vst v11;
	v5 =	vld.idx.msk [tilespmem:v31+s15+$0x0], $0xffff;
	v31 =	vimm.f32 $0.0e+00;
	v24 =	vimm.f32 $0.0e+00;
	v58 =	vadd.f32 v42, v39  }
0x17e: {  	s7 =	simm.s32 $0x1;
	[tilespmem:$0x1FEB0] =	vst v34;
	v51 =	vld.idx.msk [tilespmem:v17+s15+$0x0], $0xffff;
	v17 =	vimm.f32 $0.0e+00;
	v59 =	vadd.f32 v41, v39;
	v60 =	vadd.f32 v43, v39  }
.LBB2_5:
0x17f: {  	_ =	sdelay $0x2  }
0x180: {  	v7 =	vld.idx.msk [tilespmem:v49+s15+$0x0], $0xffff  }
0x181: {  	v0 =	vor.u32 $0x1, v40;
	v8 =	vld.idx.msk [tilespmem:v52+s15+$0x0], $0xffff  }
0x182: {  	v1 =	vor.u32 $0x2, v40;
	v2 =	vld [tilespmem:$0x1FE70]  }
0x183: {  	v53 =	vld.idx.msk [tilespmem:v53+s15+$0x0], $0xffff;
	v10 =	vor.u32 $0x6, v40  }
0x184: {  	v9 =	vor.u32 $0x3, v40;
	v52 =	vor.u32 $0x1E, v40;
	v54 =	vld.idx.msk [tilespmem:v54+s15+$0x0], $0xffff;
	v11 =	vor.u32 $0x7, v40  }
0x185: {  	v49 =	vor.u32 $0x1F, v40;
	v34 =	vor.u32 $0x12, v40;
	[tilespmem:$0x1FE10] =	vst v22;
	v57 =	vadd.f32 v37, v57;
	v37 =	vld.idx.msk [tilespmem:v56+s15+$0x0], $0xffff  }
0x186: {  	v12 =	vor.u32 $0xA, v40;
	v13 =	vmul.f32 v42, v42;
	v14 =	vor.u32 $0xB, v40;
	[tilespmem:$0x1FE40] =	vst v60;
	v0 =	vld.idx.msk [tilespmem:v0+s15+$0x0], $0xffff  }
0x187: {  	v42 =	vmul.f32 v41, v41;
	v3 =	vor.u32 $0xF, v40;
	[tilespmem:$0x1FDF0] =	vst v59;
	v60 =	vor.u32 $0x1A, v40;
	v1 =	vld.idx.msk [tilespmem:v1+s15+$0x0], $0xffff  }
0x188: {  	v22 =	vmov v62;
	[tilespmem:$0x1FDD0] =	vst v13;
	v39 =	vadd.f32 v55, v39;
	v32 =	vadd.f32 v48, v32;
	v56 =	vld.idx.msk [tilespmem:v10+s15+$0x0], $0xffff  }
0x189: {  	v55 =	vmul.f32 v55, v55;
	v41 =	vmul.f32 v48, v48;
	v2 =	vadd.f32 v51, v2;
	v59 =	vld.idx.msk [tilespmem:v11+s15+$0x0], $0xffff  }
0x18a: {  	v13 =	vor.u32 $0x17, v40;
	v48 =	vmovc v35;
	v4 =	vmul.f32 v35, v35;
	v35 =	vmov v5;
	v34 =	vld.idx.msk [tilespmem:v34+s15+$0x0], $0xffff;
	[tilespmem:$0x1FDE0] =	vst v57  }
0x18b: {  	v5 =	vmul.f32 v5, v5;
	v6 =	vmul.f32 v45, v45;
	v57 =	vld.idx.msk [tilespmem:v9+s15+$0x0], $0xffff;
	[tilespmem:$0x1FE70] =	vst v2;
	v2 =	vor.u32 $0xE, v40  }
0x18c: {  	[tilespmem:$0x1FE30] =	vst v7;
	v36 =	vmul.f32 v8, v8;
	v62 =	vld.idx.msk [tilespmem:v12+s15+$0x0], $0xffff;
	v38 =	vmul.f32 v7, v7;
	v7 =	vor.u32 $0x13, v40  }
0x18d: {  	v10 =	vor.u32 $0x16, v40;
	v12 =	vmul.f32 v54, v54;
	v47 =	vadd.f32 v55, v47;
	v55 =	vld [tilespmem:$0x1FE80]  }
0x18e: {  	[tilespmem:$0x1FE20] =	vst v63;
	v20 =	vadd.f32 v54, v20;
	v23 =	vadd.f32 v35, v23;
	v9 =	vmul.f32 v53, v53  }
0x18f: {  	[tilespmem:$0x1FE00] =	vst v8;
	v63 =	vld.idx.msk [tilespmem:v14+s15+$0x0], $0xffff;
	v40 =	vor.u32 $0x1B, v40;
	v11 =	vmul.f32 v0, v0;
	v14 =	vmul.f32 v1, v1  }
0x190: {  	v8 =	vmul.f32 v37, v37;
	v29 =	vadd.f32 v34, v29;
	v15 =	vmul.f32 v57, v57;
	v2 =	vld.idx.msk [tilespmem:v2+s15+$0x0], $0xffff  }
0x191: {  	v3 =	vld.idx.msk [tilespmem:v3+s15+$0x0], $0xffff;
	v11 =	vadd.f32 v11, v46;
	v46 =	vmul.f32 v56, v56;
	v14 =	vadd.f32 v14, v44  }
0x192: {  	v54 =	vld [tilespmem:$0x1FEC0];
	v8 =	vadd.f32 v8, v47;
	v15 =	vadd.f32 v15, v55;
	v55 =	vmul.f32 v59, v59  }
0x193: {  	v35 =	vld [tilespmem:$0x1FEE0];
	v11 =	vadd.f32 v12, v11;
	v12 =	vmul.f32 v62, v62;
	v14 =	vadd.f32 v46, v14  }
0x194: {  	v10 =	vld.idx.msk [tilespmem:v10+s15+$0x0], $0xffff;
	v44 =	vmul.f32 v63, v63;
	v8 =	vadd.f32 v36, v8;
	v15 =	vadd.f32 v55, v15  }
0x195: {  	v7 =	vld.idx.msk [tilespmem:v7+s15+$0x0], $0xffff;
	v9 =	vadd.f32 v9, v11;
	v12 =	vadd.f32 v12, v14;
	v55 =	vmul.f32 v2, v2  }
0x196: {  	v36 =	vld.idx.msk [tilespmem:v60+s15+$0x0], $0xffff;
	v5 =	vadd.f32 v5, v8;
	v44 =	vadd.f32 v44, v15;
	v15 =	vmul.f32 v3, v3  }
0x197: {  	v13 =	vld.idx.msk [tilespmem:v13+s15+$0x0], $0xffff;
	v47 =	vmul.f32 v34, v34;
	v46 =	vadd.f32 v38, v9;
	v11 =	vadd.f32 v55, v12  }
0x198: {  	v4 =	vadd.f32 v4, v5;
	v38 =	vld.idx.msk [tilespmem:v52+s15+$0x0], $0xffff;
	v55 =	vadd.f32 v15, v44  }
0x199: {  	v34 =	vld [tilespmem:$0x1FED0];
	v5 =	vadd.f32 v6, v46;
	v6 =	vmul.f32 v10, v10;
	v44 =	vadd.f32 v47, v11  }
0x19a: {  	v33 =	vadd.f32 v50, v33;
	v50 =	vmul.f32 v50, v50;
	v60 =	vld.idx.msk [tilespmem:v40+s15+$0x0], $0xffff;
	v40 =	vmul.f32 v7, v7  }
0x19b: {  	v18 =	vadd.f32 v57, v18;
	v15 =	vld.idx.msk [tilespmem:v49+s15+$0x0], $0xffff;
	v49 =	vmul.f32 v36, v36;
	v6 =	vadd.f32 v6, v44  }
0x19c: {  	v57 =	vld [tilespmem:$0x1FDE0];
	v62 =	vadd.f32 v62, v22;
	v46 =	vadd.f32 v40, v55;
	v47 =	vmul.f32 v13, v13  }
0x19d: {  	v22 =	vld [tilespmem:$0x1FE10];
	v21 =	vadd.f32 v2, v21;
	v52 =	vmul.f32 v38, v38;
	v6 =	vadd.f32 v49, v6  }
0x19e: {  	v51 =	vmul.f32 v51, v51;
	v5 =	vadd.f32 v50, v5;
	v50 =	vadd.f32 v47, v46;
	v47 =	vld [tilespmem:$0x1FE60]  }
0x19f: {  	v2 =	vadd.f32 v13, v34;
	v44 =	vadd.f32 v52, v6;
	v6 =	vld [tilespmem:$0x1FEA0]  }
0x1a0: {  	v43 =	vmul.f32 v43, v43;
	v4 =	vadd.f32 v51, v4;
	v5 =	vadd.f32 v41, v5;
	v49 =	vld [tilespmem:$0x1FDD0]  }
0x1a1: {  	v9 =	vld [tilespmem:$0x1FE20];
	v51 =	vmul.f32 v60, v60;
	[tilespmem:$0x1FED0] =	vst v2;
	v2 =	vadd.f32 v36, v35  }
0x1a2: {  	v4 =	vadd.f32 v43, v4;
	v46 =	vadd.f32 v42, v5;
	v5 =	vld [tilespmem:$0x1FE90]  }
0x1a3: {  	v36 =	vld [tilespmem:$0x1FE40];
	v55 =	vmul.f32 v15, v15;
	v8 =	vadd.f32 v51, v50;
	v12 =	vadd.s32 s7, v47  }
0x1a4: {  	v11 =	vld [tilespmem:$0x1FE30];
	v40 =	vshll.u32 v12, $0x5;
	v6 =	vadd.f32 v59, v6  }
0x1a5: {  	v52 =	vld [tilespmem:$0x1FE00];
	v47 =	vadd.f32 v49, v4;
	v4 =	vadd.f32 v55, v8;
	v50 =	vor.u32 $0x1D, v40  }
0x1a6: {  	v51 =	vor.u32 $0x18, v40;
	[tilespmem:$0x1FEA0] =	vst v6;
	v6 =	vld [tilespmem:$0x1FEB0]  }
0x1a7: {  	v5 =	vadd.f32 v56, v5;
	[tilespmem:$0x1FE80] =	vst v4;
	v4 =	vor.u32 $0x1C, v40;
	v59 =	vld [tilespmem:$0x1FDF0]  }
0x1a8: {  	v19 =	vadd.f32 v37, v19;
	v56 =	vor.u32 $0x15, v40;
	v37 =	vld.idx.msk [tilespmem:v12+s16+$0x0], $0xffff  }
0x1a9: {  	v27 =	vadd.f32 v45, v27;
	[tilespmem:$0x1FE90] =	vst v5;
	v5 =	vor.u32 $0x19, v40;
	v55 =	vld.idx.msk [tilespmem:v40+s15+$0x0], $0xffff  }
0x1aa: {  	v26 =	vadd.f32 v48, v26;
	v16 =	vadd.f32 v0, v16;
	v12 =	vor.u32 $0x11, v40;
	v41 =	vld.idx.msk [tilespmem:v50+s15+$0x0], $0xffff  }
0x1ab: {  	v61 =	vadd.f32 v1, v61;
	v14 =	vor.u32 $0xC, v40;
	v43 =	vld.idx.msk [tilespmem:v51+s15+$0x0], $0xffff;
	v6 =	vadd.f32 v52, v6  }
0x1ac: {  	v25 =	vadd.f32 v3, v25;
	v30 =	vadd.f32 v7, v30;
	v42 =	vld.idx.msk [tilespmem:v4+s15+$0x0], $0xffff;
	v4 =	vor.u32 $0x10, v40  }
0x1ad: {  	p0 =	sne.s32 s7, $0x31;
	v28 =	vadd.f32 v10, v28;
	v31 =	vadd.f32 v60, v31;
	v50 =	vld.idx.msk [tilespmem:v56+s15+$0x0], $0xffff;
	[tilespmem:$0x1FEB0] =	vst v6;
	v6 =	vor.u32 $0x14, v40  }
.Ltmp1:
0x1ae: {  	v22 =	vadd.f32 v63, v22;
	v24 =	vadd.f32 v38, v24;
	v48 =	vld.idx.msk [tilespmem:v5+s15+$0x0], $0xffff;
	(pc) =	sbr.rel @p0 .LBB2_5-.Ltmp1, $4  }
0x1af: {  	v17 =	vadd.f32 v15, v17;
	v63 =	vadd.f32 v11, v9;
	v45 =	vld.idx.msk [tilespmem:v12+s15+$0x0], $0xffff  }
0x1b0: {  	v8 =	vadd.f32 v53, v54;
	v49 =	vor.u32 $0xD, v40;
	v53 =	vor.u32 $0x9, v40;
	v5 =	vld.idx.msk [tilespmem:v14+s15+$0x0], $0xffff  }
0x1b1: {  	[tilespmem:$0x1FEE0] =	vst v2;
	v54 =	vor.u32 $0x5, v40;
	v56 =	vor.u32 $0x4, v40;
	v59 =	vadd.f32 v41, v59;
	v35 =	vld.idx.msk [tilespmem:v4+s15+$0x0], $0xffff  }
0x1b2: {  	s7 =	sadd.s32 $0x1, s7;
	[tilespmem:$0x1FEC0] =	vst v8;
	v52 =	vor.u32 $0x8, v40;
	v60 =	vadd.f32 v43, v36;
	v58 =	vadd.f32 v42, v58;
	v51 =	vld.idx.msk [tilespmem:v6+s15+$0x0], $0xffff  }
0x1b3: {  	_ =	sdelay $0x2  }
0x1b4: {  	v0 =	vor.u32 $0x1, v40  }
0x1b5: {  	v1 =	vor.u32 $0x2, v40;
	v3 =	vld.idx.msk [tilespmem:v52+s15+$0x0], $0xffff  }
0x1b6: {  	v2 =	vor.u32 $0x3, v40;
	v34 =	vld.idx.msk [tilespmem:v56+s15+$0x0], $0xffff  }
0x1b7: {  	v38 =	vor.u32 $0x6, v40;
	v7 =	vld.idx.msk [tilespmem:v54+s15+$0x0], $0xffff  }
0x1b8: {  	v6 =	vor.u32 $0x7, v40;
	v13 =	vld.idx.msk [tilespmem:v53+s15+$0x0], $0xffff  }
0x1b9: {  	v10 =	vor.u32 $0xB, v40;
	v0 =	vld.idx.msk [tilespmem:v0+s15+$0x0], $0xffff  }
0x1ba: {  	v8 =	vor.u32 $0xA, v40;
	v14 =	vor.u32 $0xE, v40;
	v1 =	vld.idx.msk [tilespmem:v1+s15+$0x0], $0xffff  }
0x1bb: {  	v9 =	vmul.f32 v55, v55;
	v11 =	vadd.f32 v55, v39;
	v33 =	vadd.f32 v50, v33;
	v2 =	vld.idx.msk [tilespmem:v2+s15+$0x0], $0xffff  }
0x1bc: {  	v43 =	vmul.f32 v43, v43;
	v32 =	vadd.f32 v48, v32;
	v52 =	vmov v5;
	[tilespmem:$0x1FDB0] =	vst v5;
	v5 =	vld.idx.msk [tilespmem:v38+s15+$0x0], $0xffff  }
0x1bd: {  	v39 =	vor.u32 $0x13, v40;
	v42 =	vmul.f32 v42, v42;
	v9 =	vadd.f32 v9, v47;
	[tilespmem:$0x1FDA0] =	vst v34;
	v6 =	vld.idx.msk [tilespmem:v6+s15+$0x0], $0xffff  }
0x1be: {  	v34 =	vmul.f32 v34, v34;
	v56 =	vmul.f32 v7, v7;
	v10 =	vld.idx.msk [tilespmem:v10+s15+$0x0], $0xffff;
	v7 =	vadd.f32 v7, v20  }
0x1bf: {  	v41 =	vmul.f32 v41, v41;
	v4 =	vmovc v45;
	v45 =	vor.u32 $0x12, v40;
	v55 =	vmul.f32 v3, v3;
	v14 =	vld.idx.msk [tilespmem:v14+s15+$0x0], $0xffff  }
0x1c0: {  	[tilespmem:$0x1FDC0] =	vst v11;
	v11 =	vld [tilespmem:$0x1FE80];
	v9 =	vadd.f32 v34, v9;
	v7 =	vmul.f32 v7, v7;
	v12 =	vmul.f32 v0, v0  }
0x1c1: {  	v38 =	vor.u32 $0xF, v40;
	v8 =	vld.idx.msk [tilespmem:v8+s15+$0x0], $0xffff;
	v15 =	vmul.f32 v1, v1;
	v36 =	vmul.f32 v2, v2  }
0x1c2: {  	v9 =	vadd.f32 v55, v9;
	v53 =	vmul.f32 v5, v5;
	v54 =	vmul.f32 v6, v6  }
0x1c3: {  	v47 =	vmul.f32 v10, v10;
	v0 =	vadd.f32 v0, v16;
	v1 =	vadd.f32 v1, v61  }
0x1c4: {  	v34 =	vld.idx.msk [tilespmem:v49+s15+$0x0], $0xffff;
	v49 =	vmul.f32 v14, v14;
	v2 =	vadd.f32 v2, v18;
	v12 =	vadd.f32 v12, v46  }
0x1c5: {  	v15 =	vadd.f32 v15, v44;
	v36 =	vadd.f32 v36, v11;
	v44 =	vor.u32 $0x16, v40  }
0x1c6: {  	v39 =	vld.idx.msk [tilespmem:v39+s15+$0x0], $0xffff;
	v46 =	vmul.f32 v8, v8;
	v12 =	vadd.f32 v56, v12;
	v56 =	vmul.f32 v13, v13  }
0x1c7: {  	v38 =	vld.idx.msk [tilespmem:v38+s15+$0x0], $0xffff;
	v15 =	vadd.f32 v53, v15;
	v36 =	vadd.f32 v54, v36;
	v53 =	vor.u32 $0x17, v40  }
0x1c8: {  	v20 =	vld [tilespmem:$0x1FEC0];
	v11 =	vmul.f32 v52, v52;
	v54 =	vor.u32 $0x1E, v40;
	v12 =	vadd.f32 v56, v12  }
0x1c9: {  	v45 =	vld.idx.msk [tilespmem:v45+s15+$0x0], $0xffff;
	v56 =	vmul.f32 v34, v34;
	v36 =	vadd.f32 v47, v36;
	v47 =	vor.u32 $0x1B, v40  }
0x1ca: {  	v61 =	vld [tilespmem:$0x1FEB0];
	v15 =	vadd.f32 v46, v15;
	v46 =	vor.u32 $0x1A, v40;
	v40 =	vor.u32 $0x1F, v40  }
0x1cb: {  	v10 =	vadd.f32 v10, v22;
	v44 =	vld.idx.msk [tilespmem:v44+s15+$0x0], $0xffff;
	v12 =	vadd.f32 v56, v12;
	v56 =	vmul.f32 v4, v4  }
0x1cc: {  	v14 =	vadd.f32 v14, v21;
	v52 =	vmul.f32 v38, v38;
	v15 =	vadd.f32 v49, v15;
	v49 =	vld.idx.msk [tilespmem:v53+s15+$0x0], $0xffff  }
0x1cd: {  	v55 =	vmul.f32 v35, v35;
	v9 =	vadd.f32 v11, v9;
	v11 =	vmovc v4;
	v12 =	vadd.f32 v56, v12;
	v56 =	vld [tilespmem:$0x1FE70]  }
0x1ce: {  	v36 =	vadd.f32 v52, v36;
	v52 =	vmul.f32 v45, v45;
	v4 =	vmul.f32 v39, v39;
	v47 =	vld.idx.msk [tilespmem:v47+s15+$0x0], $0xffff  }
0x1cf: {  	v8 =	vadd.f32 v8, v62;
	v0 =	vmul.f32 v0, v0;
	v13 =	vadd.f32 v13, v20;
	v40 =	vld.idx.msk [tilespmem:v40+s15+$0x0], $0xffff  }
0x1d0: {  	v15 =	vadd.f32 v52, v15;
	v36 =	vadd.f32 v4, v36;
	v4 =	vmul.f32 v44, v44  }
0x1d1: {  	v1 =	vmul.f32 v1, v1;
	v0 =	vadd.f32 v7, v0;
	v3 =	vadd.f32 v3, v61;
	v46 =	vld.idx.msk [tilespmem:v46+s15+$0x0], $0xffff  }
0x1d2: {  	v9 =	vadd.f32 v55, v9;
	v53 =	vmul.f32 v49, v49;
	v15 =	vadd.f32 v4, v15  }
0x1d3: {  	v55 =	vadd.f32 v51, v56;
	v51 =	vmul.f32 v51, v51;
	v56 =	vmul.f32 v50, v50  }
0x1d4: {  	v36 =	vadd.f32 v53, v36;
	v4 =	vmul.f32 v47, v47;
	v17 =	vadd.f32 v40, v17  }
0x1d5: {  	v9 =	vadd.f32 v51, v9;
	v51 =	vld.idx.msk [tilespmem:v54+s15+$0x0], $0xffff;
	v12 =	vadd.f32 v56, v12;
	v54 =	vmul.f32 v48, v48  }
0x1d6: {  	v53 =	vld [tilespmem:$0x1FDA0];
	v56 =	vmul.f32 v46, v46;
	v48 =	vadd.f32 v35, v26;
	v36 =	vadd.f32 v4, v36  }
0x1d7: {  	v52 =	vmul.f32 v40, v40;
	v9 =	vadd.f32 v43, v9;
	v12 =	vadd.f32 v54, v12  }
0x1d8: {  	v2 =	vmul.f32 v2, v2;
	v15 =	vadd.f32 v56, v15;
	v43 =	vadd.f32 v38, v25  }
0x1d9: {  	v3 =	vmul.f32 v3, v3;
	v36 =	vadd.f32 v52, v36;
	v52 =	vadd.f32 v45, v29  }
0x1da: {  	v40 =	vmul.f32 v14, v14;
	v9 =	vadd.f32 v42, v9;
	v12 =	vadd.f32 v41, v12  }
0x1db: {  	v35 =	vmul.f32 v10, v10;
	v54 =	vld [tilespmem:$0x1FE90];
	v4 =	vadd.f32 v53, v19;
	v42 =	vadd.f32 v34, v63  }
0x1dc: {  	v56 =	vld [tilespmem:$0x1FEA0];
	v63 =	vadd.f32 v47, v31;
	v31 =	vmul.f32 v13, v13;
	v34 =	vmul.f32 v8, v8  }
0x1dd: {  	v62 =	vld [tilespmem:$0x1FDC0];
	v53 =	vadd.f32 v39, v30;
	v47 =	vmul.f32 v33, v33;
	v50 =	vmul.f32 v51, v51  }
0x1de: {  	v61 =	vld [tilespmem:$0x1FEE0];
	v24 =	vadd.f32 v51, v24;
	v51 =	vmul.f32 v32, v32;
	v4 =	vmul.f32 v4, v4  }
0x1df: {  	v41 =	vld [tilespmem:$0x1FDB0];
	v0 =	vadd.f32 v31, v0;
	v39 =	vmul.f32 v42, v42;
	v42 =	vmul.f32 v48, v48  }
0x1e0: {  	v45 =	vmul.f32 v53, v53;
	v15 =	vadd.f32 v50, v15;
	v5 =	vadd.f32 v5, v54  }
0x1e1: {  	v53 =	vmul.f32 v63, v63;
	v6 =	vadd.f32 v6, v56;
	v50 =	vadd.f32 v11, v27  }
0x1e2: {  	v54 =	vadd.f32 v44, v28;
	v11 =	vmul.f32 v62, v62;
	v44 =	vmul.f32 v52, v52  }
0x1e3: {  	v56 =	vld [tilespmem:$0x1FED0];
	v27 =	vadd.f32 v46, v61;
	v5 =	vmul.f32 v5, v5;
	v6 =	vmul.f32 v6, v6  }
0x1e4: {  	v46 =	vmul.f32 v55, v55;
	v16 =	vadd.f32 v41, v23;
	v4 =	vadd.f32 v4, v11  }
0x1e5: {  	v55 =	vmul.f32 v59, v59;
	v1 =	vadd.f32 v5, v1;
	v2 =	vadd.f32 v6, v2  }
0x1e6: {  	v0 =	vadd.f32 v39, v0;
	v3 =	vadd.f32 v3, v4;
	v38 =	vmul.f32 v16, v16  }
0x1e7: {  	v41 =	vmul.f32 v43, v43;
	v1 =	vadd.f32 v34, v1;
	v2 =	vadd.f32 v35, v2  }
0x1e8: {  	v43 =	vmul.f32 v50, v50;
	v26 =	vadd.f32 v49, v56;
	v3 =	vadd.f32 v38, v3  }
0x1e9: {  	v48 =	vmul.f32 v54, v54;
	v1 =	vadd.f32 v40, v1;
	v2 =	vadd.f32 v41, v2  }
0x1ea: {  	v50 =	vmul.f32 v60, v60;
	v0 =	vadd.f32 v43, v0;
	v3 =	vadd.f32 v42, v3  }
0x1eb: {  	v49 =	vmul.f32 v26, v26;
	v1 =	vadd.f32 v44, v1;
	v2 =	vadd.f32 v45, v2  }
0x1ec: {  	v52 =	vmul.f32 v27, v27;
	v0 =	vadd.f32 v47, v0;
	v3 =	vadd.f32 v46, v3  }
0x1ed: {  	v54 =	vmul.f32 v58, v58;
	v1 =	vadd.f32 v48, v1;
	v2 =	vadd.f32 v49, v2  }
0x1ee: {  	v58 =	vmul.f32 v17, v17;
	v0 =	vadd.f32 v51, v0;
	v3 =	vadd.f32 v50, v3  }
0x1ef: {  	v56 =	vmul.f32 v24, v24;
	v1 =	vadd.f32 v52, v1;
	v2 =	vadd.f32 v53, v2  }
0x1f0: {  	v0 =	vadd.f32 v55, v0;
	v3 =	vadd.f32 v54, v3  }
0x1f1: {  	v1 =	vadd.f32 v56, v1;
	v2 =	vadd.f32 v58, v2  }
0x1f2: {  	v59 =	vadd.f32 v12, v9;
	v60 =	vadd.f32 v36, v15  }
0x1f3: {  	v0 =	vadd.f32 v0, v3;
	v1 =	vadd.f32 v2, v1;
	_ =	sdelay $0x1  }
0x1f4: {  	v61 =	vadd.f32 v60, v59;
	v0 =	vadd.f32 v1, v0;
	_ =	sdelay $0x1  }
0x1f5: {  	v0 =	vsub.f32 v61, v0  }
0x1f6: {  	v63 =	vld [tilespmem:$0x1FFE0]  }
0x1f7: {  	v62 =	vadd.f32 v37, v57;
	v0 =	vmul.f32 $5.000000000e-01, v0;
	_ =	sdelay $0x1  }
0x1f8: {  	v0 =	vadd.f32 v0, v62;
	_ =	sdelay $0x1  }
0x1f9: {  	v0 =	vadd.f32 v0, v63;
	_ =	sdelay $0x1  }
0x1fa: {  	v0 =	vsub.f32 $0.0e+00, v0;
	_ =	sdelay $0x1  }
0x1fb: {  	v0 =	vmul.f32 $1.442695020e+00, v0;
	_ =	sdelay $0x1  }
0x1fc: {  	(erf) = vpow2.f32 v0;
	_ =	sdelay $0x8  }
0x1fd: {  	v0 =	vpop (erf)  }
0x1fe: {  	v0 =	vadd.f32 $1.000000000e+00, v0;
	_ =	sdelay $0x1  }
0x1ff: {  	(erf) = vrcp.f32 v0;
	_ =	sdelay $0x4  }
0x200: {  	p0 =	seq.s32 s20, $0x7  }
.Ltmp2:
0x201: {  	_ = 	snop;
	(pc) =	sbr.rel @p0 .LBB2_8-.Ltmp2, $3  }
0x202: {  	_ =	sdelay $0x1  }
0x203: {  	v0 =	vpop (erf)  }
0x204: {  	[tilespmem:s24+$0x1A920] =	vst v0  }
0x205: {  	s2 =	rddreg [dreg:$0x5]  }
0x206: {  	s2 =	sadd.s32 s24, s2  }
0x207: {  	s2 =	smul.u32 $0x32, s2;
	_ =	sdelay $0x1  }
0x208: {  	s2 =	sshrl.u32 s2, $0x3  }
0x209: {  	s7 =	simm.s32 $0x0;
	s2 =	sadd.s32 s3, s2  }
0x20a: {  	[tilespmem:s7], [sflag:$0x3] =	stream.linear.gather [hbm4b:s2+s7], $0x640, $0x38;
	[tilespmem:$0x1AB10] =	vst v63  }
0x20b: {  	_ =	swait.ge [sflag:s13], $0x640  }
0x20c: {  	[sflag:s13] =	ssyncset.done $0x0  }
0x20d: {  	[sflag:s13] =	ssyncadd.s32 $0xFFFFF9C0  }
0x20e: {  	[tilespmem:s15], [sflag:$0x1] =	stream.indirect.gather [hbm4b:s5+s14], $0x20, s7, s14, $0xb8;
	[tilespmem:$0x1AB10] =	vst v63  }
0x20f: {  	_ = 	snop  }
0x210: {  	[tilespmem:s16], [sflag:$0x1] =	stream.indirect.gather [hbm4b:s4+s14], $0x1, s7, s14, $0xb8;
	[tilespmem:$0x1AB10] =	vst v63  }
0x211: {  	s7 =	simm.s32 $0x1C80  }
0x212: {  	[tilespmem:s7], [sflag:$0x1] =	stream.indirect.gather [hbm4b:s5+s14], $0x20, s14, s14, $0xb8;
	[tilespmem:$0x1AB10] =	vst v63  }
0x213: {  	s7 =	simm.s32 $0x19D00  }
0x214: {  	[tilespmem:s7], [sflag:$0x1] =	stream.indirect.gather [hbm4b:s4+s14], $0x1, s14, s14, $0xb8;
	[tilespmem:$0x1AB10] =	vst v63  }
0x215: {  	s2 =	simm.s32 $0x100;
	s7 =	simm.s32 $0x2C80  }
0x216: {  	[tilespmem:s7], [sflag:$0x1] =	stream.indirect.gather [hbm4b:s5+s14], $0x20, s2, s14, $0xb8;
	[tilespmem:$0x1AB10] =	vst v63  }
0x217: {  	s7 =	simm.s32 $0x19D80  }
0x218: {  	[tilespmem:s7], [sflag:$0x1] =	stream.indirect.gather [hbm4b:s4+s14], $0x1, s2, s14, $0xb8;
	[tilespmem:$0x1AB10] =	vst v63  }
0x219: {  	s2 =	simm.s32 $0x180;
	s7 =	simm.s32 $0x3C80  }
0x21a: {  	[tilespmem:s7], [sflag:$0x1] =	stream.indirect.gather [hbm4b:s5+s14], $0x20, s2, s14, $0xb8;
	[tilespmem:$0x1AB10] =	vst v63  }
0x21b: {  	s7 =	simm.s32 $0x19E00  }
0x21c: {  	[tilespmem:s7], [sflag:$0x1] =	stream.indirect.gather [hbm4b:s4+s14], $0x1, s2, s14, $0xb8;
	[tilespmem:$0x1AB10] =	vst v63  }
0x21d: {  	s2 =	simm.s32 $0x200;
	s7 =	simm.s32 $0x4C80  }
0x21e: {  	[tilespmem:s7], [sflag:$0x1] =	stream.indirect.gather [hbm4b:s5+s14], $0x20, s2, s14, $0xb8;
	[tilespmem:$0x1AB10] =	vst v63  }
0x21f: {  	s7 =	simm.s32 $0x19E80  }
0x220: {  	[tilespmem:s7], [sflag:$0x1] =	stream.indirect.gather [hbm4b:s4+s14], $0x1, s2, s14, $0xb8;
	[tilespmem:$0x1AB10] =	vst v63  }
0x221: {  	s2 =	simm.s32 $0x280;
	s7 =	simm.s32 $0x5C80  }
0x222: {  	[tilespmem:s7], [sflag:$0x1] =	stream.indirect.gather [hbm4b:s5+s14], $0x20, s2, s14, $0xb8;
	[tilespmem:$0x1AB10] =	vst v63  }
0x223: {  	s7 =	simm.s32 $0x19F00  }
0x224: {  	[tilespmem:s7], [sflag:$0x1] =	stream.indirect.gather [hbm4b:s4+s14], $0x1, s2, s14, $0xb8;
	[tilespmem:$0x1AB10] =	vst v63  }
0x225: {  	s2 =	simm.s32 $0x300;
	s7 =	simm.s32 $0x6C80  }
0x226: {  	[tilespmem:s7], [sflag:$0x1] =	stream.indirect.gather [hbm4b:s5+s14], $0x20, s2, s14, $0xb8;
	[tilespmem:$0x1AB10] =	vst v63  }
0x227: {  	s7 =	simm.s32 $0x19F80  }
0x228: {  	[tilespmem:s7], [sflag:$0x1] =	stream.indirect.gather [hbm4b:s4+s14], $0x1, s2, s14, $0xb8;
	[tilespmem:$0x1AB10] =	vst v63  }
0x229: {  	s2 =	simm.s32 $0x380;
	s7 =	simm.s32 $0x7C80  }
0x22a: {  	[tilespmem:s7], [sflag:$0x1] =	stream.indirect.gather [hbm4b:s5+s14], $0x20, s2, s14, $0xb8;
	[tilespmem:$0x1AB10] =	vst v63  }
0x22b: {  	s7 =	simm.s32 $0x1A000  }
0x22c: {  	[tilespmem:s7], [sflag:$0x1] =	stream.indirect.gather [hbm4b:s4+s14], $0x1, s2, s14, $0xb8;
	[tilespmem:$0x1AB10] =	vst v63  }
0x22d: {  	s2 =	simm.s32 $0x400;
	s7 =	simm.s32 $0x8C80  }
0x22e: {  	[tilespmem:s7], [sflag:$0x1] =	stream.indirect.gather [hbm4b:s5+s14], $0x20, s2, s14, $0xb8;
	[tilespmem:$0x1AB10] =	vst v63  }
0x22f: {  	s7 =	simm.s32 $0x1A080  }
0x230: {  	[tilespmem:s7], [sflag:$0x1] =	stream.indirect.gather [hbm4b:s4+s14], $0x1, s2, s14, $0xb8;
	[tilespmem:$0x1AB10] =	vst v63  }
0x231: {  	s2 =	simm.s32 $0x480;
	s7 =	simm.s32 $0x9C80  }
0x232: {  	[tilespmem:s7], [sflag:$0x1] =	stream.indirect.gather [hbm4b:s5+s14], $0x20, s2, s14, $0xb8;
	[tilespmem:$0x1AB10] =	vst v63  }
0x233: {  	s7 =	simm.s32 $0x1A100  }
0x234: {  	[tilespmem:s7], [sflag:$0x1] =	stream.indirect.gather [hbm4b:s4+s14], $0x1, s2, s14, $0xb8;
	[tilespmem:$0x1AB10] =	vst v63  }
0x235: {  	s2 =	simm.s32 $0x500;
	s7 =	simm.s32 $0xAC80  }
0x236: {  	[tilespmem:s7], [sflag:$0x1] =	stream.indirect.gather [hbm4b:s5+s14], $0x20, s2, s14, $0xb8;
	[tilespmem:$0x1AB10] =	vst v63  }
0x237: {  	s7 =	simm.s32 $0x1A180  }
0x238: {  	[tilespmem:s7], [sflag:$0x1] =	stream.indirect.gather [hbm4b:s4+s14], $0x1, s2, s14, $0xb8;
	[tilespmem:$0x1AB10] =	vst v63  }
0x239: {  	s2 =	simm.s32 $0x580;
	s7 =	simm.s32 $0xBC80  }
0x23a: {  	[tilespmem:s7], [sflag:$0x1] =	stream.indirect.gather [hbm4b:s5+s14], $0x20, s2, s14, $0xb8;
	[tilespmem:$0x1AB10] =	vst v63  }
0x23b: {  	s7 =	simm.s32 $0x1A200  }
0x23c: {  	[tilespmem:s7], [sflag:$0x1] =	stream.indirect.gather [hbm4b:s4+s14], $0x1, s2, s14, $0xb8;
	[tilespmem:$0x1AB10] =	vst v63  }
0x23d: {  	s2 =	simm.s32 $0x600;
	s7 =	simm.s32 $0xCC80  }
0x23e: {  	[tilespmem:s7], [sflag:$0x1] =	stream.indirect.gather [hbm4b:s5+s12], $0x20, s2, s12, $0xb8;
	[tilespmem:$0x1AB10] =	vst v63  }
0x23f: {  	s7 =	simm.s32 $0x1A280  }
0x240: {  	[tilespmem:s7], [sflag:$0x1] =	stream.indirect.gather [hbm4b:s4+s12], $0x1, s2, s12, $0xb8;
	[tilespmem:$0x1AB10] =	vst v63  }
.LBB2_8:
0x241: {  	_ =	swait.ge [sflag:s11], $0x1000  }
0x242: {  	[sflag:s11] =	ssyncset.done $0x0  }
0x243: {  	[sflag:s11] =	ssyncadd.s32 $0xFFFFF000  }
0x244: {  	_ =	swait.ge [sflag:s11], $0x80  }
0x245: {  	[sflag:s11] =	ssyncset.done $0x0  }
0x246: {  	[sflag:s11] =	ssyncadd.s32 $0xFFFFFF80  }
0x247: {  	_ =	swait.ge [sflag:s11], $0x1000  }
0x248: {  	[sflag:s11] =	ssyncset.done $0x0  }
0x249: {  	[sflag:s11] =	ssyncadd.s32 $0xFFFFF000  }
0x24a: {  	_ =	swait.ge [sflag:s11], $0x80  }
0x24b: {  	[sflag:s11] =	ssyncset.done $0x0  }
0x24c: {  	[sflag:s11] =	ssyncadd.s32 $0xFFFFFF80  }
0x24d: {  	_ =	swait.ge [sflag:s11], $0x1000  }
0x24e: {  	[sflag:s11] =	ssyncset.done $0x0  }
0x24f: {  	[sflag:s11] =	ssyncadd.s32 $0xFFFFF000  }
0x250: {  	_ =	swait.ge [sflag:s11], $0x80  }
0x251: {  	[sflag:s11] =	ssyncset.done $0x0  }
0x252: {  	[sflag:s11] =	ssyncadd.s32 $0xFFFFFF80  }
0x253: {  	_ =	swait.ge [sflag:s11], $0x1000  }
0x254: {  	[sflag:s11] =	ssyncset.done $0x0  }
0x255: {  	[sflag:s11] =	ssyncadd.s32 $0xFFFFF000  }
0x256: {  	_ =	swait.ge [sflag:s11], $0x80  }
0x257: {  	[sflag:s11] =	ssyncset.done $0x0  }
0x258: {  	[sflag:s11] =	ssyncadd.s32 $0xFFFFFF80  }
0x259: {  	_ =	swait.ge [sflag:s11], $0x1000  }
0x25a: {  	[sflag:s11] =	ssyncset.done $0x0  }
0x25b: {  	[sflag:s11] =	ssyncadd.s32 $0xFFFFF000  }
0x25c: {  	_ =	swait.ge [sflag:s11], $0x80  }
0x25d: {  	[sflag:s11] =	ssyncset.done $0x0  }
0x25e: {  	[sflag:s11] =	ssyncadd.s32 $0xFFFFFF80  }
0x25f: {  	_ =	swait.ge [sflag:s11], $0x1000  }
0x260: {  	[sflag:s11] =	ssyncset.done $0x0  }
0x261: {  	[sflag:s11] =	ssyncadd.s32 $0xFFFFF000  }
0x262: {  	_ =	swait.ge [sflag:s11], $0x80  }
0x263: {  	[sflag:s11] =	ssyncset.done $0x0  }
0x264: {  	[sflag:s11] =	ssyncadd.s32 $0xFFFFFF80  }
0x265: {  	_ =	swait.ge [sflag:s11], $0x1000  }
0x266: {  	[sflag:s11] =	ssyncset.done $0x0  }
0x267: {  	[sflag:s11] =	ssyncadd.s32 $0xFFFFF000  }
0x268: {  	_ =	swait.ge [sflag:s11], $0x80  }
0x269: {  	[sflag:s11] =	ssyncset.done $0x0  }
0x26a: {  	[sflag:s11] =	ssyncadd.s32 $0xFFFFFF80  }
0x26b: {  	_ =	swait.ge [sflag:s11], $0x1000  }
0x26c: {  	[sflag:s11] =	ssyncset.done $0x0  }
0x26d: {  	[sflag:s11] =	ssyncadd.s32 $0xFFFFF000  }
0x26e: {  	_ =	swait.ge [sflag:s11], $0x80  }
0x26f: {  	[sflag:s11] =	ssyncset.done $0x0  }
0x270: {  	[sflag:s11] =	ssyncadd.s32 $0xFFFFFF80  }
0x271: {  	_ =	swait.ge [sflag:s11], $0x1000  }
0x272: {  	[sflag:s11] =	ssyncset.done $0x0  }
0x273: {  	[sflag:s11] =	ssyncadd.s32 $0xFFFFF000  }
0x274: {  	_ =	swait.ge [sflag:s11], $0x80  }
0x275: {  	[sflag:s11] =	ssyncset.done $0x0  }
0x276: {  	[sflag:s11] =	ssyncadd.s32 $0xFFFFFF80  }
0x277: {  	_ =	swait.ge [sflag:s11], $0x1000  }
0x278: {  	[sflag:s11] =	ssyncset.done $0x0  }
0x279: {  	[sflag:s11] =	ssyncadd.s32 $0xFFFFF000  }
0x27a: {  	_ =	swait.ge [sflag:s11], $0x80  }
0x27b: {  	[sflag:s11] =	ssyncset.done $0x0  }
0x27c: {  	[sflag:s11] =	ssyncadd.s32 $0xFFFFFF80  }
0x27d: {  	_ =	swait.ge [sflag:s11], $0x1000  }
0x27e: {  	[sflag:s11] =	ssyncset.done $0x0  }
0x27f: {  	[sflag:s11] =	ssyncadd.s32 $0xFFFFF000  }
0x280: {  	_ =	swait.ge [sflag:s11], $0x80  }
0x281: {  	[sflag:s11] =	ssyncset.done $0x0  }
0x282: {  	[sflag:s11] =	ssyncadd.s32 $0xFFFFFF80  }
0x283: {  	_ =	swait.ge [sflag:s11], $0x1000  }
0x284: {  	[sflag:s11] =	ssyncset.done $0x0  }
0x285: {  	[sflag:s11] =	ssyncadd.s32 $0xFFFFF000  }
0x286: {  	_ =	swait.ge [sflag:s11], $0x80  }
0x287: {  	[sflag:s11] =	ssyncset.done $0x0  }
0x288: {  	[sflag:s11] =	ssyncadd.s32 $0xFFFFFF80  }
0x289: {  	_ =	swait.ge [sflag:s11], $0x800  }
0x28a: {  	v0 =	vld [tilespmem:$0x1FFF0];
	_ =	sdelay $0x3  }
0x28b: {  	s2 =	simm.s32 $0x0  }
0x28c: {  	[sflag:s11] =	ssyncset.done $0x0;
	v0 =	vadd.s32 s2, v0  }
0x28d: {  	v29 =	vimm.f32 $0.0e+00;
	[sflag:s11] =	ssyncadd.s32 $0xFFFFF800;
	v39 =	vshll.u32 v0, $0x5  }
0x28e: {  	v34 =	vimm.f32 $0.0e+00;
	v45 =	vimm.f32 $0.0e+00;
	_ =	swait.ge [sflag:s11], $0x40;
	v1 =	vor.u32 $0x1C, v39  }
0x28f: {  	v47 =	vimm.f32 $0.0e+00;
	v46 =	vimm.f32 $0.0e+00;
	[sflag:s11] =	ssyncset.done $0x0;
	v2 =	vor.u32 $0x1D, v39  }
0x290: {  	v44 =	vimm.f32 $0.0e+00;
	v36 =	vimm.f32 $0.0e+00;
	[sflag:s11] =	ssyncadd.s32 $0xFFFFFFC0;
	v3 =	vor.u32 $0x18, v39  }
0x291: {  	v15 =	vimm.f32 $0.0e+00;
	v16 =	vimm.f32 $0.0e+00;
	v4 =	vor.u32 $0x19, v39;
	v0 =	vld.idx.msk [tilespmem:v0+s23+$0x0], $0xffff  }
0x292: {  	v17 =	vimm.f32 $0.0e+00;
	v19 =	vimm.f32 $0.0e+00;
	v37 =	vor.u32 $0x14, v39;
	v50 =	vld.idx.msk [tilespmem:v39+s21+$0x0], $0xffff  }
0x293: {  	v20 =	vimm.f32 $0.0e+00;
	v21 =	vimm.f32 $0.0e+00;
	v38 =	vor.u32 $0x15, v39;
	v40 =	vld.idx.msk [tilespmem:v1+s21+$0x0], $0xffff  }
0x294: {  	v22 =	vimm.f32 $0.0e+00;
	v23 =	vimm.f32 $0.0e+00;
	v25 =	vor.u32 $0x11, v39;
	v41 =	vld.idx.msk [tilespmem:v2+s21+$0x0], $0xffff  }
0x295: {  	v24 =	vimm.f32 $0.0e+00;
	v26 =	vimm.f32 $0.0e+00;
	v30 =	vor.u32 $0xC, v39;
	v42 =	vld.idx.msk [tilespmem:v3+s21+$0x0], $0xffff  }
0x296: {  	v27 =	vimm.f32 $0.0e+00;
	v28 =	vimm.f32 $0.0e+00;
	v33 =	vor.u32 $0xD, v39;
	v43 =	vld.idx.msk [tilespmem:v4+s21+$0x0], $0xffff  }
0x297: {  	v63 =	vimm.f32 $0.0e+00;
	v31 =	vimm.f32 $0.0e+00;
	v32 =	vimm.f32 $0.0e+00;
	v49 =	vld.idx.msk [tilespmem:v37+s21+$0x0], $0xffff  }
0x298: {  	v35 =	vimm.f32 $0.0e+00;
	v18 =	vor.u32 $0x10, v39;
	v51 =	vor.u32 $0x8, v39;
	v48 =	vld.idx.msk [tilespmem:v38+s21+$0x0], $0xffff  }
0x299: {  	[tilespmem:$0x1FD40] =	vst v36;
	v52 =	vor.u32 $0x9, v39;
	v54 =	vor.u32 $0x4, v39;
	v55 =	vor.u32 $0x5, v39;
	v36 =	vld.idx.msk [tilespmem:v25+s21+$0x0], $0xffff  }
0x29a: {  	[tilespmem:$0x1FD70] =	vst v35;
	v56 =	vor.u32 $0x1, v39;
	v37 =	vimm.f32 $0.0e+00;
	v38 =	vimm.f32 $0.0e+00;
	v4 =	vld.idx.msk [tilespmem:v30+s21+$0x0], $0xffff  }
0x29b: {  	v30 =	vimm.f32 $0.0e+00;
	v8 =	vld.idx.msk [tilespmem:v33+s21+$0x0], $0xffff;
	v33 =	vimm.f32 $0.0e+00;
	v25 =	vimm.f32 $0.0e+00;
	[tilespmem:$0x1FD50] =	vst v37  }
0x29c: {  	[tilespmem:$0x1FD60] =	vst v38;
	v37 =	vimm.f32 $0.0e+00;
	v57 =	vadd.f32 v0, v29;
	v62 =	vadd.f32 v50, v29  }
0x29d: {  	v38 =	vimm.f32 $0.0e+00;
	[tilespmem:$0x1FD80] =	vst v37;
	v58 =	vadd.f32 v40, v29;
	v59 =	vadd.f32 v41, v29  }
0x29e: {  	s7 =	simm.s32 $0x1;
	v53 =	vld.idx.msk [tilespmem:v18+s21+$0x0], $0xffff;
	v18 =	vimm.f32 $0.0e+00;
	[tilespmem:$0x1FD90] =	vst v38;
	v60 =	vadd.f32 v42, v29;
	v61 =	vadd.f32 v43, v29  }
.LBB2_9:
0x29f: {  	_ =	sdelay $0x1  }
0x2a0: {  	v7 =	vld.idx.msk [tilespmem:v51+s21+$0x0], $0xffff  }
0x2a1: {  	v0 =	vor.u32 $0x2, v39;
	v9 =	vld.idx.msk [tilespmem:v52+s21+$0x0], $0xffff  }
0x2a2: {  	v1 =	vor.u32 $0x3, v39;
	v54 =	vld.idx.msk [tilespmem:v54+s21+$0x0], $0xffff  }
0x2a3: {  	[tilespmem:$0x1FD20] =	vst v31;
	v2 =	vor.u32 $0x6, v39;
	v55 =	vld.idx.msk [tilespmem:v55+s21+$0x0], $0xffff;
	v50 =	vmul.f32 v50, v50  }
0x2a4: {  	v37 =	vor.u32 $0x7, v39;
	v56 =	vld.idx.msk [tilespmem:v56+s21+$0x0], $0xffff;
	[tilespmem:$0x1FCF0] =	vst v62  }
0x2a5: {  	v38 =	vor.u32 $0xA, v39;
	[tilespmem:$0x1FCE0] =	vst v61;
	v47 =	vadd.f32 v50, v47;
	v50 =	vld [tilespmem:$0x1FD40]  }
0x2a6: {  	v3 =	vmul.f32 v40, v40;
	v31 =	vmov v63;
	v63 =	vor.u32 $0xE, v39;
	[tilespmem:$0x1FD30] =	vst v59;
	v0 =	vld.idx.msk [tilespmem:v0+s21+$0x0], $0xffff  }
0x2a7: {  	v52 =	vor.u32 $0x1E, v39;
	[tilespmem:$0x1FCC0] =	vst v58;
	v62 =	vor.u32 $0xB, v39;
	v1 =	vld.idx.msk [tilespmem:v1+s21+$0x0], $0xffff  }
0x2a8: {  	v51 =	vor.u32 $0x1F, v39;
	v6 =	vor.u32 $0x12, v39;
	[tilespmem:$0x1FCB0] =	vst v3;
	v3 =	vor.u32 $0xF, v39;
	v2 =	vld.idx.msk [tilespmem:v2+s21+$0x0], $0xffff  }
0x2a9: {  	v45 =	vadd.f32 v53, v45;
	v5 =	vmul.f32 v36, v36;
	v35 =	vmul.f32 v8, v8;
	v58 =	vld.idx.msk [tilespmem:v37+s21+$0x0], $0xffff  }
0x2aa: {  	v12 =	vor.u32 $0x17, v39;
	[tilespmem:$0x1FCD0] =	vst v7;
	v7 =	vmul.f32 v7, v7;
	v61 =	vld.idx.msk [tilespmem:v38+s21+$0x0], $0xffff;
	v37 =	vmul.f32 v54, v54  }
0x2ab: {  	v38 =	vmul.f32 v9, v9;
	v40 =	vmovc v9;
	v9 =	vor.u32 $0x16, v39;
	v10 =	vmul.f32 v56, v56;
	v63 =	vld.idx.msk [tilespmem:v63+s21+$0x0], $0xffff  }
0x2ac: {  	[tilespmem:$0x1FD10] =	vst v8;
	v8 =	vor.u32 $0x13, v39;
	v11 =	vmul.f32 v55, v55;
	v62 =	vld.idx.msk [tilespmem:v62+s21+$0x0], $0xffff;
	v13 =	vmul.f32 v0, v0  }
0x2ad: {  	v59 =	vor.u32 $0x1A, v39;
	v6 =	vld.idx.msk [tilespmem:v6+s21+$0x0], $0xffff;
	[tilespmem:$0x1FD00] =	vst v45;
	v10 =	vadd.f32 v10, v46;
	v37 =	vadd.f32 v37, v47  }
0x2ae: {  	v3 =	vld.idx.msk [tilespmem:v3+s21+$0x0], $0xffff;
	v14 =	vmul.f32 v1, v1;
	v46 =	vmul.f32 v2, v2;
	v13 =	vadd.f32 v13, v44  }
0x2af: {  	v45 =	vmovc v4;
	v4 =	vmul.f32 v4, v4;
	v10 =	vadd.f32 v11, v10;
	v11 =	vmul.f32 v61, v61  }
0x2b0: {  	v9 =	vld.idx.msk [tilespmem:v9+s21+$0x0], $0xffff;
	v14 =	vadd.f32 v14, v50;
	v50 =	vmul.f32 v58, v58;
	v13 =	vadd.f32 v46, v13  }
0x2b1: {  	v8 =	vld.idx.msk [tilespmem:v8+s21+$0x0], $0xffff;
	v7 =	vadd.f32 v7, v37;
	v10 =	vadd.f32 v38, v10;
	v44 =	vmul.f32 v62, v62  }
0x2b2: {  	v14 =	vadd.f32 v50, v14;
	v50 =	vmul.f32 v63, v63;
	v11 =	vadd.f32 v11, v13  }
0x2b3: {  	v38 =	vld.idx.msk [tilespmem:v59+s21+$0x0], $0xffff;
	v4 =	vadd.f32 v4, v7;
	v7 =	vadd.f32 v35, v10;
	v10 =	vmul.f32 v6, v6  }
0x2b4: {  	v13 =	vadd.f32 v44, v14;
	v14 =	vmul.f32 v3, v3;
	v11 =	vadd.f32 v50, v11  }
0x2b5: {  	v39 =	vor.u32 $0x1B, v39;
	v5 =	vadd.f32 v5, v7;
	v7 =	vmul.f32 v9, v9  }
0x2b6: {  	v13 =	vadd.f32 v14, v13;
	v14 =	vmul.f32 v8, v8;
	v10 =	vadd.f32 v10, v11  }
0x2b7: {  	v12 =	vld.idx.msk [tilespmem:v12+s21+$0x0], $0xffff;
	v15 =	vadd.f32 v56, v15  }
0x2b8: {  	v56 =	vld [tilespmem:$0x1FD50];
	v11 =	vadd.f32 v14, v13;
	v14 =	vmul.f32 v38, v38;
	v7 =	vadd.f32 v7, v10  }
0x2b9: {  	v42 =	vmul.f32 v42, v42;
	v63 =	vadd.f32 v63, v31;
	v31 =	vld [tilespmem:$0x1FD20]  }
0x2ba: {  	v41 =	vmul.f32 v41, v41;
	v29 =	vadd.f32 v49, v29;
	v7 =	vadd.f32 v14, v7;
	v14 =	vld [tilespmem:$0x1FFF0]  }
0x2bb: {  	v34 =	vadd.f32 v48, v34;
	v53 =	vmul.f32 v53, v53;
	v48 =	vmul.f32 v48, v48;
	v59 =	vld.idx.msk [tilespmem:v39+s21+$0x0], $0xffff  }
0x2bc: {  	v43 =	vmul.f32 v43, v43;
	v28 =	vadd.f32 v45, v28;
	v22 =	vadd.f32 v58, v22;
	v35 =	vld.idx.msk [tilespmem:v52+s21+$0x0], $0xffff  }
0x2bd: {  	v49 =	vmul.f32 v49, v49;
	v37 =	vld.idx.msk [tilespmem:v51+s21+$0x0], $0xffff;
	v4 =	vadd.f32 v53, v4;
	v5 =	vadd.f32 v48, v5  }
0x2be: {  	v26 =	vadd.f32 v61, v26;
	v31 =	vadd.f32 v3, v31;
	v3 =	vld [tilespmem:$0x1FD60];
	v13 =	vmul.f32 v12, v12  }
0x2bf: {  	v52 =	vld [tilespmem:$0x1FCB0];
	v4 =	vadd.f32 v49, v4;
	v5 =	vadd.f32 v43, v5;
	v14 =	vadd.s32 s7, v14  }
0x2c0: {  	v45 =	vld [tilespmem:$0x1FD00];
	v10 =	vadd.f32 v13, v11;
	v11 =	vmul.f32 v59, v59;
	v39 =	vshll.u32 v14, $0x5  }
0x2c1: {  	v61 =	vld [tilespmem:$0x1FCE0];
	v46 =	vadd.f32 v41, v5;
	v13 =	vmul.f32 v35, v35;
	v5 =	vor.u32 $0x19, v39  }
0x2c2: {  	v58 =	vld [tilespmem:$0x1FCC0];
	v4 =	vadd.f32 v42, v4;
	v10 =	vadd.f32 v11, v10;
	v11 =	vmul.f32 v37, v37  }
0x2c3: {  	v3 =	vadd.f32 v6, v3;
	v44 =	vadd.f32 v13, v7;
	v7 =	vld [tilespmem:$0x1FCD0]  }
0x2c4: {  	v47 =	vadd.f32 v52, v4;
	v4 =	vadd.f32 v11, v10;
	v11 =	vld [tilespmem:$0x1FD10]  }
0x2c5: {  	[tilespmem:$0x1FD60] =	vst v3;
	v3 =	vld [tilespmem:$0x1FD70]  }
0x2c6: {  	v43 =	vld.idx.msk [tilespmem:v5+s21+$0x0], $0xffff  }
0x2c7: {  	[tilespmem:$0x1FD40] =	vst v4;
	v4 =	vor.u32 $0x1C, v39;
	v5 =	vld [tilespmem:$0x1FD80]  }
0x2c8: {  	v19 =	vadd.f32 v54, v19;
	v27 =	vadd.f32 v62, v27;
	v62 =	vld [tilespmem:$0x1FCF0];
	v53 =	vor.u32 $0x1D, v39  }
0x2c9: {  	v16 =	vadd.f32 v0, v16;
	v33 =	vadd.f32 v59, v33;
	v59 =	vld [tilespmem:$0x1FD30]  }
0x2ca: {  	v21 =	vadd.f32 v2, v21;
	v54 =	vor.u32 $0x18, v39;
	v0 =	vadd.f32 v11, v56;
	v2 =	vld.idx.msk [tilespmem:v14+s23+$0x0], $0xffff  }
0x2cb: {  	v23 =	vadd.f32 v7, v23;
	v7 =	vor.u32 $0x14, v39;
	v3 =	vadd.f32 v8, v3;
	v50 =	vld.idx.msk [tilespmem:v39+s21+$0x0], $0xffff  }
0x2cc: {  	v24 =	vadd.f32 v40, v24;
	v10 =	vor.u32 $0x15, v39;
	[tilespmem:$0x1FD50] =	vst v0;
	v40 =	vld.idx.msk [tilespmem:v4+s21+$0x0], $0xffff;
	v5 =	vadd.f32 v12, v5  }
0x2cd: {  	v0 =	vor.u32 $0x11, v39;
	[tilespmem:$0x1FD70] =	vst v3;
	v41 =	vld.idx.msk [tilespmem:v53+s21+$0x0], $0xffff  }
0x2ce: {  	v3 =	vor.u32 $0xD, v39;
	[tilespmem:$0x1FD80] =	vst v5;
	v5 =	vld [tilespmem:$0x1FD90]  }
0x2cf: {  	v32 =	vadd.f32 v36, v32;
	v20 =	vadd.f32 v55, v20;
	v4 =	vor.u32 $0x10, v39;
	v42 =	vld.idx.msk [tilespmem:v54+s21+$0x0], $0xffff  }
0x2d0: {  	p0 =	sne.s32 s7, $0x31;
	v17 =	vadd.f32 v1, v17;
	v18 =	vadd.f32 v37, v18;
	v1 =	vor.u32 $0xC, v39;
	v49 =	vld.idx.msk [tilespmem:v7+s21+$0x0], $0xffff  }
.Ltmp3:
0x2d1: {  	v30 =	vadd.f32 v9, v30;
	v25 =	vadd.f32 v35, v25;
	v48 =	vld.idx.msk [tilespmem:v10+s21+$0x0], $0xffff;
	(pc) =	sbr.rel @p0 .LBB2_9-.Ltmp3, $4  }
0x2d2: {  	v51 =	vor.u32 $0x8, v39;
	v52 =	vor.u32 $0x9, v39;
	v36 =	vld.idx.msk [tilespmem:v0+s21+$0x0], $0xffff;
	v57 =	vadd.f32 v2, v57  }
0x2d3: {  	v55 =	vor.u32 $0x5, v39;
	v8 =	vld.idx.msk [tilespmem:v3+s21+$0x0], $0xffff;
	v62 =	vadd.f32 v50, v62;
	v5 =	vadd.f32 v38, v5  }
0x2d4: {  	v56 =	vor.u32 $0x1, v39;
	v53 =	vld.idx.msk [tilespmem:v4+s21+$0x0], $0xffff;
	v58 =	vadd.f32 v40, v58;
	v59 =	vadd.f32 v41, v59  }
0x2d5: {  	s7 =	sadd.s32 $0x1, s7;
	v54 =	vor.u32 $0x4, v39;
	v4 =	vld.idx.msk [tilespmem:v1+s21+$0x0], $0xffff;
	v60 =	vadd.f32 v42, v60;
	v61 =	vadd.f32 v43, v61;
	[tilespmem:$0x1FD90] =	vst v5  }
0x2d6: {  	_ =	sdelay $0x3  }
0x2d7: {  	v0 =	vor.u32 $0x2, v39;
	v2 =	vld.idx.msk [tilespmem:v51+s21+$0x0], $0xffff  }
0x2d8: {  	v1 =	vor.u32 $0x3, v39;
	v3 =	vld.idx.msk [tilespmem:v54+s21+$0x0], $0xffff;
	v5 =	vor.u32 $0x7, v39;
	v9 =	vor.u32 $0xB, v39  }
0x2d9: {  	v6 =	vld.idx.msk [tilespmem:v56+s21+$0x0], $0xffff;
	v10 =	vmul.f32 v50, v50;
	v12 =	vor.u32 $0xE, v39;
	v38 =	vor.u32 $0xF, v39  }
0x2da: {  	v7 =	vld.idx.msk [tilespmem:v55+s21+$0x0], $0xffff;
	v34 =	vadd.f32 v48, v34;
	v48 =	vmul.f32 v48, v48;
	v42 =	vmul.f32 v42, v42  }
0x2db: {  	v35 =	vld.idx.msk [tilespmem:v52+s21+$0x0], $0xffff;
	v29 =	vadd.f32 v49, v29;
	v43 =	vmul.f32 v43, v43;
	v40 =	vmul.f32 v40, v40  }
0x2dc: {  	v41 =	vmul.f32 v41, v41;
	v56 =	vmovc v8;
	v8 =	vor.u32 $0xA, v39;
	v10 =	vadd.f32 v10, v47  }
0x2dd: {  	v45 =	vadd.f32 v53, v45;
	v53 =	vmul.f32 v53, v53;
	v51 =	vmovc v4;
	[tilespmem:$0x1FC30] =	vst v4;
	v4 =	vor.u32 $0x6, v39  }
0x2de: {  	v11 =	vmul.f32 v6, v6;
	v13 =	vmul.f32 v3, v3;
	v6 =	vadd.f32 v6, v15  }
0x2df: {  	v54 =	vld [tilespmem:$0x1FD40];
	v50 =	vmul.f32 v7, v7;
	v3 =	vadd.f32 v3, v19;
	v7 =	vadd.f32 v7, v20  }
0x2e0: {  	v0 =	vld.idx.msk [tilespmem:v0+s21+$0x0], $0xffff;
	v52 =	vmul.f32 v2, v2;
	v2 =	vadd.f32 v2, v23;
	v15 =	vadd.f32 v35, v24  }
0x2e1: {  	v1 =	vld.idx.msk [tilespmem:v1+s21+$0x0], $0xffff;
	[tilespmem:$0x1FC40] =	vst v45;
	v45 =	vor.u32 $0x1B, v39;
	v20 =	vadd.f32 v36, v32;
	v11 =	vadd.f32 v11, v46  }
0x2e2: {  	v9 =	vld.idx.msk [tilespmem:v9+s21+$0x0], $0xffff;
	v10 =	vadd.f32 v13, v10;
	v13 =	vor.u32 $0x12, v39;
	v6 =	vmul.f32 v6, v6  }
0x2e3: {  	v38 =	vld.idx.msk [tilespmem:v38+s21+$0x0], $0xffff;
	v46 =	vor.u32 $0x16, v39;
	v3 =	vmul.f32 v3, v3;
	v7 =	vmul.f32 v7, v7  }
0x2e4: {  	v5 =	vld.idx.msk [tilespmem:v5+s21+$0x0], $0xffff;
	v2 =	vmul.f32 v2, v2;
	v11 =	vadd.f32 v50, v11;
	v10 =	vadd.f32 v52, v10  }
0x2e5: {  	v8 =	vld.idx.msk [tilespmem:v8+s21+$0x0], $0xffff;
	v50 =	vmul.f32 v51, v51;
	v51 =	vor.u32 $0x17, v39;
	v6 =	vadd.f32 v7, v6  }
0x2e6: {  	v14 =	vmul.f32 v0, v0;
	v37 =	vmul.f32 v1, v1;
	v0 =	vadd.f32 v0, v16  }
0x2e7: {  	v4 =	vld.idx.msk [tilespmem:v4+s21+$0x0], $0xffff;
	v52 =	vmul.f32 v9, v9;
	v1 =	vadd.f32 v1, v17;
	v9 =	vadd.f32 v9, v27  }
0x2e8: {  	v16 =	vld [tilespmem:$0x1FC30];
	v19 =	vadd.f32 v38, v31;
	v10 =	vadd.f32 v50, v10;
	v50 =	vor.u32 $0x1E, v39  }
0x2e9: {  	v17 =	vld [tilespmem:$0x1FD50];
	v14 =	vadd.f32 v14, v44;
	v37 =	vadd.f32 v37, v54;
	v54 =	vmul.f32 v5, v5  }
0x2ea: {  	v45 =	vld.idx.msk [tilespmem:v45+s21+$0x0], $0xffff;
	v44 =	vor.u32 $0x13, v39;
	v47 =	vmul.f32 v8, v8;
	v5 =	vadd.f32 v5, v22  }
0x2eb: {  	v8 =	vadd.f32 v8, v26;
	v26 =	vmul.f32 v62, v62;
	v0 =	vmul.f32 v0, v0  }
0x2ec: {  	v12 =	vld.idx.msk [tilespmem:v12+s21+$0x0], $0xffff;
	v1 =	vmul.f32 v1, v1;
	v10 =	vadd.f32 v53, v10;
	v37 =	vadd.f32 v54, v37  }
0x2ed: {  	v55 =	vmul.f32 v4, v4;
	v4 =	vadd.f32 v4, v21;
	v3 =	vadd.f32 v3, v26  }
0x2ee: {  	v46 =	vld.idx.msk [tilespmem:v46+s21+$0x0], $0xffff;
	v54 =	vmul.f32 v35, v35;
	v16 =	vadd.f32 v16, v28;
	v17 =	vadd.f32 v56, v17  }
0x2ef: {  	v5 =	vmul.f32 v5, v5;
	v27 =	vadd.f32 v45, v33;
	v14 =	vadd.f32 v55, v14  }
0x2f0: {  	v11 =	vadd.f32 v54, v11;
	v54 =	vmul.f32 v56, v56;
	v37 =	vadd.f32 v52, v37  }
0x2f1: {  	v23 =	vld [tilespmem:$0x1FD80];
	v52 =	vmul.f32 v12, v12;
	v55 =	vmul.f32 v36, v36;
	v12 =	vadd.f32 v12, v63  }
0x2f2: {  	v51 =	vld.idx.msk [tilespmem:v51+s21+$0x0], $0xffff;
	v4 =	vmul.f32 v4, v4;
	v1 =	vadd.f32 v5, v1;
	v2 =	vadd.f32 v2, v3  }
0x2f3: {  	v13 =	vld.idx.msk [tilespmem:v13+s21+$0x0], $0xffff;
	v3 =	vmul.f32 v8, v8;
	v5 =	vmul.f32 v9, v9;
	v22 =	vadd.f32 v46, v30  }
0x2f4: {  	v21 =	vld [tilespmem:$0x1FD60];
	v7 =	vmul.f32 v17, v17;
	v14 =	vadd.f32 v47, v14;
	v47 =	vor.u32 $0x1A, v39  }
0x2f5: {  	v11 =	vadd.f32 v54, v11;
	v54 =	vmul.f32 v38, v38;
	v39 =	vor.u32 $0x1F, v39  }
0x2f6: {  	v50 =	vld.idx.msk [tilespmem:v50+s21+$0x0], $0xffff;
	v0 =	vadd.f32 v4, v0;
	v4 =	vmul.f32 v15, v15;
	v1 =	vadd.f32 v5, v1  }
0x2f7: {  	v5 =	vmul.f32 v19, v19;
	v23 =	vadd.f32 v51, v23;
	v14 =	vadd.f32 v52, v14  }
0x2f8: {  	v44 =	vld.idx.msk [tilespmem:v44+s21+$0x0], $0xffff;
	v37 =	vadd.f32 v54, v37;
	v52 =	vmul.f32 v13, v13;
	v11 =	vadd.f32 v55, v11  }
0x2f9: {  	v55 =	vmul.f32 v49, v49;
	v49 =	vmul.f32 v46, v46;
	v13 =	vadd.f32 v13, v21  }
0x2fa: {  	v4 =	vadd.f32 v4, v6;
	v6 =	vmul.f32 v16, v16;
	v0 =	vadd.f32 v3, v0  }
0x2fb: {  	v3 =	vmul.f32 v12, v12;
	v1 =	vadd.f32 v5, v1;
	v25 =	vadd.f32 v50, v25  }
0x2fc: {  	v21 =	vld [tilespmem:$0x1FD70];
	v54 =	vmul.f32 v50, v50;
	v14 =	vadd.f32 v52, v14;
	v10 =	vadd.f32 v55, v10  }
0x2fd: {  	v24 =	vld [tilespmem:$0x1FD90];
	v53 =	vmul.f32 v44, v44;
	v11 =	vadd.f32 v48, v11;
	v2 =	vadd.f32 v6, v2  }
0x2fe: {  	v52 =	vmul.f32 v51, v51;
	v4 =	vadd.f32 v7, v4;
	v0 =	vadd.f32 v3, v0;
	v3 =	vld [tilespmem:$0x1FC40]  }
0x2ff: {  	v5 =	vmul.f32 v13, v13;
	v47 =	vld.idx.msk [tilespmem:v47+s21+$0x0], $0xffff;
	v37 =	vadd.f32 v53, v37;
	v14 =	vadd.f32 v49, v14  }
0x300: {  	v6 =	vmul.f32 v20, v20;
	v39 =	vld.idx.msk [tilespmem:v39+s21+$0x0], $0xffff;
	v10 =	vadd.f32 v42, v10;
	v11 =	vadd.f32 v43, v11  }
0x301: {  	v53 =	vmul.f32 v45, v45;
	v0 =	vadd.f32 v5, v0;
	v21 =	vadd.f32 v44, v21  }
0x302: {  	v5 =	vmul.f32 v34, v34;
	v37 =	vadd.f32 v52, v37;
	v10 =	vadd.f32 v40, v10  }
0x303: {  	v11 =	vadd.f32 v41, v11;
	v3 =	vmul.f32 v3, v3;
	v7 =	vmul.f32 v21, v21  }
0x304: {  	v52 =	vmul.f32 v47, v47;
	v37 =	vadd.f32 v53, v37;
	v24 =	vadd.f32 v47, v24  }
0x305: {  	v55 =	vmul.f32 v39, v39;
	v18 =	vadd.f32 v39, v18;
	v2 =	vadd.f32 v3, v2  }
0x306: {  	v3 =	vadd.f32 v6, v4;
	v4 =	vmul.f32 v29, v29;
	v1 =	vadd.f32 v7, v1  }
0x307: {  	v6 =	vmul.f32 v23, v23;
	v7 =	vmul.f32 v61, v61;
	v14 =	vadd.f32 v52, v14  }
0x308: {  	v37 =	vadd.f32 v55, v37;
	v2 =	vadd.f32 v4, v2;
	v4 =	vmul.f32 v22, v22  }
0x309: {  	v3 =	vadd.f32 v5, v3;
	v5 =	vmul.f32 v60, v60;
	v1 =	vadd.f32 v6, v1  }
0x30a: {  	v6 =	vmul.f32 v59, v59;
	v0 =	vadd.f32 v4, v0;
	v4 =	vmul.f32 v24, v24  }
0x30b: {  	v14 =	vadd.f32 v54, v14;
	v2 =	vadd.f32 v5, v2;
	v5 =	vmul.f32 v27, v27  }
0x30c: {  	v3 =	vadd.f32 v7, v3;
	v0 =	vadd.f32 v4, v0;
	v4 =	vmul.f32 v58, v58  }
0x30d: {  	v7 =	vmul.f32 v18, v18;
	v1 =	vadd.f32 v5, v1;
	v5 =	vmul.f32 v25, v25  }
0x30e: {  	v3 =	vadd.f32 v6, v3;
	v2 =	vadd.f32 v4, v2  }
0x30f: {  	v0 =	vadd.f32 v5, v0;
	v1 =	vadd.f32 v7, v1  }
0x310: {  	v4 =	vadd.f32 v11, v10;
	v5 =	vadd.f32 v37, v14  }
0x311: {  	v2 =	vadd.f32 v3, v2;
	v0 =	vadd.f32 v1, v0;
	_ =	sdelay $0x1  }
0x312: {  	v63 =	vadd.f32 v5, v4;
	v0 =	vadd.f32 v0, v2;
	_ =	sdelay $0x1  }
0x313: {  	v0 =	vsub.f32 v63, v0  }
0x314: {  	v32 =	vld [tilespmem:$0x1FFE0]  }
0x315: {  	v0 =	vmul.f32 $5.000000000e-01, v0;
	_ =	sdelay $0x1  }
0x316: {  	v0 =	vadd.f32 v0, v57;
	_ =	sdelay $0x1  }
0x317: {  	v0 =	vadd.f32 v0, v32;
	_ =	sdelay $0x1  }
0x318: {  	v0 =	vsub.f32 $0.0e+00, v0;
	_ =	sdelay $0x1  }
0x319: {  	v0 =	vmul.f32 $1.442695020e+00, v0;
	_ =	sdelay $0x1  }
0x31a: {  	(erf) = vpow2.f32 v0;
	_ =	sdelay $0x8  }
0x31b: {  	v0 =	vpop (erf)  }
0x31c: {  	v0 =	vadd.f32 $1.000000000e+00, v0;
	_ =	sdelay $0x1  }
0x31d: {  	(erf) = vrcp.f32 v0  }
0x31e: {  	v33 =	vld [tilespmem:$0x1FE60];
	_ =	sdelay $0x3  }
0x31f: {  	s2 =	simm.s32 $0x0  }
0x320: {  	v0 =	vadd.s32 s2, v33  }
0x321: {  	v31 =	vimm.f32 $0.0e+00;
	v39 =	vshll.u32 v0, $0x5  }
0x322: {  	v26 =	vimm.f32 $0.0e+00;
	v28 =	vimm.f32 $0.0e+00;
	v34 =	vor.u32 $0x1C, v39  }
0x323: {  	v17 =	vimm.f32 $0.0e+00;
	v15 =	vimm.f32 $0.0e+00;
	v3 =	vor.u32 $0x1D, v39;
	v35 =	vpop (erf)  }
0x324: {  	v19 =	vimm.f32 $0.0e+00;
	v46 =	vimm.f32 $0.0e+00;
	v36 =	vor.u32 $0x18, v39;
	[tilespmem:s30+$0x1A910] =	vst v35  }
0x325: {  	v16 =	vimm.f32 $0.0e+00;
	v20 =	vimm.f32 $0.0e+00;
	v4 =	vor.u32 $0x19, v39;
	v0 =	vld.idx.msk [tilespmem:v0+s23+$0x0], $0xffff  }
0x326: {  	v45 =	vimm.f32 $0.0e+00;
	v44 =	vimm.f32 $0.0e+00;
	v37 =	vor.u32 $0x14, v39;
	v50 =	vld.idx.msk [tilespmem:v39+s21+$0x0], $0xffff  }
0x327: {  	v21 =	vimm.f32 $0.0e+00;
	v47 =	vimm.f32 $0.0e+00;
	v38 =	vor.u32 $0x15, v39;
	v40 =	vld.idx.msk [tilespmem:v34+s21+$0x0], $0xffff  }
0x328: {  	v29 =	vimm.f32 $0.0e+00;
	v23 =	vimm.f32 $0.0e+00;
	v18 =	vor.u32 $0x10, v39;
	v41 =	vld.idx.msk [tilespmem:v3+s21+$0x0], $0xffff  }
0x329: {  	v22 =	vimm.f32 $0.0e+00;
	v24 =	vimm.f32 $0.0e+00;
	v30 =	vor.u32 $0xC, v39;
	v42 =	vld.idx.msk [tilespmem:v36+s21+$0x0], $0xffff  }
0x32a: {  	v27 =	vimm.f32 $0.0e+00;
	v63 =	vimm.f32 $0.0e+00;
	v33 =	vor.u32 $0xD, v39;
	v43 =	vld.idx.msk [tilespmem:v4+s21+$0x0], $0xffff  }
0x32b: {  	v32 =	vimm.f32 $0.0e+00;
	v25 =	vor.u32 $0x11, v39;
	v51 =	vor.u32 $0x8, v39;
	v49 =	vld.idx.msk [tilespmem:v37+s21+$0x0], $0xffff  }
0x32c: {  	v52 =	vor.u32 $0x9, v39;
	v54 =	vor.u32 $0x4, v39;
	v35 =	vimm.f32 $0.0e+00;
	v48 =	vld.idx.msk [tilespmem:v38+s21+$0x0], $0xffff  }
0x32d: {  	v55 =	vor.u32 $0x5, v39;
	v56 =	vor.u32 $0x1, v39;
	v36 =	vimm.f32 $0.0e+00;
	v53 =	vld.idx.msk [tilespmem:v18+s21+$0x0], $0xffff;
	[tilespmem:$0x1FC80] =	vst v35  }
0x32e: {  	v34 =	vimm.f32 $0.0e+00;
	v37 =	vimm.f32 $0.0e+00;
	v38 =	vimm.f32 $0.0e+00;
	v4 =	vld.idx.msk [tilespmem:v30+s21+$0x0], $0xffff;
	[tilespmem:$0x1FC50] =	vst v36  }
0x32f: {  	v30 =	vimm.f32 $0.0e+00;
	v8 =	vld.idx.msk [tilespmem:v33+s21+$0x0], $0xffff;
	v33 =	vimm.f32 $0.0e+00;
	v18 =	vimm.f32 $0.0e+00;
	[tilespmem:$0x1FC60] =	vst v37  }
0x330: {  	[tilespmem:$0x1FC70] =	vst v38;
	v37 =	vimm.f32 $0.0e+00;
	v58 =	vadd.f32 v40, v29;
	v59 =	vadd.f32 v41, v29  }
0x331: {  	v38 =	vimm.f32 $0.0e+00;
	[tilespmem:$0x1FC90] =	vst v37;
	v62 =	vadd.f32 v50, v29;
	v60 =	vadd.f32 v42, v29  }
0x332: {  	s7 =	simm.s32 $0x1;
	v36 =	vld.idx.msk [tilespmem:v25+s21+$0x0], $0xffff;
	v25 =	vimm.f32 $0.0e+00;
	[tilespmem:$0x1FCA0] =	vst v38;
	v57 =	vadd.f32 v0, v29;
	v61 =	vadd.f32 v43, v29  }
.LBB2_11:
0x333: {  	_ =	sdelay $0x1  }
0x334: {  	v7 =	vld.idx.msk [tilespmem:v51+s21+$0x0], $0xffff  }
0x335: {  	v0 =	vor.u32 $0x2, v39;
	v9 =	vld.idx.msk [tilespmem:v52+s21+$0x0], $0xffff  }
0x336: {  	v1 =	vor.u32 $0x3, v39;
	v54 =	vld.idx.msk [tilespmem:v54+s21+$0x0], $0xffff  }
0x337: {  	[tilespmem:$0x1FC10] =	vst v31;
	v2 =	vor.u32 $0x6, v39;
	v55 =	vld.idx.msk [tilespmem:v55+s21+$0x0], $0xffff;
	v50 =	vmul.f32 v50, v50  }
0x338: {  	v52 =	vmovc v33;
	v33 =	vmov v32;
	v37 =	vor.u32 $0x7, v39;
	v51 =	vor.u32 $0x1F, v39;
	v56 =	vld.idx.msk [tilespmem:v56+s21+$0x0], $0xffff;
	[tilespmem:$0x1FBE0] =	vst v62  }
0x339: {  	v38 =	vor.u32 $0xA, v39;
	v3 =	vmul.f32 v40, v40;
	v31 =	vmovc v63;
	[tilespmem:$0x1FBD0] =	vst v61;
	v47 =	vadd.f32 v50, v47;
	v50 =	vld [tilespmem:$0x1FC50]  }
0x33a: {  	v63 =	vor.u32 $0xE, v39;
	v6 =	vor.u32 $0x12, v39;
	v12 =	vor.u32 $0x17, v39;
	[tilespmem:$0x1FC20] =	vst v59;
	v32 =	vmovc v25;
	v25 =	vmovc v24;
	v0 =	vld.idx.msk [tilespmem:v0+s21+$0x0], $0xffff  }
0x33b: {  	[tilespmem:$0x1FBB0] =	vst v58;
	v24 =	vmovc v23;
	v23 =	vmovc v22;
	v22 =	vmov v21;
	v21 =	vmov v20;
	v62 =	vor.u32 $0xB, v39;
	v1 =	vld.idx.msk [tilespmem:v1+s21+$0x0], $0xffff  }
0x33c: {  	v20 =	vmovc v19;
	v19 =	vmovc v17;
	v17 =	vmov v15;
	v15 =	vmov v57;
	[tilespmem:$0x1FBA0] =	vst v3;
	v3 =	vor.u32 $0xF, v39;
	v2 =	vld.idx.msk [tilespmem:v2+s21+$0x0], $0xffff  }
0x33d: {  	v45 =	vadd.f32 v53, v45;
	v5 =	vmul.f32 v36, v36;
	v35 =	vmul.f32 v8, v8;
	v58 =	vld.idx.msk [tilespmem:v37+s21+$0x0], $0xffff  }
0x33e: {  	v57 =	vor.u32 $0x1E, v39;
	[tilespmem:$0x1FBC0] =	vst v7;
	v7 =	vmul.f32 v7, v7;
	v61 =	vld.idx.msk [tilespmem:v38+s21+$0x0], $0xffff;
	v37 =	vmul.f32 v54, v54  }
0x33f: {  	v38 =	vmul.f32 v9, v9;
	v40 =	vmovc v9;
	v9 =	vor.u32 $0x16, v39;
	v10 =	vmul.f32 v56, v56;
	v63 =	vld.idx.msk [tilespmem:v63+s21+$0x0], $0xffff  }
0x340: {  	[tilespmem:$0x1FC00] =	vst v8;
	v8 =	vor.u32 $0x13, v39;
	v11 =	vmul.f32 v55, v55;
	v62 =	vld.idx.msk [tilespmem:v62+s21+$0x0], $0xffff;
	v13 =	vmul.f32 v0, v0  }
0x341: {  	v59 =	vor.u32 $0x1A, v39;
	v6 =	vld.idx.msk [tilespmem:v6+s21+$0x0], $0xffff;
	[tilespmem:$0x1FBF0] =	vst v45;
	v10 =	vadd.f32 v10, v46;
	v37 =	vadd.f32 v37, v47  }
0x342: {  	v3 =	vld.idx.msk [tilespmem:v3+s21+$0x0], $0xffff;
	v14 =	vmul.f32 v1, v1;
	v46 =	vmul.f32 v2, v2;
	v13 =	vadd.f32 v13, v44  }
0x343: {  	v45 =	vmovc v4;
	v4 =	vmul.f32 v4, v4;
	v10 =	vadd.f32 v11, v10;
	v11 =	vmul.f32 v61, v61  }
0x344: {  	v9 =	vld.idx.msk [tilespmem:v9+s21+$0x0], $0xffff;
	v14 =	vadd.f32 v14, v50;
	v50 =	vmul.f32 v58, v58;
	v13 =	vadd.f32 v46, v13  }
0x345: {  	v8 =	vld.idx.msk [tilespmem:v8+s21+$0x0], $0xffff;
	v7 =	vadd.f32 v7, v37;
	v10 =	vadd.f32 v38, v10;
	v44 =	vmul.f32 v62, v62  }
0x346: {  	v14 =	vadd.f32 v50, v14;
	v50 =	vmul.f32 v63, v63;
	v11 =	vadd.f32 v11, v13  }
0x347: {  	v38 =	vld.idx.msk [tilespmem:v59+s21+$0x0], $0xffff;
	v4 =	vadd.f32 v4, v7;
	v7 =	vadd.f32 v35, v10;
	v10 =	vmul.f32 v6, v6  }
0x348: {  	v13 =	vadd.f32 v44, v14;
	v14 =	vmul.f32 v3, v3;
	v11 =	vadd.f32 v50, v11  }
0x349: {  	v39 =	vor.u32 $0x1B, v39;
	v5 =	vadd.f32 v5, v7;
	v7 =	vmul.f32 v9, v9  }
0x34a: {  	v13 =	vadd.f32 v14, v13;
	v14 =	vmul.f32 v8, v8;
	v10 =	vadd.f32 v10, v11  }
0x34b: {  	v42 =	vmul.f32 v42, v42;
	v12 =	vld.idx.msk [tilespmem:v12+s21+$0x0], $0xffff  }
0x34c: {  	v37 =	vld.idx.msk [tilespmem:v51+s21+$0x0], $0xffff;
	v11 =	vadd.f32 v14, v13;
	v14 =	vmul.f32 v38, v38;
	v7 =	vadd.f32 v7, v10  }
0x34d: {  	v41 =	vmul.f32 v41, v41;
	v29 =	vadd.f32 v49, v29;
	v63 =	vadd.f32 v63, v31;
	v31 =	vld [tilespmem:$0x1FC10]  }
0x34e: {  	v43 =	vmul.f32 v43, v43;
	v34 =	vadd.f32 v48, v34;
	v7 =	vadd.f32 v14, v7;
	v14 =	vld [tilespmem:$0x1FE60]  }
0x34f: {  	v53 =	vmul.f32 v53, v53;
	v48 =	vmul.f32 v48, v48;
	v28 =	vadd.f32 v45, v28;
	v59 =	vld.idx.msk [tilespmem:v39+s21+$0x0], $0xffff  }
0x350: {  	v49 =	vmul.f32 v49, v49;
	v26 =	vadd.f32 v61, v26;
	v27 =	vadd.f32 v62, v27;
	v35 =	vld.idx.msk [tilespmem:v57+s21+$0x0], $0xffff  }
0x351: {  	v51 =	vld [tilespmem:$0x1FBA0];
	v57 =	vmovc v15;
	v15 =	vmov v17;
	v4 =	vadd.f32 v53, v4;
	v5 =	vadd.f32 v48, v5  }
0x352: {  	v15 =	vadd.f32 v56, v15;
	v31 =	vadd.f32 v3, v31;
	v3 =	vld [tilespmem:$0x1FC70];
	v13 =	vmul.f32 v12, v12  }
0x353: {  	v45 =	vld [tilespmem:$0x1FBF0];
	v4 =	vadd.f32 v49, v4;
	v5 =	vadd.f32 v43, v5;
	v14 =	vadd.s32 s7, v14  }
0x354: {  	v61 =	vld [tilespmem:$0x1FBD0];
	v10 =	vadd.f32 v13, v11;
	v11 =	vmul.f32 v59, v59;
	v39 =	vshll.u32 v14, $0x5  }
0x355: {  	v62 =	vld [tilespmem:$0x1FBE0];
	v46 =	vadd.f32 v41, v5;
	v13 =	vmul.f32 v35, v35;
	v5 =	vor.u32 $0x19, v39  }
0x356: {  	v56 =	vld [tilespmem:$0x1FC60];
	v4 =	vadd.f32 v42, v4;
	v10 =	vadd.f32 v11, v10;
	v11 =	vmul.f32 v37, v37  }
0x357: {  	v3 =	vadd.f32 v6, v3;
	v44 =	vadd.f32 v13, v7;
	v7 =	vld [tilespmem:$0x1FBC0]  }
0x358: {  	v47 =	vadd.f32 v51, v4;
	v4 =	vadd.f32 v11, v10;
	v11 =	vld [tilespmem:$0x1FC00]  }
0x359: {  	[tilespmem:$0x1FC70] =	vst v3;
	v3 =	vld [tilespmem:$0x1FC80]  }
0x35a: {  	v16 =	vadd.f32 v0, v16;
	v17 =	vmov v19;
	v19 =	vmov v20;
	v43 =	vld.idx.msk [tilespmem:v5+s21+$0x0], $0xffff  }
0x35b: {  	v20 =	vmovc v21;
	v21 =	vmovc v22;
	v22 =	vmov v23;
	v23 =	vmov v24;
	[tilespmem:$0x1FC50] =	vst v4;
	v4 =	vor.u32 $0x1C, v39;
	v5 =	vld [tilespmem:$0x1FC90]  }
0x35c: {  	v24 =	vmovc v25;
	v25 =	vmovc v32;
	v32 =	vadd.f32 v36, v33;
	v22 =	vadd.f32 v58, v22;
	v58 =	vld [tilespmem:$0x1FBB0];
	v53 =	vor.u32 $0x1D, v39  }
0x35d: {  	v19 =	vadd.f32 v54, v19;
	v33 =	vadd.f32 v59, v52;
	v59 =	vld [tilespmem:$0x1FC20]  }
0x35e: {  	v21 =	vadd.f32 v2, v21;
	v54 =	vor.u32 $0x18, v39;
	v0 =	vadd.f32 v11, v56;
	v2 =	vld.idx.msk [tilespmem:v14+s23+$0x0], $0xffff  }
0x35f: {  	v23 =	vadd.f32 v7, v23;
	v7 =	vor.u32 $0x14, v39;
	v3 =	vadd.f32 v8, v3;
	v50 =	vld.idx.msk [tilespmem:v39+s21+$0x0], $0xffff  }
0x360: {  	v24 =	vadd.f32 v40, v24;
	v10 =	vor.u32 $0x15, v39;
	[tilespmem:$0x1FC60] =	vst v0;
	v40 =	vld.idx.msk [tilespmem:v4+s21+$0x0], $0xffff;
	v5 =	vadd.f32 v12, v5  }
0x361: {  	v0 =	vor.u32 $0x11, v39;
	[tilespmem:$0x1FC80] =	vst v3;
	v41 =	vld.idx.msk [tilespmem:v53+s21+$0x0], $0xffff  }
0x362: {  	v3 =	vor.u32 $0xD, v39;
	[tilespmem:$0x1FC90] =	vst v5;
	v5 =	vld [tilespmem:$0x1FCA0]  }
0x363: {  	v17 =	vadd.f32 v1, v17;
	v4 =	vor.u32 $0x10, v39;
	v42 =	vld.idx.msk [tilespmem:v54+s21+$0x0], $0xffff  }
0x364: {  	p0 =	sne.s32 s7, $0x31;
	v20 =	vadd.f32 v55, v20;
	v18 =	vadd.f32 v37, v18;
	v1 =	vor.u32 $0xC, v39;
	v49 =	vld.idx.msk [tilespmem:v7+s21+$0x0], $0xffff  }
.Ltmp4:
0x365: {  	v30 =	vadd.f32 v9, v30;
	v25 =	vadd.f32 v35, v25;
	v48 =	vld.idx.msk [tilespmem:v10+s21+$0x0], $0xffff;
	(pc) =	sbr.rel @p0 .LBB2_11-.Ltmp4, $4  }
0x366: {  	v51 =	vor.u32 $0x8, v39;
	v52 =	vor.u32 $0x9, v39;
	v36 =	vld.idx.msk [tilespmem:v0+s21+$0x0], $0xffff;
	v57 =	vadd.f32 v2, v57  }
0x367: {  	v55 =	vor.u32 $0x5, v39;
	v8 =	vld.idx.msk [tilespmem:v3+s21+$0x0], $0xffff;
	v62 =	vadd.f32 v50, v62;
	v5 =	vadd.f32 v38, v5  }
0x368: {  	v56 =	vor.u32 $0x1, v39;
	v53 =	vld.idx.msk [tilespmem:v4+s21+$0x0], $0xffff;
	v58 =	vadd.f32 v40, v58;
	v59 =	vadd.f32 v41, v59  }
0x369: {  	s7 =	sadd.s32 $0x1, s7;
	v54 =	vor.u32 $0x4, v39;
	v4 =	vld.idx.msk [tilespmem:v1+s21+$0x0], $0xffff;
	v60 =	vadd.f32 v42, v60;
	v61 =	vadd.f32 v43, v61;
	[tilespmem:$0x1FCA0] =	vst v5  }
0x36a: {  	_ =	sdelay $0x3  }
0x36b: {  	v0 =	vor.u32 $0x2, v39;
	v3 =	vld.idx.msk [tilespmem:v54+s21+$0x0], $0xffff  }
0x36c: {  	v1 =	vor.u32 $0x3, v39;
	v38 =	vor.u32 $0x6, v39;
	v5 =	vor.u32 $0x7, v39;
	v6 =	vld.idx.msk [tilespmem:v56+s21+$0x0], $0xffff  }
0x36d: {  	v7 =	vld.idx.msk [tilespmem:v55+s21+$0x0], $0xffff;
	v55 =	vor.u32 $0xA, v39;
	v9 =	vor.u32 $0xB, v39;
	v10 =	vmul.f32 v50, v50  }
0x36e: {  	v2 =	vld.idx.msk [tilespmem:v51+s21+$0x0], $0xffff;
	v12 =	vor.u32 $0xE, v39;
	v34 =	vadd.f32 v48, v34;
	v48 =	vmul.f32 v48, v48  }
0x36f: {  	v29 =	vadd.f32 v49, v29;
	v42 =	vmul.f32 v42, v42;
	v43 =	vmul.f32 v43, v43  }
0x370: {  	v35 =	vld.idx.msk [tilespmem:v52+s21+$0x0], $0xffff;
	v40 =	vmul.f32 v40, v40;
	v41 =	vmul.f32 v41, v41;
	v10 =	vadd.f32 v10, v47  }
0x371: {  	v45 =	vadd.f32 v53, v45;
	v53 =	vmul.f32 v53, v53;
	v51 =	vmovc v4;
	v11 =	vmul.f32 v6, v6  }
0x372: {  	[tilespmem:$0x1FB80] =	vst v4;
	v4 =	vld.idx.msk [tilespmem:v38+s21+$0x0], $0xffff;
	v13 =	vmul.f32 v3, v3;
	v38 =	vor.u32 $0xF, v39;
	v50 =	vmul.f32 v7, v7  }
0x373: {  	v0 =	vld.idx.msk [tilespmem:v0+s21+$0x0], $0xffff;
	v52 =	vmul.f32 v2, v2;
	v6 =	vadd.f32 v6, v15;
	v3 =	vadd.f32 v3, v19  }
0x374: {  	v1 =	vld.idx.msk [tilespmem:v1+s21+$0x0], $0xffff;
	[tilespmem:$0x1FB90] =	vst v45;
	v45 =	vor.u32 $0x1B, v39;
	v7 =	vadd.f32 v7, v20;
	v2 =	vadd.f32 v2, v23  }
0x375: {  	v11 =	vadd.f32 v11, v46;
	v10 =	vadd.f32 v13, v10;
	v13 =	vor.u32 $0x12, v39  }
0x376: {  	v56 =	vmovc v8;
	v8 =	vld.idx.msk [tilespmem:v55+s21+$0x0], $0xffff;
	v46 =	vor.u32 $0x16, v39;
	v6 =	vmul.f32 v6, v6;
	v3 =	vmul.f32 v3, v3  }
0x377: {  	v9 =	vld.idx.msk [tilespmem:v9+s21+$0x0], $0xffff;
	v7 =	vmul.f32 v7, v7;
	v2 =	vmul.f32 v2, v2;
	v11 =	vadd.f32 v50, v11  }
0x378: {  	v54 =	vld [tilespmem:$0x1FC50];
	v10 =	vadd.f32 v52, v10;
	v50 =	vmul.f32 v51, v51;
	v51 =	vor.u32 $0x17, v39  }
0x379: {  	v5 =	vld.idx.msk [tilespmem:v5+s21+$0x0], $0xffff;
	v6 =	vadd.f32 v7, v6;
	v14 =	vmul.f32 v0, v0;
	v37 =	vmul.f32 v1, v1  }
0x37a: {  	v55 =	vmul.f32 v4, v4;
	v0 =	vadd.f32 v0, v16;
	v1 =	vadd.f32 v1, v17  }
0x37b: {  	v47 =	vmul.f32 v8, v8;
	v4 =	vadd.f32 v4, v21;
	v8 =	vadd.f32 v8, v26  }
0x37c: {  	v52 =	vmul.f32 v9, v9;
	v9 =	vadd.f32 v9, v27;
	v10 =	vadd.f32 v50, v10  }
0x37d: {  	v50 =	vor.u32 $0x1E, v39;
	v14 =	vadd.f32 v14, v44;
	v37 =	vadd.f32 v37, v54  }
0x37e: {  	v12 =	vld.idx.msk [tilespmem:v12+s21+$0x0], $0xffff;
	v54 =	vmul.f32 v5, v5;
	v44 =	vor.u32 $0x13, v39;
	v0 =	vmul.f32 v0, v0  }
0x37f: {  	v38 =	vld.idx.msk [tilespmem:v38+s21+$0x0], $0xffff;
	v5 =	vadd.f32 v5, v22;
	v1 =	vmul.f32 v1, v1;
	v4 =	vmul.f32 v4, v4  }
0x380: {  	v13 =	vld.idx.msk [tilespmem:v13+s21+$0x0], $0xffff;
	v14 =	vadd.f32 v55, v14;
	v37 =	vadd.f32 v54, v37;
	v54 =	vmul.f32 v35, v35  }
0x381: {  	v46 =	vld.idx.msk [tilespmem:v46+s21+$0x0], $0xffff;
	v10 =	vadd.f32 v53, v10;
	v55 =	vmul.f32 v36, v36;
	v0 =	vadd.f32 v4, v0  }
0x382: {  	v5 =	vmul.f32 v5, v5;
	v11 =	vadd.f32 v54, v11;
	v14 =	vadd.f32 v47, v14  }
0x383: {  	v54 =	vmul.f32 v56, v56;
	v37 =	vadd.f32 v52, v37;
	v47 =	vor.u32 $0x1A, v39;
	v50 =	vld.idx.msk [tilespmem:v50+s21+$0x0], $0xffff  }
0x384: {  	v52 =	vmul.f32 v12, v12;
	v39 =	vor.u32 $0x1F, v39;
	v12 =	vadd.f32 v12, v63;
	v44 =	vld.idx.msk [tilespmem:v44+s21+$0x0], $0xffff  }
0x385: {  	v1 =	vadd.f32 v5, v1;
	v11 =	vadd.f32 v54, v11;
	v54 =	vmul.f32 v38, v38  }
0x386: {  	v51 =	vld.idx.msk [tilespmem:v51+s21+$0x0], $0xffff;
	v63 =	vadd.f32 v46, v30;
	v14 =	vadd.f32 v52, v14;
	v52 =	vmul.f32 v13, v13  }
0x387: {  	v45 =	vld.idx.msk [tilespmem:v45+s21+$0x0], $0xffff;
	v37 =	vadd.f32 v54, v37;
	v11 =	vadd.f32 v55, v11;
	v55 =	vmul.f32 v49, v49  }
0x388: {  	v14 =	vadd.f32 v52, v14;
	v49 =	vmul.f32 v46, v46;
	v47 =	vld.idx.msk [tilespmem:v47+s21+$0x0], $0xffff;
	v25 =	vadd.f32 v50, v25  }
0x389: {  	v30 =	vld [tilespmem:$0x1FCA0];
	v53 =	vmul.f32 v44, v44;
	v10 =	vadd.f32 v55, v10;
	v11 =	vadd.f32 v48, v11  }
0x38a: {  	v39 =	vld.idx.msk [tilespmem:v39+s21+$0x0], $0xffff;
	v14 =	vadd.f32 v49, v14;
	v48 =	vadd.f32 v35, v24;
	v35 =	vmul.f32 v8, v8  }
0x38b: {  	v52 =	vmul.f32 v51, v51;
	v49 =	vld [tilespmem:$0x1FB80];
	v37 =	vadd.f32 v53, v37;
	v10 =	vadd.f32 v42, v10  }
0x38c: {  	v54 =	vmul.f32 v50, v50;
	v11 =	vadd.f32 v43, v11;
	v0 =	vadd.f32 v35, v0  }
0x38d: {  	v37 =	vadd.f32 v52, v37;
	v52 =	vmul.f32 v47, v47;
	v10 =	vadd.f32 v40, v10  }
0x38e: {  	v53 =	vmul.f32 v45, v45;
	v11 =	vadd.f32 v41, v11;
	v24 =	vadd.f32 v47, v30  }
0x38f: {  	v55 =	vmul.f32 v39, v39;
	v18 =	vadd.f32 v39, v18;
	v14 =	vadd.f32 v52, v14;
	v52 =	vld [tilespmem:$0x1FC60]  }
0x390: {  	v40 =	vmul.f32 v12, v12;
	v47 =	vmul.f32 v29, v29;
	v16 =	vadd.f32 v49, v28  }
0x391: {  	v28 =	vld [tilespmem:$0x1FC90];
	v49 =	vmul.f32 v63, v63;
	v37 =	vadd.f32 v53, v37;
	v53 =	vadd.f32 v38, v31  }
0x392: {  	v42 =	vld [tilespmem:$0x1FB90];
	v31 =	vmul.f32 v62, v62;
	v0 =	vadd.f32 v40, v0;
	v14 =	vadd.f32 v54, v14  }
0x393: {  	v38 =	vmul.f32 v16, v16;
	v37 =	vadd.f32 v55, v37;
	v54 =	vadd.f32 v36, v32;
	v55 =	vld [tilespmem:$0x1FC70]  }
0x394: {  	v32 =	vadd.f32 v45, v33;
	v33 =	vmul.f32 v48, v48;
	v17 =	vadd.f32 v56, v52;
	v56 =	vld [tilespmem:$0x1FC80]  }
0x395: {  	v3 =	vadd.f32 v3, v31;
	v36 =	vmul.f32 v9, v9;
	v41 =	vmul.f32 v53, v53  }
0x396: {  	v48 =	vmul.f32 v34, v34;
	v53 =	vmul.f32 v24, v24;
	v23 =	vadd.f32 v51, v28  }
0x397: {  	v2 =	vadd.f32 v2, v3;
	v4 =	vadd.f32 v33, v6;
	v3 =	vmul.f32 v42, v42  }
0x398: {  	v1 =	vadd.f32 v36, v1;
	v43 =	vmul.f32 v54, v54;
	v39 =	vmul.f32 v17, v17  }
0x399: {  	v51 =	vmul.f32 v60, v60;
	v13 =	vadd.f32 v13, v55;
	v21 =	vadd.f32 v44, v56  }
0x39a: {  	v54 =	vmul.f32 v32, v32;
	v2 =	vadd.f32 v38, v2;
	v4 =	vadd.f32 v39, v4  }
0x39b: {  	v1 =	vadd.f32 v41, v1;
	v44 =	vmul.f32 v13, v13;
	v45 =	vmul.f32 v21, v21  }
0x39c: {  	v52 =	vmul.f32 v61, v61;
	v2 =	vadd.f32 v3, v2;
	v46 =	vadd.f32 v43, v4  }
0x39d: {  	v50 =	vmul.f32 v23, v23;
	v0 =	vadd.f32 v44, v0;
	v1 =	vadd.f32 v45, v1  }
0x39e: {  	v55 =	vmul.f32 v58, v58;
	v2 =	vadd.f32 v47, v2;
	v3 =	vadd.f32 v48, v46  }
0x39f: {  	v58 =	vmul.f32 v25, v25;
	v0 =	vadd.f32 v49, v0;
	v1 =	vadd.f32 v50, v1  }
0x3a0: {  	v56 =	vmul.f32 v59, v59;
	v2 =	vadd.f32 v51, v2;
	v3 =	vadd.f32 v52, v3  }
0x3a1: {  	v59 =	vmul.f32 v18, v18;
	v0 =	vadd.f32 v53, v0;
	v1 =	vadd.f32 v54, v1  }
0x3a2: {  	v2 =	vadd.f32 v55, v2;
	v3 =	vadd.f32 v56, v3  }
0x3a3: {  	v0 =	vadd.f32 v58, v0;
	v1 =	vadd.f32 v59, v1  }
0x3a4: {  	v60 =	vadd.f32 v11, v10;
	v61 =	vadd.f32 v37, v14  }
0x3a5: {  	v2 =	vadd.f32 v3, v2;
	v0 =	vadd.f32 v1, v0;
	_ =	sdelay $0x1  }
0x3a6: {  	v62 =	vadd.f32 v61, v60;
	v0 =	vadd.f32 v0, v2;
	_ =	sdelay $0x1  }
0x3a7: {  	v0 =	vsub.f32 v62, v0  }
0x3a8: {  	v63 =	vld [tilespmem:$0x1FFE0]  }
0x3a9: {  	v0 =	vmul.f32 $5.000000000e-01, v0;
	_ =	sdelay $0x1  }
0x3aa: {  	v0 =	vadd.f32 v0, v57;
	_ =	sdelay $0x1  }
0x3ab: {  	v0 =	vadd.f32 v0, v63;
	_ =	sdelay $0x1  }
0x3ac: {  	v0 =	vsub.f32 $0.0e+00, v0;
	_ =	sdelay $0x1  }
0x3ad: {  	v0 =	vmul.f32 $1.442695020e+00, v0;
	_ =	sdelay $0x1  }
0x3ae: {  	(erf) = vpow2.f32 v0;
	_ =	sdelay $0x8  }
0x3af: {  	v0 =	vpop (erf)  }
0x3b0: {  	v0 =	vadd.f32 $1.000000000e+00, v0;
	_ =	sdelay $0x1  }
0x3b1: {  	(erf) = vrcp.f32 v0;
	_ =	sdelay $0x3  }
0x3b2: {  	s20 =	sadd.s32 $0x1, s20  }
0x3b3: {  	p0 =	sne.s32 s20, $0x8  }
.Ltmp5:
0x3b4: {  	_ = 	snop;
	(pc) =	sbr.rel @p0 .LBB2_2-.Ltmp5, $3  }
0x3b5: {  	_ =	sdelay $0x1  }
0x3b6: {  	v0 =	vpop (erf)  }
0x3b7: {  	v59 =	vld [tilespmem:$0x1FFF0];
	[tilespmem:s24+$0x1A940] =	vst v0  }
0x3b8: {  	s20 =	simm.s32 $0x0;
	s2 =	rddreg [dreg:$0x6];
	s7 =	simm.s32 $0x1A910  }
0x3b9: {  	[hbm4b:s2+s20] =	stream.linear.scatter [tilespmem:s7], [sflag:$0x3], $0x200, $0x38;
	[tilespmem:$0x1AB10] =	vst v63  }
0x3ba: {  	_ =	swait.ge [sflag:s13], $0x200  }
0x3bb: {  	s24 =	rddreg [dreg:$0x8]  }
0x3bc: {  	s30 =	rddreg [dreg:$0x7];
	s7 =	sadd.s32 $0x1, s24  }
0x3bd: {  	p0 =	sne.s32 s7, s30  }
.Ltmp6:
0x3be: {  	_ = 	snop;
	(pc) =	sbr.rel @p0 .LBB2_1-.Ltmp6, $3  }
0x3bf: {  	_ =	sdelay $0x1  }
0x3c0: {  	[sflag:s13] =	ssyncset.done $0x0  }
0x3c1: {  	[sflag:s13] =	ssyncadd.s32 $0xFFFFFE00  }
0x3c2: {  	_ =	sfence.sel $0x180000  }
0x3c3: {  	[bflag:$0x0] =	sbarrier.arrive $0xFFFF  }
0x3c4: {  	_ =	strace $0x90000047  }
0x3c5: {  	s0 =	stileid.u32;
	[bflag:$0x2] =	sbarrier.arrive $0xFFFF  }
0x3c6: {  	p0 =	sne.s32 s0, $0x0;
	s0 =	rddreg [dreg:$0x2]  }
0x3c7: {  	s0 =	sadd.s32 @!p0 $0x100000, s0  }
0x3c8: {  	[sflag:s0] =	ssyncadd.tile.s32 @!p0 $0x1;
	_ =	shalt  }
.Lfunc_end2:
_tile_overlayer_lowered:
.L_overlay_start_2:
0x3c9: {  	(tag) =	ssettag $0x2  }
0x3ca: {  	s0 =	rddreg [dreg:$0x0];
	s2 =	stileid.u32  }
0x3cb: {  	s1 =	rddreg [dreg:$0x1];
	p0 =	sne.s32 s2, $0x0  }
0x3cc: {  	s3 =	rddreg [dreg:$0x2];
	[bflag:$0x3] =	sbarrier.arrive $0xFFFF;
	s2 =	simm.s32 @!p0 $0x1C03  }
0x3cd: {  	[timem:s3], [sflag:s2] =	dma.local @!p0 [hbm:s0], s1  }
0x3ce: {  	s0 =	simm.s32 @!p0 $0x3  }
0x3cf: {  	_ =	swait.ge @!p0 [sflag:s0], s1  }
0x3d0: {  	s1 =	ssub.s32 @!p0 $0x0, s1;
	[sflag:s0] =	ssyncset.done @!p0 $0x0  }
0x3d1: {  	[sflag:s0] =	ssyncadd.s32 @!p0 s1  }
0x3d2: {  	[bflag:$0x3] =	sbarrier.arrive $0xFFFF  }
0x3d3: {  	_ =	shalt  }

</sc_bundles>
